<compile_context>
chip_gen: v7x
topology: tpu7x:2x2x1
jax: 0.10.2.dev20260603
libtpu: 0.0.44.dev20260713+nightly
codegen_flags: <defaults>
</compile_context>

<pallas_src>
import functools

import jax
import jax.numpy as jnp
from jax import lax
from jax.experimental import pallas as pl
from jax.experimental.pallas import tpu as pltpu
from jax.experimental.pallas import tpu_sc as plsc

_N = 10000
_E = 320000
_D = 128
_H = 32
_C = 41

_NC = 2
_NS = 16
_NW = _NC * _NS
_B = 128
_G = 4
_CH = 80
_EPW = _E // _NW
_NPAD = 10112
_STRIPE = _NPAD // _NS
_NP4 = _NPAD // 4
_NV = _N // 4


@functools.cache
def _make_sc_scatter():
    mesh = plsc.VectorSubcoreMesh(
        core_axis_name="c", subcore_axis_name="s",
        num_cores=_NC, num_subcores=_NS)

    @functools.partial(
        pl.kernel,
        out_type=[jax.ShapeDtypeStruct((_NPAD, _H), jnp.float32),
                  jax.ShapeDtypeStruct((_NPAD, _H), jnp.float32)],
        mesh=mesh,
        compiler_params=pltpu.CompilerParams(use_tc_tiling_on_sc=False),
        scratch_types=[
            pltpu.VMEM((_CH * _B,), jnp.int32),
            pltpu.VMEM((_CH * _B,), jnp.int32),
            pltpu.VMEM((_CH, _B), jnp.int32),
            pltpu.VMEM((2 * _G, _B, _H), jnp.float32),
            pltpu.VMEM_SHARED((_NPAD, _H), jnp.float32),
            pltpu.VMEM_SHARED((_NPAD, _H), jnp.float32),
            pltpu.SemaphoreType.DMA,
            pltpu.SemaphoreType.DMA,
            pltpu.SemaphoreType.DMA,
        ],
    )
    def sc_scatter(u_hbm, src_hbm, dst_hbm, zero_hbm, out0_hbm, out1_hbm,
                   src_v, dst_l, dst_v, rows_v, accum, u_sh, sem0, sem1,
                   ssem):
        c = lax.axis_index("c")
        s = lax.axis_index("s")
        wid = s * _NC + c
        d0 = pltpu.async_copy(zero_hbm.at[pl.ds(s * _STRIPE, _STRIPE)],
                              accum.at[pl.ds(s * _STRIPE, _STRIPE)], sem0)
        d1 = pltpu.async_copy(u_hbm.at[pl.ds(s * _STRIPE, _STRIPE)],
                              u_sh.at[pl.ds(s * _STRIPE, _STRIPE)], sem0)
        d2 = pltpu.async_copy(src_hbm.at[pl.ds(wid * _EPW, _EPW)],
                              src_v.at[pl.ds(0, _EPW)], sem1)
        d3 = pltpu.async_copy(dst_hbm.at[pl.ds(wid * _EPW, _EPW)],
                              dst_l.at[pl.ds(0, _EPW)], sem1)
        d2.wait()
        d3.wait()
        pad16 = jnp.full((16,), _N, jnp.int32)
        for i in range((_CH * _B - _EPW) // 16):
            src_v[pl.ds(_EPW + 16 * i, 16)] = pad16
            dst_l[pl.ds(_EPW + 16 * i, 16)] = pad16
        d0.wait()
        d1.wait()
        plsc.subcore_barrier()

        def _gather(j, slot, sem):
            pltpu.async_copy(u_sh.at[src_v.at[pl.ds(j * _B, _B)]],
                             rows_v.at[slot], sem)

        def _drain_group(base, slot0, sem):
            for b in range(_G):
                for cc in range(_B // 16):
                    dst_v[base + b, pl.ds(16 * cc, 16)] = (
                        dst_l[pl.ds((base + b) * _B + 16 * cc, 16)])
            for b in range(_G):
                pltpu.make_async_copy(
                    u_sh.at[src_v.at[pl.ds((base + b) * _B, _B)]],
                    rows_v.at[slot0 + b], sem).wait()
            for b in range(_G):
                pltpu.async_copy(rows_v.at[slot0 + b],
                                 accum.at[dst_v.at[base + b]], ssem,
                                 add=True)
            for b in range(_G):
                pltpu.make_async_copy(rows_v.at[slot0 + b],
                                      accum.at[dst_v.at[base + b]],
                                      ssem).wait()

        for b in range(_G):
            _gather(b, b, sem0)

        n_pairs = _CH // (2 * _G)

        def body(t, carry):
            base0 = (2 * t) * _G
            base1 = base0 + _G
            for b in range(_G):
                _gather(base1 + b, _G + b, sem1)
            _drain_group(base0, 0, sem0)

            @pl.when(t + 1 < n_pairs)
            def _prefetch_next():
                for b in range(_G):
                    _gather(base1 + _G + b, b, sem0)
            _drain_group(base1, _G, sem1)
            return carry

        lax.fori_loop(0, n_pairs, body, 0)
        plsc.subcore_barrier()

        @pl.when(c == 0)
        def _pub0():
            pltpu.sync_copy(accum.at[pl.ds(s * _STRIPE, _STRIPE)],
                            out0_hbm.at[pl.ds(s * _STRIPE, _STRIPE)])

        @pl.when(c == 1)
        def _pub1():
            pltpu.sync_copy(accum.at[pl.ds(s * _STRIPE, _STRIPE)],
                            out1_hbm.at[pl.ds(s * _STRIPE, _STRIPE)])

    return sc_scatter


def _mm_a_body(x4_ref, w4_ref, o_ref):
    r = jnp.dot(x4_ref[...], w4_ref[...],
                preferred_element_type=jnp.float32,
                precision=lax.Precision.HIGHEST)
    o_ref[...] = jnp.concatenate(
        [r, jnp.zeros((_NP4 - _NV, 128), jnp.float32)], axis=0)


def _bn_packed(q, fold_ref, g_ref, bt_ref):
    rows = lax.broadcasted_iota(jnp.int32, (_NP4, 128), 0)
    mask = rows < _NV
    qm = jnp.where(mask, q, 0.0)
    mean = jnp.dot(jnp.sum(qm, axis=0, keepdims=True), fold_ref[...],
                   preferred_element_type=jnp.float32,
                precision=lax.Precision.HIGHEST) * (1.0 / _N)
    dq = jnp.where(mask, q - mean, 0.0)
    var = jnp.dot(jnp.sum(dq * dq, axis=0, keepdims=True), fold_ref[...],
                  preferred_element_type=jnp.float32,
                precision=lax.Precision.HIGHEST) * (1.0 / _N)
    h = g_ref[...] * (q - mean) * lax.rsqrt(var + 1e-5) + bt_ref[...]
    return h, mask


def _phase_b_body(u1_ref, s1a_ref, s1b_ref, b1a_ref, w1b_ref, b1b_ref,
                  g1_ref, bt1_ref, w2a_ref, fold_ref, o_ref):
    p = u1_ref[...] + s1a_ref[...] + s1b_ref[...] + b1a_ref[...]
    q = jnp.dot(jnp.maximum(p, 0.0), w1b_ref[...],
                preferred_element_type=jnp.float32,
                precision=lax.Precision.HIGHEST) + b1b_ref[...]
    h, mask = _bn_packed(q, fold_ref, g1_ref, bt1_ref)
    u2 = jnp.dot(h, w2a_ref[...], preferred_element_type=jnp.float32,
                precision=lax.Precision.HIGHEST)
    o_ref[...] = jnp.where(mask, u2, 0.0)


def _phase_c_body(u2_ref, s2a_ref, s2b_ref, b2a_ref, w2b_ref, b2b_ref,
                  g2_ref, bt2_ref, wf1_ref, bf1_ref, wf2_ref, bf2_ref,
                  fold_ref, o_ref):
    p = u2_ref[...] + s2a_ref[...] + s2b_ref[...] + b2a_ref[...]
    q = jnp.dot(jnp.maximum(p, 0.0), w2b_ref[...],
                preferred_element_type=jnp.float32,
                precision=lax.Precision.HIGHEST) + b2b_ref[...]
    h, _ = _bn_packed(q, fold_ref, g2_ref, bt2_ref)
    f = jnp.maximum(jnp.dot(h, wf1_ref[...],
                            preferred_element_type=jnp.float32,
                precision=lax.Precision.HIGHEST)
                    + bf1_ref[...], 0.0)
    o_ref[...] = jnp.dot(f, wf2_ref[...],
                         preferred_element_type=jnp.float32,
                precision=lax.Precision.HIGHEST) + bf2_ref[...]


_mm_a = pl.pallas_call(
    _mm_a_body,
    out_shape=jax.ShapeDtypeStruct((_NP4, 128), jnp.float32))

_phase_b = pl.pallas_call(
    _phase_b_body,
    out_shape=jax.ShapeDtypeStruct((_NP4, 128), jnp.float32))

_phase_c = pl.pallas_call(
    _phase_c_body,
    out_shape=jax.ShapeDtypeStruct((_NP4, 4 * _C), jnp.float32))


def kernel(x, edge_index, W1a, b1a, W1b, b1b, g1, bt1, W2a, b2a, W2b, b2b,
           g2, bt2, Wf1, bf1, Wf2, bf2):
    f32 = jnp.float32
    src = edge_index[0]
    dst = edge_index[1]
    zeros_nh = jnp.zeros((_NPAD, _H), f32)

    eye4 = jnp.eye(4, dtype=f32)
    fold = jnp.kron(jnp.ones((4, 4), f32), jnp.eye(_H, dtype=f32))

    def t4(v):
        return jnp.tile(v, 4).reshape(1, -1)

    sc_scatter = _make_sc_scatter()
    u1 = _mm_a(x.reshape(_NV, 4 * _D), jnp.kron(eye4, W1a))
    s1a, s1b = sc_scatter(u1.reshape(_NPAD, _H), src, dst, zeros_nh)
    u2 = _phase_b(u1, s1a.reshape(_NP4, 128), s1b.reshape(_NP4, 128),
                  t4(b1a), jnp.kron(eye4, W1b), t4(b1b), t4(g1), t4(bt1),
                  jnp.kron(eye4, W2a), fold)
    s2a, s2b = sc_scatter(u2.reshape(_NPAD, _H), src, dst, zeros_nh)
    out = _phase_c(u2, s2a.reshape(_NP4, 128), s2b.reshape(_NP4, 128),
                   t4(b2a), jnp.kron(eye4, W2b), t4(b2b), t4(g2), t4(bt2),
                   jnp.kron(eye4, Wf1), t4(bf1), jnp.kron(eye4, Wf2),
                   t4(bf2), fold)
    return out.reshape(_NPAD, _C)[:_N]

# --- scband reference (transcript-rebuilt; emitter-appended) ---
"""Pipeline reference for scband-ginnet0-12567074308658 (READ-ONLY COPY).

The authoritative reference and input builder live on the scoring server;
editing this copy changes nothing except your own understanding.
"""

import jax, jax.numpy as jnp
import numpy as np

N = 10000
E = 320000
D = 128
H = 32
C = 41


def _init_w(key, fan_in, fan_out):
    return jax.random.normal(key, (fan_in, fan_out), dtype=jnp.float32) * (1.0 / np.sqrt(fan_in))


def setup_inputs(seed: int = 0) -> dict:
    key = jax.random.key(seed)
    ks = jax.random.split(key, 16)
    x = jax.random.normal(ks[0], (N, D), dtype=jnp.float32)
    edge_index = jax.random.randint(ks[1], (2, E), 0, N, dtype=jnp.int32)
    return {
        'x': x,
        'edge_index': edge_index,
        'W1a': _init_w(ks[2], D, H), 'b1a': jnp.zeros((H,), jnp.float32),
        'W1b': _init_w(ks[3], H, H), 'b1b': jnp.zeros((H,), jnp.float32),
        'g1': jnp.ones((H,), jnp.float32), 'bt1': jnp.zeros((H,), jnp.float32),
        'W2a': _init_w(ks[4], H, H), 'b2a': jnp.zeros((H,), jnp.float32),
        'W2b': _init_w(ks[5], H, H), 'b2b': jnp.zeros((H,), jnp.float32),
        'g2': jnp.ones((H,), jnp.float32), 'bt2': jnp.zeros((H,), jnp.float32),
        'Wf1': _init_w(ks[6], H, H), 'bf1': jnp.zeros((H,), jnp.float32),
        'Wf2': _init_w(ks[7], H, C), 'bf2': jnp.zeros((C,), jnp.float32),
    }


def _mlp(h, Wa, ba, Wb, bb):
    return jax.nn.relu(h @ Wa + ba) @ Wb + bb


def _batchnorm(h, gamma, beta):
    mean = jnp.mean(h, axis=0)
    var = jnp.var(h, axis=0)
    return gamma * (h - mean) / jnp.sqrt(var + 1e-5) + beta


def _gin_conv(h, src, dst, Wa, ba, Wb, bb):
    # GINConv with eps=0: out = nn((1+eps)*x + sum_{j in N(i)} x_j)
    agg = jnp.zeros_like(h).at[dst].add(h[src])
    return _mlp(h + agg, Wa, ba, Wb, bb)


def reference(x, edge_index, W1a, b1a, W1b, b1b, g1, bt1, W2a, b2a, W2b, b2b, g2, bt2, Wf1, bf1, Wf2, bf2):
    src = edge_index[0]
    dst = edge_index[1]
    h = _batchnorm(_gin_conv(x, src, dst, W1a, b1a, W1b, b1b), g1, bt1)
    h = _batchnorm(_gin_conv(h, src, dst, W2a, b2a, W2b, b2b), g2, bt2)
    h = jax.nn.relu(h @ Wf1 + bf1)
    return h @ Wf2 + bf2

if __name__ == "__main__":
    import jax
    _d = setup_inputs()
    print(jax.jit(kernel)(*tuple(_d.values())))

</pallas_src>

<mosaic_0001>
#map = affine_map<(d0, d1) -> (0, 0)>
#map1 = affine_map<(d0, d1) -> (0)>
module attributes {stable_mosaic.version = 14 : i64} {
  func.func @sc_scatter(%arg0: i32, %arg1: i32, %arg2: memref<10112x32xf32, #tpu.memory_space<hbm>>, %arg3: memref<320000xi32, #tpu.memory_space<hbm>>, %arg4: memref<320000xi32, #tpu.memory_space<hbm>>, %arg5: memref<10112x32xf32, #tpu.memory_space<hbm>>, %arg6: memref<10112x32xf32, #tpu.memory_space<hbm>>, %arg7: memref<10112x32xf32, #tpu.memory_space<hbm>>, %arg8: memref<10240xi32, #tpu.memory_space<vmem>>, %arg9: memref<10240xi32, #tpu.memory_space<vmem>>, %arg10: memref<80x128xi32, #tpu.memory_space<vmem>>, %arg11: memref<8x128x32xf32, #tpu.memory_space<vmem>>, %arg12: memref<10112x32xf32, #tpu.memory_space<vmem_shared>>, %arg13: memref<10112x32xf32, #tpu.memory_space<vmem_shared>>, %arg14: memref<!tpu.dma_semaphore, #tpu.memory_space<semaphore_mem>>, %arg15: memref<!tpu.dma_semaphore, #tpu.memory_space<semaphore_mem>>, %arg16: memref<!tpu.dma_semaphore, #tpu.memory_space<semaphore_mem>>) attributes {dimension_semantics = [#tpu.dimension_semantics<core_parallel>, #tpu.dimension_semantics<subcore_parallel>], iteration_bounds = array<i64: 2, 16>, scalar_prefetch = 0 : i64, scratch_operands = 9 : i64, tpu.core_type = #tpu.core_type<sc_vector_subcore>, window_params = [{transform_indices = #map}, {transform_indices = #map1}, {transform_indices = #map1}, {transform_indices = #map}, {transform_indices = #map}, {transform_indices = #map}]} {
    %mul3A = arith.constant 2 : i32
    %mul3A_0 = arith.muli %arg1, %mul3A : i32
    %add3A = arith.addi %mul3A_0, %arg0 : i32
    %mul3A_1 = arith.constant 632 : i32
    %mul3A_2 = arith.muli %arg1, %mul3A_1 : i32
    %mul3A_3 = arith.constant 632 : i32
    %mul3A_4 = arith.muli %arg1, %mul3A_3 : i32
    %dma_start3A = arith.constant 0 : i32
    %dma_start3A_5 = tpu.memref_slice %arg12[%mul3A_4, %dma_start3A] : memref<10112x32xf32, #tpu.memory_space<vmem_shared>> -> memref<632x32xf32, #tpu.memory_space<vmem_shared>>
    %dma_start3A_6 = arith.constant 0 : i32
    %dma_start3A_7 = tpu.memref_slice %arg5[%mul3A_2, %dma_start3A_6] : memref<10112x32xf32, #tpu.memory_space<hbm>> -> memref<632x32xf32, #tpu.memory_space<hbm>>
    tpu.enqueue_dma source(%dma_start3A_7 : memref<632x32xf32, #tpu.memory_space<hbm>>) target(%dma_start3A_5 : memref<632x32xf32, #tpu.memory_space<vmem_shared>>) target_semaphore(%arg14 : memref<!tpu.dma_semaphore, #tpu.memory_space<semaphore_mem>>)
    %mul3A_8 = arith.constant 632 : i32
    %mul3A_9 = arith.muli %arg1, %mul3A_8 : i32
    %mul3A_10 = arith.constant 632 : i32
    %mul3A_11 = arith.muli %arg1, %mul3A_10 : i32
    %dma_start3A_12 = arith.constant 0 : i32
    %dma_start3A_13 = tpu.memref_slice %arg13[%mul3A_11, %dma_start3A_12] : memref<10112x32xf32, #tpu.memory_space<vmem_shared>> -> memref<632x32xf32, #tpu.memory_space<vmem_shared>>
    %dma_start3A_14 = arith.constant 0 : i32
    %dma_start3A_15 = tpu.memref_slice %arg2[%mul3A_9, %dma_start3A_14] : memref<10112x32xf32, #tpu.memory_space<hbm>> -> memref<632x32xf32, #tpu.memory_space<hbm>>
    tpu.enqueue_dma source(%dma_start3A_15 : memref<632x32xf32, #tpu.memory_space<hbm>>) target(%dma_start3A_13 : memref<632x32xf32, #tpu.memory_space<vmem_shared>>) target_semaphore(%arg14 : memref<!tpu.dma_semaphore, #tpu.memory_space<semaphore_mem>>)
    %mul3A_16 = arith.constant 10000 : i32
    %mul3A_17 = arith.muli %add3A, %mul3A_16 : i32
    %dma_start3A_18 = arith.constant 0 : i32
    %dma_start3A_19 = tpu.memref_slice %arg8[%dma_start3A_18] : memref<10240xi32, #tpu.memory_space<vmem>> -> memref<10000xi32, #tpu.memory_space<vmem>>
    %dma_start3A_20 = tpu.memref_slice %arg3[%mul3A_17] : memref<320000xi32, #tpu.memory_space<hbm>> -> memref<10000xi32, #tpu.memory_space<hbm>>
    %dma_start3A_21 = arith.constant 0 : i32
    %dma_start3A_22 = tpu.memref_slice %arg8[%dma_start3A_21] : memref<10240xi32, #tpu.memory_space<vmem>> -> memref<10000xi32, #tpu.memory_space<vmem>>
    %dma_start3A_23 = tpu.memref_slice %arg3[%mul3A_17] : memref<320000xi32, #tpu.memory_space<hbm>> -> memref<10000xi32, #tpu.memory_space<hbm>>
    tpu.enqueue_dma source(%dma_start3A_23 : memref<10000xi32, #tpu.memory_space<hbm>>) target(%dma_start3A_22 : memref<10000xi32, #tpu.memory_space<vmem>>) target_semaphore(%arg15 : memref<!tpu.dma_semaphore, #tpu.memory_space<semaphore_mem>>)
    %mul3A_24 = arith.constant 10000 : i32
    %mul3A_25 = arith.muli %add3A, %mul3A_24 : i32
    %dma_start3A_26 = arith.constant 0 : i32
    %dma_start3A_27 = tpu.memref_slice %arg9[%dma_start3A_26] : memref<10240xi32, #tpu.memory_space<vmem>> -> memref<10000xi32, #tpu.memory_space<vmem>>
    %dma_start3A_28 = tpu.memref_slice %arg4[%mul3A_25] : memref<320000xi32, #tpu.memory_space<hbm>> -> memref<10000xi32, #tpu.memory_space<hbm>>
    %dma_start3A_29 = arith.constant 0 : i32
    %dma_start3A_30 = tpu.memref_slice %arg9[%dma_start3A_29] : memref<10240xi32, #tpu.memory_space<vmem>> -> memref<10000xi32, #tpu.memory_space<vmem>>
    %dma_start3A_31 = tpu.memref_slice %arg4[%mul3A_25] : memref<320000xi32, #tpu.memory_space<hbm>> -> memref<10000xi32, #tpu.memory_space<hbm>>
    tpu.enqueue_dma source(%dma_start3A_31 : memref<10000xi32, #tpu.memory_space<hbm>>) target(%dma_start3A_30 : memref<10000xi32, #tpu.memory_space<vmem>>) target_semaphore(%arg15 : memref<!tpu.dma_semaphore, #tpu.memory_space<semaphore_mem>>)
    %dma_wait3A = arith.constant 0 : i32
    %dma_wait3A_32 = tpu.memref_slice %arg8[%dma_wait3A] : memref<10240xi32, #tpu.memory_space<vmem>> -> memref<10000xi32, #tpu.memory_space<vmem>>
    %dma_wait3A_33 = tpu.memref_slice %arg3[%mul3A_17] : memref<320000xi32, #tpu.memory_space<hbm>> -> memref<10000xi32, #tpu.memory_space<hbm>>
    %dma_wait3A_34 = arith.constant 0 : i32
    %dma_wait3A_35 = tpu.memref_slice %arg8[%dma_wait3A_34] : memref<10240xi32, #tpu.memory_space<vmem>> -> memref<10000xi32, #tpu.memory_space<vmem>>
    %dma_wait3A_36 = tpu.memref_slice %arg3[%mul3A_17] : memref<320000xi32, #tpu.memory_space<hbm>> -> memref<10000xi32, #tpu.memory_space<hbm>>
    tpu.wait_dma2 semaphore(%arg15 : memref<!tpu.dma_semaphore, #tpu.memory_space<semaphore_mem>>) src(%dma_wait3A_36 : memref<10000xi32, #tpu.memory_space<hbm>>) dst(%dma_wait3A_35 : memref<10000xi32, #tpu.memory_space<vmem>>)
    %dma_wait3A_37 = arith.constant 0 : i32
    %dma_wait3A_38 = tpu.memref_slice %arg9[%dma_wait3A_37] : memref<10240xi32, #tpu.memory_space<vmem>> -> memref<10000xi32, #tpu.memory_space<vmem>>
    %dma_wait3A_39 = tpu.memref_slice %arg4[%mul3A_25] : memref<320000xi32, #tpu.memory_space<hbm>> -> memref<10000xi32, #tpu.memory_space<hbm>>
    %dma_wait3A_40 = arith.constant 0 : i32
    %dma_wait3A_41 = tpu.memref_slice %arg9[%dma_wait3A_40] : memref<10240xi32, #tpu.memory_space<vmem>> -> memref<10000xi32, #tpu.memory_space<vmem>>
    %dma_wait3A_42 = tpu.memref_slice %arg4[%mul3A_25] : memref<320000xi32, #tpu.memory_space<hbm>> -> memref<10000xi32, #tpu.memory_space<hbm>>
    tpu.wait_dma2 semaphore(%arg15 : memref<!tpu.dma_semaphore, #tpu.memory_space<semaphore_mem>>) src(%dma_wait3A_42 : memref<10000xi32, #tpu.memory_space<hbm>>) dst(%dma_wait3A_41 : memref<10000xi32, #tpu.memory_space<vmem>>)
    %broadcast_in_dim3A = arith.constant 10000 : i32
    %broadcast_in_dim3A_43 = vector.broadcast %broadcast_in_dim3A : i32 to vector<16xi32>
    %swap3A = arith.constant 10000 : index
    %swap3A_44 = tpu.vector_load %arg8[%swap3A] {strides = array<i32>} : memref<10240xi32, #tpu.memory_space<vmem>>, vector<16xi32>,
    %swap3A_45 = vector.shape_cast %swap3A_44 : vector<16xi32> to vector<16xi32>
    %swap3A_46 = vector.shape_cast %broadcast_in_dim3A_43 : vector<16xi32> to vector<16xi32>
    tpu.vector_store %arg8[%swap3A], %swap3A_46 {strides = array<i32>} : memref<10240xi32, #tpu.memory_space<vmem>>, vector<16xi32>,
    %swap3A_47 = arith.constant 10000 : index
    %swap3A_48 = tpu.vector_load %arg9[%swap3A_47] {strides = array<i32>} : memref<10240xi32, #tpu.memory_space<vmem>>, vector<16xi32>,
    %swap3A_49 = vector.shape_cast %swap3A_48 : vector<16xi32> to vector<16xi32>
    %swap3A_50 = vector.shape_cast %broadcast_in_dim3A_43 : vector<16xi32> to vector<16xi32>
    tpu.vector_store %arg9[%swap3A_47], %swap3A_50 {strides = array<i32>} : memref<10240xi32, #tpu.memory_space<vmem>>, vector<16xi32>,
    %swap3A_51 = arith.constant 10016 : index
    %swap3A_52 = tpu.vector_load %arg8[%swap3A_51] {strides = array<i32>} : memref<10240xi32, #tpu.memory_space<vmem>>, vector<16xi32>,
    %swap3A_53 = vector.shape_cast %swap3A_52 : vector<16xi32> to vector<16xi32>
    %swap3A_54 = vector.shape_cast %broadcast_in_dim3A_43 : vector<16xi32> to vector<16xi32>
    tpu.vector_store %arg8[%swap3A_51], %swap3A_54 {strides = array<i32>} : memref<10240xi32, #tpu.memory_space<vmem>>, vector<16xi32>,
    %swap3A_55 = arith.constant 10016 : index
    %swap3A_56 = tpu.vector_load %arg9[%swap3A_55] {strides = array<i32>} : memref<10240xi32, #tpu.memory_space<vmem>>, vector<16xi32>,
    %swap3A_57 = vector.shape_cast %swap3A_56 : vector<16xi32> to vector<16xi32>
    %swap3A_58 = vector.shape_cast %broadcast_in_dim3A_43 : vector<16xi32> to vector<16xi32>
    tpu.vector_store %arg9[%swap3A_55], %swap3A_58 {strides = array<i32>} : memref<10240xi32, #tpu.memory_space<vmem>>, vector<16xi32>,
    %swap3A_59 = arith.constant 10032 : index
    %swap3A_60 = tpu.vector_load %arg8[%swap3A_59] {strides = array<i32>} : memref<10240xi32, #tpu.memory_space<vmem>>, vector<16xi32>,
    %swap3A_61 = vector.shape_cast %swap3A_60 : vector<16xi32> to vector<16xi32>
    %swap3A_62 = vector.shape_cast %broadcast_in_dim3A_43 : vector<16xi32> to vector<16xi32>
    tpu.vector_store %arg8[%swap3A_59], %swap3A_62 {strides = array<i32>} : memref<10240xi32, #tpu.memory_space<vmem>>, vector<16xi32>,
    %swap3A_63 = arith.constant 10032 : index
    %swap3A_64 = tpu.vector_load %arg9[%swap3A_63] {strides = array<i32>} : memref<10240xi32, #tpu.memory_space<vmem>>, vector<16xi32>,
    %swap3A_65 = vector.shape_cast %swap3A_64 : vector<16xi32> to vector<16xi32>
    %swap3A_66 = vector.shape_cast %broadcast_in_dim3A_43 : vector<16xi32> to vector<16xi32>
    tpu.vector_store %arg9[%swap3A_63], %swap3A_66 {strides = array<i32>} : memref<10240xi32, #tpu.memory_space<vmem>>, vector<16xi32>,
    %swap3A_67 = arith.constant 10048 : index
    %swap3A_68 = tpu.vector_load %arg8[%swap3A_67] {strides = array<i32>} : memref<10240xi32, #tpu.memory_space<vmem>>, vector<16xi32>,
    %swap3A_69 = vector.shape_cast %swap3A_68 : vector<16xi32> to vector<16xi32>
    %swap3A_70 = vector.shape_cast %broadcast_in_dim3A_43 : vector<16xi32> to vector<16xi32>
    tpu.vector_store %arg8[%swap3A_67], %swap3A_70 {strides = array<i32>} : memref<10240xi32, #tpu.memory_space<vmem>>, vector<16xi32>,
    %swap3A_71 = arith.constant 10048 : index
    %swap3A_72 = tpu.vector_load %arg9[%swap3A_71] {strides = array<i32>} : memref<10240xi32, #tpu.memory_space<vmem>>, vector<16xi32>,
    %swap3A_73 = vector.shape_cast %swap3A_72 : vector<16xi32> to vector<16xi32>
    %swap3A_74 = vector.shape_cast %broadcast_in_dim3A_43 : vector<16xi32> to vector<16xi32>
    tpu.vector_store %arg9[%swap3A_71], %swap3A_74 {strides = array<i32>} : memref<10240xi32, #tpu.memory_space<vmem>>, vector<16xi32>,
    %swap3A_75 = arith.constant 10064 : index
    %swap3A_76 = tpu.vector_load %arg8[%swap3A_75] {strides = array<i32>} : memref<10240xi32, #tpu.memory_space<vmem>>, vector<16xi32>,
    %swap3A_77 = vector.shape_cast %swap3A_76 : vector<16xi32> to vector<16xi32>
    %swap3A_78 = vector.shape_cast %broadcast_in_dim3A_43 : vector<16xi32> to vector<16xi32>
    tpu.vector_store %arg8[%swap3A_75], %swap3A_78 {strides = array<i32>} : memref<10240xi32, #tpu.memory_space<vmem>>, vector<16xi32>,
    %swap3A_79 = arith.constant 10064 : index
    %swap3A_80 = tpu.vector_load %arg9[%swap3A_79] {strides = array<i32>} : memref<10240xi32, #tpu.memory_space<vmem>>, vector<16xi32>,
    %swap3A_81 = vector.shape_cast %swap3A_80 : vector<16xi32> to vector<16xi32>
    %swap3A_82 = vector.shape_cast %broadcast_in_dim3A_43 : vector<16xi32> to vector<16xi32>
    tpu.vector_store %arg9[%swap3A_79], %swap3A_82 {strides = array<i32>} : memref<10240xi32, #tpu.memory_space<vmem>>, vector<16xi32>,
    %swap3A_83 = arith.constant 10080 : index
    %swap3A_84 = tpu.vector_load %arg8[%swap3A_83] {strides = array<i32>} : memref<10240xi32, #tpu.memory_space<vmem>>, vector<16xi32>,
    %swap3A_85 = vector.shape_cast %swap3A_84 : vector<16xi32> to vector<16xi32>
    %swap3A_86 = vector.shape_cast %broadcast_in_dim3A_43 : vector<16xi32> to vector<16xi32>
    tpu.vector_store %arg8[%swap3A_83], %swap3A_86 {strides = array<i32>} : memref<10240xi32, #tpu.memory_space<vmem>>, vector<16xi32>,
    %swap3A_87 = arith.constant 10080 : index
    %swap3A_88 = tpu.vector_load %arg9[%swap3A_87] {strides = array<i32>} : memref<10240xi32, #tpu.memory_space<vmem>>, vector<16xi32>,
    %swap3A_89 = vector.shape_cast %swap3A_88 : vector<16xi32> to vector<16xi32>
    %swap3A_90 = vector.shape_cast %broadcast_in_dim3A_43 : vector<16xi32> to vector<16xi32>
    tpu.vector_store %arg9[%swap3A_87], %swap3A_90 {strides = array<i32>} : memref<10240xi32, #tpu.memory_space<vmem>>, vector<16xi32>,
    %swap3A_91 = arith.constant 10096 : index
    %swap3A_92 = tpu.vector_load %arg8[%swap3A_91] {strides = array<i32>} : memref<10240xi32, #tpu.memory_space<vmem>>, vector<16xi32>,
    %swap3A_93 = vector.shape_cast %swap3A_92 : vector<16xi32> to vector<16xi32>
    %swap3A_94 = vector.shape_cast %broadcast_in_dim3A_43 : vector<16xi32> to vector<16xi32>
    tpu.vector_store %arg8[%swap3A_91], %swap3A_94 {strides = array<i32>} : memref<10240xi32, #tpu.memory_space<vmem>>, vector<16xi32>,
    %swap3A_95 = arith.constant 10096 : index
    %swap3A_96 = tpu.vector_load %arg9[%swap3A_95] {strides = array<i32>} : memref<10240xi32, #tpu.memory_space<vmem>>, vector<16xi32>,
    %swap3A_97 = vector.shape_cast %swap3A_96 : vector<16xi32> to vector<16xi32>
    %swap3A_98 = vector.shape_cast %broadcast_in_dim3A_43 : vector<16xi32> to vector<16xi32>
    tpu.vector_store %arg9[%swap3A_95], %swap3A_98 {strides = array<i32>} : memref<10240xi32, #tpu.memory_space<vmem>>, vector<16xi32>,
    %swap3A_99 = arith.constant 10112 : index
    %swap3A_100 = tpu.vector_load %arg8[%swap3A_99] {strides = array<i32>} : memref<10240xi32, #tpu.memory_space<vmem>>, vector<16xi32>,
    %swap3A_101 = vector.shape_cast %swap3A_100 : vector<16xi32> to vector<16xi32>
    %swap3A_102 = vector.shape_cast %broadcast_in_dim3A_43 : vector<16xi32> to vector<16xi32>
    tpu.vector_store %arg8[%swap3A_99], %swap3A_102 {strides = array<i32>} : memref<10240xi32, #tpu.memory_space<vmem>>, vector<16xi32>,
    %swap3A_103 = arith.constant 10112 : index
    %swap3A_104 = tpu.vector_load %arg9[%swap3A_103] {strides = array<i32>} : memref<10240xi32, #tpu.memory_space<vmem>>, vector<16xi32>,
    %swap3A_105 = vector.shape_cast %swap3A_104 : vector<16xi32> to vector<16xi32>
    %swap3A_106 = vector.shape_cast %broadcast_in_dim3A_43 : vector<16xi32> to vector<16xi32>
    tpu.vector_store %arg9[%swap3A_103], %swap3A_106 {strides = array<i32>} : memref<10240xi32, #tpu.memory_space<vmem>>, vector<16xi32>,
    %swap3A_107 = arith.constant 10128 : index
    %swap3A_108 = tpu.vector_load %arg8[%swap3A_107] {strides = array<i32>} : memref<10240xi32, #tpu.memory_space<vmem>>, vector<16xi32>,
    %swap3A_109 = vector.shape_cast %swap3A_108 : vector<16xi32> to vector<16xi32>
    %swap3A_110 = vector.shape_cast %broadcast_in_dim3A_43 : vector<16xi32> to vector<16xi32>
    tpu.vector_store %arg8[%swap3A_107], %swap3A_110 {strides = array<i32>} : memref<10240xi32, #tpu.memory_space<vmem>>, vector<16xi32>,
    %swap3A_111 = arith.constant 10128 : index
    %swap3A_112 = tpu.vector_load %arg9[%swap3A_111] {strides = array<i32>} : memref<10240xi32, #tpu.memory_space<vmem>>, vector<16xi32>,
    %swap3A_113 = vector.shape_cast %swap3A_112 : vector<16xi32> to vector<16xi32>
    %swap3A_114 = vector.shape_cast %broadcast_in_dim3A_43 : vector<16xi32> to vector<16xi32>
    tpu.vector_store %arg9[%swap3A_111], %swap3A_114 {strides = array<i32>} : memref<10240xi32, #tpu.memory_space<vmem>>, vector<16xi32>,
    %swap3A_115 = arith.constant 10144 : index
    %swap3A_116 = tpu.vector_load %arg8[%swap3A_115] {strides = array<i32>} : memref<10240xi32, #tpu.memory_space<vmem>>, vector<16xi32>,
    %swap3A_117 = vector.shape_cast %swap3A_116 : vector<16xi32> to vector<16xi32>
    %swap3A_118 = vector.shape_cast %broadcast_in_dim3A_43 : vector<16xi32> to vector<16xi32>
    tpu.vector_store %arg8[%swap3A_115], %swap3A_118 {strides = array<i32>} : memref<10240xi32, #tpu.memory_space<vmem>>, vector<16xi32>,
    %swap3A_119 = arith.constant 10144 : index
    %swap3A_120 = tpu.vector_load %arg9[%swap3A_119] {strides = array<i32>} : memref<10240xi32, #tpu.memory_space<vmem>>, vector<16xi32>,
    %swap3A_121 = vector.shape_cast %swap3A_120 : vector<16xi32> to vector<16xi32>
    %swap3A_122 = vector.shape_cast %broadcast_in_dim3A_43 : vector<16xi32> to vector<16xi32>
    tpu.vector_store %arg9[%swap3A_119], %swap3A_122 {strides = array<i32>} : memref<10240xi32, #tpu.memory_space<vmem>>, vector<16xi32>,
    %swap3A_123 = arith.constant 10160 : index
    %swap3A_124 = tpu.vector_load %arg8[%swap3A_123] {strides = array<i32>} : memref<10240xi32, #tpu.memory_space<vmem>>, vector<16xi32>,
    %swap3A_125 = vector.shape_cast %swap3A_124 : vector<16xi32> to vector<16xi32>
    %swap3A_126 = vector.shape_cast %broadcast_in_dim3A_43 : vector<16xi32> to vector<16xi32>
    tpu.vector_store %arg8[%swap3A_123], %swap3A_126 {strides = array<i32>} : memref<10240xi32, #tpu.memory_space<vmem>>, vector<16xi32>,
    %swap3A_127 = arith.constant 10160 : index
    %swap3A_128 = tpu.vector_load %arg9[%swap3A_127] {strides = array<i32>} : memref<10240xi32, #tpu.memory_space<vmem>>, vector<16xi32>,
    %swap3A_129 = vector.shape_cast %swap3A_128 : vector<16xi32> to vector<16xi32>
    %swap3A_130 = vector.shape_cast %broadcast_in_dim3A_43 : vector<16xi32> to vector<16xi32>
    tpu.vector_store %arg9[%swap3A_127], %swap3A_130 {strides = array<i32>} : memref<10240xi32, #tpu.memory_space<vmem>>, vector<16xi32>,
    %swap3A_131 = arith.constant 10176 : index
    %swap3A_132 = tpu.vector_load %arg8[%swap3A_131] {strides = array<i32>} : memref<10240xi32, #tpu.memory_space<vmem>>, vector<16xi32>,
    %swap3A_133 = vector.shape_cast %swap3A_132 : vector<16xi32> to vector<16xi32>
    %swap3A_134 = vector.shape_cast %broadcast_in_dim3A_43 : vector<16xi32> to vector<16xi32>
    tpu.vector_store %arg8[%swap3A_131], %swap3A_134 {strides = array<i32>} : memref<10240xi32, #tpu.memory_space<vmem>>, vector<16xi32>,
    %swap3A_135 = arith.constant 10176 : index
    %swap3A_136 = tpu.vector_load %arg9[%swap3A_135] {strides = array<i32>} : memref<10240xi32, #tpu.memory_space<vmem>>, vector<16xi32>,
    %swap3A_137 = vector.shape_cast %swap3A_136 : vector<16xi32> to vector<16xi32>
    %swap3A_138 = vector.shape_cast %broadcast_in_dim3A_43 : vector<16xi32> to vector<16xi32>
    tpu.vector_store %arg9[%swap3A_135], %swap3A_138 {strides = array<i32>} : memref<10240xi32, #tpu.memory_space<vmem>>, vector<16xi32>,
    %swap3A_139 = arith.constant 10192 : index
    %swap3A_140 = tpu.vector_load %arg8[%swap3A_139] {strides = array<i32>} : memref<10240xi32, #tpu.memory_space<vmem>>, vector<16xi32>,
    %swap3A_141 = vector.shape_cast %swap3A_140 : vector<16xi32> to vector<16xi32>
    %swap3A_142 = vector.shape_cast %broadcast_in_dim3A_43 : vector<16xi32> to vector<16xi32>
    tpu.vector_store %arg8[%swap3A_139], %swap3A_142 {strides = array<i32>} : memref<10240xi32, #tpu.memory_space<vmem>>, vector<16xi32>,
    %swap3A_143 = arith.constant 10192 : index
    %swap3A_144 = tpu.vector_load %arg9[%swap3A_143] {strides = array<i32>} : memref<10240xi32, #tpu.memory_space<vmem>>, vector<16xi32>,
    %swap3A_145 = vector.shape_cast %swap3A_144 : vector<16xi32> to vector<16xi32>
    %swap3A_146 = vector.shape_cast %broadcast_in_dim3A_43 : vector<16xi32> to vector<16xi32>
    tpu.vector_store %arg9[%swap3A_143], %swap3A_146 {strides = array<i32>} : memref<10240xi32, #tpu.memory_space<vmem>>, vector<16xi32>,
    %swap3A_147 = arith.constant 10208 : index
    %swap3A_148 = tpu.vector_load %arg8[%swap3A_147] {strides = array<i32>} : memref<10240xi32, #tpu.memory_space<vmem>>, vector<16xi32>,
    %swap3A_149 = vector.shape_cast %swap3A_148 : vector<16xi32> to vector<16xi32>
    %swap3A_150 = vector.shape_cast %broadcast_in_dim3A_43 : vector<16xi32> to vector<16xi32>
    tpu.vector_store %arg8[%swap3A_147], %swap3A_150 {strides = array<i32>} : memref<10240xi32, #tpu.memory_space<vmem>>, vector<16xi32>,
    %swap3A_151 = arith.constant 10208 : index
    %swap3A_152 = tpu.vector_load %arg9[%swap3A_151] {strides = array<i32>} : memref<10240xi32, #tpu.memory_space<vmem>>, vector<16xi32>,
    %swap3A_153 = vector.shape_cast %swap3A_152 : vector<16xi32> to vector<16xi32>
    %swap3A_154 = vector.shape_cast %broadcast_in_dim3A_43 : vector<16xi32> to vector<16xi32>
    tpu.vector_store %arg9[%swap3A_151], %swap3A_154 {strides = array<i32>} : memref<10240xi32, #tpu.memory_space<vmem>>, vector<16xi32>,
    %swap3A_155 = arith.constant 10224 : index
    %swap3A_156 = tpu.vector_load %arg8[%swap3A_155] {strides = array<i32>} : memref<10240xi32, #tpu.memory_space<vmem>>, vector<16xi32>,
    %swap3A_157 = vector.shape_cast %swap3A_156 : vector<16xi32> to vector<16xi32>
    %swap3A_158 = vector.shape_cast %broadcast_in_dim3A_43 : vector<16xi32> to vector<16xi32>
    tpu.vector_store %arg8[%swap3A_155], %swap3A_158 {strides = array<i32>} : memref<10240xi32, #tpu.memory_space<vmem>>, vector<16xi32>,
    %swap3A_159 = arith.constant 10224 : index
    %swap3A_160 = tpu.vector_load %arg9[%swap3A_159] {strides = array<i32>} : memref<10240xi32, #tpu.memory_space<vmem>>, vector<16xi32>,
    %swap3A_161 = vector.shape_cast %swap3A_160 : vector<16xi32> to vector<16xi32>
    %swap3A_162 = vector.shape_cast %broadcast_in_dim3A_43 : vector<16xi32> to vector<16xi32>
    tpu.vector_store %arg9[%swap3A_159], %swap3A_162 {strides = array<i32>} : memref<10240xi32, #tpu.memory_space<vmem>>, vector<16xi32>,
    %dma_wait3A_163 = arith.constant 0 : i32
    %dma_wait3A_164 = tpu.memref_slice %arg12[%mul3A_4, %dma_wait3A_163] : memref<10112x32xf32, #tpu.memory_space<vmem_shared>> -> memref<632x32xf32, #tpu.memory_space<vmem_shared>>
    %dma_wait3A_165 = arith.constant 0 : i32
    %dma_wait3A_166 = tpu.memref_slice %arg5[%mul3A_2, %dma_wait3A_165] : memref<10112x32xf32, #tpu.memory_space<hbm>> -> memref<632x32xf32, #tpu.memory_space<hbm>>
    tpu.wait_dma2 semaphore(%arg14 : memref<!tpu.dma_semaphore, #tpu.memory_space<semaphore_mem>>) src(%dma_wait3A_166 : memref<632x32xf32, #tpu.memory_space<hbm>>) dst(%dma_wait3A_164 : memref<632x32xf32, #tpu.memory_space<vmem_shared>>)
    %dma_wait3A_167 = arith.constant 0 : i32
    %dma_wait3A_168 = tpu.memref_slice %arg13[%mul3A_11, %dma_wait3A_167] : memref<10112x32xf32, #tpu.memory_space<vmem_shared>> -> memref<632x32xf32, #tpu.memory_space<vmem_shared>>
    %dma_wait3A_169 = arith.constant 0 : i32
    %dma_wait3A_170 = tpu.memref_slice %arg2[%mul3A_9, %dma_wait3A_169] : memref<10112x32xf32, #tpu.memory_space<hbm>> -> memref<632x32xf32, #tpu.memory_space<hbm>>
    tpu.wait_dma2 semaphore(%arg14 : memref<!tpu.dma_semaphore, #tpu.memory_space<semaphore_mem>>) src(%dma_wait3A_170 : memref<632x32xf32, #tpu.memory_space<hbm>>) dst(%dma_wait3A_168 : memref<632x32xf32, #tpu.memory_space<vmem_shared>>)
    %barrier3A = arith.constant 0 : index
    tpu.barrier barrier_id(%barrier3A)
    %dma_start3A_171 = arith.constant 0 : i32
    %dma_start3A_172 = arith.constant 0 : i32
    %dma_start3A_173 = arith.constant 0 : i32
    %dma_start3A_174 = tpu.memref_slice %arg11[%dma_start3A_171, %dma_start3A_172, %dma_start3A_173] : memref<8x128x32xf32, #tpu.memory_space<vmem>> -> memref<1x128x32xf32, #tpu.memory_space<vmem>>
    %dma_start3A_175 = tpu.memref_squeeze %dma_start3A_174 : memref<1x128x32xf32, #tpu.memory_space<vmem>> -> memref<128x32xf32, #tpu.memory_space<vmem>>
    %dma_start3A_176 = arith.constant 0 : i32
    %dma_start3A_177 = tpu.memref_slice %arg8[%dma_start3A_176] : memref<10240xi32, #tpu.memory_space<vmem>> -> memref<128xi32, #tpu.memory_space<vmem>>
    %dma_start3A_178 = arith.constant 0 : i32
    %dma_start3A_179 = arith.constant 0 : i32
    %dma_start3A_180 = tpu.memref_slice %arg13[%dma_start3A_178, %dma_start3A_179] : memref<10112x32xf32, #tpu.memory_space<vmem_shared>> -> memref<10112x32xf32, #tpu.memory_space<vmem_shared>>
    tpu.enqueue_indirect_dma source(%dma_start3A_180 : memref<10112x32xf32, #tpu.memory_space<vmem_shared>>) target(%dma_start3A_175 : memref<128x32xf32, #tpu.memory_space<vmem>>) offsets(%dma_start3A_177 : memref<128xi32, #tpu.memory_space<vmem>>) semaphore(%arg14 : memref<!tpu.dma_semaphore, #tpu.memory_space<semaphore_mem>>)
    %dma_start3A_181 = arith.constant 1 : i32
    %dma_start3A_182 = arith.constant 0 : i32
    %dma_start3A_183 = arith.constant 0 : i32
    %dma_start3A_184 = tpu.memref_slice %arg11[%dma_start3A_181, %dma_start3A_182, %dma_start3A_183] : memref<8x128x32xf32, #tpu.memory_space<vmem>> -> memref<1x128x32xf32, #tpu.memory_space<vmem>>
    %dma_start3A_185 = tpu.memref_squeeze %dma_start3A_184 : memref<1x128x32xf32, #tpu.memory_space<vmem>> -> memref<128x32xf32, #tpu.memory_space<vmem>>
    %dma_start3A_186 = arith.constant 128 : i32
    %dma_start3A_187 = tpu.memref_slice %arg8[%dma_start3A_186] : memref<10240xi32, #tpu.memory_space<vmem>> -> memref<128xi32, #tpu.memory_space<vmem>>
    %dma_start3A_188 = arith.constant 0 : i32
    %dma_start3A_189 = arith.constant 0 : i32
    %dma_start3A_190 = tpu.memref_slice %arg13[%dma_start3A_188, %dma_start3A_189] : memref<10112x32xf32, #tpu.memory_space<vmem_shared>> -> memref<10112x32xf32, #tpu.memory_space<vmem_shared>>
    tpu.enqueue_indirect_dma source(%dma_start3A_190 : memref<10112x32xf32, #tpu.memory_space<vmem_shared>>) target(%dma_start3A_185 : memref<128x32xf32, #tpu.memory_space<vmem>>) offsets(%dma_start3A_187 : memref<128xi32, #tpu.memory_space<vmem>>) semaphore(%arg14 : memref<!tpu.dma_semaphore, #tpu.memory_space<semaphore_mem>>)
    %dma_start3A_191 = arith.constant 2 : i32
    %dma_start3A_192 = arith.constant 0 : i32
    %dma_start3A_193 = arith.constant 0 : i32
    %dma_start3A_194 = tpu.memref_slice %arg11[%dma_start3A_191, %dma_start3A_192, %dma_start3A_193] : memref<8x128x32xf32, #tpu.memory_space<vmem>> -> memref<1x128x32xf32, #tpu.memory_space<vmem>>
    %dma_start3A_195 = tpu.memref_squeeze %dma_start3A_194 : memref<1x128x32xf32, #tpu.memory_space<vmem>> -> memref<128x32xf32, #tpu.memory_space<vmem>>
    %dma_start3A_196 = arith.constant 256 : i32
    %dma_start3A_197 = tpu.memref_slice %arg8[%dma_start3A_196] : memref<10240xi32, #tpu.memory_space<vmem>> -> memref<128xi32, #tpu.memory_space<vmem>>
    %dma_start3A_198 = arith.constant 0 : i32
    %dma_start3A_199 = arith.constant 0 : i32
    %dma_start3A_200 = tpu.memref_slice %arg13[%dma_start3A_198, %dma_start3A_199] : memref<10112x32xf32, #tpu.memory_space<vmem_shared>> -> memref<10112x32xf32, #tpu.memory_space<vmem_shared>>
    tpu.enqueue_indirect_dma source(%dma_start3A_200 : memref<10112x32xf32, #tpu.memory_space<vmem_shared>>) target(%dma_start3A_195 : memref<128x32xf32, #tpu.memory_space<vmem>>) offsets(%dma_start3A_197 : memref<128xi32, #tpu.memory_space<vmem>>) semaphore(%arg14 : memref<!tpu.dma_semaphore, #tpu.memory_space<semaphore_mem>>)
    %dma_start3A_201 = arith.constant 3 : i32
    %dma_start3A_202 = arith.constant 0 : i32
    %dma_start3A_203 = arith.constant 0 : i32
    %dma_start3A_204 = tpu.memref_slice %arg11[%dma_start3A_201, %dma_start3A_202, %dma_start3A_203] : memref<8x128x32xf32, #tpu.memory_space<vmem>> -> memref<1x128x32xf32, #tpu.memory_space<vmem>>
    %dma_start3A_205 = tpu.memref_squeeze %dma_start3A_204 : memref<1x128x32xf32, #tpu.memory_space<vmem>> -> memref<128x32xf32, #tpu.memory_space<vmem>>
    %dma_start3A_206 = arith.constant 384 : i32
    %dma_start3A_207 = tpu.memref_slice %arg8[%dma_start3A_206] : memref<10240xi32, #tpu.memory_space<vmem>> -> memref<128xi32, #tpu.memory_space<vmem>>
    %dma_start3A_208 = arith.constant 0 : i32
    %dma_start3A_209 = arith.constant 0 : i32
    %dma_start3A_210 = tpu.memref_slice %arg13[%dma_start3A_208, %dma_start3A_209] : memref<10112x32xf32, #tpu.memory_space<vmem_shared>> -> memref<10112x32xf32, #tpu.memory_space<vmem_shared>>
    tpu.enqueue_indirect_dma source(%dma_start3A_210 : memref<10112x32xf32, #tpu.memory_space<vmem_shared>>) target(%dma_start3A_205 : memref<128x32xf32, #tpu.memory_space<vmem>>) offsets(%dma_start3A_207 : memref<128xi32, #tpu.memory_space<vmem>>) semaphore(%arg14 : memref<!tpu.dma_semaphore, #tpu.memory_space<semaphore_mem>>)
    %scan3A = arith.constant 0 : i32
    %scan3A_211 = arith.constant 0 : i32
    %scan3A_212 = arith.constant 10 : i32
    %scan3A_213 = arith.addi %scan3A_211, %scan3A_212 : i32
    %scan3A_214 = arith.constant 1 : i32
    scf.for %scan3A_224 = %scan3A_211 to %scan3A_213 step %scan3A_214  : i32 {
      %mul3A_225 = arith.constant 2 : i32
      %mul3A_226 = arith.muli %mul3A_225, %scan3A_224 : i32
      %mul3A_227 = arith.constant 4 : i32
      %mul3A_228 = arith.muli %mul3A_226, %mul3A_227 : i32
      %add3A_229 = arith.constant 4 : i32
      %add3A_230 = arith.addi %mul3A_228, %add3A_229 : i32
      %add3A_231 = arith.constant 0 : i32
      %add3A_232 = arith.addi %add3A_230, %add3A_231 : i32
      %mul3A_233 = arith.constant 128 : i32
      %mul3A_234 = arith.muli %add3A_232, %mul3A_233 : i32
      %dma_start3A_235 = arith.constant 4 : i32
      %dma_start3A_236 = arith.constant 0 : i32
      %dma_start3A_237 = arith.constant 0 : i32
      %dma_start3A_238 = tpu.memref_slice %arg11[%dma_start3A_235, %dma_start3A_236, %dma_start3A_237] : memref<8x128x32xf32, #tpu.memory_space<vmem>> -> memref<1x128x32xf32, #tpu.memory_space<vmem>>
      %dma_start3A_239 = tpu.memref_squeeze %dma_start3A_238 : memref<1x128x32xf32, #tpu.memory_space<vmem>> -> memref<128x32xf32, #tpu.memory_space<vmem>>
      %dma_start3A_240 = tpu.memref_slice %arg8[%mul3A_234] : memref<10240xi32, #tpu.memory_space<vmem>> -> memref<128xi32, #tpu.memory_space<vmem>>
      %dma_start3A_241 = arith.constant 0 : i32
      %dma_start3A_242 = arith.constant 0 : i32
      %dma_start3A_243 = tpu.memref_slice %arg13[%dma_start3A_241, %dma_start3A_242] : memref<10112x32xf32, #tpu.memory_space<vmem_shared>> -> memref<10112x32xf32, #tpu.memory_space<vmem_shared>>
      tpu.enqueue_indirect_dma source(%dma_start3A_243 : memref<10112x32xf32, #tpu.memory_space<vmem_shared>>) target(%dma_start3A_239 : memref<128x32xf32, #tpu.memory_space<vmem>>) offsets(%dma_start3A_240 : memref<128xi32, #tpu.memory_space<vmem>>) semaphore(%arg15 : memref<!tpu.dma_semaphore, #tpu.memory_space<semaphore_mem>>)
      %add3A_244 = arith.constant 1 : i32
      %add3A_245 = arith.addi %add3A_230, %add3A_244 : i32
      %mul3A_246 = arith.constant 128 : i32
      %mul3A_247 = arith.muli %add3A_245, %mul3A_246 : i32
      %dma_start3A_248 = arith.constant 5 : i32
      %dma_start3A_249 = arith.constant 0 : i32
      %dma_start3A_250 = arith.constant 0 : i32
      %dma_start3A_251 = tpu.memref_slice %arg11[%dma_start3A_248, %dma_start3A_249, %dma_start3A_250] : memref<8x128x32xf32, #tpu.memory_space<vmem>> -> memref<1x128x32xf32, #tpu.memory_space<vmem>>
      %dma_start3A_252 = tpu.memref_squeeze %dma_start3A_251 : memref<1x128x32xf32, #tpu.memory_space<vmem>> -> memref<128x32xf32, #tpu.memory_space<vmem>>
      %dma_start3A_253 = tpu.memref_slice %arg8[%mul3A_247] : memref<10240xi32, #tpu.memory_space<vmem>> -> memref<128xi32, #tpu.memory_space<vmem>>
      %dma_start3A_254 = arith.constant 0 : i32
      %dma_start3A_255 = arith.constant 0 : i32
      %dma_start3A_256 = tpu.memref_slice %arg13[%dma_start3A_254, %dma_start3A_255] : memref<10112x32xf32, #tpu.memory_space<vmem_shared>> -> memref<10112x32xf32, #tpu.memory_space<vmem_shared>>
      tpu.enqueue_indirect_dma source(%dma_start3A_256 : memref<10112x32xf32, #tpu.memory_space<vmem_shared>>) target(%dma_start3A_252 : memref<128x32xf32, #tpu.memory_space<vmem>>) offsets(%dma_start3A_253 : memref<128xi32, #tpu.memory_space<vmem>>) semaphore(%arg15 : memref<!tpu.dma_semaphore, #tpu.memory_space<semaphore_mem>>)
      %add3A_257 = arith.constant 2 : i32
      %add3A_258 = arith.addi %add3A_230, %add3A_257 : i32
      %mul3A_259 = arith.constant 128 : i32
      %mul3A_260 = arith.muli %add3A_258, %mul3A_259 : i32
      %dma_start3A_261 = arith.constant 6 : i32
      %dma_start3A_262 = arith.constant 0 : i32
      %dma_start3A_263 = arith.constant 0 : i32
      %dma_start3A_264 = tpu.memref_slice %arg11[%dma_start3A_261, %dma_start3A_262, %dma_start3A_263] : memref<8x128x32xf32, #tpu.memory_space<vmem>> -> memref<1x128x32xf32, #tpu.memory_space<vmem>>
      %dma_start3A_265 = tpu.memref_squeeze %dma_start3A_264 : memref<1x128x32xf32, #tpu.memory_space<vmem>> -> memref<128x32xf32, #tpu.memory_space<vmem>>
      %dma_start3A_266 = tpu.memref_slice %arg8[%mul3A_260] : memref<10240xi32, #tpu.memory_space<vmem>> -> memref<128xi32, #tpu.memory_space<vmem>>
      %dma_start3A_267 = arith.constant 0 : i32
      %dma_start3A_268 = arith.constant 0 : i32
      %dma_start3A_269 = tpu.memref_slice %arg13[%dma_start3A_267, %dma_start3A_268] : memref<10112x32xf32, #tpu.memory_space<vmem_shared>> -> memref<10112x32xf32, #tpu.memory_space<vmem_shared>>
      tpu.enqueue_indirect_dma source(%dma_start3A_269 : memref<10112x32xf32, #tpu.memory_space<vmem_shared>>) target(%dma_start3A_265 : memref<128x32xf32, #tpu.memory_space<vmem>>) offsets(%dma_start3A_266 : memref<128xi32, #tpu.memory_space<vmem>>) semaphore(%arg15 : memref<!tpu.dma_semaphore, #tpu.memory_space<semaphore_mem>>)
      %add3A_270 = arith.constant 3 : i32
      %add3A_271 = arith.addi %add3A_230, %add3A_270 : i32
      %mul3A_272 = arith.constant 128 : i32
      %mul3A_273 = arith.muli %add3A_271, %mul3A_272 : i32
      %dma_start3A_274 = arith.constant 7 : i32
      %dma_start3A_275 = arith.constant 0 : i32
      %dma_start3A_276 = arith.constant 0 : i32
      %dma_start3A_277 = tpu.memref_slice %arg11[%dma_start3A_274, %dma_start3A_275, %dma_start3A_276] : memref<8x128x32xf32, #tpu.memory_space<vmem>> -> memref<1x128x32xf32, #tpu.memory_space<vmem>>
      %dma_start3A_278 = tpu.memref_squeeze %dma_start3A_277 : memref<1x128x32xf32, #tpu.memory_space<vmem>> -> memref<128x32xf32, #tpu.memory_space<vmem>>
      %dma_start3A_279 = tpu.memref_slice %arg8[%mul3A_273] : memref<10240xi32, #tpu.memory_space<vmem>> -> memref<128xi32, #tpu.memory_space<vmem>>
      %dma_start3A_280 = arith.constant 0 : i32
      %dma_start3A_281 = arith.constant 0 : i32
      %dma_start3A_282 = tpu.memref_slice %arg13[%dma_start3A_280, %dma_start3A_281] : memref<10112x32xf32, #tpu.memory_space<vmem_shared>> -> memref<10112x32xf32, #tpu.memory_space<vmem_shared>>
      tpu.enqueue_indirect_dma source(%dma_start3A_282 : memref<10112x32xf32, #tpu.memory_space<vmem_shared>>) target(%dma_start3A_278 : memref<128x32xf32, #tpu.memory_space<vmem>>) offsets(%dma_start3A_279 : memref<128xi32, #tpu.memory_space<vmem>>) semaphore(%arg15 : memref<!tpu.dma_semaphore, #tpu.memory_space<semaphore_mem>>)
      %add3A_283 = arith.constant 0 : i32
      %add3A_284 = arith.addi %mul3A_228, %add3A_283 : i32
      %mul3A_285 = arith.constant 128 : i32
      %mul3A_286 = arith.muli %add3A_284, %mul3A_285 : i32
      %add3A_287 = arith.constant 0 : i32
      %add3A_288 = arith.addi %mul3A_286, %add3A_287 : i32
      %get3A = arith.index_cast %add3A_288 : i32 to index
      %get3A_289 = tpu.vector_load %arg9[%get3A] {strides = array<i32>} : memref<10240xi32, #tpu.memory_space<vmem>>, vector<16xi32>,
      %get3A_290 = vector.shape_cast %get3A_289 : vector<16xi32> to vector<16xi32>
      %add3A_291 = arith.constant 0 : i32
      %add3A_292 = arith.addi %mul3A_228, %add3A_291 : i32
      %swap3A_293 = arith.index_cast %add3A_292 : i32 to index
      %swap3A_294 = arith.constant 0 : index
      %swap3A_295 = tpu.vector_load %arg10[%swap3A_293, %swap3A_294] {strides = array<i32>} : memref<80x128xi32, #tpu.memory_space<vmem>>, vector<1x16xi32>,
      %swap3A_296 = vector.shape_cast %swap3A_295 : vector<1x16xi32> to vector<16xi32>
      %swap3A_297 = vector.shape_cast %get3A_290 : vector<16xi32> to vector<1x16xi32>
      tpu.vector_store %arg10[%swap3A_293, %swap3A_294], %swap3A_297 {strides = array<i32>} : memref<80x128xi32, #tpu.memory_space<vmem>>, vector<1x16xi32>,
      %add3A_298 = arith.constant 0 : i32
      %add3A_299 = arith.addi %mul3A_228, %add3A_298 : i32
      %mul3A_300 = arith.constant 128 : i32
      %mul3A_301 = arith.muli %add3A_299, %mul3A_300 : i32
      %add3A_302 = arith.constant 16 : i32
      %add3A_303 = arith.addi %mul3A_301, %add3A_302 : i32
      %get3A_304 = arith.index_cast %add3A_303 : i32 to index
      %get3A_305 = tpu.vector_load %arg9[%get3A_304] {strides = array<i32>} : memref<10240xi32, #tpu.memory_space<vmem>>, vector<16xi32>,
      %get3A_306 = vector.shape_cast %get3A_305 : vector<16xi32> to vector<16xi32>
      %add3A_307 = arith.constant 0 : i32
      %add3A_308 = arith.addi %mul3A_228, %add3A_307 : i32
      %swap3A_309 = arith.index_cast %add3A_308 : i32 to index
      %swap3A_310 = arith.constant 16 : index
      %swap3A_311 = tpu.vector_load %arg10[%swap3A_309, %swap3A_310] {strides = array<i32>} : memref<80x128xi32, #tpu.memory_space<vmem>>, vector<1x16xi32>,
      %swap3A_312 = vector.shape_cast %swap3A_311 : vector<1x16xi32> to vector<16xi32>
      %swap3A_313 = vector.shape_cast %get3A_306 : vector<16xi32> to vector<1x16xi32>
      tpu.vector_store %arg10[%swap3A_309, %swap3A_310], %swap3A_313 {strides = array<i32>} : memref<80x128xi32, #tpu.memory_space<vmem>>, vector<1x16xi32>,
      %add3A_314 = arith.constant 0 : i32
      %add3A_315 = arith.addi %mul3A_228, %add3A_314 : i32
      %mul3A_316 = arith.constant 128 : i32
      %mul3A_317 = arith.muli %add3A_315, %mul3A_316 : i32
      %add3A_318 = arith.constant 32 : i32
      %add3A_319 = arith.addi %mul3A_317, %add3A_318 : i32
      %get3A_320 = arith.index_cast %add3A_319 : i32 to index
      %get3A_321 = tpu.vector_load %arg9[%get3A_320] {strides = array<i32>} : memref<10240xi32, #tpu.memory_space<vmem>>, vector<16xi32>,
      %get3A_322 = vector.shape_cast %get3A_321 : vector<16xi32> to vector<16xi32>
      %add3A_323 = arith.constant 0 : i32
      %add3A_324 = arith.addi %mul3A_228, %add3A_323 : i32
      %swap3A_325 = arith.index_cast %add3A_324 : i32 to index
      %swap3A_326 = arith.constant 32 : index
      %swap3A_327 = tpu.vector_load %arg10[%swap3A_325, %swap3A_326] {strides = array<i32>} : memref<80x128xi32, #tpu.memory_space<vmem>>, vector<1x16xi32>,
      %swap3A_328 = vector.shape_cast %swap3A_327 : vector<1x16xi32> to vector<16xi32>
      %swap3A_329 = vector.shape_cast %get3A_322 : vector<16xi32> to vector<1x16xi32>
      tpu.vector_store %arg10[%swap3A_325, %swap3A_326], %swap3A_329 {strides = array<i32>} : memref<80x128xi32, #tpu.memory_space<vmem>>, vector<1x16xi32>,
      %add3A_330 = arith.constant 0 : i32
      %add3A_331 = arith.addi %mul3A_228, %add3A_330 : i32
      %mul3A_332 = arith.constant 128 : i32
      %mul3A_333 = arith.muli %add3A_331, %mul3A_332 : i32
      %add3A_334 = arith.constant 48 : i32
      %add3A_335 = arith.addi %mul3A_333, %add3A_334 : i32
      %get3A_336 = arith.index_cast %add3A_335 : i32 to index
      %get3A_337 = tpu.vector_load %arg9[%get3A_336] {strides = array<i32>} : memref<10240xi32, #tpu.memory_space<vmem>>, vector<16xi32>,
      %get3A_338 = vector.shape_cast %get3A_337 : vector<16xi32> to vector<16xi32>
      %add3A_339 = arith.constant 0 : i32
      %add3A_340 = arith.addi %mul3A_228, %add3A_339 : i32
      %swap3A_341 = arith.index_cast %add3A_340 : i32 to index
      %swap3A_342 = arith.constant 48 : index
      %swap3A_343 = tpu.vector_load %arg10[%swap3A_341, %swap3A_342] {strides = array<i32>} : memref<80x128xi32, #tpu.memory_space<vmem>>, vector<1x16xi32>,
      %swap3A_344 = vector.shape_cast %swap3A_343 : vector<1x16xi32> to vector<16xi32>
      %swap3A_345 = vector.shape_cast %get3A_338 : vector<16xi32> to vector<1x16xi32>
      tpu.vector_store %arg10[%swap3A_341, %swap3A_342], %swap3A_345 {strides = array<i32>} : memref<80x128xi32, #tpu.memory_space<vmem>>, vector<1x16xi32>,
      %add3A_346 = arith.constant 0 : i32
      %add3A_347 = arith.addi %mul3A_228, %add3A_346 : i32
      %mul3A_348 = arith.constant 128 : i32
      %mul3A_349 = arith.muli %add3A_347, %mul3A_348 : i32
      %add3A_350 = arith.constant 64 : i32
      %add3A_351 = arith.addi %mul3A_349, %add3A_350 : i32
      %get3A_352 = arith.index_cast %add3A_351 : i32 to index
      %get3A_353 = tpu.vector_load %arg9[%get3A_352] {strides = array<i32>} : memref<10240xi32, #tpu.memory_space<vmem>>, vector<16xi32>,
      %get3A_354 = vector.shape_cast %get3A_353 : vector<16xi32> to vector<16xi32>
      %add3A_355 = arith.constant 0 : i32
      %add3A_356 = arith.addi %mul3A_228, %add3A_355 : i32
      %swap3A_357 = arith.index_cast %add3A_356 : i32 to index
      %swap3A_358 = arith.constant 64 : index
      %swap3A_359 = tpu.vector_load %arg10[%swap3A_357, %swap3A_358] {strides = array<i32>} : memref<80x128xi32, #tpu.memory_space<vmem>>, vector<1x16xi32>,
      %swap3A_360 = vector.shape_cast %swap3A_359 : vector<1x16xi32> to vector<16xi32>
      %swap3A_361 = vector.shape_cast %get3A_354 : vector<16xi32> to vector<1x16xi32>
      tpu.vector_store %arg10[%swap3A_357, %swap3A_358], %swap3A_361 {strides = array<i32>} : memref<80x128xi32, #tpu.memory_space<vmem>>, vector<1x16xi32>,
      %add3A_362 = arith.constant 0 : i32
      %add3A_363 = arith.addi %mul3A_228, %add3A_362 : i32
      %mul3A_364 = arith.constant 128 : i32
      %mul3A_365 = arith.muli %add3A_363, %mul3A_364 : i32
      %add3A_366 = arith.constant 80 : i32
      %add3A_367 = arith.addi %mul3A_365, %add3A_366 : i32
      %get3A_368 = arith.index_cast %add3A_367 : i32 to index
      %get3A_369 = tpu.vector_load %arg9[%get3A_368] {strides = array<i32>} : memref<10240xi32, #tpu.memory_space<vmem>>, vector<16xi32>,
      %get3A_370 = vector.shape_cast %get3A_369 : vector<16xi32> to vector<16xi32>
      %add3A_371 = arith.constant 0 : i32
      %add3A_372 = arith.addi %mul3A_228, %add3A_371 : i32
      %swap3A_373 = arith.index_cast %add3A_372 : i32 to index
      %swap3A_374 = arith.constant 80 : index
      %swap3A_375 = tpu.vector_load %arg10[%swap3A_373, %swap3A_374] {strides = array<i32>} : memref<80x128xi32, #tpu.memory_space<vmem>>, vector<1x16xi32>,
      %swap3A_376 = vector.shape_cast %swap3A_375 : vector<1x16xi32> to vector<16xi32>
      %swap3A_377 = vector.shape_cast %get3A_370 : vector<16xi32> to vector<1x16xi32>
      tpu.vector_store %arg10[%swap3A_373, %swap3A_374], %swap3A_377 {strides = array<i32>} : memref<80x128xi32, #tpu.memory_space<vmem>>, vector<1x16xi32>,
      %add3A_378 = arith.constant 0 : i32
      %add3A_379 = arith.addi %mul3A_228, %add3A_378 : i32
      %mul3A_380 = arith.constant 128 : i32
      %mul3A_381 = arith.muli %add3A_379, %mul3A_380 : i32
      %add3A_382 = arith.constant 96 : i32
      %add3A_383 = arith.addi %mul3A_381, %add3A_382 : i32
      %get3A_384 = arith.index_cast %add3A_383 : i32 to index
      %get3A_385 = tpu.vector_load %arg9[%get3A_384] {strides = array<i32>} : memref<10240xi32, #tpu.memory_space<vmem>>, vector<16xi32>,
      %get3A_386 = vector.shape_cast %get3A_385 : vector<16xi32> to vector<16xi32>
      %add3A_387 = arith.constant 0 : i32
      %add3A_388 = arith.addi %mul3A_228, %add3A_387 : i32
      %swap3A_389 = arith.index_cast %add3A_388 : i32 to index
      %swap3A_390 = arith.constant 96 : index
      %swap3A_391 = tpu.vector_load %arg10[%swap3A_389, %swap3A_390] {strides = array<i32>} : memref<80x128xi32, #tpu.memory_space<vmem>>, vector<1x16xi32>,
      %swap3A_392 = vector.shape_cast %swap3A_391 : vector<1x16xi32> to vector<16xi32>
      %swap3A_393 = vector.shape_cast %get3A_386 : vector<16xi32> to vector<1x16xi32>
      tpu.vector_store %arg10[%swap3A_389, %swap3A_390], %swap3A_393 {strides = array<i32>} : memref<80x128xi32, #tpu.memory_space<vmem>>, vector<1x16xi32>,
      %add3A_394 = arith.constant 0 : i32
      %add3A_395 = arith.addi %mul3A_228, %add3A_394 : i32
      %mul3A_396 = arith.constant 128 : i32
      %mul3A_397 = arith.muli %add3A_395, %mul3A_396 : i32
      %add3A_398 = arith.constant 112 : i32
      %add3A_399 = arith.addi %mul3A_397, %add3A_398 : i32
      %get3A_400 = arith.index_cast %add3A_399 : i32 to index
      %get3A_401 = tpu.vector_load %arg9[%get3A_400] {strides = array<i32>} : memref<10240xi32, #tpu.memory_space<vmem>>, vector<16xi32>,
      %get3A_402 = vector.shape_cast %get3A_401 : vector<16xi32> to vector<16xi32>
      %add3A_403 = arith.constant 0 : i32
      %add3A_404 = arith.addi %mul3A_228, %add3A_403 : i32
      %swap3A_405 = arith.index_cast %add3A_404 : i32 to index
      %swap3A_406 = arith.constant 112 : index
      %swap3A_407 = tpu.vector_load %arg10[%swap3A_405, %swap3A_406] {strides = array<i32>} : memref<80x128xi32, #tpu.memory_space<vmem>>, vector<1x16xi32>,
      %swap3A_408 = vector.shape_cast %swap3A_407 : vector<1x16xi32> to vector<16xi32>
      %swap3A_409 = vector.shape_cast %get3A_402 : vector<16xi32> to vector<1x16xi32>
      tpu.vector_store %arg10[%swap3A_405, %swap3A_406], %swap3A_409 {strides = array<i32>} : memref<80x128xi32, #tpu.memory_space<vmem>>, vector<1x16xi32>,
      %add3A_410 = arith.constant 1 : i32
      %add3A_411 = arith.addi %mul3A_228, %add3A_410 : i32
      %mul3A_412 = arith.constant 128 : i32
      %mul3A_413 = arith.muli %add3A_411, %mul3A_412 : i32
      %add3A_414 = arith.constant 0 : i32
      %add3A_415 = arith.addi %mul3A_413, %add3A_414 : i32
      %get3A_416 = arith.index_cast %add3A_415 : i32 to index
      %get3A_417 = tpu.vector_load %arg9[%get3A_416] {strides = array<i32>} : memref<10240xi32, #tpu.memory_space<vmem>>, vector<16xi32>,
      %get3A_418 = vector.shape_cast %get3A_417 : vector<16xi32> to vector<16xi32>
      %add3A_419 = arith.constant 1 : i32
      %add3A_420 = arith.addi %mul3A_228, %add3A_419 : i32
      %swap3A_421 = arith.index_cast %add3A_420 : i32 to index
      %swap3A_422 = arith.constant 0 : index
      %swap3A_423 = tpu.vector_load %arg10[%swap3A_421, %swap3A_422] {strides = array<i32>} : memref<80x128xi32, #tpu.memory_space<vmem>>, vector<1x16xi32>,
      %swap3A_424 = vector.shape_cast %swap3A_423 : vector<1x16xi32> to vector<16xi32>
      %swap3A_425 = vector.shape_cast %get3A_418 : vector<16xi32> to vector<1x16xi32>
      tpu.vector_store %arg10[%swap3A_421, %swap3A_422], %swap3A_425 {strides = array<i32>} : memref<80x128xi32, #tpu.memory_space<vmem>>, vector<1x16xi32>,
      %add3A_426 = arith.constant 1 : i32
      %add3A_427 = arith.addi %mul3A_228, %add3A_426 : i32
      %mul3A_428 = arith.constant 128 : i32
      %mul3A_429 = arith.muli %add3A_427, %mul3A_428 : i32
      %add3A_430 = arith.constant 16 : i32
      %add3A_431 = arith.addi %mul3A_429, %add3A_430 : i32
      %get3A_432 = arith.index_cast %add3A_431 : i32 to index
      %get3A_433 = tpu.vector_load %arg9[%get3A_432] {strides = array<i32>} : memref<10240xi32, #tpu.memory_space<vmem>>, vector<16xi32>,
      %get3A_434 = vector.shape_cast %get3A_433 : vector<16xi32> to vector<16xi32>
      %add3A_435 = arith.constant 1 : i32
      %add3A_436 = arith.addi %mul3A_228, %add3A_435 : i32
      %swap3A_437 = arith.index_cast %add3A_436 : i32 to index
      %swap3A_438 = arith.constant 16 : index
      %swap3A_439 = tpu.vector_load %arg10[%swap3A_437, %swap3A_438] {strides = array<i32>} : memref<80x128xi32, #tpu.memory_space<vmem>>, vector<1x16xi32>,
      %swap3A_440 = vector.shape_cast %swap3A_439 : vector<1x16xi32> to vector<16xi32>
      %swap3A_441 = vector.shape_cast %get3A_434 : vector<16xi32> to vector<1x16xi32>
      tpu.vector_store %arg10[%swap3A_437, %swap3A_438], %swap3A_441 {strides = array<i32>} : memref<80x128xi32, #tpu.memory_space<vmem>>, vector<1x16xi32>,
      %add3A_442 = arith.constant 1 : i32
      %add3A_443 = arith.addi %mul3A_228, %add3A_442 : i32
      %mul3A_444 = arith.constant 128 : i32
      %mul3A_445 = arith.muli %add3A_443, %mul3A_444 : i32
      %add3A_446 = arith.constant 32 : i32
      %add3A_447 = arith.addi %mul3A_445, %add3A_446 : i32
      %get3A_448 = arith.index_cast %add3A_447 : i32 to index
      %get3A_449 = tpu.vector_load %arg9[%get3A_448] {strides = array<i32>} : memref<10240xi32, #tpu.memory_space<vmem>>, vector<16xi32>,
      %get3A_450 = vector.shape_cast %get3A_449 : vector<16xi32> to vector<16xi32>
      %add3A_451 = arith.constant 1 : i32
      %add3A_452 = arith.addi %mul3A_228, %add3A_451 : i32
      %swap3A_453 = arith.index_cast %add3A_452 : i32 to index
      %swap3A_454 = arith.constant 32 : index
      %swap3A_455 = tpu.vector_load %arg10[%swap3A_453, %swap3A_454] {strides = array<i32>} : memref<80x128xi32, #tpu.memory_space<vmem>>, vector<1x16xi32>,
      %swap3A_456 = vector.shape_cast %swap3A_455 : vector<1x16xi32> to vector<16xi32>
      %swap3A_457 = vector.shape_cast %get3A_450 : vector<16xi32> to vector<1x16xi32>
      tpu.vector_store %arg10[%swap3A_453, %swap3A_454], %swap3A_457 {strides = array<i32>} : memref<80x128xi32, #tpu.memory_space<vmem>>, vector<1x16xi32>,
      %add3A_458 = arith.constant 1 : i32
      %add3A_459 = arith.addi %mul3A_228, %add3A_458 : i32
      %mul3A_460 = arith.constant 128 : i32
      %mul3A_461 = arith.muli %add3A_459, %mul3A_460 : i32
      %add3A_462 = arith.constant 48 : i32
      %add3A_463 = arith.addi %mul3A_461, %add3A_462 : i32
      %get3A_464 = arith.index_cast %add3A_463 : i32 to index
      %get3A_465 = tpu.vector_load %arg9[%get3A_464] {strides = array<i32>} : memref<10240xi32, #tpu.memory_space<vmem>>, vector<16xi32>,
      %get3A_466 = vector.shape_cast %get3A_465 : vector<16xi32> to vector<16xi32>
      %add3A_467 = arith.constant 1 : i32
      %add3A_468 = arith.addi %mul3A_228, %add3A_467 : i32
      %swap3A_469 = arith.index_cast %add3A_468 : i32 to index
      %swap3A_470 = arith.constant 48 : index
      %swap3A_471 = tpu.vector_load %arg10[%swap3A_469, %swap3A_470] {strides = array<i32>} : memref<80x128xi32, #tpu.memory_space<vmem>>, vector<1x16xi32>,
      %swap3A_472 = vector.shape_cast %swap3A_471 : vector<1x16xi32> to vector<16xi32>
      %swap3A_473 = vector.shape_cast %get3A_466 : vector<16xi32> to vector<1x16xi32>
      tpu.vector_store %arg10[%swap3A_469, %swap3A_470], %swap3A_473 {strides = array<i32>} : memref<80x128xi32, #tpu.memory_space<vmem>>, vector<1x16xi32>,
      %add3A_474 = arith.constant 1 : i32
      %add3A_475 = arith.addi %mul3A_228, %add3A_474 : i32
      %mul3A_476 = arith.constant 128 : i32
      %mul3A_477 = arith.muli %add3A_475, %mul3A_476 : i32
      %add3A_478 = arith.constant 64 : i32
      %add3A_479 = arith.addi %mul3A_477, %add3A_478 : i32
      %get3A_480 = arith.index_cast %add3A_479 : i32 to index
      %get3A_481 = tpu.vector_load %arg9[%get3A_480] {strides = array<i32>} : memref<10240xi32, #tpu.memory_space<vmem>>, vector<16xi32>,
      %get3A_482 = vector.shape_cast %get3A_481 : vector<16xi32> to vector<16xi32>
      %add3A_483 = arith.constant 1 : i32
      %add3A_484 = arith.addi %mul3A_228, %add3A_483 : i32
      %swap3A_485 = arith.index_cast %add3A_484 : i32 to index
      %swap3A_486 = arith.constant 64 : index
      %swap3A_487 = tpu.vector_load %arg10[%swap3A_485, %swap3A_486] {strides = array<i32>} : memref<80x128xi32, #tpu.memory_space<vmem>>, vector<1x16xi32>,
      %swap3A_488 = vector.shape_cast %swap3A_487 : vector<1x16xi32> to vector<16xi32>
      %swap3A_489 = vector.shape_cast %get3A_482 : vector<16xi32> to vector<1x16xi32>
      tpu.vector_store %arg10[%swap3A_485, %swap3A_486], %swap3A_489 {strides = array<i32>} : memref<80x128xi32, #tpu.memory_space<vmem>>, vector<1x16xi32>,
      %add3A_490 = arith.constant 1 : i32
      %add3A_491 = arith.addi %mul3A_228, %add3A_490 : i32
      %mul3A_492 = arith.constant 128 : i32
      %mul3A_493 = arith.muli %add3A_491, %mul3A_492 : i32
      %add3A_494 = arith.constant 80 : i32
      %add3A_495 = arith.addi %mul3A_493, %add3A_494 : i32
      %get3A_496 = arith.index_cast %add3A_495 : i32 to index
      %get3A_497 = tpu.vector_load %arg9[%get3A_496] {strides = array<i32>} : memref<10240xi32, #tpu.memory_space<vmem>>, vector<16xi32>,
      %get3A_498 = vector.shape_cast %get3A_497 : vector<16xi32> to vector<16xi32>
      %add3A_499 = arith.constant 1 : i32
      %add3A_500 = arith.addi %mul3A_228, %add3A_499 : i32
      %swap3A_501 = arith.index_cast %add3A_500 : i32 to index
      %swap3A_502 = arith.constant 80 : index
      %swap3A_503 = tpu.vector_load %arg10[%swap3A_501, %swap3A_502] {strides = array<i32>} : memref<80x128xi32, #tpu.memory_space<vmem>>, vector<1x16xi32>,
      %swap3A_504 = vector.shape_cast %swap3A_503 : vector<1x16xi32> to vector<16xi32>
      %swap3A_505 = vector.shape_cast %get3A_498 : vector<16xi32> to vector<1x16xi32>
      tpu.vector_store %arg10[%swap3A_501, %swap3A_502], %swap3A_505 {strides = array<i32>} : memref<80x128xi32, #tpu.memory_space<vmem>>, vector<1x16xi32>,
      %add3A_506 = arith.constant 1 : i32
      %add3A_507 = arith.addi %mul3A_228, %add3A_506 : i32
      %mul3A_508 = arith.constant 128 : i32
      %mul3A_509 = arith.muli %add3A_507, %mul3A_508 : i32
      %add3A_510 = arith.constant 96 : i32
      %add3A_511 = arith.addi %mul3A_509, %add3A_510 : i32
      %get3A_512 = arith.index_cast %add3A_511 : i32 to index
      %get3A_513 = tpu.vector_load %arg9[%get3A_512] {strides = array<i32>} : memref<10240xi32, #tpu.memory_space<vmem>>, vector<16xi32>,
      %get3A_514 = vector.shape_cast %get3A_513 : vector<16xi32> to vector<16xi32>
      %add3A_515 = arith.constant 1 : i32
      %add3A_516 = arith.addi %mul3A_228, %add3A_515 : i32
      %swap3A_517 = arith.index_cast %add3A_516 : i32 to index
      %swap3A_518 = arith.constant 96 : index
      %swap3A_519 = tpu.vector_load %arg10[%swap3A_517, %swap3A_518] {strides = array<i32>} : memref<80x128xi32, #tpu.memory_space<vmem>>, vector<1x16xi32>,
      %swap3A_520 = vector.shape_cast %swap3A_519 : vector<1x16xi32> to vector<16xi32>
      %swap3A_521 = vector.shape_cast %get3A_514 : vector<16xi32> to vector<1x16xi32>
      tpu.vector_store %arg10[%swap3A_517, %swap3A_518], %swap3A_521 {strides = array<i32>} : memref<80x128xi32, #tpu.memory_space<vmem>>, vector<1x16xi32>,
      %add3A_522 = arith.constant 1 : i32
      %add3A_523 = arith.addi %mul3A_228, %add3A_522 : i32
      %mul3A_524 = arith.constant 128 : i32
      %mul3A_525 = arith.muli %add3A_523, %mul3A_524 : i32
      %add3A_526 = arith.constant 112 : i32
      %add3A_527 = arith.addi %mul3A_525, %add3A_526 : i32
      %get3A_528 = arith.index_cast %add3A_527 : i32 to index
      %get3A_529 = tpu.vector_load %arg9[%get3A_528] {strides = array<i32>} : memref<10240xi32, #tpu.memory_space<vmem>>, vector<16xi32>,
      %get3A_530 = vector.shape_cast %get3A_529 : vector<16xi32> to vector<16xi32>
      %add3A_531 = arith.constant 1 : i32
      %add3A_532 = arith.addi %mul3A_228, %add3A_531 : i32
      %swap3A_533 = arith.index_cast %add3A_532 : i32 to index
      %swap3A_534 = arith.constant 112 : index
      %swap3A_535 = tpu.vector_load %arg10[%swap3A_533, %swap3A_534] {strides = array<i32>} : memref<80x128xi32, #tpu.memory_space<vmem>>, vector<1x16xi32>,
      %swap3A_536 = vector.shape_cast %swap3A_535 : vector<1x16xi32> to vector<16xi32>
      %swap3A_537 = vector.shape_cast %get3A_530 : vector<16xi32> to vector<1x16xi32>
      tpu.vector_store %arg10[%swap3A_533, %swap3A_534], %swap3A_537 {strides = array<i32>} : memref<80x128xi32, #tpu.memory_space<vmem>>, vector<1x16xi32>,
      %add3A_538 = arith.constant 2 : i32
      %add3A_539 = arith.addi %mul3A_228, %add3A_538 : i32
      %mul3A_540 = arith.constant 128 : i32
      %mul3A_541 = arith.muli %add3A_539, %mul3A_540 : i32
      %add3A_542 = arith.constant 0 : i32
      %add3A_543 = arith.addi %mul3A_541, %add3A_542 : i32
      %get3A_544 = arith.index_cast %add3A_543 : i32 to index
      %get3A_545 = tpu.vector_load %arg9[%get3A_544] {strides = array<i32>} : memref<10240xi32, #tpu.memory_space<vmem>>, vector<16xi32>,
      %get3A_546 = vector.shape_cast %get3A_545 : vector<16xi32> to vector<16xi32>
      %add3A_547 = arith.constant 2 : i32
      %add3A_548 = arith.addi %mul3A_228, %add3A_547 : i32
      %swap3A_549 = arith.index_cast %add3A_548 : i32 to index
      %swap3A_550 = arith.constant 0 : index
      %swap3A_551 = tpu.vector_load %arg10[%swap3A_549, %swap3A_550] {strides = array<i32>} : memref<80x128xi32, #tpu.memory_space<vmem>>, vector<1x16xi32>,
      %swap3A_552 = vector.shape_cast %swap3A_551 : vector<1x16xi32> to vector<16xi32>
      %swap3A_553 = vector.shape_cast %get3A_546 : vector<16xi32> to vector<1x16xi32>
      tpu.vector_store %arg10[%swap3A_549, %swap3A_550], %swap3A_553 {strides = array<i32>} : memref<80x128xi32, #tpu.memory_space<vmem>>, vector<1x16xi32>,
      %add3A_554 = arith.constant 2 : i32
      %add3A_555 = arith.addi %mul3A_228, %add3A_554 : i32
      %mul3A_556 = arith.constant 128 : i32
      %mul3A_557 = arith.muli %add3A_555, %mul3A_556 : i32
      %add3A_558 = arith.constant 16 : i32
      %add3A_559 = arith.addi %mul3A_557, %add3A_558 : i32
      %get3A_560 = arith.index_cast %add3A_559 : i32 to index
      %get3A_561 = tpu.vector_load %arg9[%get3A_560] {strides = array<i32>} : memref<10240xi32, #tpu.memory_space<vmem>>, vector<16xi32>,
      %get3A_562 = vector.shape_cast %get3A_561 : vector<16xi32> to vector<16xi32>
      %add3A_563 = arith.constant 2 : i32
      %add3A_564 = arith.addi %mul3A_228, %add3A_563 : i32
      %swap3A_565 = arith.index_cast %add3A_564 : i32 to index
      %swap3A_566 = arith.constant 16 : index
      %swap3A_567 = tpu.vector_load %arg10[%swap3A_565, %swap3A_566] {strides = array<i32>} : memref<80x128xi32, #tpu.memory_space<vmem>>, vector<1x16xi32>,
      %swap3A_568 = vector.shape_cast %swap3A_567 : vector<1x16xi32> to vector<16xi32>
      %swap3A_569 = vector.shape_cast %get3A_562 : vector<16xi32> to vector<1x16xi32>
      tpu.vector_store %arg10[%swap3A_565, %swap3A_566], %swap3A_569 {strides = array<i32>} : memref<80x128xi32, #tpu.memory_space<vmem>>, vector<1x16xi32>,
      %add3A_570 = arith.constant 2 : i32
      %add3A_571 = arith.addi %mul3A_228, %add3A_570 : i32
      %mul3A_572 = arith.constant 128 : i32
      %mul3A_573 = arith.muli %add3A_571, %mul3A_572 : i32
      %add3A_574 = arith.constant 32 : i32
      %add3A_575 = arith.addi %mul3A_573, %add3A_574 : i32
      %get3A_576 = arith.index_cast %add3A_575 : i32 to index
      %get3A_577 = tpu.vector_load %arg9[%get3A_576] {strides = array<i32>} : memref<10240xi32, #tpu.memory_space<vmem>>, vector<16xi32>,
      %get3A_578 = vector.shape_cast %get3A_577 : vector<16xi32> to vector<16xi32>
      %add3A_579 = arith.constant 2 : i32
      %add3A_580 = arith.addi %mul3A_228, %add3A_579 : i32
      %swap3A_581 = arith.index_cast %add3A_580 : i32 to index
      %swap3A_582 = arith.constant 32 : index
      %swap3A_583 = tpu.vector_load %arg10[%swap3A_581, %swap3A_582] {strides = array<i32>} : memref<80x128xi32, #tpu.memory_space<vmem>>, vector<1x16xi32>,
      %swap3A_584 = vector.shape_cast %swap3A_583 : vector<1x16xi32> to vector<16xi32>
      %swap3A_585 = vector.shape_cast %get3A_578 : vector<16xi32> to vector<1x16xi32>
      tpu.vector_store %arg10[%swap3A_581, %swap3A_582], %swap3A_585 {strides = array<i32>} : memref<80x128xi32, #tpu.memory_space<vmem>>, vector<1x16xi32>,
      %add3A_586 = arith.constant 2 : i32
      %add3A_587 = arith.addi %mul3A_228, %add3A_586 : i32
      %mul3A_588 = arith.constant 128 : i32
      %mul3A_589 = arith.muli %add3A_587, %mul3A_588 : i32
      %add3A_590 = arith.constant 48 : i32
      %add3A_591 = arith.addi %mul3A_589, %add3A_590 : i32
      %get3A_592 = arith.index_cast %add3A_591 : i32 to index
      %get3A_593 = tpu.vector_load %arg9[%get3A_592] {strides = array<i32>} : memref<10240xi32, #tpu.memory_space<vmem>>, vector<16xi32>,
      %get3A_594 = vector.shape_cast %get3A_593 : vector<16xi32> to vector<16xi32>
      %add3A_595 = arith.constant 2 : i32
      %add3A_596 = arith.addi %mul3A_228, %add3A_595 : i32
      %swap3A_597 = arith.index_cast %add3A_596 : i32 to index
      %swap3A_598 = arith.constant 48 : index
      %swap3A_599 = tpu.vector_load %arg10[%swap3A_597, %swap3A_598] {strides = array<i32>} : memref<80x128xi32, #tpu.memory_space<vmem>>, vector<1x16xi32>,
      %swap3A_600 = vector.shape_cast %swap3A_599 : vector<1x16xi32> to vector<16xi32>
      %swap3A_601 = vector.shape_cast %get3A_594 : vector<16xi32> to vector<1x16xi32>
      tpu.vector_store %arg10[%swap3A_597, %swap3A_598], %swap3A_601 {strides = array<i32>} : memref<80x128xi32, #tpu.memory_space<vmem>>, vector<1x16xi32>,
      %add3A_602 = arith.constant 2 : i32
      %add3A_603 = arith.addi %mul3A_228, %add3A_602 : i32
      %mul3A_604 = arith.constant 128 : i32
      %mul3A_605 = arith.muli %add3A_603, %mul3A_604 : i32
      %add3A_606 = arith.constant 64 : i32
      %add3A_607 = arith.addi %mul3A_605, %add3A_606 : i32
      %get3A_608 = arith.index_cast %add3A_607 : i32 to index
      %get3A_609 = tpu.vector_load %arg9[%get3A_608] {strides = array<i32>} : memref<10240xi32, #tpu.memory_space<vmem>>, vector<16xi32>,
      %get3A_610 = vector.shape_cast %get3A_609 : vector<16xi32> to vector<16xi32>
      %add3A_611 = arith.constant 2 : i32
      %add3A_612 = arith.addi %mul3A_228, %add3A_611 : i32
      %swap3A_613 = arith.index_cast %add3A_612 : i32 to index
      %swap3A_614 = arith.constant 64 : index
      %swap3A_615 = tpu.vector_load %arg10[%swap3A_613, %swap3A_614] {strides = array<i32>} : memref<80x128xi32, #tpu.memory_space<vmem>>, vector<1x16xi32>,
      %swap3A_616 = vector.shape_cast %swap3A_615 : vector<1x16xi32> to vector<16xi32>
      %swap3A_617 = vector.shape_cast %get3A_610 : vector<16xi32> to vector<1x16xi32>
      tpu.vector_store %arg10[%swap3A_613, %swap3A_614], %swap3A_617 {strides = array<i32>} : memref<80x128xi32, #tpu.memory_space<vmem>>, vector<1x16xi32>,
      %add3A_618 = arith.constant 2 : i32
      %add3A_619 = arith.addi %mul3A_228, %add3A_618 : i32
      %mul3A_620 = arith.constant 128 : i32
      %mul3A_621 = arith.muli %add3A_619, %mul3A_620 : i32
      %add3A_622 = arith.constant 80 : i32
      %add3A_623 = arith.addi %mul3A_621, %add3A_622 : i32
      %get3A_624 = arith.index_cast %add3A_623 : i32 to index
      %get3A_625 = tpu.vector_load %arg9[%get3A_624] {strides = array<i32>} : memref<10240xi32, #tpu.memory_space<vmem>>, vector<16xi32>,
      %get3A_626 = vector.shape_cast %get3A_625 : vector<16xi32> to vector<16xi32>
      %add3A_627 = arith.constant 2 : i32
      %add3A_628 = arith.addi %mul3A_228, %add3A_627 : i32
      %swap3A_629 = arith.index_cast %add3A_628 : i32 to index
      %swap3A_630 = arith.constant 80 : index
      %swap3A_631 = tpu.vector_load %arg10[%swap3A_629, %swap3A_630] {strides = array<i32>} : memref<80x128xi32, #tpu.memory_space<vmem>>, vector<1x16xi32>,
      %swap3A_632 = vector.shape_cast %swap3A_631 : vector<1x16xi32> to vector<16xi32>
      %swap3A_633 = vector.shape_cast %get3A_626 : vector<16xi32> to vector<1x16xi32>
      tpu.vector_store %arg10[%swap3A_629, %swap3A_630], %swap3A_633 {strides = array<i32>} : memref<80x128xi32, #tpu.memory_space<vmem>>, vector<1x16xi32>,
      %add3A_634 = arith.constant 2 : i32
      %add3A_635 = arith.addi %mul3A_228, %add3A_634 : i32
      %mul3A_636 = arith.constant 128 : i32
      %mul3A_637 = arith.muli %add3A_635, %mul3A_636 : i32
      %add3A_638 = arith.constant 96 : i32
      %add3A_639 = arith.addi %mul3A_637, %add3A_638 : i32
      %get3A_640 = arith.index_cast %add3A_639 : i32 to index
      %get3A_641 = tpu.vector_load %arg9[%get3A_640] {strides = array<i32>} : memref<10240xi32, #tpu.memory_space<vmem>>, vector<16xi32>,
      %get3A_642 = vector.shape_cast %get3A_641 : vector<16xi32> to vector<16xi32>
      %add3A_643 = arith.constant 2 : i32
      %add3A_644 = arith.addi %mul3A_228, %add3A_643 : i32
      %swap3A_645 = arith.index_cast %add3A_644 : i32 to index
      %swap3A_646 = arith.constant 96 : index
      %swap3A_647 = tpu.vector_load %arg10[%swap3A_645, %swap3A_646] {strides = array<i32>} : memref<80x128xi32, #tpu.memory_space<vmem>>, vector<1x16xi32>,
      %swap3A_648 = vector.shape_cast %swap3A_647 : vector<1x16xi32> to vector<16xi32>
      %swap3A_649 = vector.shape_cast %get3A_642 : vector<16xi32> to vector<1x16xi32>
      tpu.vector_store %arg10[%swap3A_645, %swap3A_646], %swap3A_649 {strides = array<i32>} : memref<80x128xi32, #tpu.memory_space<vmem>>, vector<1x16xi32>,
      %add3A_650 = arith.constant 2 : i32
      %add3A_651 = arith.addi %mul3A_228, %add3A_650 : i32
      %mul3A_652 = arith.constant 128 : i32
      %mul3A_653 = arith.muli %add3A_651, %mul3A_652 : i32
      %add3A_654 = arith.constant 112 : i32
      %add3A_655 = arith.addi %mul3A_653, %add3A_654 : i32
      %get3A_656 = arith.index_cast %add3A_655 : i32 to index
      %get3A_657 = tpu.vector_load %arg9[%get3A_656] {strides = array<i32>} : memref<10240xi32, #tpu.memory_space<vmem>>, vector<16xi32>,
      %get3A_658 = vector.shape_cast %get3A_657 : vector<16xi32> to vector<16xi32>
      %add3A_659 = arith.constant 2 : i32
      %add3A_660 = arith.addi %mul3A_228, %add3A_659 : i32
      %swap3A_661 = arith.index_cast %add3A_660 : i32 to index
      %swap3A_662 = arith.constant 112 : index
      %swap3A_663 = tpu.vector_load %arg10[%swap3A_661, %swap3A_662] {strides = array<i32>} : memref<80x128xi32, #tpu.memory_space<vmem>>, vector<1x16xi32>,
      %swap3A_664 = vector.shape_cast %swap3A_663 : vector<1x16xi32> to vector<16xi32>
      %swap3A_665 = vector.shape_cast %get3A_658 : vector<16xi32> to vector<1x16xi32>
      tpu.vector_store %arg10[%swap3A_661, %swap3A_662], %swap3A_665 {strides = array<i32>} : memref<80x128xi32, #tpu.memory_space<vmem>>, vector<1x16xi32>,
      %add3A_666 = arith.constant 3 : i32
      %add3A_667 = arith.addi %mul3A_228, %add3A_666 : i32
      %mul3A_668 = arith.constant 128 : i32
      %mul3A_669 = arith.muli %add3A_667, %mul3A_668 : i32
      %add3A_670 = arith.constant 0 : i32
      %add3A_671 = arith.addi %mul3A_669, %add3A_670 : i32
      %get3A_672 = arith.index_cast %add3A_671 : i32 to index
      %get3A_673 = tpu.vector_load %arg9[%get3A_672] {strides = array<i32>} : memref<10240xi32, #tpu.memory_space<vmem>>, vector<16xi32>,
      %get3A_674 = vector.shape_cast %get3A_673 : vector<16xi32> to vector<16xi32>
      %add3A_675 = arith.constant 3 : i32
      %add3A_676 = arith.addi %mul3A_228, %add3A_675 : i32
      %swap3A_677 = arith.index_cast %add3A_676 : i32 to index
      %swap3A_678 = arith.constant 0 : index
      %swap3A_679 = tpu.vector_load %arg10[%swap3A_677, %swap3A_678] {strides = array<i32>} : memref<80x128xi32, #tpu.memory_space<vmem>>, vector<1x16xi32>,
      %swap3A_680 = vector.shape_cast %swap3A_679 : vector<1x16xi32> to vector<16xi32>
      %swap3A_681 = vector.shape_cast %get3A_674 : vector<16xi32> to vector<1x16xi32>
      tpu.vector_store %arg10[%swap3A_677, %swap3A_678], %swap3A_681 {strides = array<i32>} : memref<80x128xi32, #tpu.memory_space<vmem>>, vector<1x16xi32>,
      %add3A_682 = arith.constant 3 : i32
      %add3A_683 = arith.addi %mul3A_228, %add3A_682 : i32
      %mul3A_684 = arith.constant 128 : i32
      %mul3A_685 = arith.muli %add3A_683, %mul3A_684 : i32
      %add3A_686 = arith.constant 16 : i32
      %add3A_687 = arith.addi %mul3A_685, %add3A_686 : i32
      %get3A_688 = arith.index_cast %add3A_687 : i32 to index
      %get3A_689 = tpu.vector_load %arg9[%get3A_688] {strides = array<i32>} : memref<10240xi32, #tpu.memory_space<vmem>>, vector<16xi32>,
      %get3A_690 = vector.shape_cast %get3A_689 : vector<16xi32> to vector<16xi32>
      %add3A_691 = arith.constant 3 : i32
      %add3A_692 = arith.addi %mul3A_228, %add3A_691 : i32
      %swap3A_693 = arith.index_cast %add3A_692 : i32 to index
      %swap3A_694 = arith.constant 16 : index
      %swap3A_695 = tpu.vector_load %arg10[%swap3A_693, %swap3A_694] {strides = array<i32>} : memref<80x128xi32, #tpu.memory_space<vmem>>, vector<1x16xi32>,
      %swap3A_696 = vector.shape_cast %swap3A_695 : vector<1x16xi32> to vector<16xi32>
      %swap3A_697 = vector.shape_cast %get3A_690 : vector<16xi32> to vector<1x16xi32>
      tpu.vector_store %arg10[%swap3A_693, %swap3A_694], %swap3A_697 {strides = array<i32>} : memref<80x128xi32, #tpu.memory_space<vmem>>, vector<1x16xi32>,
      %add3A_698 = arith.constant 3 : i32
      %add3A_699 = arith.addi %mul3A_228, %add3A_698 : i32
      %mul3A_700 = arith.constant 128 : i32
      %mul3A_701 = arith.muli %add3A_699, %mul3A_700 : i32
      %add3A_702 = arith.constant 32 : i32
      %add3A_703 = arith.addi %mul3A_701, %add3A_702 : i32
      %get3A_704 = arith.index_cast %add3A_703 : i32 to index
      %get3A_705 = tpu.vector_load %arg9[%get3A_704] {strides = array<i32>} : memref<10240xi32, #tpu.memory_space<vmem>>, vector<16xi32>,
      %get3A_706 = vector.shape_cast %get3A_705 : vector<16xi32> to vector<16xi32>
      %add3A_707 = arith.constant 3 : i32
      %add3A_708 = arith.addi %mul3A_228, %add3A_707 : i32
      %swap3A_709 = arith.index_cast %add3A_708 : i32 to index
      %swap3A_710 = arith.constant 32 : index
      %swap3A_711 = tpu.vector_load %arg10[%swap3A_709, %swap3A_710] {strides = array<i32>} : memref<80x128xi32, #tpu.memory_space<vmem>>, vector<1x16xi32>,
      %swap3A_712 = vector.shape_cast %swap3A_711 : vector<1x16xi32> to vector<16xi32>
      %swap3A_713 = vector.shape_cast %get3A_706 : vector<16xi32> to vector<1x16xi32>
      tpu.vector_store %arg10[%swap3A_709, %swap3A_710], %swap3A_713 {strides = array<i32>} : memref<80x128xi32, #tpu.memory_space<vmem>>, vector<1x16xi32>,
      %add3A_714 = arith.constant 3 : i32
      %add3A_715 = arith.addi %mul3A_228, %add3A_714 : i32
      %mul3A_716 = arith.constant 128 : i32
      %mul3A_717 = arith.muli %add3A_715, %mul3A_716 : i32
      %add3A_718 = arith.constant 48 : i32
      %add3A_719 = arith.addi %mul3A_717, %add3A_718 : i32
      %get3A_720 = arith.index_cast %add3A_719 : i32 to index
      %get3A_721 = tpu.vector_load %arg9[%get3A_720] {strides = array<i32>} : memref<10240xi32, #tpu.memory_space<vmem>>, vector<16xi32>,
      %get3A_722 = vector.shape_cast %get3A_721 : vector<16xi32> to vector<16xi32>
      %add3A_723 = arith.constant 3 : i32
      %add3A_724 = arith.addi %mul3A_228, %add3A_723 : i32
      %swap3A_725 = arith.index_cast %add3A_724 : i32 to index
      %swap3A_726 = arith.constant 48 : index
      %swap3A_727 = tpu.vector_load %arg10[%swap3A_725, %swap3A_726] {strides = array<i32>} : memref<80x128xi32, #tpu.memory_space<vmem>>, vector<1x16xi32>,
      %swap3A_728 = vector.shape_cast %swap3A_727 : vector<1x16xi32> to vector<16xi32>
      %swap3A_729 = vector.shape_cast %get3A_722 : vector<16xi32> to vector<1x16xi32>
      tpu.vector_store %arg10[%swap3A_725, %swap3A_726], %swap3A_729 {strides = array<i32>} : memref<80x128xi32, #tpu.memory_space<vmem>>, vector<1x16xi32>,
      %add3A_730 = arith.constant 3 : i32
      %add3A_731 = arith.addi %mul3A_228, %add3A_730 : i32
      %mul3A_732 = arith.constant 128 : i32
      %mul3A_733 = arith.muli %add3A_731, %mul3A_732 : i32
      %add3A_734 = arith.constant 64 : i32
      %add3A_735 = arith.addi %mul3A_733, %add3A_734 : i32
      %get3A_736 = arith.index_cast %add3A_735 : i32 to index
      %get3A_737 = tpu.vector_load %arg9[%get3A_736] {strides = array<i32>} : memref<10240xi32, #tpu.memory_space<vmem>>, vector<16xi32>,
      %get3A_738 = vector.shape_cast %get3A_737 : vector<16xi32> to vector<16xi32>
      %add3A_739 = arith.constant 3 : i32
      %add3A_740 = arith.addi %mul3A_228, %add3A_739 : i32
      %swap3A_741 = arith.index_cast %add3A_740 : i32 to index
      %swap3A_742 = arith.constant 64 : index
      %swap3A_743 = tpu.vector_load %arg10[%swap3A_741, %swap3A_742] {strides = array<i32>} : memref<80x128xi32, #tpu.memory_space<vmem>>, vector<1x16xi32>,
      %swap3A_744 = vector.shape_cast %swap3A_743 : vector<1x16xi32> to vector<16xi32>
      %swap3A_745 = vector.shape_cast %get3A_738 : vector<16xi32> to vector<1x16xi32>
      tpu.vector_store %arg10[%swap3A_741, %swap3A_742], %swap3A_745 {strides = array<i32>} : memref<80x128xi32, #tpu.memory_space<vmem>>, vector<1x16xi32>,
      %add3A_746 = arith.constant 3 : i32
      %add3A_747 = arith.addi %mul3A_228, %add3A_746 : i32
      %mul3A_748 = arith.constant 128 : i32
      %mul3A_749 = arith.muli %add3A_747, %mul3A_748 : i32
      %add3A_750 = arith.constant 80 : i32
      %add3A_751 = arith.addi %mul3A_749, %add3A_750 : i32
      %get3A_752 = arith.index_cast %add3A_751 : i32 to index
      %get3A_753 = tpu.vector_load %arg9[%get3A_752] {strides = array<i32>} : memref<10240xi32, #tpu.memory_space<vmem>>, vector<16xi32>,
      %get3A_754 = vector.shape_cast %get3A_753 : vector<16xi32> to vector<16xi32>
      %add3A_755 = arith.constant 3 : i32
      %add3A_756 = arith.addi %mul3A_228, %add3A_755 : i32
      %swap3A_757 = arith.index_cast %add3A_756 : i32 to index
      %swap3A_758 = arith.constant 80 : index
      %swap3A_759 = tpu.vector_load %arg10[%swap3A_757, %swap3A_758] {strides = array<i32>} : memref<80x128xi32, #tpu.memory_space<vmem>>, vector<1x16xi32>,
      %swap3A_760 = vector.shape_cast %swap3A_759 : vector<1x16xi32> to vector<16xi32>
      %swap3A_761 = vector.shape_cast %get3A_754 : vector<16xi32> to vector<1x16xi32>
      tpu.vector_store %arg10[%swap3A_757, %swap3A_758], %swap3A_761 {strides = array<i32>} : memref<80x128xi32, #tpu.memory_space<vmem>>, vector<1x16xi32>,
      %add3A_762 = arith.constant 3 : i32
      %add3A_763 = arith.addi %mul3A_228, %add3A_762 : i32
      %mul3A_764 = arith.constant 128 : i32
      %mul3A_765 = arith.muli %add3A_763, %mul3A_764 : i32
      %add3A_766 = arith.constant 96 : i32
      %add3A_767 = arith.addi %mul3A_765, %add3A_766 : i32
      %get3A_768 = arith.index_cast %add3A_767 : i32 to index
      %get3A_769 = tpu.vector_load %arg9[%get3A_768] {strides = array<i32>} : memref<10240xi32, #tpu.memory_space<vmem>>, vector<16xi32>,
      %get3A_770 = vector.shape_cast %get3A_769 : vector<16xi32> to vector<16xi32>
      %add3A_771 = arith.constant 3 : i32
      %add3A_772 = arith.addi %mul3A_228, %add3A_771 : i32
      %swap3A_773 = arith.index_cast %add3A_772 : i32 to index
      %swap3A_774 = arith.constant 96 : index
      %swap3A_775 = tpu.vector_load %arg10[%swap3A_773, %swap3A_774] {strides = array<i32>} : memref<80x128xi32, #tpu.memory_space<vmem>>, vector<1x16xi32>,
      %swap3A_776 = vector.shape_cast %swap3A_775 : vector<1x16xi32> to vector<16xi32>
      %swap3A_777 = vector.shape_cast %get3A_770 : vector<16xi32> to vector<1x16xi32>
      tpu.vector_store %arg10[%swap3A_773, %swap3A_774], %swap3A_777 {strides = array<i32>} : memref<80x128xi32, #tpu.memory_space<vmem>>, vector<1x16xi32>,
      %add3A_778 = arith.constant 3 : i32
      %add3A_779 = arith.addi %mul3A_228, %add3A_778 : i32
      %mul3A_780 = arith.constant 128 : i32
      %mul3A_781 = arith.muli %add3A_779, %mul3A_780 : i32
      %add3A_782 = arith.constant 112 : i32
      %add3A_783 = arith.addi %mul3A_781, %add3A_782 : i32
      %get3A_784 = arith.index_cast %add3A_783 : i32 to index
      %get3A_785 = tpu.vector_load %arg9[%get3A_784] {strides = array<i32>} : memref<10240xi32, #tpu.memory_space<vmem>>, vector<16xi32>,
      %get3A_786 = vector.shape_cast %get3A_785 : vector<16xi32> to vector<16xi32>
      %add3A_787 = arith.constant 3 : i32
      %add3A_788 = arith.addi %mul3A_228, %add3A_787 : i32
      %swap3A_789 = arith.index_cast %add3A_788 : i32 to index
      %swap3A_790 = arith.constant 112 : index
      %swap3A_791 = tpu.vector_load %arg10[%swap3A_789, %swap3A_790] {strides = array<i32>} : memref<80x128xi32, #tpu.memory_space<vmem>>, vector<1x16xi32>,
      %swap3A_792 = vector.shape_cast %swap3A_791 : vector<1x16xi32> to vector<16xi32>
      %swap3A_793 = vector.shape_cast %get3A_786 : vector<16xi32> to vector<1x16xi32>
      tpu.vector_store %arg10[%swap3A_789, %swap3A_790], %swap3A_793 {strides = array<i32>} : memref<80x128xi32, #tpu.memory_space<vmem>>, vector<1x16xi32>,
      %add3A_794 = arith.constant 0 : i32
      %add3A_795 = arith.addi %mul3A_228, %add3A_794 : i32
      %mul3A_796 = arith.constant 128 : i32
      %mul3A_797 = arith.muli %add3A_795, %mul3A_796 : i32
      %dma_wait3A_798 = arith.constant 0 : i32
      %dma_wait3A_799 = arith.constant 0 : i32
      %dma_wait3A_800 = arith.constant 0 : i32
      %dma_wait3A_801 = tpu.memref_slice %arg11[%dma_wait3A_798, %dma_wait3A_799, %dma_wait3A_800] : memref<8x128x32xf32, #tpu.memory_space<vmem>> -> memref<1x128x32xf32, #tpu.memory_space<vmem>>
      %dma_wait3A_802 = tpu.memref_squeeze %dma_wait3A_801 : memref<1x128x32xf32, #tpu.memory_space<vmem>> -> memref<128x32xf32, #tpu.memory_space<vmem>>
      %dma_wait3A_803 = tpu.memref_slice %arg8[%mul3A_797] : memref<10240xi32, #tpu.memory_space<vmem>> -> memref<128xi32, #tpu.memory_space<vmem>>
      %dma_wait3A_804 = arith.constant 0 : i32
      %dma_wait3A_805 = arith.constant 0 : i32
      %dma_wait3A_806 = tpu.memref_slice %arg13[%dma_wait3A_804, %dma_wait3A_805] : memref<10112x32xf32, #tpu.memory_space<vmem_shared>> -> memref<10112x32xf32, #tpu.memory_space<vmem_shared>>
      tpu.wait_indirect_dma semaphore(%arg14 : memref<!tpu.dma_semaphore, #tpu.memory_space<semaphore_mem>>) src(%dma_wait3A_806 : memref<10112x32xf32, #tpu.memory_space<vmem_shared>>) dst(%dma_wait3A_802 : memref<128x32xf32, #tpu.memory_space<vmem>>)
      %add3A_807 = arith.constant 1 : i32
      %add3A_808 = arith.addi %mul3A_228, %add3A_807 : i32
      %mul3A_809 = arith.constant 128 : i32
      %mul3A_810 = arith.muli %add3A_808, %mul3A_809 : i32
      %dma_wait3A_811 = arith.constant 1 : i32
      %dma_wait3A_812 = arith.constant 0 : i32
      %dma_wait3A_813 = arith.constant 0 : i32
      %dma_wait3A_814 = tpu.memref_slice %arg11[%dma_wait3A_811, %dma_wait3A_812, %dma_wait3A_813] : memref<8x128x32xf32, #tpu.memory_space<vmem>> -> memref<1x128x32xf32, #tpu.memory_space<vmem>>
      %dma_wait3A_815 = tpu.memref_squeeze %dma_wait3A_814 : memref<1x128x32xf32, #tpu.memory_space<vmem>> -> memref<128x32xf32, #tpu.memory_space<vmem>>
      %dma_wait3A_816 = tpu.memref_slice %arg8[%mul3A_810] : memref<10240xi32, #tpu.memory_space<vmem>> -> memref<128xi32, #tpu.memory_space<vmem>>
      %dma_wait3A_817 = arith.constant 0 : i32
      %dma_wait3A_818 = arith.constant 0 : i32
      %dma_wait3A_819 = tpu.memref_slice %arg13[%dma_wait3A_817, %dma_wait3A_818] : memref<10112x32xf32, #tpu.memory_space<vmem_shared>> -> memref<10112x32xf32, #tpu.memory_space<vmem_shared>>
      tpu.wait_indirect_dma semaphore(%arg14 : memref<!tpu.dma_semaphore, #tpu.memory_space<semaphore_mem>>) src(%dma_wait3A_819 : memref<10112x32xf32, #tpu.memory_space<vmem_shared>>) dst(%dma_wait3A_815 : memref<128x32xf32, #tpu.memory_space<vmem>>)
      %add3A_820 = arith.constant 2 : i32
      %add3A_821 = arith.addi %mul3A_228, %add3A_820 : i32
      %mul3A_822 = arith.constant 128 : i32
      %mul3A_823 = arith.muli %add3A_821, %mul3A_822 : i32
      %dma_wait3A_824 = arith.constant 2 : i32
      %dma_wait3A_825 = arith.constant 0 : i32
      %dma_wait3A_826 = arith.constant 0 : i32
      %dma_wait3A_827 = tpu.memref_slice %arg11[%dma_wait3A_824, %dma_wait3A_825, %dma_wait3A_826] : memref<8x128x32xf32, #tpu.memory_space<vmem>> -> memref<1x128x32xf32, #tpu.memory_space<vmem>>
      %dma_wait3A_828 = tpu.memref_squeeze %dma_wait3A_827 : memref<1x128x32xf32, #tpu.memory_space<vmem>> -> memref<128x32xf32, #tpu.memory_space<vmem>>
      %dma_wait3A_829 = tpu.memref_slice %arg8[%mul3A_823] : memref<10240xi32, #tpu.memory_space<vmem>> -> memref<128xi32, #tpu.memory_space<vmem>>
      %dma_wait3A_830 = arith.constant 0 : i32
      %dma_wait3A_831 = arith.constant 0 : i32
      %dma_wait3A_832 = tpu.memref_slice %arg13[%dma_wait3A_830, %dma_wait3A_831] : memref<10112x32xf32, #tpu.memory_space<vmem_shared>> -> memref<10112x32xf32, #tpu.memory_space<vmem_shared>>
      tpu.wait_indirect_dma semaphore(%arg14 : memref<!tpu.dma_semaphore, #tpu.memory_space<semaphore_mem>>) src(%dma_wait3A_832 : memref<10112x32xf32, #tpu.memory_space<vmem_shared>>) dst(%dma_wait3A_828 : memref<128x32xf32, #tpu.memory_space<vmem>>)
      %add3A_833 = arith.constant 3 : i32
      %add3A_834 = arith.addi %mul3A_228, %add3A_833 : i32
      %mul3A_835 = arith.constant 128 : i32
      %mul3A_836 = arith.muli %add3A_834, %mul3A_835 : i32
      %dma_wait3A_837 = arith.constant 3 : i32
      %dma_wait3A_838 = arith.constant 0 : i32
      %dma_wait3A_839 = arith.constant 0 : i32
      %dma_wait3A_840 = tpu.memref_slice %arg11[%dma_wait3A_837, %dma_wait3A_838, %dma_wait3A_839] : memref<8x128x32xf32, #tpu.memory_space<vmem>> -> memref<1x128x32xf32, #tpu.memory_space<vmem>>
      %dma_wait3A_841 = tpu.memref_squeeze %dma_wait3A_840 : memref<1x128x32xf32, #tpu.memory_space<vmem>> -> memref<128x32xf32, #tpu.memory_space<vmem>>
      %dma_wait3A_842 = tpu.memref_slice %arg8[%mul3A_836] : memref<10240xi32, #tpu.memory_space<vmem>> -> memref<128xi32, #tpu.memory_space<vmem>>
      %dma_wait3A_843 = arith.constant 0 : i32
      %dma_wait3A_844 = arith.constant 0 : i32
      %dma_wait3A_845 = tpu.memref_slice %arg13[%dma_wait3A_843, %dma_wait3A_844] : memref<10112x32xf32, #tpu.memory_space<vmem_shared>> -> memref<10112x32xf32, #tpu.memory_space<vmem_shared>>
      tpu.wait_indirect_dma semaphore(%arg14 : memref<!tpu.dma_semaphore, #tpu.memory_space<semaphore_mem>>) src(%dma_wait3A_845 : memref<10112x32xf32, #tpu.memory_space<vmem_shared>>) dst(%dma_wait3A_841 : memref<128x32xf32, #tpu.memory_space<vmem>>)
      %add3A_846 = arith.constant 0 : i32
      %add3A_847 = arith.addi %mul3A_228, %add3A_846 : i32
      %dma_start3A_848 = arith.constant 0 : i32
      %dma_start3A_849 = arith.constant 0 : i32
      %dma_start3A_850 = arith.constant 0 : i32
      %dma_start3A_851 = tpu.memref_slice %arg11[%dma_start3A_848, %dma_start3A_849, %dma_start3A_850] : memref<8x128x32xf32, #tpu.memory_space<vmem>> -> memref<1x128x32xf32, #tpu.memory_space<vmem>>
      %dma_start3A_852 = tpu.memref_squeeze %dma_start3A_851 : memref<1x128x32xf32, #tpu.memory_space<vmem>> -> memref<128x32xf32, #tpu.memory_space<vmem>>
      %dma_start3A_853 = arith.constant 0 : i32
      %dma_start3A_854 = tpu.memref_slice %arg10[%add3A_847, %dma_start3A_853] : memref<80x128xi32, #tpu.memory_space<vmem>> -> memref<1x128xi32, #tpu.memory_space<vmem>>
      %dma_start3A_855 = tpu.memref_squeeze %dma_start3A_854 : memref<1x128xi32, #tpu.memory_space<vmem>> -> memref<128xi32, #tpu.memory_space<vmem>>
      %dma_start3A_856 = arith.constant 0 : i32
      %dma_start3A_857 = arith.constant 0 : i32
      %dma_start3A_858 = tpu.memref_slice %arg12[%dma_start3A_856, %dma_start3A_857] : memref<10112x32xf32, #tpu.memory_space<vmem_shared>> -> memref<10112x32xf32, #tpu.memory_space<vmem_shared>>
      tpu.enqueue_indirect_dma source(%dma_start3A_852 : memref<128x32xf32, #tpu.memory_space<vmem>>) target(%dma_start3A_858 : memref<10112x32xf32, #tpu.memory_space<vmem_shared>>) offsets(%dma_start3A_855 : memref<128xi32, #tpu.memory_space<vmem>>) semaphore(%arg16 : memref<!tpu.dma_semaphore, #tpu.memory_space<semaphore_mem>>) {add = true}
      %add3A_859 = arith.constant 1 : i32
      %add3A_860 = arith.addi %mul3A_228, %add3A_859 : i32
      %dma_start3A_861 = arith.constant 1 : i32
      %dma_start3A_862 = arith.constant 0 : i32
      %dma_start3A_863 = arith.constant 0 : i32
      %dma_start3A_864 = tpu.memref_slice %arg11[%dma_start3A_861, %dma_start3A_862, %dma_start3A_863] : memref<8x128x32xf32, #tpu.memory_space<vmem>> -> memref<1x128x32xf32, #tpu.memory_space<vmem>>
      %dma_start3A_865 = tpu.memref_squeeze %dma_start3A_864 : memref<1x128x32xf32, #tpu.memory_space<vmem>> -> memref<128x32xf32, #tpu.memory_space<vmem>>
      %dma_start3A_866 = arith.constant 0 : i32
      %dma_start3A_867 = tpu.memref_slice %arg10[%add3A_860, %dma_start3A_866] : memref<80x128xi32, #tpu.memory_space<vmem>> -> memref<1x128xi32, #tpu.memory_space<vmem>>
      %dma_start3A_868 = tpu.memref_squeeze %dma_start3A_867 : memref<1x128xi32, #tpu.memory_space<vmem>> -> memref<128xi32, #tpu.memory_space<vmem>>
      %dma_start3A_869 = arith.constant 0 : i32
      %dma_start3A_870 = arith.constant 0 : i32
      %dma_start3A_871 = tpu.memref_slice %arg12[%dma_start3A_869, %dma_start3A_870] : memref<10112x32xf32, #tpu.memory_space<vmem_shared>> -> memref<10112x32xf32, #tpu.memory_space<vmem_shared>>
      tpu.enqueue_indirect_dma source(%dma_start3A_865 : memref<128x32xf32, #tpu.memory_space<vmem>>) target(%dma_start3A_871 : memref<10112x32xf32, #tpu.memory_space<vmem_shared>>) offsets(%dma_start3A_868 : memref<128xi32, #tpu.memory_space<vmem>>) semaphore(%arg16 : memref<!tpu.dma_semaphore, #tpu.memory_space<semaphore_mem>>) {add = true}
      %add3A_872 = arith.constant 2 : i32
      %add3A_873 = arith.addi %mul3A_228, %add3A_872 : i32
      %dma_start3A_874 = arith.constant 2 : i32
      %dma_start3A_875 = arith.constant 0 : i32
      %dma_start3A_876 = arith.constant 0 : i32
      %dma_start3A_877 = tpu.memref_slice %arg11[%dma_start3A_874, %dma_start3A_875, %dma_start3A_876] : memref<8x128x32xf32, #tpu.memory_space<vmem>> -> memref<1x128x32xf32, #tpu.memory_space<vmem>>
      %dma_start3A_878 = tpu.memref_squeeze %dma_start3A_877 : memref<1x128x32xf32, #tpu.memory_space<vmem>> -> memref<128x32xf32, #tpu.memory_space<vmem>>
      %dma_start3A_879 = arith.constant 0 : i32
      %dma_start3A_880 = tpu.memref_slice %arg10[%add3A_873, %dma_start3A_879] : memref<80x128xi32, #tpu.memory_space<vmem>> -> memref<1x128xi32, #tpu.memory_space<vmem>>
      %dma_start3A_881 = tpu.memref_squeeze %dma_start3A_880 : memref<1x128xi32, #tpu.memory_space<vmem>> -> memref<128xi32, #tpu.memory_space<vmem>>
      %dma_start3A_882 = arith.constant 0 : i32
      %dma_start3A_883 = arith.constant 0 : i32
      %dma_start3A_884 = tpu.memref_slice %arg12[%dma_start3A_882, %dma_start3A_883] : memref<10112x32xf32, #tpu.memory_space<vmem_shared>> -> memref<10112x32xf32, #tpu.memory_space<vmem_shared>>
      tpu.enqueue_indirect_dma source(%dma_start3A_878 : memref<128x32xf32, #tpu.memory_space<vmem>>) target(%dma_start3A_884 : memref<10112x32xf32, #tpu.memory_space<vmem_shared>>) offsets(%dma_start3A_881 : memref<128xi32, #tpu.memory_space<vmem>>) semaphore(%arg16 : memref<!tpu.dma_semaphore, #tpu.memory_space<semaphore_mem>>) {add = true}
      %add3A_885 = arith.constant 3 : i32
      %add3A_886 = arith.addi %mul3A_228, %add3A_885 : i32
      %dma_start3A_887 = arith.constant 3 : i32
      %dma_start3A_888 = arith.constant 0 : i32
      %dma_start3A_889 = arith.constant 0 : i32
      %dma_start3A_890 = tpu.memref_slice %arg11[%dma_start3A_887, %dma_start3A_888, %dma_start3A_889] : memref<8x128x32xf32, #tpu.memory_space<vmem>> -> memref<1x128x32xf32, #tpu.memory_space<vmem>>
      %dma_start3A_891 = tpu.memref_squeeze %dma_start3A_890 : memref<1x128x32xf32, #tpu.memory_space<vmem>> -> memref<128x32xf32, #tpu.memory_space<vmem>>
      %dma_start3A_892 = arith.constant 0 : i32
      %dma_start3A_893 = tpu.memref_slice %arg10[%add3A_886, %dma_start3A_892] : memref<80x128xi32, #tpu.memory_space<vmem>> -> memref<1x128xi32, #tpu.memory_space<vmem>>
      %dma_start3A_894 = tpu.memref_squeeze %dma_start3A_893 : memref<1x128xi32, #tpu.memory_space<vmem>> -> memref<128xi32, #tpu.memory_space<vmem>>
      %dma_start3A_895 = arith.constant 0 : i32
      %dma_start3A_896 = arith.constant 0 : i32
      %dma_start3A_897 = tpu.memref_slice %arg12[%dma_start3A_895, %dma_start3A_896] : memref<10112x32xf32, #tpu.memory_space<vmem_shared>> -> memref<10112x32xf32, #tpu.memory_space<vmem_shared>>
      tpu.enqueue_indirect_dma source(%dma_start3A_891 : memref<128x32xf32, #tpu.memory_space<vmem>>) target(%dma_start3A_897 : memref<10112x32xf32, #tpu.memory_space<vmem_shared>>) offsets(%dma_start3A_894 : memref<128xi32, #tpu.memory_space<vmem>>) semaphore(%arg16 : memref<!tpu.dma_semaphore, #tpu.memory_space<semaphore_mem>>) {add = true}
      %add3A_898 = arith.constant 0 : i32
      %add3A_899 = arith.addi %mul3A_228, %add3A_898 : i32
      %dma_wait3A_900 = arith.constant 0 : i32
      %dma_wait3A_901 = arith.constant 0 : i32
      %dma_wait3A_902 = arith.constant 0 : i32
      %dma_wait3A_903 = tpu.memref_slice %arg11[%dma_wait3A_900, %dma_wait3A_901, %dma_wait3A_902] : memref<8x128x32xf32, #tpu.memory_space<vmem>> -> memref<1x128x32xf32, #tpu.memory_space<vmem>>
      %dma_wait3A_904 = tpu.memref_squeeze %dma_wait3A_903 : memref<1x128x32xf32, #tpu.memory_space<vmem>> -> memref<128x32xf32, #tpu.memory_space<vmem>>
      %dma_wait3A_905 = arith.constant 0 : i32
      %dma_wait3A_906 = tpu.memref_slice %arg10[%add3A_899, %dma_wait3A_905] : memref<80x128xi32, #tpu.memory_space<vmem>> -> memref<1x128xi32, #tpu.memory_space<vmem>>
      %dma_wait3A_907 = tpu.memref_squeeze %dma_wait3A_906 : memref<1x128xi32, #tpu.memory_space<vmem>> -> memref<128xi32, #tpu.memory_space<vmem>>
      %dma_wait3A_908 = arith.constant 0 : i32
      %dma_wait3A_909 = arith.constant 0 : i32
      %dma_wait3A_910 = tpu.memref_slice %arg12[%dma_wait3A_908, %dma_wait3A_909] : memref<10112x32xf32, #tpu.memory_space<vmem_shared>> -> memref<10112x32xf32, #tpu.memory_space<vmem_shared>>
      tpu.wait_indirect_dma semaphore(%arg16 : memref<!tpu.dma_semaphore, #tpu.memory_space<semaphore_mem>>) src(%dma_wait3A_904 : memref<128x32xf32, #tpu.memory_space<vmem>>) dst(%dma_wait3A_910 : memref<10112x32xf32, #tpu.memory_space<vmem_shared>>)
      %add3A_911 = arith.constant 1 : i32
      %add3A_912 = arith.addi %mul3A_228, %add3A_911 : i32
      %dma_wait3A_913 = arith.constant 1 : i32
      %dma_wait3A_914 = arith.constant 0 : i32
      %dma_wait3A_915 = arith.constant 0 : i32
      %dma_wait3A_916 = tpu.memref_slice %arg11[%dma_wait3A_913, %dma_wait3A_914, %dma_wait3A_915] : memref<8x128x32xf32, #tpu.memory_space<vmem>> -> memref<1x128x32xf32, #tpu.memory_space<vmem>>
      %dma_wait3A_917 = tpu.memref_squeeze %dma_wait3A_916 : memref<1x128x32xf32, #tpu.memory_space<vmem>> -> memref<128x32xf32, #tpu.memory_space<vmem>>
      %dma_wait3A_918 = arith.constant 0 : i32
      %dma_wait3A_919 = tpu.memref_slice %arg10[%add3A_912, %dma_wait3A_918] : memref<80x128xi32, #tpu.memory_space<vmem>> -> memref<1x128xi32, #tpu.memory_space<vmem>>
      %dma_wait3A_920 = tpu.memref_squeeze %dma_wait3A_919 : memref<1x128xi32, #tpu.memory_space<vmem>> -> memref<128xi32, #tpu.memory_space<vmem>>
      %dma_wait3A_921 = arith.constant 0 : i32
      %dma_wait3A_922 = arith.constant 0 : i32
      %dma_wait3A_923 = tpu.memref_slice %arg12[%dma_wait3A_921, %dma_wait3A_922] : memref<10112x32xf32, #tpu.memory_space<vmem_shared>> -> memref<10112x32xf32, #tpu.memory_space<vmem_shared>>
      tpu.wait_indirect_dma semaphore(%arg16 : memref<!tpu.dma_semaphore, #tpu.memory_space<semaphore_mem>>) src(%dma_wait3A_917 : memref<128x32xf32, #tpu.memory_space<vmem>>) dst(%dma_wait3A_923 : memref<10112x32xf32, #tpu.memory_space<vmem_shared>>)
      %add3A_924 = arith.constant 2 : i32
      %add3A_925 = arith.addi %mul3A_228, %add3A_924 : i32
      %dma_wait3A_926 = arith.constant 2 : i32
      %dma_wait3A_927 = arith.constant 0 : i32
      %dma_wait3A_928 = arith.constant 0 : i32
      %dma_wait3A_929 = tpu.memref_slice %arg11[%dma_wait3A_926, %dma_wait3A_927, %dma_wait3A_928] : memref<8x128x32xf32, #tpu.memory_space<vmem>> -> memref<1x128x32xf32, #tpu.memory_space<vmem>>
      %dma_wait3A_930 = tpu.memref_squeeze %dma_wait3A_929 : memref<1x128x32xf32, #tpu.memory_space<vmem>> -> memref<128x32xf32, #tpu.memory_space<vmem>>
      %dma_wait3A_931 = arith.constant 0 : i32
      %dma_wait3A_932 = tpu.memref_slice %arg10[%add3A_925, %dma_wait3A_931] : memref<80x128xi32, #tpu.memory_space<vmem>> -> memref<1x128xi32, #tpu.memory_space<vmem>>
      %dma_wait3A_933 = tpu.memref_squeeze %dma_wait3A_932 : memref<1x128xi32, #tpu.memory_space<vmem>> -> memref<128xi32, #tpu.memory_space<vmem>>
      %dma_wait3A_934 = arith.constant 0 : i32
      %dma_wait3A_935 = arith.constant 0 : i32
      %dma_wait3A_936 = tpu.memref_slice %arg12[%dma_wait3A_934, %dma_wait3A_935] : memref<10112x32xf32, #tpu.memory_space<vmem_shared>> -> memref<10112x32xf32, #tpu.memory_space<vmem_shared>>
      tpu.wait_indirect_dma semaphore(%arg16 : memref<!tpu.dma_semaphore, #tpu.memory_space<semaphore_mem>>) src(%dma_wait3A_930 : memref<128x32xf32, #tpu.memory_space<vmem>>) dst(%dma_wait3A_936 : memref<10112x32xf32, #tpu.memory_space<vmem_shared>>)
      %add3A_937 = arith.constant 3 : i32
      %add3A_938 = arith.addi %mul3A_228, %add3A_937 : i32
      %dma_wait3A_939 = arith.constant 3 : i32
      %dma_wait3A_940 = arith.constant 0 : i32
      %dma_wait3A_941 = arith.constant 0 : i32
      %dma_wait3A_942 = tpu.memref_slice %arg11[%dma_wait3A_939, %dma_wait3A_940, %dma_wait3A_941] : memref<8x128x32xf32, #tpu.memory_space<vmem>> -> memref<1x128x32xf32, #tpu.memory_space<vmem>>
      %dma_wait3A_943 = tpu.memref_squeeze %dma_wait3A_942 : memref<1x128x32xf32, #tpu.memory_space<vmem>> -> memref<128x32xf32, #tpu.memory_space<vmem>>
      %dma_wait3A_944 = arith.constant 0 : i32
      %dma_wait3A_945 = tpu.memref_slice %arg10[%add3A_938, %dma_wait3A_944] : memref<80x128xi32, #tpu.memory_space<vmem>> -> memref<1x128xi32, #tpu.memory_space<vmem>>
      %dma_wait3A_946 = tpu.memref_squeeze %dma_wait3A_945 : memref<1x128xi32, #tpu.memory_space<vmem>> -> memref<128xi32, #tpu.memory_space<vmem>>
      %dma_wait3A_947 = arith.constant 0 : i32
      %dma_wait3A_948 = arith.constant 0 : i32
      %dma_wait3A_949 = tpu.memref_slice %arg12[%dma_wait3A_947, %dma_wait3A_948] : memref<10112x32xf32, #tpu.memory_space<vmem_shared>> -> memref<10112x32xf32, #tpu.memory_space<vmem_shared>>
      tpu.wait_indirect_dma semaphore(%arg16 : memref<!tpu.dma_semaphore, #tpu.memory_space<semaphore_mem>>) src(%dma_wait3A_943 : memref<128x32xf32, #tpu.memory_space<vmem>>) dst(%dma_wait3A_949 : memref<10112x32xf32, #tpu.memory_space<vmem_shared>>)
      %add3A_950 = arith.constant 1 : i32
      %add3A_951 = arith.addi %scan3A_224, %add3A_950 : i32
      %lt3A = arith.constant 10 : i32
      %lt3A_952 = arith.cmpi slt, %add3A_951, %lt3A : i32
      %convert_element_type3A_953 = arith.extui %lt3A_952 : i1 to i32
      %cond3A_954 = arith.constant 0 : i32
      %cond3A_955 = arith.cmpi ne, %convert_element_type3A_953, %cond3A_954 : i32
      scf.if %cond3A_955 {
        %add3A_1624 = arith.constant 4 : i32
        %add3A_1625 = arith.addi %add3A_230, %add3A_1624 : i32
        %add3A_1626 = arith.constant 0 : i32
        %add3A_1627 = arith.addi %add3A_1625, %add3A_1626 : i32
        %mul3A_1628 = arith.constant 128 : i32
        %mul3A_1629 = arith.muli %add3A_1627, %mul3A_1628 : i32
        %dma_start3A_1630 = arith.constant 0 : i32
        %dma_start3A_1631 = arith.constant 0 : i32
        %dma_start3A_1632 = arith.constant 0 : i32
        %dma_start3A_1633 = tpu.memref_slice %arg11[%dma_start3A_1630, %dma_start3A_1631, %dma_start3A_1632] : memref<8x128x32xf32, #tpu.memory_space<vmem>> -> memref<1x128x32xf32, #tpu.memory_space<vmem>>
        %dma_start3A_1634 = tpu.memref_squeeze %dma_start3A_1633 : memref<1x128x32xf32, #tpu.memory_space<vmem>> -> memref<128x32xf32, #tpu.memory_space<vmem>>
        %dma_start3A_1635 = tpu.memref_slice %arg8[%mul3A_1629] : memref<10240xi32, #tpu.memory_space<vmem>> -> memref<128xi32, #tpu.memory_space<vmem>>
        %dma_start3A_1636 = arith.constant 0 : i32
        %dma_start3A_1637 = arith.constant 0 : i32
        %dma_start3A_1638 = tpu.memref_slice %arg13[%dma_start3A_1636, %dma_start3A_1637] : memref<10112x32xf32, #tpu.memory_space<vmem_shared>> -> memref<10112x32xf32, #tpu.memory_space<vmem_shared>>
        tpu.enqueue_indirect_dma source(%dma_start3A_1638 : memref<10112x32xf32, #tpu.memory_space<vmem_shared>>) target(%dma_start3A_1634 : memref<128x32xf32, #tpu.memory_space<vmem>>) offsets(%dma_start3A_1635 : memref<128xi32, #tpu.memory_space<vmem>>) semaphore(%arg14 : memref<!tpu.dma_semaphore, #tpu.memory_space<semaphore_mem>>)
        %add3A_1639 = arith.constant 4 : i32
        %add3A_1640 = arith.addi %add3A_230, %add3A_1639 : i32
        %add3A_1641 = arith.constant 1 : i32
        %add3A_1642 = arith.addi %add3A_1640, %add3A_1641 : i32
        %mul3A_1643 = arith.constant 128 : i32
        %mul3A_1644 = arith.muli %add3A_1642, %mul3A_1643 : i32
        %dma_start3A_1645 = arith.constant 1 : i32
        %dma_start3A_1646 = arith.constant 0 : i32
        %dma_start3A_1647 = arith.constant 0 : i32
        %dma_start3A_1648 = tpu.memref_slice %arg11[%dma_start3A_1645, %dma_start3A_1646, %dma_start3A_1647] : memref<8x128x32xf32, #tpu.memory_space<vmem>> -> memref<1x128x32xf32, #tpu.memory_space<vmem>>
        %dma_start3A_1649 = tpu.memref_squeeze %dma_start3A_1648 : memref<1x128x32xf32, #tpu.memory_space<vmem>> -> memref<128x32xf32, #tpu.memory_space<vmem>>
        %dma_start3A_1650 = tpu.memref_slice %arg8[%mul3A_1644] : memref<10240xi32, #tpu.memory_space<vmem>> -> memref<128xi32, #tpu.memory_space<vmem>>
        %dma_start3A_1651 = arith.constant 0 : i32
        %dma_start3A_1652 = arith.constant 0 : i32
        %dma_start3A_1653 = tpu.memref_slice %arg13[%dma_start3A_1651, %dma_start3A_1652] : memref<10112x32xf32, #tpu.memory_space<vmem_shared>> -> memref<10112x32xf32, #tpu.memory_space<vmem_shared>>
        tpu.enqueue_indirect_dma source(%dma_start3A_1653 : memref<10112x32xf32, #tpu.memory_space<vmem_shared>>) target(%dma_start3A_1649 : memref<128x32xf32, #tpu.memory_space<vmem>>) offsets(%dma_start3A_1650 : memref<128xi32, #tpu.memory_space<vmem>>) semaphore(%arg14 : memref<!tpu.dma_semaphore, #tpu.memory_space<semaphore_mem>>)
        %add3A_1654 = arith.constant 4 : i32
        %add3A_1655 = arith.addi %add3A_230, %add3A_1654 : i32
        %add3A_1656 = arith.constant 2 : i32
        %add3A_1657 = arith.addi %add3A_1655, %add3A_1656 : i32
        %mul3A_1658 = arith.constant 128 : i32
        %mul3A_1659 = arith.muli %add3A_1657, %mul3A_1658 : i32
        %dma_start3A_1660 = arith.constant 2 : i32
        %dma_start3A_1661 = arith.constant 0 : i32
        %dma_start3A_1662 = arith.constant 0 : i32
        %dma_start3A_1663 = tpu.memref_slice %arg11[%dma_start3A_1660, %dma_start3A_1661, %dma_start3A_1662] : memref<8x128x32xf32, #tpu.memory_space<vmem>> -> memref<1x128x32xf32, #tpu.memory_space<vmem>>
        %dma_start3A_1664 = tpu.memref_squeeze %dma_start3A_1663 : memref<1x128x32xf32, #tpu.memory_space<vmem>> -> memref<128x32xf32, #tpu.memory_space<vmem>>
        %dma_start3A_1665 = tpu.memref_slice %arg8[%mul3A_1659] : memref<10240xi32, #tpu.memory_space<vmem>> -> memref<128xi32, #tpu.memory_space<vmem>>
        %dma_start3A_1666 = arith.constant 0 : i32
        %dma_start3A_1667 = arith.constant 0 : i32
        %dma_start3A_1668 = tpu.memref_slice %arg13[%dma_start3A_1666, %dma_start3A_1667] : memref<10112x32xf32, #tpu.memory_space<vmem_shared>> -> memref<10112x32xf32, #tpu.memory_space<vmem_shared>>
        tpu.enqueue_indirect_dma source(%dma_start3A_1668 : memref<10112x32xf32, #tpu.memory_space<vmem_shared>>) target(%dma_start3A_1664 : memref<128x32xf32, #tpu.memory_space<vmem>>) offsets(%dma_start3A_1665 : memref<128xi32, #tpu.memory_space<vmem>>) semaphore(%arg14 : memref<!tpu.dma_semaphore, #tpu.memory_space<semaphore_mem>>)
        %add3A_1669 = arith.constant 4 : i32
        %add3A_1670 = arith.addi %add3A_230, %add3A_1669 : i32
        %add3A_1671 = arith.constant 3 : i32
        %add3A_1672 = arith.addi %add3A_1670, %add3A_1671 : i32
        %mul3A_1673 = arith.constant 128 : i32
        %mul3A_1674 = arith.muli %add3A_1672, %mul3A_1673 : i32
        %dma_start3A_1675 = arith.constant 3 : i32
        %dma_start3A_1676 = arith.constant 0 : i32
        %dma_start3A_1677 = arith.constant 0 : i32
        %dma_start3A_1678 = tpu.memref_slice %arg11[%dma_start3A_1675, %dma_start3A_1676, %dma_start3A_1677] : memref<8x128x32xf32, #tpu.memory_space<vmem>> -> memref<1x128x32xf32, #tpu.memory_space<vmem>>
        %dma_start3A_1679 = tpu.memref_squeeze %dma_start3A_1678 : memref<1x128x32xf32, #tpu.memory_space<vmem>> -> memref<128x32xf32, #tpu.memory_space<vmem>>
        %dma_start3A_1680 = tpu.memref_slice %arg8[%mul3A_1674] : memref<10240xi32, #tpu.memory_space<vmem>> -> memref<128xi32, #tpu.memory_space<vmem>>
        %dma_start3A_1681 = arith.constant 0 : i32
        %dma_start3A_1682 = arith.constant 0 : i32
        %dma_start3A_1683 = tpu.memref_slice %arg13[%dma_start3A_1681, %dma_start3A_1682] : memref<10112x32xf32, #tpu.memory_space<vmem_shared>> -> memref<10112x32xf32, #tpu.memory_space<vmem_shared>>
        tpu.enqueue_indirect_dma source(%dma_start3A_1683 : memref<10112x32xf32, #tpu.memory_space<vmem_shared>>) target(%dma_start3A_1679 : memref<128x32xf32, #tpu.memory_space<vmem>>) offsets(%dma_start3A_1680 : memref<128xi32, #tpu.memory_space<vmem>>) semaphore(%arg14 : memref<!tpu.dma_semaphore, #tpu.memory_space<semaphore_mem>>)
      } else {
      }
      %add3A_956 = arith.constant 0 : i32
      %add3A_957 = arith.addi %add3A_230, %add3A_956 : i32
      %mul3A_958 = arith.constant 128 : i32
      %mul3A_959 = arith.muli %add3A_957, %mul3A_958 : i32
      %add3A_960 = arith.constant 0 : i32
      %add3A_961 = arith.addi %mul3A_959, %add3A_960 : i32
      %get3A_962 = arith.index_cast %add3A_961 : i32 to index
      %get3A_963 = tpu.vector_load %arg9[%get3A_962] {strides = array<i32>} : memref<10240xi32, #tpu.memory_space<vmem>>, vector<16xi32>,
      %get3A_964 = vector.shape_cast %get3A_963 : vector<16xi32> to vector<16xi32>
      %add3A_965 = arith.constant 0 : i32
      %add3A_966 = arith.addi %add3A_230, %add3A_965 : i32
      %swap3A_967 = arith.index_cast %add3A_966 : i32 to index
      %swap3A_968 = arith.constant 0 : index
      %swap3A_969 = tpu.vector_load %arg10[%swap3A_967, %swap3A_968] {strides = array<i32>} : memref<80x128xi32, #tpu.memory_space<vmem>>, vector<1x16xi32>,
      %swap3A_970 = vector.shape_cast %swap3A_969 : vector<1x16xi32> to vector<16xi32>
      %swap3A_971 = vector.shape_cast %get3A_964 : vector<16xi32> to vector<1x16xi32>
      tpu.vector_store %arg10[%swap3A_967, %swap3A_968], %swap3A_971 {strides = array<i32>} : memref<80x128xi32, #tpu.memory_space<vmem>>, vector<1x16xi32>,
      %add3A_972 = arith.constant 0 : i32
      %add3A_973 = arith.addi %add3A_230, %add3A_972 : i32
      %mul3A_974 = arith.constant 128 : i32
      %mul3A_975 = arith.muli %add3A_973, %mul3A_974 : i32
      %add3A_976 = arith.constant 16 : i32
      %add3A_977 = arith.addi %mul3A_975, %add3A_976 : i32
      %get3A_978 = arith.index_cast %add3A_977 : i32 to index
      %get3A_979 = tpu.vector_load %arg9[%get3A_978] {strides = array<i32>} : memref<10240xi32, #tpu.memory_space<vmem>>, vector<16xi32>,
      %get3A_980 = vector.shape_cast %get3A_979 : vector<16xi32> to vector<16xi32>
      %add3A_981 = arith.constant 0 : i32
      %add3A_982 = arith.addi %add3A_230, %add3A_981 : i32
      %swap3A_983 = arith.index_cast %add3A_982 : i32 to index
      %swap3A_984 = arith.constant 16 : index
      %swap3A_985 = tpu.vector_load %arg10[%swap3A_983, %swap3A_984] {strides = array<i32>} : memref<80x128xi32, #tpu.memory_space<vmem>>, vector<1x16xi32>,
      %swap3A_986 = vector.shape_cast %swap3A_985 : vector<1x16xi32> to vector<16xi32>
      %swap3A_987 = vector.shape_cast %get3A_980 : vector<16xi32> to vector<1x16xi32>
      tpu.vector_store %arg10[%swap3A_983, %swap3A_984], %swap3A_987 {strides = array<i32>} : memref<80x128xi32, #tpu.memory_space<vmem>>, vector<1x16xi32>,
      %add3A_988 = arith.constant 0 : i32
      %add3A_989 = arith.addi %add3A_230, %add3A_988 : i32
      %mul3A_990 = arith.constant 128 : i32
      %mul3A_991 = arith.muli %add3A_989, %mul3A_990 : i32
      %add3A_992 = arith.constant 32 : i32
      %add3A_993 = arith.addi %mul3A_991, %add3A_992 : i32
      %get3A_994 = arith.index_cast %add3A_993 : i32 to index
      %get3A_995 = tpu.vector_load %arg9[%get3A_994] {strides = array<i32>} : memref<10240xi32, #tpu.memory_space<vmem>>, vector<16xi32>,
      %get3A_996 = vector.shape_cast %get3A_995 : vector<16xi32> to vector<16xi32>
      %add3A_997 = arith.constant 0 : i32
      %add3A_998 = arith.addi %add3A_230, %add3A_997 : i32
      %swap3A_999 = arith.index_cast %add3A_998 : i32 to index
      %swap3A_1000 = arith.constant 32 : index
      %swap3A_1001 = tpu.vector_load %arg10[%swap3A_999, %swap3A_1000] {strides = array<i32>} : memref<80x128xi32, #tpu.memory_space<vmem>>, vector<1x16xi32>,
      %swap3A_1002 = vector.shape_cast %swap3A_1001 : vector<1x16xi32> to vector<16xi32>
      %swap3A_1003 = vector.shape_cast %get3A_996 : vector<16xi32> to vector<1x16xi32>
      tpu.vector_store %arg10[%swap3A_999, %swap3A_1000], %swap3A_1003 {strides = array<i32>} : memref<80x128xi32, #tpu.memory_space<vmem>>, vector<1x16xi32>,
      %add3A_1004 = arith.constant 0 : i32
      %add3A_1005 = arith.addi %add3A_230, %add3A_1004 : i32
      %mul3A_1006 = arith.constant 128 : i32
      %mul3A_1007 = arith.muli %add3A_1005, %mul3A_1006 : i32
      %add3A_1008 = arith.constant 48 : i32
      %add3A_1009 = arith.addi %mul3A_1007, %add3A_1008 : i32
      %get3A_1010 = arith.index_cast %add3A_1009 : i32 to index
      %get3A_1011 = tpu.vector_load %arg9[%get3A_1010] {strides = array<i32>} : memref<10240xi32, #tpu.memory_space<vmem>>, vector<16xi32>,
      %get3A_1012 = vector.shape_cast %get3A_1011 : vector<16xi32> to vector<16xi32>
      %add3A_1013 = arith.constant 0 : i32
      %add3A_1014 = arith.addi %add3A_230, %add3A_1013 : i32
      %swap3A_1015 = arith.index_cast %add3A_1014 : i32 to index
      %swap3A_1016 = arith.constant 48 : index
      %swap3A_1017 = tpu.vector_load %arg10[%swap3A_1015, %swap3A_1016] {strides = array<i32>} : memref<80x128xi32, #tpu.memory_space<vmem>>, vector<1x16xi32>,
      %swap3A_1018 = vector.shape_cast %swap3A_1017 : vector<1x16xi32> to vector<16xi32>
      %swap3A_1019 = vector.shape_cast %get3A_1012 : vector<16xi32> to vector<1x16xi32>
      tpu.vector_store %arg10[%swap3A_1015, %swap3A_1016], %swap3A_1019 {strides = array<i32>} : memref<80x128xi32, #tpu.memory_space<vmem>>, vector<1x16xi32>,
      %add3A_1020 = arith.constant 0 : i32
      %add3A_1021 = arith.addi %add3A_230, %add3A_1020 : i32
      %mul3A_1022 = arith.constant 128 : i32
      %mul3A_1023 = arith.muli %add3A_1021, %mul3A_1022 : i32
      %add3A_1024 = arith.constant 64 : i32
      %add3A_1025 = arith.addi %mul3A_1023, %add3A_1024 : i32
      %get3A_1026 = arith.index_cast %add3A_1025 : i32 to index
      %get3A_1027 = tpu.vector_load %arg9[%get3A_1026] {strides = array<i32>} : memref<10240xi32, #tpu.memory_space<vmem>>, vector<16xi32>,
      %get3A_1028 = vector.shape_cast %get3A_1027 : vector<16xi32> to vector<16xi32>
      %add3A_1029 = arith.constant 0 : i32
      %add3A_1030 = arith.addi %add3A_230, %add3A_1029 : i32
      %swap3A_1031 = arith.index_cast %add3A_1030 : i32 to index
      %swap3A_1032 = arith.constant 64 : index
      %swap3A_1033 = tpu.vector_load %arg10[%swap3A_1031, %swap3A_1032] {strides = array<i32>} : memref<80x128xi32, #tpu.memory_space<vmem>>, vector<1x16xi32>,
      %swap3A_1034 = vector.shape_cast %swap3A_1033 : vector<1x16xi32> to vector<16xi32>
      %swap3A_1035 = vector.shape_cast %get3A_1028 : vector<16xi32> to vector<1x16xi32>
      tpu.vector_store %arg10[%swap3A_1031, %swap3A_1032], %swap3A_1035 {strides = array<i32>} : memref<80x128xi32, #tpu.memory_space<vmem>>, vector<1x16xi32>,
      %add3A_1036 = arith.constant 0 : i32
      %add3A_1037 = arith.addi %add3A_230, %add3A_1036 : i32
      %mul3A_1038 = arith.constant 128 : i32
      %mul3A_1039 = arith.muli %add3A_1037, %mul3A_1038 : i32
      %add3A_1040 = arith.constant 80 : i32
      %add3A_1041 = arith.addi %mul3A_1039, %add3A_1040 : i32
      %get3A_1042 = arith.index_cast %add3A_1041 : i32 to index
      %get3A_1043 = tpu.vector_load %arg9[%get3A_1042] {strides = array<i32>} : memref<10240xi32, #tpu.memory_space<vmem>>, vector<16xi32>,
      %get3A_1044 = vector.shape_cast %get3A_1043 : vector<16xi32> to vector<16xi32>
      %add3A_1045 = arith.constant 0 : i32
      %add3A_1046 = arith.addi %add3A_230, %add3A_1045 : i32
      %swap3A_1047 = arith.index_cast %add3A_1046 : i32 to index
      %swap3A_1048 = arith.constant 80 : index
      %swap3A_1049 = tpu.vector_load %arg10[%swap3A_1047, %swap3A_1048] {strides = array<i32>} : memref<80x128xi32, #tpu.memory_space<vmem>>, vector<1x16xi32>,
      %swap3A_1050 = vector.shape_cast %swap3A_1049 : vector<1x16xi32> to vector<16xi32>
      %swap3A_1051 = vector.shape_cast %get3A_1044 : vector<16xi32> to vector<1x16xi32>
      tpu.vector_store %arg10[%swap3A_1047, %swap3A_1048], %swap3A_1051 {strides = array<i32>} : memref<80x128xi32, #tpu.memory_space<vmem>>, vector<1x16xi32>,
      %add3A_1052 = arith.constant 0 : i32
      %add3A_1053 = arith.addi %add3A_230, %add3A_1052 : i32
      %mul3A_1054 = arith.constant 128 : i32
      %mul3A_1055 = arith.muli %add3A_1053, %mul3A_1054 : i32
      %add3A_1056 = arith.constant 96 : i32
      %add3A_1057 = arith.addi %mul3A_1055, %add3A_1056 : i32
      %get3A_1058 = arith.index_cast %add3A_1057 : i32 to index
      %get3A_1059 = tpu.vector_load %arg9[%get3A_1058] {strides = array<i32>} : memref<10240xi32, #tpu.memory_space<vmem>>, vector<16xi32>,
      %get3A_1060 = vector.shape_cast %get3A_1059 : vector<16xi32> to vector<16xi32>
      %add3A_1061 = arith.constant 0 : i32
      %add3A_1062 = arith.addi %add3A_230, %add3A_1061 : i32
      %swap3A_1063 = arith.index_cast %add3A_1062 : i32 to index
      %swap3A_1064 = arith.constant 96 : index
      %swap3A_1065 = tpu.vector_load %arg10[%swap3A_1063, %swap3A_1064] {strides = array<i32>} : memref<80x128xi32, #tpu.memory_space<vmem>>, vector<1x16xi32>,
      %swap3A_1066 = vector.shape_cast %swap3A_1065 : vector<1x16xi32> to vector<16xi32>
      %swap3A_1067 = vector.shape_cast %get3A_1060 : vector<16xi32> to vector<1x16xi32>
      tpu.vector_store %arg10[%swap3A_1063, %swap3A_1064], %swap3A_1067 {strides = array<i32>} : memref<80x128xi32, #tpu.memory_space<vmem>>, vector<1x16xi32>,
      %add3A_1068 = arith.constant 0 : i32
      %add3A_1069 = arith.addi %add3A_230, %add3A_1068 : i32
      %mul3A_1070 = arith.constant 128 : i32
      %mul3A_1071 = arith.muli %add3A_1069, %mul3A_1070 : i32
      %add3A_1072 = arith.constant 112 : i32
      %add3A_1073 = arith.addi %mul3A_1071, %add3A_1072 : i32
      %get3A_1074 = arith.index_cast %add3A_1073 : i32 to index
      %get3A_1075 = tpu.vector_load %arg9[%get3A_1074] {strides = array<i32>} : memref<10240xi32, #tpu.memory_space<vmem>>, vector<16xi32>,
      %get3A_1076 = vector.shape_cast %get3A_1075 : vector<16xi32> to vector<16xi32>
      %add3A_1077 = arith.constant 0 : i32
      %add3A_1078 = arith.addi %add3A_230, %add3A_1077 : i32
      %swap3A_1079 = arith.index_cast %add3A_1078 : i32 to index
      %swap3A_1080 = arith.constant 112 : index
      %swap3A_1081 = tpu.vector_load %arg10[%swap3A_1079, %swap3A_1080] {strides = array<i32>} : memref<80x128xi32, #tpu.memory_space<vmem>>, vector<1x16xi32>,
      %swap3A_1082 = vector.shape_cast %swap3A_1081 : vector<1x16xi32> to vector<16xi32>
      %swap3A_1083 = vector.shape_cast %get3A_1076 : vector<16xi32> to vector<1x16xi32>
      tpu.vector_store %arg10[%swap3A_1079, %swap3A_1080], %swap3A_1083 {strides = array<i32>} : memref<80x128xi32, #tpu.memory_space<vmem>>, vector<1x16xi32>,
      %add3A_1084 = arith.constant 1 : i32
      %add3A_1085 = arith.addi %add3A_230, %add3A_1084 : i32
      %mul3A_1086 = arith.constant 128 : i32
      %mul3A_1087 = arith.muli %add3A_1085, %mul3A_1086 : i32
      %add3A_1088 = arith.constant 0 : i32
      %add3A_1089 = arith.addi %mul3A_1087, %add3A_1088 : i32
      %get3A_1090 = arith.index_cast %add3A_1089 : i32 to index
      %get3A_1091 = tpu.vector_load %arg9[%get3A_1090] {strides = array<i32>} : memref<10240xi32, #tpu.memory_space<vmem>>, vector<16xi32>,
      %get3A_1092 = vector.shape_cast %get3A_1091 : vector<16xi32> to vector<16xi32>
      %add3A_1093 = arith.constant 1 : i32
      %add3A_1094 = arith.addi %add3A_230, %add3A_1093 : i32
      %swap3A_1095 = arith.index_cast %add3A_1094 : i32 to index
      %swap3A_1096 = arith.constant 0 : index
      %swap3A_1097 = tpu.vector_load %arg10[%swap3A_1095, %swap3A_1096] {strides = array<i32>} : memref<80x128xi32, #tpu.memory_space<vmem>>, vector<1x16xi32>,
      %swap3A_1098 = vector.shape_cast %swap3A_1097 : vector<1x16xi32> to vector<16xi32>
      %swap3A_1099 = vector.shape_cast %get3A_1092 : vector<16xi32> to vector<1x16xi32>
      tpu.vector_store %arg10[%swap3A_1095, %swap3A_1096], %swap3A_1099 {strides = array<i32>} : memref<80x128xi32, #tpu.memory_space<vmem>>, vector<1x16xi32>,
      %add3A_1100 = arith.constant 1 : i32
      %add3A_1101 = arith.addi %add3A_230, %add3A_1100 : i32
      %mul3A_1102 = arith.constant 128 : i32
      %mul3A_1103 = arith.muli %add3A_1101, %mul3A_1102 : i32
      %add3A_1104 = arith.constant 16 : i32
      %add3A_1105 = arith.addi %mul3A_1103, %add3A_1104 : i32
      %get3A_1106 = arith.index_cast %add3A_1105 : i32 to index
      %get3A_1107 = tpu.vector_load %arg9[%get3A_1106] {strides = array<i32>} : memref<10240xi32, #tpu.memory_space<vmem>>, vector<16xi32>,
      %get3A_1108 = vector.shape_cast %get3A_1107 : vector<16xi32> to vector<16xi32>
      %add3A_1109 = arith.constant 1 : i32
      %add3A_1110 = arith.addi %add3A_230, %add3A_1109 : i32
      %swap3A_1111 = arith.index_cast %add3A_1110 : i32 to index
      %swap3A_1112 = arith.constant 16 : index
      %swap3A_1113 = tpu.vector_load %arg10[%swap3A_1111, %swap3A_1112] {strides = array<i32>} : memref<80x128xi32, #tpu.memory_space<vmem>>, vector<1x16xi32>,
      %swap3A_1114 = vector.shape_cast %swap3A_1113 : vector<1x16xi32> to vector<16xi32>
      %swap3A_1115 = vector.shape_cast %get3A_1108 : vector<16xi32> to vector<1x16xi32>
      tpu.vector_store %arg10[%swap3A_1111, %swap3A_1112], %swap3A_1115 {strides = array<i32>} : memref<80x128xi32, #tpu.memory_space<vmem>>, vector<1x16xi32>,
      %add3A_1116 = arith.constant 1 : i32
      %add3A_1117 = arith.addi %add3A_230, %add3A_1116 : i32
      %mul3A_1118 = arith.constant 128 : i32
      %mul3A_1119 = arith.muli %add3A_1117, %mul3A_1118 : i32
      %add3A_1120 = arith.constant 32 : i32
      %add3A_1121 = arith.addi %mul3A_1119, %add3A_1120 : i32
      %get3A_1122 = arith.index_cast %add3A_1121 : i32 to index
      %get3A_1123 = tpu.vector_load %arg9[%get3A_1122] {strides = array<i32>} : memref<10240xi32, #tpu.memory_space<vmem>>, vector<16xi32>,
      %get3A_1124 = vector.shape_cast %get3A_1123 : vector<16xi32> to vector<16xi32>
      %add3A_1125 = arith.constant 1 : i32
      %add3A_1126 = arith.addi %add3A_230, %add3A_1125 : i32
      %swap3A_1127 = arith.index_cast %add3A_1126 : i32 to index
      %swap3A_1128 = arith.constant 32 : index
      %swap3A_1129 = tpu.vector_load %arg10[%swap3A_1127, %swap3A_1128] {strides = array<i32>} : memref<80x128xi32, #tpu.memory_space<vmem>>, vector<1x16xi32>,
      %swap3A_1130 = vector.shape_cast %swap3A_1129 : vector<1x16xi32> to vector<16xi32>
      %swap3A_1131 = vector.shape_cast %get3A_1124 : vector<16xi32> to vector<1x16xi32>
      tpu.vector_store %arg10[%swap3A_1127, %swap3A_1128], %swap3A_1131 {strides = array<i32>} : memref<80x128xi32, #tpu.memory_space<vmem>>, vector<1x16xi32>,
      %add3A_1132 = arith.constant 1 : i32
      %add3A_1133 = arith.addi %add3A_230, %add3A_1132 : i32
      %mul3A_1134 = arith.constant 128 : i32
      %mul3A_1135 = arith.muli %add3A_1133, %mul3A_1134 : i32
      %add3A_1136 = arith.constant 48 : i32
      %add3A_1137 = arith.addi %mul3A_1135, %add3A_1136 : i32
      %get3A_1138 = arith.index_cast %add3A_1137 : i32 to index
      %get3A_1139 = tpu.vector_load %arg9[%get3A_1138] {strides = array<i32>} : memref<10240xi32, #tpu.memory_space<vmem>>, vector<16xi32>,
      %get3A_1140 = vector.shape_cast %get3A_1139 : vector<16xi32> to vector<16xi32>
      %add3A_1141 = arith.constant 1 : i32
      %add3A_1142 = arith.addi %add3A_230, %add3A_1141 : i32
      %swap3A_1143 = arith.index_cast %add3A_1142 : i32 to index
      %swap3A_1144 = arith.constant 48 : index
      %swap3A_1145 = tpu.vector_load %arg10[%swap3A_1143, %swap3A_1144] {strides = array<i32>} : memref<80x128xi32, #tpu.memory_space<vmem>>, vector<1x16xi32>,
      %swap3A_1146 = vector.shape_cast %swap3A_1145 : vector<1x16xi32> to vector<16xi32>
      %swap3A_1147 = vector.shape_cast %get3A_1140 : vector<16xi32> to vector<1x16xi32>
      tpu.vector_store %arg10[%swap3A_1143, %swap3A_1144], %swap3A_1147 {strides = array<i32>} : memref<80x128xi32, #tpu.memory_space<vmem>>, vector<1x16xi32>,
      %add3A_1148 = arith.constant 1 : i32
      %add3A_1149 = arith.addi %add3A_230, %add3A_1148 : i32
      %mul3A_1150 = arith.constant 128 : i32
      %mul3A_1151 = arith.muli %add3A_1149, %mul3A_1150 : i32
      %add3A_1152 = arith.constant 64 : i32
      %add3A_1153 = arith.addi %mul3A_1151, %add3A_1152 : i32
      %get3A_1154 = arith.index_cast %add3A_1153 : i32 to index
      %get3A_1155 = tpu.vector_load %arg9[%get3A_1154] {strides = array<i32>} : memref<10240xi32, #tpu.memory_space<vmem>>, vector<16xi32>,
      %get3A_1156 = vector.shape_cast %get3A_1155 : vector<16xi32> to vector<16xi32>
      %add3A_1157 = arith.constant 1 : i32
      %add3A_1158 = arith.addi %add3A_230, %add3A_1157 : i32
      %swap3A_1159 = arith.index_cast %add3A_1158 : i32 to index
      %swap3A_1160 = arith.constant 64 : index
      %swap3A_1161 = tpu.vector_load %arg10[%swap3A_1159, %swap3A_1160] {strides = array<i32>} : memref<80x128xi32, #tpu.memory_space<vmem>>, vector<1x16xi32>,
      %swap3A_1162 = vector.shape_cast %swap3A_1161 : vector<1x16xi32> to vector<16xi32>
      %swap3A_1163 = vector.shape_cast %get3A_1156 : vector<16xi32> to vector<1x16xi32>
      tpu.vector_store %arg10[%swap3A_1159, %swap3A_1160], %swap3A_1163 {strides = array<i32>} : memref<80x128xi32, #tpu.memory_space<vmem>>, vector<1x16xi32>,
      %add3A_1164 = arith.constant 1 : i32
      %add3A_1165 = arith.addi %add3A_230, %add3A_1164 : i32
      %mul3A_1166 = arith.constant 128 : i32
      %mul3A_1167 = arith.muli %add3A_1165, %mul3A_1166 : i32
      %add3A_1168 = arith.constant 80 : i32
      %add3A_1169 = arith.addi %mul3A_1167, %add3A_1168 : i32
      %get3A_1170 = arith.index_cast %add3A_1169 : i32 to index
      %get3A_1171 = tpu.vector_load %arg9[%get3A_1170] {strides = array<i32>} : memref<10240xi32, #tpu.memory_space<vmem>>, vector<16xi32>,
      %get3A_1172 = vector.shape_cast %get3A_1171 : vector<16xi32> to vector<16xi32>
      %add3A_1173 = arith.constant 1 : i32
      %add3A_1174 = arith.addi %add3A_230, %add3A_1173 : i32
      %swap3A_1175 = arith.index_cast %add3A_1174 : i32 to index
      %swap3A_1176 = arith.constant 80 : index
      %swap3A_1177 = tpu.vector_load %arg10[%swap3A_1175, %swap3A_1176] {strides = array<i32>} : memref<80x128xi32, #tpu.memory_space<vmem>>, vector<1x16xi32>,
      %swap3A_1178 = vector.shape_cast %swap3A_1177 : vector<1x16xi32> to vector<16xi32>
      %swap3A_1179 = vector.shape_cast %get3A_1172 : vector<16xi32> to vector<1x16xi32>
      tpu.vector_store %arg10[%swap3A_1175, %swap3A_1176], %swap3A_1179 {strides = array<i32>} : memref<80x128xi32, #tpu.memory_space<vmem>>, vector<1x16xi32>,
      %add3A_1180 = arith.constant 1 : i32
      %add3A_1181 = arith.addi %add3A_230, %add3A_1180 : i32
      %mul3A_1182 = arith.constant 128 : i32
      %mul3A_1183 = arith.muli %add3A_1181, %mul3A_1182 : i32
      %add3A_1184 = arith.constant 96 : i32
      %add3A_1185 = arith.addi %mul3A_1183, %add3A_1184 : i32
      %get3A_1186 = arith.index_cast %add3A_1185 : i32 to index
      %get3A_1187 = tpu.vector_load %arg9[%get3A_1186] {strides = array<i32>} : memref<10240xi32, #tpu.memory_space<vmem>>, vector<16xi32>,
      %get3A_1188 = vector.shape_cast %get3A_1187 : vector<16xi32> to vector<16xi32>
      %add3A_1189 = arith.constant 1 : i32
      %add3A_1190 = arith.addi %add3A_230, %add3A_1189 : i32
      %swap3A_1191 = arith.index_cast %add3A_1190 : i32 to index
      %swap3A_1192 = arith.constant 96 : index
      %swap3A_1193 = tpu.vector_load %arg10[%swap3A_1191, %swap3A_1192] {strides = array<i32>} : memref<80x128xi32, #tpu.memory_space<vmem>>, vector<1x16xi32>,
      %swap3A_1194 = vector.shape_cast %swap3A_1193 : vector<1x16xi32> to vector<16xi32>
      %swap3A_1195 = vector.shape_cast %get3A_1188 : vector<16xi32> to vector<1x16xi32>
      tpu.vector_store %arg10[%swap3A_1191, %swap3A_1192], %swap3A_1195 {strides = array<i32>} : memref<80x128xi32, #tpu.memory_space<vmem>>, vector<1x16xi32>,
      %add3A_1196 = arith.constant 1 : i32
      %add3A_1197 = arith.addi %add3A_230, %add3A_1196 : i32
      %mul3A_1198 = arith.constant 128 : i32
      %mul3A_1199 = arith.muli %add3A_1197, %mul3A_1198 : i32
      %add3A_1200 = arith.constant 112 : i32
      %add3A_1201 = arith.addi %mul3A_1199, %add3A_1200 : i32
      %get3A_1202 = arith.index_cast %add3A_1201 : i32 to index
      %get3A_1203 = tpu.vector_load %arg9[%get3A_1202] {strides = array<i32>} : memref<10240xi32, #tpu.memory_space<vmem>>, vector<16xi32>,
      %get3A_1204 = vector.shape_cast %get3A_1203 : vector<16xi32> to vector<16xi32>
      %add3A_1205 = arith.constant 1 : i32
      %add3A_1206 = arith.addi %add3A_230, %add3A_1205 : i32
      %swap3A_1207 = arith.index_cast %add3A_1206 : i32 to index
      %swap3A_1208 = arith.constant 112 : index
      %swap3A_1209 = tpu.vector_load %arg10[%swap3A_1207, %swap3A_1208] {strides = array<i32>} : memref<80x128xi32, #tpu.memory_space<vmem>>, vector<1x16xi32>,
      %swap3A_1210 = vector.shape_cast %swap3A_1209 : vector<1x16xi32> to vector<16xi32>
      %swap3A_1211 = vector.shape_cast %get3A_1204 : vector<16xi32> to vector<1x16xi32>
      tpu.vector_store %arg10[%swap3A_1207, %swap3A_1208], %swap3A_1211 {strides = array<i32>} : memref<80x128xi32, #tpu.memory_space<vmem>>, vector<1x16xi32>,
      %add3A_1212 = arith.constant 2 : i32
      %add3A_1213 = arith.addi %add3A_230, %add3A_1212 : i32
      %mul3A_1214 = arith.constant 128 : i32
      %mul3A_1215 = arith.muli %add3A_1213, %mul3A_1214 : i32
      %add3A_1216 = arith.constant 0 : i32
      %add3A_1217 = arith.addi %mul3A_1215, %add3A_1216 : i32
      %get3A_1218 = arith.index_cast %add3A_1217 : i32 to index
      %get3A_1219 = tpu.vector_load %arg9[%get3A_1218] {strides = array<i32>} : memref<10240xi32, #tpu.memory_space<vmem>>, vector<16xi32>,
      %get3A_1220 = vector.shape_cast %get3A_1219 : vector<16xi32> to vector<16xi32>
      %add3A_1221 = arith.constant 2 : i32
      %add3A_1222 = arith.addi %add3A_230, %add3A_1221 : i32
      %swap3A_1223 = arith.index_cast %add3A_1222 : i32 to index
      %swap3A_1224 = arith.constant 0 : index
      %swap3A_1225 = tpu.vector_load %arg10[%swap3A_1223, %swap3A_1224] {strides = array<i32>} : memref<80x128xi32, #tpu.memory_space<vmem>>, vector<1x16xi32>,
      %swap3A_1226 = vector.shape_cast %swap3A_1225 : vector<1x16xi32> to vector<16xi32>
      %swap3A_1227 = vector.shape_cast %get3A_1220 : vector<16xi32> to vector<1x16xi32>
      tpu.vector_store %arg10[%swap3A_1223, %swap3A_1224], %swap3A_1227 {strides = array<i32>} : memref<80x128xi32, #tpu.memory_space<vmem>>, vector<1x16xi32>,
      %add3A_1228 = arith.constant 2 : i32
      %add3A_1229 = arith.addi %add3A_230, %add3A_1228 : i32
      %mul3A_1230 = arith.constant 128 : i32
      %mul3A_1231 = arith.muli %add3A_1229, %mul3A_1230 : i32
      %add3A_1232 = arith.constant 16 : i32
      %add3A_1233 = arith.addi %mul3A_1231, %add3A_1232 : i32
      %get3A_1234 = arith.index_cast %add3A_1233 : i32 to index
      %get3A_1235 = tpu.vector_load %arg9[%get3A_1234] {strides = array<i32>} : memref<10240xi32, #tpu.memory_space<vmem>>, vector<16xi32>,
      %get3A_1236 = vector.shape_cast %get3A_1235 : vector<16xi32> to vector<16xi32>
      %add3A_1237 = arith.constant 2 : i32
      %add3A_1238 = arith.addi %add3A_230, %add3A_1237 : i32
      %swap3A_1239 = arith.index_cast %add3A_1238 : i32 to index
      %swap3A_1240 = arith.constant 16 : index
      %swap3A_1241 = tpu.vector_load %arg10[%swap3A_1239, %swap3A_1240] {strides = array<i32>} : memref<80x128xi32, #tpu.memory_space<vmem>>, vector<1x16xi32>,
      %swap3A_1242 = vector.shape_cast %swap3A_1241 : vector<1x16xi32> to vector<16xi32>
      %swap3A_1243 = vector.shape_cast %get3A_1236 : vector<16xi32> to vector<1x16xi32>
      tpu.vector_store %arg10[%swap3A_1239, %swap3A_1240], %swap3A_1243 {strides = array<i32>} : memref<80x128xi32, #tpu.memory_space<vmem>>, vector<1x16xi32>,
      %add3A_1244 = arith.constant 2 : i32
      %add3A_1245 = arith.addi %add3A_230, %add3A_1244 : i32
      %mul3A_1246 = arith.constant 128 : i32
      %mul3A_1247 = arith.muli %add3A_1245, %mul3A_1246 : i32
      %add3A_1248 = arith.constant 32 : i32
      %add3A_1249 = arith.addi %mul3A_1247, %add3A_1248 : i32
      %get3A_1250 = arith.index_cast %add3A_1249 : i32 to index
      %get3A_1251 = tpu.vector_load %arg9[%get3A_1250] {strides = array<i32>} : memref<10240xi32, #tpu.memory_space<vmem>>, vector<16xi32>,
      %get3A_1252 = vector.shape_cast %get3A_1251 : vector<16xi32> to vector<16xi32>
      %add3A_1253 = arith.constant 2 : i32
      %add3A_1254 = arith.addi %add3A_230, %add3A_1253 : i32
      %swap3A_1255 = arith.index_cast %add3A_1254 : i32 to index
      %swap3A_1256 = arith.constant 32 : index
      %swap3A_1257 = tpu.vector_load %arg10[%swap3A_1255, %swap3A_1256] {strides = array<i32>} : memref<80x128xi32, #tpu.memory_space<vmem>>, vector<1x16xi32>,
      %swap3A_1258 = vector.shape_cast %swap3A_1257 : vector<1x16xi32> to vector<16xi32>
      %swap3A_1259 = vector.shape_cast %get3A_1252 : vector<16xi32> to vector<1x16xi32>
      tpu.vector_store %arg10[%swap3A_1255, %swap3A_1256], %swap3A_1259 {strides = array<i32>} : memref<80x128xi32, #tpu.memory_space<vmem>>, vector<1x16xi32>,
      %add3A_1260 = arith.constant 2 : i32
      %add3A_1261 = arith.addi %add3A_230, %add3A_1260 : i32
      %mul3A_1262 = arith.constant 128 : i32
      %mul3A_1263 = arith.muli %add3A_1261, %mul3A_1262 : i32
      %add3A_1264 = arith.constant 48 : i32
      %add3A_1265 = arith.addi %mul3A_1263, %add3A_1264 : i32
      %get3A_1266 = arith.index_cast %add3A_1265 : i32 to index
      %get3A_1267 = tpu.vector_load %arg9[%get3A_1266] {strides = array<i32>} : memref<10240xi32, #tpu.memory_space<vmem>>, vector<16xi32>,
      %get3A_1268 = vector.shape_cast %get3A_1267 : vector<16xi32> to vector<16xi32>
      %add3A_1269 = arith.constant 2 : i32
      %add3A_1270 = arith.addi %add3A_230, %add3A_1269 : i32
      %swap3A_1271 = arith.index_cast %add3A_1270 : i32 to index
      %swap3A_1272 = arith.constant 48 : index
      %swap3A_1273 = tpu.vector_load %arg10[%swap3A_1271, %swap3A_1272] {strides = array<i32>} : memref<80x128xi32, #tpu.memory_space<vmem>>, vector<1x16xi32>,
      %swap3A_1274 = vector.shape_cast %swap3A_1273 : vector<1x16xi32> to vector<16xi32>
      %swap3A_1275 = vector.shape_cast %get3A_1268 : vector<16xi32> to vector<1x16xi32>
      tpu.vector_store %arg10[%swap3A_1271, %swap3A_1272], %swap3A_1275 {strides = array<i32>} : memref<80x128xi32, #tpu.memory_space<vmem>>, vector<1x16xi32>,
      %add3A_1276 = arith.constant 2 : i32
      %add3A_1277 = arith.addi %add3A_230, %add3A_1276 : i32
      %mul3A_1278 = arith.constant 128 : i32
      %mul3A_1279 = arith.muli %add3A_1277, %mul3A_1278 : i32
      %add3A_1280 = arith.constant 64 : i32
      %add3A_1281 = arith.addi %mul3A_1279, %add3A_1280 : i32
      %get3A_1282 = arith.index_cast %add3A_1281 : i32 to index
      %get3A_1283 = tpu.vector_load %arg9[%get3A_1282] {strides = array<i32>} : memref<10240xi32, #tpu.memory_space<vmem>>, vector<16xi32>,
      %get3A_1284 = vector.shape_cast %get3A_1283 : vector<16xi32> to vector<16xi32>
      %add3A_1285 = arith.constant 2 : i32
      %add3A_1286 = arith.addi %add3A_230, %add3A_1285 : i32
      %swap3A_1287 = arith.index_cast %add3A_1286 : i32 to index
      %swap3A_1288 = arith.constant 64 : index
      %swap3A_1289 = tpu.vector_load %arg10[%swap3A_1287, %swap3A_1288] {strides = array<i32>} : memref<80x128xi32, #tpu.memory_space<vmem>>, vector<1x16xi32>,
      %swap3A_1290 = vector.shape_cast %swap3A_1289 : vector<1x16xi32> to vector<16xi32>
      %swap3A_1291 = vector.shape_cast %get3A_1284 : vector<16xi32> to vector<1x16xi32>
      tpu.vector_store %arg10[%swap3A_1287, %swap3A_1288], %swap3A_1291 {strides = array<i32>} : memref<80x128xi32, #tpu.memory_space<vmem>>, vector<1x16xi32>,
      %add3A_1292 = arith.constant 2 : i32
      %add3A_1293 = arith.addi %add3A_230, %add3A_1292 : i32
      %mul3A_1294 = arith.constant 128 : i32
      %mul3A_1295 = arith.muli %add3A_1293, %mul3A_1294 : i32
      %add3A_1296 = arith.constant 80 : i32
      %add3A_1297 = arith.addi %mul3A_1295, %add3A_1296 : i32
      %get3A_1298 = arith.index_cast %add3A_1297 : i32 to index
      %get3A_1299 = tpu.vector_load %arg9[%get3A_1298] {strides = array<i32>} : memref<10240xi32, #tpu.memory_space<vmem>>, vector<16xi32>,
      %get3A_1300 = vector.shape_cast %get3A_1299 : vector<16xi32> to vector<16xi32>
      %add3A_1301 = arith.constant 2 : i32
      %add3A_1302 = arith.addi %add3A_230, %add3A_1301 : i32
      %swap3A_1303 = arith.index_cast %add3A_1302 : i32 to index
      %swap3A_1304 = arith.constant 80 : index
      %swap3A_1305 = tpu.vector_load %arg10[%swap3A_1303, %swap3A_1304] {strides = array<i32>} : memref<80x128xi32, #tpu.memory_space<vmem>>, vector<1x16xi32>,
      %swap3A_1306 = vector.shape_cast %swap3A_1305 : vector<1x16xi32> to vector<16xi32>
      %swap3A_1307 = vector.shape_cast %get3A_1300 : vector<16xi32> to vector<1x16xi32>
      tpu.vector_store %arg10[%swap3A_1303, %swap3A_1304], %swap3A_1307 {strides = array<i32>} : memref<80x128xi32, #tpu.memory_space<vmem>>, vector<1x16xi32>,
      %add3A_1308 = arith.constant 2 : i32
      %add3A_1309 = arith.addi %add3A_230, %add3A_1308 : i32
      %mul3A_1310 = arith.constant 128 : i32
      %mul3A_1311 = arith.muli %add3A_1309, %mul3A_1310 : i32
      %add3A_1312 = arith.constant 96 : i32
      %add3A_1313 = arith.addi %mul3A_1311, %add3A_1312 : i32
      %get3A_1314 = arith.index_cast %add3A_1313 : i32 to index
      %get3A_1315 = tpu.vector_load %arg9[%get3A_1314] {strides = array<i32>} : memref<10240xi32, #tpu.memory_space<vmem>>, vector<16xi32>,
      %get3A_1316 = vector.shape_cast %get3A_1315 : vector<16xi32> to vector<16xi32>
      %add3A_1317 = arith.constant 2 : i32
      %add3A_1318 = arith.addi %add3A_230, %add3A_1317 : i32
      %swap3A_1319 = arith.index_cast %add3A_1318 : i32 to index
      %swap3A_1320 = arith.constant 96 : index
      %swap3A_1321 = tpu.vector_load %arg10[%swap3A_1319, %swap3A_1320] {strides = array<i32>} : memref<80x128xi32, #tpu.memory_space<vmem>>, vector<1x16xi32>,
      %swap3A_1322 = vector.shape_cast %swap3A_1321 : vector<1x16xi32> to vector<16xi32>
      %swap3A_1323 = vector.shape_cast %get3A_1316 : vector<16xi32> to vector<1x16xi32>
      tpu.vector_store %arg10[%swap3A_1319, %swap3A_1320], %swap3A_1323 {strides = array<i32>} : memref<80x128xi32, #tpu.memory_space<vmem>>, vector<1x16xi32>,
      %add3A_1324 = arith.constant 2 : i32
      %add3A_1325 = arith.addi %add3A_230, %add3A_1324 : i32
      %mul3A_1326 = arith.constant 128 : i32
      %mul3A_1327 = arith.muli %add3A_1325, %mul3A_1326 : i32
      %add3A_1328 = arith.constant 112 : i32
      %add3A_1329 = arith.addi %mul3A_1327, %add3A_1328 : i32
      %get3A_1330 = arith.index_cast %add3A_1329 : i32 to index
      %get3A_1331 = tpu.vector_load %arg9[%get3A_1330] {strides = array<i32>} : memref<10240xi32, #tpu.memory_space<vmem>>, vector<16xi32>,
      %get3A_1332 = vector.shape_cast %get3A_1331 : vector<16xi32> to vector<16xi32>
      %add3A_1333 = arith.constant 2 : i32
      %add3A_1334 = arith.addi %add3A_230, %add3A_1333 : i32
      %swap3A_1335 = arith.index_cast %add3A_1334 : i32 to index
      %swap3A_1336 = arith.constant 112 : index
      %swap3A_1337 = tpu.vector_load %arg10[%swap3A_1335, %swap3A_1336] {strides = array<i32>} : memref<80x128xi32, #tpu.memory_space<vmem>>, vector<1x16xi32>,
      %swap3A_1338 = vector.shape_cast %swap3A_1337 : vector<1x16xi32> to vector<16xi32>
      %swap3A_1339 = vector.shape_cast %get3A_1332 : vector<16xi32> to vector<1x16xi32>
      tpu.vector_store %arg10[%swap3A_1335, %swap3A_1336], %swap3A_1339 {strides = array<i32>} : memref<80x128xi32, #tpu.memory_space<vmem>>, vector<1x16xi32>,
      %add3A_1340 = arith.constant 3 : i32
      %add3A_1341 = arith.addi %add3A_230, %add3A_1340 : i32
      %mul3A_1342 = arith.constant 128 : i32
      %mul3A_1343 = arith.muli %add3A_1341, %mul3A_1342 : i32
      %add3A_1344 = arith.constant 0 : i32
      %add3A_1345 = arith.addi %mul3A_1343, %add3A_1344 : i32
      %get3A_1346 = arith.index_cast %add3A_1345 : i32 to index
      %get3A_1347 = tpu.vector_load %arg9[%get3A_1346] {strides = array<i32>} : memref<10240xi32, #tpu.memory_space<vmem>>, vector<16xi32>,
      %get3A_1348 = vector.shape_cast %get3A_1347 : vector<16xi32> to vector<16xi32>
      %add3A_1349 = arith.constant 3 : i32
      %add3A_1350 = arith.addi %add3A_230, %add3A_1349 : i32
      %swap3A_1351 = arith.index_cast %add3A_1350 : i32 to index
      %swap3A_1352 = arith.constant 0 : index
      %swap3A_1353 = tpu.vector_load %arg10[%swap3A_1351, %swap3A_1352] {strides = array<i32>} : memref<80x128xi32, #tpu.memory_space<vmem>>, vector<1x16xi32>,
      %swap3A_1354 = vector.shape_cast %swap3A_1353 : vector<1x16xi32> to vector<16xi32>
      %swap3A_1355 = vector.shape_cast %get3A_1348 : vector<16xi32> to vector<1x16xi32>
      tpu.vector_store %arg10[%swap3A_1351, %swap3A_1352], %swap3A_1355 {strides = array<i32>} : memref<80x128xi32, #tpu.memory_space<vmem>>, vector<1x16xi32>,
      %add3A_1356 = arith.constant 3 : i32
      %add3A_1357 = arith.addi %add3A_230, %add3A_1356 : i32
      %mul3A_1358 = arith.constant 128 : i32
      %mul3A_1359 = arith.muli %add3A_1357, %mul3A_1358 : i32
      %add3A_1360 = arith.constant 16 : i32
      %add3A_1361 = arith.addi %mul3A_1359, %add3A_1360 : i32
      %get3A_1362 = arith.index_cast %add3A_1361 : i32 to index
      %get3A_1363 = tpu.vector_load %arg9[%get3A_1362] {strides = array<i32>} : memref<10240xi32, #tpu.memory_space<vmem>>, vector<16xi32>,
      %get3A_1364 = vector.shape_cast %get3A_1363 : vector<16xi32> to vector<16xi32>
      %add3A_1365 = arith.constant 3 : i32
      %add3A_1366 = arith.addi %add3A_230, %add3A_1365 : i32
      %swap3A_1367 = arith.index_cast %add3A_1366 : i32 to index
      %swap3A_1368 = arith.constant 16 : index
      %swap3A_1369 = tpu.vector_load %arg10[%swap3A_1367, %swap3A_1368] {strides = array<i32>} : memref<80x128xi32, #tpu.memory_space<vmem>>, vector<1x16xi32>,
      %swap3A_1370 = vector.shape_cast %swap3A_1369 : vector<1x16xi32> to vector<16xi32>
      %swap3A_1371 = vector.shape_cast %get3A_1364 : vector<16xi32> to vector<1x16xi32>
      tpu.vector_store %arg10[%swap3A_1367, %swap3A_1368], %swap3A_1371 {strides = array<i32>} : memref<80x128xi32, #tpu.memory_space<vmem>>, vector<1x16xi32>,
      %add3A_1372 = arith.constant 3 : i32
      %add3A_1373 = arith.addi %add3A_230, %add3A_1372 : i32
      %mul3A_1374 = arith.constant 128 : i32
      %mul3A_1375 = arith.muli %add3A_1373, %mul3A_1374 : i32
      %add3A_1376 = arith.constant 32 : i32
      %add3A_1377 = arith.addi %mul3A_1375, %add3A_1376 : i32
      %get3A_1378 = arith.index_cast %add3A_1377 : i32 to index
      %get3A_1379 = tpu.vector_load %arg9[%get3A_1378] {strides = array<i32>} : memref<10240xi32, #tpu.memory_space<vmem>>, vector<16xi32>,
      %get3A_1380 = vector.shape_cast %get3A_1379 : vector<16xi32> to vector<16xi32>
      %add3A_1381 = arith.constant 3 : i32
      %add3A_1382 = arith.addi %add3A_230, %add3A_1381 : i32
      %swap3A_1383 = arith.index_cast %add3A_1382 : i32 to index
      %swap3A_1384 = arith.constant 32 : index
      %swap3A_1385 = tpu.vector_load %arg10[%swap3A_1383, %swap3A_1384] {strides = array<i32>} : memref<80x128xi32, #tpu.memory_space<vmem>>, vector<1x16xi32>,
      %swap3A_1386 = vector.shape_cast %swap3A_1385 : vector<1x16xi32> to vector<16xi32>
      %swap3A_1387 = vector.shape_cast %get3A_1380 : vector<16xi32> to vector<1x16xi32>
      tpu.vector_store %arg10[%swap3A_1383, %swap3A_1384], %swap3A_1387 {strides = array<i32>} : memref<80x128xi32, #tpu.memory_space<vmem>>, vector<1x16xi32>,
      %add3A_1388 = arith.constant 3 : i32
      %add3A_1389 = arith.addi %add3A_230, %add3A_1388 : i32
      %mul3A_1390 = arith.constant 128 : i32
      %mul3A_1391 = arith.muli %add3A_1389, %mul3A_1390 : i32
      %add3A_1392 = arith.constant 48 : i32
      %add3A_1393 = arith.addi %mul3A_1391, %add3A_1392 : i32
      %get3A_1394 = arith.index_cast %add3A_1393 : i32 to index
      %get3A_1395 = tpu.vector_load %arg9[%get3A_1394] {strides = array<i32>} : memref<10240xi32, #tpu.memory_space<vmem>>, vector<16xi32>,
      %get3A_1396 = vector.shape_cast %get3A_1395 : vector<16xi32> to vector<16xi32>
      %add3A_1397 = arith.constant 3 : i32
      %add3A_1398 = arith.addi %add3A_230, %add3A_1397 : i32
      %swap3A_1399 = arith.index_cast %add3A_1398 : i32 to index
      %swap3A_1400 = arith.constant 48 : index
      %swap3A_1401 = tpu.vector_load %arg10[%swap3A_1399, %swap3A_1400] {strides = array<i32>} : memref<80x128xi32, #tpu.memory_space<vmem>>, vector<1x16xi32>,
      %swap3A_1402 = vector.shape_cast %swap3A_1401 : vector<1x16xi32> to vector<16xi32>
      %swap3A_1403 = vector.shape_cast %get3A_1396 : vector<16xi32> to vector<1x16xi32>
      tpu.vector_store %arg10[%swap3A_1399, %swap3A_1400], %swap3A_1403 {strides = array<i32>} : memref<80x128xi32, #tpu.memory_space<vmem>>, vector<1x16xi32>,
      %add3A_1404 = arith.constant 3 : i32
      %add3A_1405 = arith.addi %add3A_230, %add3A_1404 : i32
      %mul3A_1406 = arith.constant 128 : i32
      %mul3A_1407 = arith.muli %add3A_1405, %mul3A_1406 : i32
      %add3A_1408 = arith.constant 64 : i32
      %add3A_1409 = arith.addi %mul3A_1407, %add3A_1408 : i32
      %get3A_1410 = arith.index_cast %add3A_1409 : i32 to index
      %get3A_1411 = tpu.vector_load %arg9[%get3A_1410] {strides = array<i32>} : memref<10240xi32, #tpu.memory_space<vmem>>, vector<16xi32>,
      %get3A_1412 = vector.shape_cast %get3A_1411 : vector<16xi32> to vector<16xi32>
      %add3A_1413 = arith.constant 3 : i32
      %add3A_1414 = arith.addi %add3A_230, %add3A_1413 : i32
      %swap3A_1415 = arith.index_cast %add3A_1414 : i32 to index
      %swap3A_1416 = arith.constant 64 : index
      %swap3A_1417 = tpu.vector_load %arg10[%swap3A_1415, %swap3A_1416] {strides = array<i32>} : memref<80x128xi32, #tpu.memory_space<vmem>>, vector<1x16xi32>,
      %swap3A_1418 = vector.shape_cast %swap3A_1417 : vector<1x16xi32> to vector<16xi32>
      %swap3A_1419 = vector.shape_cast %get3A_1412 : vector<16xi32> to vector<1x16xi32>
      tpu.vector_store %arg10[%swap3A_1415, %swap3A_1416], %swap3A_1419 {strides = array<i32>} : memref<80x128xi32, #tpu.memory_space<vmem>>, vector<1x16xi32>,
      %add3A_1420 = arith.constant 3 : i32
      %add3A_1421 = arith.addi %add3A_230, %add3A_1420 : i32
      %mul3A_1422 = arith.constant 128 : i32
      %mul3A_1423 = arith.muli %add3A_1421, %mul3A_1422 : i32
      %add3A_1424 = arith.constant 80 : i32
      %add3A_1425 = arith.addi %mul3A_1423, %add3A_1424 : i32
      %get3A_1426 = arith.index_cast %add3A_1425 : i32 to index
      %get3A_1427 = tpu.vector_load %arg9[%get3A_1426] {strides = array<i32>} : memref<10240xi32, #tpu.memory_space<vmem>>, vector<16xi32>,
      %get3A_1428 = vector.shape_cast %get3A_1427 : vector<16xi32> to vector<16xi32>
      %add3A_1429 = arith.constant 3 : i32
      %add3A_1430 = arith.addi %add3A_230, %add3A_1429 : i32
      %swap3A_1431 = arith.index_cast %add3A_1430 : i32 to index
      %swap3A_1432 = arith.constant 80 : index
      %swap3A_1433 = tpu.vector_load %arg10[%swap3A_1431, %swap3A_1432] {strides = array<i32>} : memref<80x128xi32, #tpu.memory_space<vmem>>, vector<1x16xi32>,
      %swap3A_1434 = vector.shape_cast %swap3A_1433 : vector<1x16xi32> to vector<16xi32>
      %swap3A_1435 = vector.shape_cast %get3A_1428 : vector<16xi32> to vector<1x16xi32>
      tpu.vector_store %arg10[%swap3A_1431, %swap3A_1432], %swap3A_1435 {strides = array<i32>} : memref<80x128xi32, #tpu.memory_space<vmem>>, vector<1x16xi32>,
      %add3A_1436 = arith.constant 3 : i32
      %add3A_1437 = arith.addi %add3A_230, %add3A_1436 : i32
      %mul3A_1438 = arith.constant 128 : i32
      %mul3A_1439 = arith.muli %add3A_1437, %mul3A_1438 : i32
      %add3A_1440 = arith.constant 96 : i32
      %add3A_1441 = arith.addi %mul3A_1439, %add3A_1440 : i32
      %get3A_1442 = arith.index_cast %add3A_1441 : i32 to index
      %get3A_1443 = tpu.vector_load %arg9[%get3A_1442] {strides = array<i32>} : memref<10240xi32, #tpu.memory_space<vmem>>, vector<16xi32>,
      %get3A_1444 = vector.shape_cast %get3A_1443 : vector<16xi32> to vector<16xi32>
      %add3A_1445 = arith.constant 3 : i32
      %add3A_1446 = arith.addi %add3A_230, %add3A_1445 : i32
      %swap3A_1447 = arith.index_cast %add3A_1446 : i32 to index
      %swap3A_1448 = arith.constant 96 : index
      %swap3A_1449 = tpu.vector_load %arg10[%swap3A_1447, %swap3A_1448] {strides = array<i32>} : memref<80x128xi32, #tpu.memory_space<vmem>>, vector<1x16xi32>,
      %swap3A_1450 = vector.shape_cast %swap3A_1449 : vector<1x16xi32> to vector<16xi32>
      %swap3A_1451 = vector.shape_cast %get3A_1444 : vector<16xi32> to vector<1x16xi32>
      tpu.vector_store %arg10[%swap3A_1447, %swap3A_1448], %swap3A_1451 {strides = array<i32>} : memref<80x128xi32, #tpu.memory_space<vmem>>, vector<1x16xi32>,
      %add3A_1452 = arith.constant 3 : i32
      %add3A_1453 = arith.addi %add3A_230, %add3A_1452 : i32
      %mul3A_1454 = arith.constant 128 : i32
      %mul3A_1455 = arith.muli %add3A_1453, %mul3A_1454 : i32
      %add3A_1456 = arith.constant 112 : i32
      %add3A_1457 = arith.addi %mul3A_1455, %add3A_1456 : i32
      %get3A_1458 = arith.index_cast %add3A_1457 : i32 to index
      %get3A_1459 = tpu.vector_load %arg9[%get3A_1458] {strides = array<i32>} : memref<10240xi32, #tpu.memory_space<vmem>>, vector<16xi32>,
      %get3A_1460 = vector.shape_cast %get3A_1459 : vector<16xi32> to vector<16xi32>
      %add3A_1461 = arith.constant 3 : i32
      %add3A_1462 = arith.addi %add3A_230, %add3A_1461 : i32
      %swap3A_1463 = arith.index_cast %add3A_1462 : i32 to index
      %swap3A_1464 = arith.constant 112 : index
      %swap3A_1465 = tpu.vector_load %arg10[%swap3A_1463, %swap3A_1464] {strides = array<i32>} : memref<80x128xi32, #tpu.memory_space<vmem>>, vector<1x16xi32>,
      %swap3A_1466 = vector.shape_cast %swap3A_1465 : vector<1x16xi32> to vector<16xi32>
      %swap3A_1467 = vector.shape_cast %get3A_1460 : vector<16xi32> to vector<1x16xi32>
      tpu.vector_store %arg10[%swap3A_1463, %swap3A_1464], %swap3A_1467 {strides = array<i32>} : memref<80x128xi32, #tpu.memory_space<vmem>>, vector<1x16xi32>,
      %add3A_1468 = arith.constant 0 : i32
      %add3A_1469 = arith.addi %add3A_230, %add3A_1468 : i32
      %mul3A_1470 = arith.constant 128 : i32
      %mul3A_1471 = arith.muli %add3A_1469, %mul3A_1470 : i32
      %dma_wait3A_1472 = arith.constant 4 : i32
      %dma_wait3A_1473 = arith.constant 0 : i32
      %dma_wait3A_1474 = arith.constant 0 : i32
      %dma_wait3A_1475 = tpu.memref_slice %arg11[%dma_wait3A_1472, %dma_wait3A_1473, %dma_wait3A_1474] : memref<8x128x32xf32, #tpu.memory_space<vmem>> -> memref<1x128x32xf32, #tpu.memory_space<vmem>>
      %dma_wait3A_1476 = tpu.memref_squeeze %dma_wait3A_1475 : memref<1x128x32xf32, #tpu.memory_space<vmem>> -> memref<128x32xf32, #tpu.memory_space<vmem>>
      %dma_wait3A_1477 = tpu.memref_slice %arg8[%mul3A_1471] : memref<10240xi32, #tpu.memory_space<vmem>> -> memref<128xi32, #tpu.memory_space<vmem>>
      %dma_wait3A_1478 = arith.constant 0 : i32
      %dma_wait3A_1479 = arith.constant 0 : i32
      %dma_wait3A_1480 = tpu.memref_slice %arg13[%dma_wait3A_1478, %dma_wait3A_1479] : memref<10112x32xf32, #tpu.memory_space<vmem_shared>> -> memref<10112x32xf32, #tpu.memory_space<vmem_shared>>
      tpu.wait_indirect_dma semaphore(%arg15 : memref<!tpu.dma_semaphore, #tpu.memory_space<semaphore_mem>>) src(%dma_wait3A_1480 : memref<10112x32xf32, #tpu.memory_space<vmem_shared>>) dst(%dma_wait3A_1476 : memref<128x32xf32, #tpu.memory_space<vmem>>)
      %add3A_1481 = arith.constant 1 : i32
      %add3A_1482 = arith.addi %add3A_230, %add3A_1481 : i32
      %mul3A_1483 = arith.constant 128 : i32
      %mul3A_1484 = arith.muli %add3A_1482, %mul3A_1483 : i32
      %dma_wait3A_1485 = arith.constant 5 : i32
      %dma_wait3A_1486 = arith.constant 0 : i32
      %dma_wait3A_1487 = arith.constant 0 : i32
      %dma_wait3A_1488 = tpu.memref_slice %arg11[%dma_wait3A_1485, %dma_wait3A_1486, %dma_wait3A_1487] : memref<8x128x32xf32, #tpu.memory_space<vmem>> -> memref<1x128x32xf32, #tpu.memory_space<vmem>>
      %dma_wait3A_1489 = tpu.memref_squeeze %dma_wait3A_1488 : memref<1x128x32xf32, #tpu.memory_space<vmem>> -> memref<128x32xf32, #tpu.memory_space<vmem>>
      %dma_wait3A_1490 = tpu.memref_slice %arg8[%mul3A_1484] : memref<10240xi32, #tpu.memory_space<vmem>> -> memref<128xi32, #tpu.memory_space<vmem>>
      %dma_wait3A_1491 = arith.constant 0 : i32
      %dma_wait3A_1492 = arith.constant 0 : i32
      %dma_wait3A_1493 = tpu.memref_slice %arg13[%dma_wait3A_1491, %dma_wait3A_1492] : memref<10112x32xf32, #tpu.memory_space<vmem_shared>> -> memref<10112x32xf32, #tpu.memory_space<vmem_shared>>
      tpu.wait_indirect_dma semaphore(%arg15 : memref<!tpu.dma_semaphore, #tpu.memory_space<semaphore_mem>>) src(%dma_wait3A_1493 : memref<10112x32xf32, #tpu.memory_space<vmem_shared>>) dst(%dma_wait3A_1489 : memref<128x32xf32, #tpu.memory_space<vmem>>)
      %add3A_1494 = arith.constant 2 : i32
      %add3A_1495 = arith.addi %add3A_230, %add3A_1494 : i32
      %mul3A_1496 = arith.constant 128 : i32
      %mul3A_1497 = arith.muli %add3A_1495, %mul3A_1496 : i32
      %dma_wait3A_1498 = arith.constant 6 : i32
      %dma_wait3A_1499 = arith.constant 0 : i32
      %dma_wait3A_1500 = arith.constant 0 : i32
      %dma_wait3A_1501 = tpu.memref_slice %arg11[%dma_wait3A_1498, %dma_wait3A_1499, %dma_wait3A_1500] : memref<8x128x32xf32, #tpu.memory_space<vmem>> -> memref<1x128x32xf32, #tpu.memory_space<vmem>>
      %dma_wait3A_1502 = tpu.memref_squeeze %dma_wait3A_1501 : memref<1x128x32xf32, #tpu.memory_space<vmem>> -> memref<128x32xf32, #tpu.memory_space<vmem>>
      %dma_wait3A_1503 = tpu.memref_slice %arg8[%mul3A_1497] : memref<10240xi32, #tpu.memory_space<vmem>> -> memref<128xi32, #tpu.memory_space<vmem>>
      %dma_wait3A_1504 = arith.constant 0 : i32
      %dma_wait3A_1505 = arith.constant 0 : i32
      %dma_wait3A_1506 = tpu.memref_slice %arg13[%dma_wait3A_1504, %dma_wait3A_1505] : memref<10112x32xf32, #tpu.memory_space<vmem_shared>> -> memref<10112x32xf32, #tpu.memory_space<vmem_shared>>
      tpu.wait_indirect_dma semaphore(%arg15 : memref<!tpu.dma_semaphore, #tpu.memory_space<semaphore_mem>>) src(%dma_wait3A_1506 : memref<10112x32xf32, #tpu.memory_space<vmem_shared>>) dst(%dma_wait3A_1502 : memref<128x32xf32, #tpu.memory_space<vmem>>)
      %add3A_1507 = arith.constant 3 : i32
      %add3A_1508 = arith.addi %add3A_230, %add3A_1507 : i32
      %mul3A_1509 = arith.constant 128 : i32
      %mul3A_1510 = arith.muli %add3A_1508, %mul3A_1509 : i32
      %dma_wait3A_1511 = arith.constant 7 : i32
      %dma_wait3A_1512 = arith.constant 0 : i32
      %dma_wait3A_1513 = arith.constant 0 : i32
      %dma_wait3A_1514 = tpu.memref_slice %arg11[%dma_wait3A_1511, %dma_wait3A_1512, %dma_wait3A_1513] : memref<8x128x32xf32, #tpu.memory_space<vmem>> -> memref<1x128x32xf32, #tpu.memory_space<vmem>>
      %dma_wait3A_1515 = tpu.memref_squeeze %dma_wait3A_1514 : memref<1x128x32xf32, #tpu.memory_space<vmem>> -> memref<128x32xf32, #tpu.memory_space<vmem>>
      %dma_wait3A_1516 = tpu.memref_slice %arg8[%mul3A_1510] : memref<10240xi32, #tpu.memory_space<vmem>> -> memref<128xi32, #tpu.memory_space<vmem>>
      %dma_wait3A_1517 = arith.constant 0 : i32
      %dma_wait3A_1518 = arith.constant 0 : i32
      %dma_wait3A_1519 = tpu.memref_slice %arg13[%dma_wait3A_1517, %dma_wait3A_1518] : memref<10112x32xf32, #tpu.memory_space<vmem_shared>> -> memref<10112x32xf32, #tpu.memory_space<vmem_shared>>
      tpu.wait_indirect_dma semaphore(%arg15 : memref<!tpu.dma_semaphore, #tpu.memory_space<semaphore_mem>>) src(%dma_wait3A_1519 : memref<10112x32xf32, #tpu.memory_space<vmem_shared>>) dst(%dma_wait3A_1515 : memref<128x32xf32, #tpu.memory_space<vmem>>)
      %add3A_1520 = arith.constant 0 : i32
      %add3A_1521 = arith.addi %add3A_230, %add3A_1520 : i32
      %dma_start3A_1522 = arith.constant 4 : i32
      %dma_start3A_1523 = arith.constant 0 : i32
      %dma_start3A_1524 = arith.constant 0 : i32
      %dma_start3A_1525 = tpu.memref_slice %arg11[%dma_start3A_1522, %dma_start3A_1523, %dma_start3A_1524] : memref<8x128x32xf32, #tpu.memory_space<vmem>> -> memref<1x128x32xf32, #tpu.memory_space<vmem>>
      %dma_start3A_1526 = tpu.memref_squeeze %dma_start3A_1525 : memref<1x128x32xf32, #tpu.memory_space<vmem>> -> memref<128x32xf32, #tpu.memory_space<vmem>>
      %dma_start3A_1527 = arith.constant 0 : i32
      %dma_start3A_1528 = tpu.memref_slice %arg10[%add3A_1521, %dma_start3A_1527] : memref<80x128xi32, #tpu.memory_space<vmem>> -> memref<1x128xi32, #tpu.memory_space<vmem>>
      %dma_start3A_1529 = tpu.memref_squeeze %dma_start3A_1528 : memref<1x128xi32, #tpu.memory_space<vmem>> -> memref<128xi32, #tpu.memory_space<vmem>>
      %dma_start3A_1530 = arith.constant 0 : i32
      %dma_start3A_1531 = arith.constant 0 : i32
      %dma_start3A_1532 = tpu.memref_slice %arg12[%dma_start3A_1530, %dma_start3A_1531] : memref<10112x32xf32, #tpu.memory_space<vmem_shared>> -> memref<10112x32xf32, #tpu.memory_space<vmem_shared>>
      tpu.enqueue_indirect_dma source(%dma_start3A_1526 : memref<128x32xf32, #tpu.memory_space<vmem>>) target(%dma_start3A_1532 : memref<10112x32xf32, #tpu.memory_space<vmem_shared>>) offsets(%dma_start3A_1529 : memref<128xi32, #tpu.memory_space<vmem>>) semaphore(%arg16 : memref<!tpu.dma_semaphore, #tpu.memory_space<semaphore_mem>>) {add = true}
      %add3A_1533 = arith.constant 1 : i32
      %add3A_1534 = arith.addi %add3A_230, %add3A_1533 : i32
      %dma_start3A_1535 = arith.constant 5 : i32
      %dma_start3A_1536 = arith.constant 0 : i32
      %dma_start3A_1537 = arith.constant 0 : i32
      %dma_start3A_1538 = tpu.memref_slice %arg11[%dma_start3A_1535, %dma_start3A_1536, %dma_start3A_1537] : memref<8x128x32xf32, #tpu.memory_space<vmem>> -> memref<1x128x32xf32, #tpu.memory_space<vmem>>
      %dma_start3A_1539 = tpu.memref_squeeze %dma_start3A_1538 : memref<1x128x32xf32, #tpu.memory_space<vmem>> -> memref<128x32xf32, #tpu.memory_space<vmem>>
      %dma_start3A_1540 = arith.constant 0 : i32
      %dma_start3A_1541 = tpu.memref_slice %arg10[%add3A_1534, %dma_start3A_1540] : memref<80x128xi32, #tpu.memory_space<vmem>> -> memref<1x128xi32, #tpu.memory_space<vmem>>
      %dma_start3A_1542 = tpu.memref_squeeze %dma_start3A_1541 : memref<1x128xi32, #tpu.memory_space<vmem>> -> memref<128xi32, #tpu.memory_space<vmem>>
      %dma_start3A_1543 = arith.constant 0 : i32
      %dma_start3A_1544 = arith.constant 0 : i32
      %dma_start3A_1545 = tpu.memref_slice %arg12[%dma_start3A_1543, %dma_start3A_1544] : memref<10112x32xf32, #tpu.memory_space<vmem_shared>> -> memref<10112x32xf32, #tpu.memory_space<vmem_shared>>
      tpu.enqueue_indirect_dma source(%dma_start3A_1539 : memref<128x32xf32, #tpu.memory_space<vmem>>) target(%dma_start3A_1545 : memref<10112x32xf32, #tpu.memory_space<vmem_shared>>) offsets(%dma_start3A_1542 : memref<128xi32, #tpu.memory_space<vmem>>) semaphore(%arg16 : memref<!tpu.dma_semaphore, #tpu.memory_space<semaphore_mem>>) {add = true}
      %add3A_1546 = arith.constant 2 : i32
      %add3A_1547 = arith.addi %add3A_230, %add3A_1546 : i32
      %dma_start3A_1548 = arith.constant 6 : i32
      %dma_start3A_1549 = arith.constant 0 : i32
      %dma_start3A_1550 = arith.constant 0 : i32
      %dma_start3A_1551 = tpu.memref_slice %arg11[%dma_start3A_1548, %dma_start3A_1549, %dma_start3A_1550] : memref<8x128x32xf32, #tpu.memory_space<vmem>> -> memref<1x128x32xf32, #tpu.memory_space<vmem>>
      %dma_start3A_1552 = tpu.memref_squeeze %dma_start3A_1551 : memref<1x128x32xf32, #tpu.memory_space<vmem>> -> memref<128x32xf32, #tpu.memory_space<vmem>>
      %dma_start3A_1553 = arith.constant 0 : i32
      %dma_start3A_1554 = tpu.memref_slice %arg10[%add3A_1547, %dma_start3A_1553] : memref<80x128xi32, #tpu.memory_space<vmem>> -> memref<1x128xi32, #tpu.memory_space<vmem>>
      %dma_start3A_1555 = tpu.memref_squeeze %dma_start3A_1554 : memref<1x128xi32, #tpu.memory_space<vmem>> -> memref<128xi32, #tpu.memory_space<vmem>>
      %dma_start3A_1556 = arith.constant 0 : i32
      %dma_start3A_1557 = arith.constant 0 : i32
      %dma_start3A_1558 = tpu.memref_slice %arg12[%dma_start3A_1556, %dma_start3A_1557] : memref<10112x32xf32, #tpu.memory_space<vmem_shared>> -> memref<10112x32xf32, #tpu.memory_space<vmem_shared>>
      tpu.enqueue_indirect_dma source(%dma_start3A_1552 : memref<128x32xf32, #tpu.memory_space<vmem>>) target(%dma_start3A_1558 : memref<10112x32xf32, #tpu.memory_space<vmem_shared>>) offsets(%dma_start3A_1555 : memref<128xi32, #tpu.memory_space<vmem>>) semaphore(%arg16 : memref<!tpu.dma_semaphore, #tpu.memory_space<semaphore_mem>>) {add = true}
      %add3A_1559 = arith.constant 3 : i32
      %add3A_1560 = arith.addi %add3A_230, %add3A_1559 : i32
      %dma_start3A_1561 = arith.constant 7 : i32
      %dma_start3A_1562 = arith.constant 0 : i32
      %dma_start3A_1563 = arith.constant 0 : i32
      %dma_start3A_1564 = tpu.memref_slice %arg11[%dma_start3A_1561, %dma_start3A_1562, %dma_start3A_1563] : memref<8x128x32xf32, #tpu.memory_space<vmem>> -> memref<1x128x32xf32, #tpu.memory_space<vmem>>
      %dma_start3A_1565 = tpu.memref_squeeze %dma_start3A_1564 : memref<1x128x32xf32, #tpu.memory_space<vmem>> -> memref<128x32xf32, #tpu.memory_space<vmem>>
      %dma_start3A_1566 = arith.constant 0 : i32
      %dma_start3A_1567 = tpu.memref_slice %arg10[%add3A_1560, %dma_start3A_1566] : memref<80x128xi32, #tpu.memory_space<vmem>> -> memref<1x128xi32, #tpu.memory_space<vmem>>
      %dma_start3A_1568 = tpu.memref_squeeze %dma_start3A_1567 : memref<1x128xi32, #tpu.memory_space<vmem>> -> memref<128xi32, #tpu.memory_space<vmem>>
      %dma_start3A_1569 = arith.constant 0 : i32
      %dma_start3A_1570 = arith.constant 0 : i32
      %dma_start3A_1571 = tpu.memref_slice %arg12[%dma_start3A_1569, %dma_start3A_1570] : memref<10112x32xf32, #tpu.memory_space<vmem_shared>> -> memref<10112x32xf32, #tpu.memory_space<vmem_shared>>
      tpu.enqueue_indirect_dma source(%dma_start3A_1565 : memref<128x32xf32, #tpu.memory_space<vmem>>) target(%dma_start3A_1571 : memref<10112x32xf32, #tpu.memory_space<vmem_shared>>) offsets(%dma_start3A_1568 : memref<128xi32, #tpu.memory_space<vmem>>) semaphore(%arg16 : memref<!tpu.dma_semaphore, #tpu.memory_space<semaphore_mem>>) {add = true}
      %add3A_1572 = arith.constant 0 : i32
      %add3A_1573 = arith.addi %add3A_230, %add3A_1572 : i32
      %dma_wait3A_1574 = arith.constant 4 : i32
      %dma_wait3A_1575 = arith.constant 0 : i32
      %dma_wait3A_1576 = arith.constant 0 : i32
      %dma_wait3A_1577 = tpu.memref_slice %arg11[%dma_wait3A_1574, %dma_wait3A_1575, %dma_wait3A_1576] : memref<8x128x32xf32, #tpu.memory_space<vmem>> -> memref<1x128x32xf32, #tpu.memory_space<vmem>>
      %dma_wait3A_1578 = tpu.memref_squeeze %dma_wait3A_1577 : memref<1x128x32xf32, #tpu.memory_space<vmem>> -> memref<128x32xf32, #tpu.memory_space<vmem>>
      %dma_wait3A_1579 = arith.constant 0 : i32
      %dma_wait3A_1580 = tpu.memref_slice %arg10[%add3A_1573, %dma_wait3A_1579] : memref<80x128xi32, #tpu.memory_space<vmem>> -> memref<1x128xi32, #tpu.memory_space<vmem>>
      %dma_wait3A_1581 = tpu.memref_squeeze %dma_wait3A_1580 : memref<1x128xi32, #tpu.memory_space<vmem>> -> memref<128xi32, #tpu.memory_space<vmem>>
      %dma_wait3A_1582 = arith.constant 0 : i32
      %dma_wait3A_1583 = arith.constant 0 : i32
      %dma_wait3A_1584 = tpu.memref_slice %arg12[%dma_wait3A_1582, %dma_wait3A_1583] : memref<10112x32xf32, #tpu.memory_space<vmem_shared>> -> memref<10112x32xf32, #tpu.memory_space<vmem_shared>>
      tpu.wait_indirect_dma semaphore(%arg16 : memref<!tpu.dma_semaphore, #tpu.memory_space<semaphore_mem>>) src(%dma_wait3A_1578 : memref<128x32xf32, #tpu.memory_space<vmem>>) dst(%dma_wait3A_1584 : memref<10112x32xf32, #tpu.memory_space<vmem_shared>>)
      %add3A_1585 = arith.constant 1 : i32
      %add3A_1586 = arith.addi %add3A_230, %add3A_1585 : i32
      %dma_wait3A_1587 = arith.constant 5 : i32
      %dma_wait3A_1588 = arith.constant 0 : i32
      %dma_wait3A_1589 = arith.constant 0 : i32
      %dma_wait3A_1590 = tpu.memref_slice %arg11[%dma_wait3A_1587, %dma_wait3A_1588, %dma_wait3A_1589] : memref<8x128x32xf32, #tpu.memory_space<vmem>> -> memref<1x128x32xf32, #tpu.memory_space<vmem>>
      %dma_wait3A_1591 = tpu.memref_squeeze %dma_wait3A_1590 : memref<1x128x32xf32, #tpu.memory_space<vmem>> -> memref<128x32xf32, #tpu.memory_space<vmem>>
      %dma_wait3A_1592 = arith.constant 0 : i32
      %dma_wait3A_1593 = tpu.memref_slice %arg10[%add3A_1586, %dma_wait3A_1592] : memref<80x128xi32, #tpu.memory_space<vmem>> -> memref<1x128xi32, #tpu.memory_space<vmem>>
      %dma_wait3A_1594 = tpu.memref_squeeze %dma_wait3A_1593 : memref<1x128xi32, #tpu.memory_space<vmem>> -> memref<128xi32, #tpu.memory_space<vmem>>
      %dma_wait3A_1595 = arith.constant 0 : i32
      %dma_wait3A_1596 = arith.constant 0 : i32
      %dma_wait3A_1597 = tpu.memref_slice %arg12[%dma_wait3A_1595, %dma_wait3A_1596] : memref<10112x32xf32, #tpu.memory_space<vmem_shared>> -> memref<10112x32xf32, #tpu.memory_space<vmem_shared>>
      tpu.wait_indirect_dma semaphore(%arg16 : memref<!tpu.dma_semaphore, #tpu.memory_space<semaphore_mem>>) src(%dma_wait3A_1591 : memref<128x32xf32, #tpu.memory_space<vmem>>) dst(%dma_wait3A_1597 : memref<10112x32xf32, #tpu.memory_space<vmem_shared>>)
      %add3A_1598 = arith.constant 2 : i32
      %add3A_1599 = arith.addi %add3A_230, %add3A_1598 : i32
      %dma_wait3A_1600 = arith.constant 6 : i32
      %dma_wait3A_1601 = arith.constant 0 : i32
      %dma_wait3A_1602 = arith.constant 0 : i32
      %dma_wait3A_1603 = tpu.memref_slice %arg11[%dma_wait3A_1600, %dma_wait3A_1601, %dma_wait3A_1602] : memref<8x128x32xf32, #tpu.memory_space<vmem>> -> memref<1x128x32xf32, #tpu.memory_space<vmem>>
      %dma_wait3A_1604 = tpu.memref_squeeze %dma_wait3A_1603 : memref<1x128x32xf32, #tpu.memory_space<vmem>> -> memref<128x32xf32, #tpu.memory_space<vmem>>
      %dma_wait3A_1605 = arith.constant 0 : i32
      %dma_wait3A_1606 = tpu.memref_slice %arg10[%add3A_1599, %dma_wait3A_1605] : memref<80x128xi32, #tpu.memory_space<vmem>> -> memref<1x128xi32, #tpu.memory_space<vmem>>
      %dma_wait3A_1607 = tpu.memref_squeeze %dma_wait3A_1606 : memref<1x128xi32, #tpu.memory_space<vmem>> -> memref<128xi32, #tpu.memory_space<vmem>>
      %dma_wait3A_1608 = arith.constant 0 : i32
      %dma_wait3A_1609 = arith.constant 0 : i32
      %dma_wait3A_1610 = tpu.memref_slice %arg12[%dma_wait3A_1608, %dma_wait3A_1609] : memref<10112x32xf32, #tpu.memory_space<vmem_shared>> -> memref<10112x32xf32, #tpu.memory_space<vmem_shared>>
      tpu.wait_indirect_dma semaphore(%arg16 : memref<!tpu.dma_semaphore, #tpu.memory_space<semaphore_mem>>) src(%dma_wait3A_1604 : memref<128x32xf32, #tpu.memory_space<vmem>>) dst(%dma_wait3A_1610 : memref<10112x32xf32, #tpu.memory_space<vmem_shared>>)
      %add3A_1611 = arith.constant 3 : i32
      %add3A_1612 = arith.addi %add3A_230, %add3A_1611 : i32
      %dma_wait3A_1613 = arith.constant 7 : i32
      %dma_wait3A_1614 = arith.constant 0 : i32
      %dma_wait3A_1615 = arith.constant 0 : i32
      %dma_wait3A_1616 = tpu.memref_slice %arg11[%dma_wait3A_1613, %dma_wait3A_1614, %dma_wait3A_1615] : memref<8x128x32xf32, #tpu.memory_space<vmem>> -> memref<1x128x32xf32, #tpu.memory_space<vmem>>
      %dma_wait3A_1617 = tpu.memref_squeeze %dma_wait3A_1616 : memref<1x128x32xf32, #tpu.memory_space<vmem>> -> memref<128x32xf32, #tpu.memory_space<vmem>>
      %dma_wait3A_1618 = arith.constant 0 : i32
      %dma_wait3A_1619 = tpu.memref_slice %arg10[%add3A_1612, %dma_wait3A_1618] : memref<80x128xi32, #tpu.memory_space<vmem>> -> memref<1x128xi32, #tpu.memory_space<vmem>>
      %dma_wait3A_1620 = tpu.memref_squeeze %dma_wait3A_1619 : memref<1x128xi32, #tpu.memory_space<vmem>> -> memref<128xi32, #tpu.memory_space<vmem>>
      %dma_wait3A_1621 = arith.constant 0 : i32
      %dma_wait3A_1622 = arith.constant 0 : i32
      %dma_wait3A_1623 = tpu.memref_slice %arg12[%dma_wait3A_1621, %dma_wait3A_1622] : memref<10112x32xf32, #tpu.memory_space<vmem_shared>> -> memref<10112x32xf32, #tpu.memory_space<vmem_shared>>
      tpu.wait_indirect_dma semaphore(%arg16 : memref<!tpu.dma_semaphore, #tpu.memory_space<semaphore_mem>>) src(%dma_wait3A_1617 : memref<128x32xf32, #tpu.memory_space<vmem>>) dst(%dma_wait3A_1623 : memref<10112x32xf32, #tpu.memory_space<vmem_shared>>)
    }
    %scan3A_215 = arith.constant 10 : i32
    %barrier3A_216 = arith.constant 0 : index
    tpu.barrier barrier_id(%barrier3A_216)
    %eq3A = arith.constant 0 : i32
    %eq3A_217 = arith.cmpi eq, %arg0, %eq3A : i32
    %convert_element_type3A = arith.extui %eq3A_217 : i1 to i32
    %cond3A = arith.constant 0 : i32
    %cond3A_218 = arith.cmpi ne, %convert_element_type3A, %cond3A : i32
    scf.if %cond3A_218 {
      %mul3A_224 = arith.constant 632 : i32
      %mul3A_225 = arith.muli %arg1, %mul3A_224 : i32
      %mul3A_226 = arith.constant 632 : i32
      %mul3A_227 = arith.muli %arg1, %mul3A_226 : i32
      "tpu.region"() ({
        %run_scoped3A = tpu.sem_alloc : memref<!tpu.dma_semaphore, #tpu.memory_space<semaphore_mem>>
        %dma_start3A_228 = arith.constant 0 : i32
        %dma_start3A_229 = tpu.memref_slice %arg6[%mul3A_227, %dma_start3A_228] : memref<10112x32xf32, #tpu.memory_space<hbm>> -> memref<632x32xf32, #tpu.memory_space<hbm>>
        %dma_start3A_230 = arith.constant 0 : i32
        %dma_start3A_231 = tpu.memref_slice %arg12[%mul3A_225, %dma_start3A_230] : memref<10112x32xf32, #tpu.memory_space<vmem_shared>> -> memref<632x32xf32, #tpu.memory_space<vmem_shared>>
        tpu.enqueue_dma source(%dma_start3A_231 : memref<632x32xf32, #tpu.memory_space<vmem_shared>>) target(%dma_start3A_229 : memref<632x32xf32, #tpu.memory_space<hbm>>) target_semaphore(%run_scoped3A : memref<!tpu.dma_semaphore, #tpu.memory_space<semaphore_mem>>)
        %dma_wait3A_232 = arith.constant 0 : i32
        %dma_wait3A_233 = tpu.memref_slice %arg6[%mul3A_227, %dma_wait3A_232] : memref<10112x32xf32, #tpu.memory_space<hbm>> -> memref<632x32xf32, #tpu.memory_space<hbm>>
        %dma_wait3A_234 = arith.constant 0 : i32
        %dma_wait3A_235 = tpu.memref_slice %arg12[%mul3A_225, %dma_wait3A_234] : memref<10112x32xf32, #tpu.memory_space<vmem_shared>> -> memref<632x32xf32, #tpu.memory_space<vmem_shared>>
        tpu.wait_dma2 semaphore(%run_scoped3A : memref<!tpu.dma_semaphore, #tpu.memory_space<semaphore_mem>>) src(%dma_wait3A_235 : memref<632x32xf32, #tpu.memory_space<vmem_shared>>) dst(%dma_wait3A_233 : memref<632x32xf32, #tpu.memory_space<hbm>>)
        tpu.yield
      }) : () -> ()
    } else {
    }
    %eq3A_219 = arith.constant 1 : i32
    %eq3A_220 = arith.cmpi eq, %arg0, %eq3A_219 : i32
    %convert_element_type3A_221 = arith.extui %eq3A_220 : i1 to i32
    %cond3A_222 = arith.constant 0 : i32
    %cond3A_223 = arith.cmpi ne, %convert_element_type3A_221, %cond3A_222 : i32
    scf.if %cond3A_223 {
      %mul3A_224 = arith.constant 632 : i32
      %mul3A_225 = arith.muli %arg1, %mul3A_224 : i32
      %mul3A_226 = arith.constant 632 : i32
      %mul3A_227 = arith.muli %arg1, %mul3A_226 : i32
      "tpu.region"() ({
        %run_scoped3A = tpu.sem_alloc : memref<!tpu.dma_semaphore, #tpu.memory_space<semaphore_mem>>
        %dma_start3A_228 = arith.constant 0 : i32
        %dma_start3A_229 = tpu.memref_slice %arg7[%mul3A_227, %dma_start3A_228] : memref<10112x32xf32, #tpu.memory_space<hbm>> -> memref<632x32xf32, #tpu.memory_space<hbm>>
        %dma_start3A_230 = arith.constant 0 : i32
        %dma_start3A_231 = tpu.memref_slice %arg12[%mul3A_225, %dma_start3A_230] : memref<10112x32xf32, #tpu.memory_space<vmem_shared>> -> memref<632x32xf32, #tpu.memory_space<vmem_shared>>
        tpu.enqueue_dma source(%dma_start3A_231 : memref<632x32xf32, #tpu.memory_space<vmem_shared>>) target(%dma_start3A_229 : memref<632x32xf32, #tpu.memory_space<hbm>>) target_semaphore(%run_scoped3A : memref<!tpu.dma_semaphore, #tpu.memory_space<semaphore_mem>>)
        %dma_wait3A_232 = arith.constant 0 : i32
        %dma_wait3A_233 = tpu.memref_slice %arg7[%mul3A_227, %dma_wait3A_232] : memref<10112x32xf32, #tpu.memory_space<hbm>> -> memref<632x32xf32, #tpu.memory_space<hbm>>
        %dma_wait3A_234 = arith.constant 0 : i32
        %dma_wait3A_235 = tpu.memref_slice %arg12[%mul3A_225, %dma_wait3A_234] : memref<10112x32xf32, #tpu.memory_space<vmem_shared>> -> memref<632x32xf32, #tpu.memory_space<vmem_shared>>
        tpu.wait_dma2 semaphore(%run_scoped3A : memref<!tpu.dma_semaphore, #tpu.memory_space<semaphore_mem>>) src(%dma_wait3A_235 : memref<632x32xf32, #tpu.memory_space<vmem_shared>>) dst(%dma_wait3A_233 : memref<632x32xf32, #tpu.memory_space<hbm>>)
        tpu.yield
      }) : () -> ()
    } else {
    }
    return
  }
}

#map = affine_map<(d0, d1) -> (0, 0)>
#map1 = affine_map<(d0, d1) -> (0)>
module attributes {stable_mosaic.version = 14 : i64} {
  func.func @sc_scatter(%arg0: i32, %arg1: i32, %arg2: memref<10112x32xf32, #tpu.memory_space<hbm>>, %arg3: memref<320000xi32, #tpu.memory_space<hbm>>, %arg4: memref<320000xi32, #tpu.memory_space<hbm>>, %arg5: memref<10112x32xf32, #tpu.memory_space<hbm>>, %arg6: memref<10112x32xf32, #tpu.memory_space<hbm>>, %arg7: memref<10112x32xf32, #tpu.memory_space<hbm>>, %arg8: memref<10240xi32, #tpu.memory_space<vmem>>, %arg9: memref<10240xi32, #tpu.memory_space<vmem>>, %arg10: memref<80x128xi32, #tpu.memory_space<vmem>>, %arg11: memref<8x128x32xf32, #tpu.memory_space<vmem>>, %arg12: memref<10112x32xf32, #tpu.memory_space<vmem_shared>>, %arg13: memref<10112x32xf32, #tpu.memory_space<vmem_shared>>, %arg14: memref<!tpu.dma_semaphore, #tpu.memory_space<semaphore_mem>>, %arg15: memref<!tpu.dma_semaphore, #tpu.memory_space<semaphore_mem>>, %arg16: memref<!tpu.dma_semaphore, #tpu.memory_space<semaphore_mem>>) attributes {dimension_semantics = [#tpu.dimension_semantics<core_parallel>, #tpu.dimension_semantics<subcore_parallel>], iteration_bounds = array<i64: 2, 16>, scalar_prefetch = 0 : i64, scratch_operands = 9 : i64, tpu.core_type = #tpu.core_type<sc_vector_subcore>, window_params = [{transform_indices = #map}, {transform_indices = #map1}, {transform_indices = #map1}, {transform_indices = #map}, {transform_indices = #map}, {transform_indices = #map}]} {
    %mul3A = arith.constant 2 : i32
    %mul3A_0 = arith.muli %arg1, %mul3A : i32
    %add3A = arith.addi %mul3A_0, %arg0 : i32
    %mul3A_1 = arith.constant 632 : i32
    %mul3A_2 = arith.muli %arg1, %mul3A_1 : i32
    %mul3A_3 = arith.constant 632 : i32
    %mul3A_4 = arith.muli %arg1, %mul3A_3 : i32
    %dma_start3A = arith.constant 0 : i32
    %dma_start3A_5 = tpu.memref_slice %arg12[%mul3A_4, %dma_start3A] : memref<10112x32xf32, #tpu.memory_space<vmem_shared>> -> memref<632x32xf32, #tpu.memory_space<vmem_shared>>
    %dma_start3A_6 = arith.constant 0 : i32
    %dma_start3A_7 = tpu.memref_slice %arg5[%mul3A_2, %dma_start3A_6] : memref<10112x32xf32, #tpu.memory_space<hbm>> -> memref<632x32xf32, #tpu.memory_space<hbm>>
    tpu.enqueue_dma source(%dma_start3A_7 : memref<632x32xf32, #tpu.memory_space<hbm>>) target(%dma_start3A_5 : memref<632x32xf32, #tpu.memory_space<vmem_shared>>) target_semaphore(%arg14 : memref<!tpu.dma_semaphore, #tpu.memory_space<semaphore_mem>>)
    %mul3A_8 = arith.constant 632 : i32
    %mul3A_9 = arith.muli %arg1, %mul3A_8 : i32
    %mul3A_10 = arith.constant 632 : i32
    %mul3A_11 = arith.muli %arg1, %mul3A_10 : i32
    %dma_start3A_12 = arith.constant 0 : i32
    %dma_start3A_13 = tpu.memref_slice %arg13[%mul3A_11, %dma_start3A_12] : memref<10112x32xf32, #tpu.memory_space<vmem_shared>> -> memref<632x32xf32, #tpu.memory_space<vmem_shared>>
    %dma_start3A_14 = arith.constant 0 : i32
    %dma_start3A_15 = tpu.memref_slice %arg2[%mul3A_9, %dma_start3A_14] : memref<10112x32xf32, #tpu.memory_space<hbm>> -> memref<632x32xf32, #tpu.memory_space<hbm>>
    tpu.enqueue_dma source(%dma_start3A_15 : memref<632x32xf32, #tpu.memory_space<hbm>>) target(%dma_start3A_13 : memref<632x32xf32, #tpu.memory_space<vmem_shared>>) target_semaphore(%arg14 : memref<!tpu.dma_semaphore, #tpu.memory_space<semaphore_mem>>)
    %mul3A_16 = arith.constant 10000 : i32
    %mul3A_17 = arith.muli %add3A, %mul3A_16 : i32
    %dma_start3A_18 = arith.constant 0 : i32
    %dma_start3A_19 = tpu.memref_slice %arg8[%dma_start3A_18] : memref<10240xi32, #tpu.memory_space<vmem>> -> memref<10000xi32, #tpu.memory_space<vmem>>
    %dma_start3A_20 = tpu.memref_slice %arg3[%mul3A_17] : memref<320000xi32, #tpu.memory_space<hbm>> -> memref<10000xi32, #tpu.memory_space<hbm>>
    %dma_start3A_21 = arith.constant 0 : i32
    %dma_start3A_22 = tpu.memref_slice %arg8[%dma_start3A_21] : memref<10240xi32, #tpu.memory_space<vmem>> -> memref<10000xi32, #tpu.memory_space<vmem>>
    %dma_start3A_23 = tpu.memref_slice %arg3[%mul3A_17] : memref<320000xi32, #tpu.memory_space<hbm>> -> memref<10000xi32, #tpu.memory_space<hbm>>
    tpu.enqueue_dma source(%dma_start3A_23 : memref<10000xi32, #tpu.memory_space<hbm>>) target(%dma_start3A_22 : memref<10000xi32, #tpu.memory_space<vmem>>) target_semaphore(%arg15 : memref<!tpu.dma_semaphore, #tpu.memory_space<semaphore_mem>>)
    %mul3A_24 = arith.constant 10000 : i32
    %mul3A_25 = arith.muli %add3A, %mul3A_24 : i32
    %dma_start3A_26 = arith.constant 0 : i32
    %dma_start3A_27 = tpu.memref_slice %arg9[%dma_start3A_26] : memref<10240xi32, #tpu.memory_space<vmem>> -> memref<10000xi32, #tpu.memory_space<vmem>>
    %dma_start3A_28 = tpu.memref_slice %arg4[%mul3A_25] : memref<320000xi32, #tpu.memory_space<hbm>> -> memref<10000xi32, #tpu.memory_space<hbm>>
    %dma_start3A_29 = arith.constant 0 : i32
    %dma_start3A_30 = tpu.memref_slice %arg9[%dma_start3A_29] : memref<10240xi32, #tpu.memory_space<vmem>> -> memref<10000xi32, #tpu.memory_space<vmem>>
    %dma_start3A_31 = tpu.memref_slice %arg4[%mul3A_25] : memref<320000xi32, #tpu.memory_space<hbm>> -> memref<10000xi32, #tpu.memory_space<hbm>>
    tpu.enqueue_dma source(%dma_start3A_31 : memref<10000xi32, #tpu.memory_space<hbm>>) target(%dma_start3A_30 : memref<10000xi32, #tpu.memory_space<vmem>>) target_semaphore(%arg15 : memref<!tpu.dma_semaphore, #tpu.memory_space<semaphore_mem>>)
    %dma_wait3A = arith.constant 0 : i32
    %dma_wait3A_32 = tpu.memref_slice %arg8[%dma_wait3A] : memref<10240xi32, #tpu.memory_space<vmem>> -> memref<10000xi32, #tpu.memory_space<vmem>>
    %dma_wait3A_33 = tpu.memref_slice %arg3[%mul3A_17] : memref<320000xi32, #tpu.memory_space<hbm>> -> memref<10000xi32, #tpu.memory_space<hbm>>
    %dma_wait3A_34 = arith.constant 0 : i32
    %dma_wait3A_35 = tpu.memref_slice %arg8[%dma_wait3A_34] : memref<10240xi32, #tpu.memory_space<vmem>> -> memref<10000xi32, #tpu.memory_space<vmem>>
    %dma_wait3A_36 = tpu.memref_slice %arg3[%mul3A_17] : memref<320000xi32, #tpu.memory_space<hbm>> -> memref<10000xi32, #tpu.memory_space<hbm>>
    tpu.wait_dma2 semaphore(%arg15 : memref<!tpu.dma_semaphore, #tpu.memory_space<semaphore_mem>>) src(%dma_wait3A_36 : memref<10000xi32, #tpu.memory_space<hbm>>) dst(%dma_wait3A_35 : memref<10000xi32, #tpu.memory_space<vmem>>)
    %dma_wait3A_37 = arith.constant 0 : i32
    %dma_wait3A_38 = tpu.memref_slice %arg9[%dma_wait3A_37] : memref<10240xi32, #tpu.memory_space<vmem>> -> memref<10000xi32, #tpu.memory_space<vmem>>
    %dma_wait3A_39 = tpu.memref_slice %arg4[%mul3A_25] : memref<320000xi32, #tpu.memory_space<hbm>> -> memref<10000xi32, #tpu.memory_space<hbm>>
    %dma_wait3A_40 = arith.constant 0 : i32
    %dma_wait3A_41 = tpu.memref_slice %arg9[%dma_wait3A_40] : memref<10240xi32, #tpu.memory_space<vmem>> -> memref<10000xi32, #tpu.memory_space<vmem>>
    %dma_wait3A_42 = tpu.memref_slice %arg4[%mul3A_25] : memref<320000xi32, #tpu.memory_space<hbm>> -> memref<10000xi32, #tpu.memory_space<hbm>>
    tpu.wait_dma2 semaphore(%arg15 : memref<!tpu.dma_semaphore, #tpu.memory_space<semaphore_mem>>) src(%dma_wait3A_42 : memref<10000xi32, #tpu.memory_space<hbm>>) dst(%dma_wait3A_41 : memref<10000xi32, #tpu.memory_space<vmem>>)
    %broadcast_in_dim3A = arith.constant 10000 : i32
    %broadcast_in_dim3A_43 = vector.broadcast %broadcast_in_dim3A : i32 to vector<16xi32>
    %swap3A = arith.constant 10000 : index
    %swap3A_44 = tpu.vector_load %arg8[%swap3A] {strides = array<i32>} : memref<10240xi32, #tpu.memory_space<vmem>>, vector<16xi32>,
    %swap3A_45 = vector.shape_cast %swap3A_44 : vector<16xi32> to vector<16xi32>
    %swap3A_46 = vector.shape_cast %broadcast_in_dim3A_43 : vector<16xi32> to vector<16xi32>
    tpu.vector_store %arg8[%swap3A], %swap3A_46 {strides = array<i32>} : memref<10240xi32, #tpu.memory_space<vmem>>, vector<16xi32>,
    %swap3A_47 = arith.constant 10000 : index
    %swap3A_48 = tpu.vector_load %arg9[%swap3A_47] {strides = array<i32>} : memref<10240xi32, #tpu.memory_space<vmem>>, vector<16xi32>,
    %swap3A_49 = vector.shape_cast %swap3A_48 : vector<16xi32> to vector<16xi32>
    %swap3A_50 = vector.shape_cast %broadcast_in_dim3A_43 : vector<16xi32> to vector<16xi32>
    tpu.vector_store %arg9[%swap3A_47], %swap3A_50 {strides = array<i32>} : memref<10240xi32, #tpu.memory_space<vmem>>, vector<16xi32>,
    %swap3A_51 = arith.constant 10016 : index
    %swap3A_52 = tpu.vector_load %arg8[%swap3A_51] {strides = array<i32>} : memref<10240xi32, #tpu.memory_space<vmem>>, vector<16xi32>,
    %swap3A_53 = vector.shape_cast %swap3A_52 : vector<16xi32> to vector<16xi32>
    %swap3A_54 = vector.shape_cast %broadcast_in_dim3A_43 : vector<16xi32> to vector<16xi32>
    tpu.vector_store %arg8[%swap3A_51], %swap3A_54 {strides = array<i32>} : memref<10240xi32, #tpu.memory_space<vmem>>, vector<16xi32>,
    %swap3A_55 = arith.constant 10016 : index
    %swap3A_56 = tpu.vector_load %arg9[%swap3A_55] {strides = array<i32>} : memref<10240xi32, #tpu.memory_space<vmem>>, vector<16xi32>,
    %swap3A_57 = vector.shape_cast %swap3A_56 : vector<16xi32> to vector<16xi32>
    %swap3A_58 = vector.shape_cast %broadcast_in_dim3A_43 : vector<16xi32> to vector<16xi32>
    tpu.vector_store %arg9[%swap3A_55], %swap3A_58 {strides = array<i32>} : memref<10240xi32, #tpu.memory_space<vmem>>, vector<16xi32>,
    %swap3A_59 = arith.constant 10032 : index
    %swap3A_60 = tpu.vector_load %arg8[%swap3A_59] {strides = array<i32>} : memref<10240xi32, #tpu.memory_space<vmem>>, vector<16xi32>,
    %swap3A_61 = vector.shape_cast %swap3A_60 : vector<16xi32> to vector<16xi32>
    %swap3A_62 = vector.shape_cast %broadcast_in_dim3A_43 : vector<16xi32> to vector<16xi32>
    tpu.vector_store %arg8[%swap3A_59], %swap3A_62 {strides = array<i32>} : memref<10240xi32, #tpu.memory_space<vmem>>, vector<16xi32>,
    %swap3A_63 = arith.constant 10032 : index
    %swap3A_64 = tpu.vector_load %arg9[%swap3A_63] {strides = array<i32>} : memref<10240xi32, #tpu.memory_space<vmem>>, vector<16xi32>,
    %swap3A_65 = vector.shape_cast %swap3A_64 : vector<16xi32> to vector<16xi32>
    %swap3A_66 = vector.shape_cast %broadcast_in_dim3A_43 : vector<16xi32> to vector<16xi32>
    tpu.vector_store %arg9[%swap3A_63], %swap3A_66 {strides = array<i32>} : memref<10240xi32, #tpu.memory_space<vmem>>, vector<16xi32>,
    %swap3A_67 = arith.constant 10048 : index
    %swap3A_68 = tpu.vector_load %arg8[%swap3A_67] {strides = array<i32>} : memref<10240xi32, #tpu.memory_space<vmem>>, vector<16xi32>,
    %swap3A_69 = vector.shape_cast %swap3A_68 : vector<16xi32> to vector<16xi32>
    %swap3A_70 = vector.shape_cast %broadcast_in_dim3A_43 : vector<16xi32> to vector<16xi32>
    tpu.vector_store %arg8[%swap3A_67], %swap3A_70 {strides = array<i32>} : memref<10240xi32, #tpu.memory_space<vmem>>, vector<16xi32>,
    %swap3A_71 = arith.constant 10048 : index
    %swap3A_72 = tpu.vector_load %arg9[%swap3A_71] {strides = array<i32>} : memref<10240xi32, #tpu.memory_space<vmem>>, vector<16xi32>,
    %swap3A_73 = vector.shape_cast %swap3A_72 : vector<16xi32> to vector<16xi32>
    %swap3A_74 = vector.shape_cast %broadcast_in_dim3A_43 : vector<16xi32> to vector<16xi32>
    tpu.vector_store %arg9[%swap3A_71], %swap3A_74 {strides = array<i32>} : memref<10240xi32, #tpu.memory_space<vmem>>, vector<16xi32>,
    %swap3A_75 = arith.constant 10064 : index
    %swap3A_76 = tpu.vector_load %arg8[%swap3A_75] {strides = array<i32>} : memref<10240xi32, #tpu.memory_space<vmem>>, vector<16xi32>,
    %swap3A_77 = vector.shape_cast %swap3A_76 : vector<16xi32> to vector<16xi32>
    %swap3A_78 = vector.shape_cast %broadcast_in_dim3A_43 : vector<16xi32> to vector<16xi32>
    tpu.vector_store %arg8[%swap3A_75], %swap3A_78 {strides = array<i32>} : memref<10240xi32, #tpu.memory_space<vmem>>, vector<16xi32>,
    %swap3A_79 = arith.constant 10064 : index
    %swap3A_80 = tpu.vector_load %arg9[%swap3A_79] {strides = array<i32>} : memref<10240xi32, #tpu.memory_space<vmem>>, vector<16xi32>,
    %swap3A_81 = vector.shape_cast %swap3A_80 : vector<16xi32> to vector<16xi32>
    %swap3A_82 = vector.shape_cast %broadcast_in_dim3A_43 : vector<16xi32> to vector<16xi32>
    tpu.vector_store %arg9[%swap3A_79], %swap3A_82 {strides = array<i32>} : memref<10240xi32, #tpu.memory_space<vmem>>, vector<16xi32>,
    %swap3A_83 = arith.constant 10080 : index
    %swap3A_84 = tpu.vector_load %arg8[%swap3A_83] {strides = array<i32>} : memref<10240xi32, #tpu.memory_space<vmem>>, vector<16xi32>,
    %swap3A_85 = vector.shape_cast %swap3A_84 : vector<16xi32> to vector<16xi32>
    %swap3A_86 = vector.shape_cast %broadcast_in_dim3A_43 : vector<16xi32> to vector<16xi32>
    tpu.vector_store %arg8[%swap3A_83], %swap3A_86 {strides = array<i32>} : memref<10240xi32, #tpu.memory_space<vmem>>, vector<16xi32>,
    %swap3A_87 = arith.constant 10080 : index
    %swap3A_88 = tpu.vector_load %arg9[%swap3A_87] {strides = array<i32>} : memref<10240xi32, #tpu.memory_space<vmem>>, vector<16xi32>,
    %swap3A_89 = vector.shape_cast %swap3A_88 : vector<16xi32> to vector<16xi32>
    %swap3A_90 = vector.shape_cast %broadcast_in_dim3A_43 : vector<16xi32> to vector<16xi32>
    tpu.vector_store %arg9[%swap3A_87], %swap3A_90 {strides = array<i32>} : memref<10240xi32, #tpu.memory_space<vmem>>, vector<16xi32>,
    %swap3A_91 = arith.constant 10096 : index
    %swap3A_92 = tpu.vector_load %arg8[%swap3A_91] {strides = array<i32>} : memref<10240xi32, #tpu.memory_space<vmem>>, vector<16xi32>,
    %swap3A_93 = vector.shape_cast %swap3A_92 : vector<16xi32> to vector<16xi32>
    %swap3A_94 = vector.shape_cast %broadcast_in_dim3A_43 : vector<16xi32> to vector<16xi32>
    tpu.vector_store %arg8[%swap3A_91], %swap3A_94 {strides = array<i32>} : memref<10240xi32, #tpu.memory_space<vmem>>, vector<16xi32>,
    %swap3A_95 = arith.constant 10096 : index
    %swap3A_96 = tpu.vector_load %arg9[%swap3A_95] {strides = array<i32>} : memref<10240xi32, #tpu.memory_space<vmem>>, vector<16xi32>,
    %swap3A_97 = vector.shape_cast %swap3A_96 : vector<16xi32> to vector<16xi32>
    %swap3A_98 = vector.shape_cast %broadcast_in_dim3A_43 : vector<16xi32> to vector<16xi32>
    tpu.vector_store %arg9[%swap3A_95], %swap3A_98 {strides = array<i32>} : memref<10240xi32, #tpu.memory_space<vmem>>, vector<16xi32>,
    %swap3A_99 = arith.constant 10112 : index
    %swap3A_100 = tpu.vector_load %arg8[%swap3A_99] {strides = array<i32>} : memref<10240xi32, #tpu.memory_space<vmem>>, vector<16xi32>,
    %swap3A_101 = vector.shape_cast %swap3A_100 : vector<16xi32> to vector<16xi32>
    %swap3A_102 = vector.shape_cast %broadcast_in_dim3A_43 : vector<16xi32> to vector<16xi32>
    tpu.vector_store %arg8[%swap3A_99], %swap3A_102 {strides = array<i32>} : memref<10240xi32, #tpu.memory_space<vmem>>, vector<16xi32>,
    %swap3A_103 = arith.constant 10112 : index
    %swap3A_104 = tpu.vector_load %arg9[%swap3A_103] {strides = array<i32>} : memref<10240xi32, #tpu.memory_space<vmem>>, vector<16xi32>,
    %swap3A_105 = vector.shape_cast %swap3A_104 : vector<16xi32> to vector<16xi32>
    %swap3A_106 = vector.shape_cast %broadcast_in_dim3A_43 : vector<16xi32> to vector<16xi32>
    tpu.vector_store %arg9[%swap3A_103], %swap3A_106 {strides = array<i32>} : memref<10240xi32, #tpu.memory_space<vmem>>, vector<16xi32>,
    %swap3A_107 = arith.constant 10128 : index
    %swap3A_108 = tpu.vector_load %arg8[%swap3A_107] {strides = array<i32>} : memref<10240xi32, #tpu.memory_space<vmem>>, vector<16xi32>,
    %swap3A_109 = vector.shape_cast %swap3A_108 : vector<16xi32> to vector<16xi32>
    %swap3A_110 = vector.shape_cast %broadcast_in_dim3A_43 : vector<16xi32> to vector<16xi32>
    tpu.vector_store %arg8[%swap3A_107], %swap3A_110 {strides = array<i32>} : memref<10240xi32, #tpu.memory_space<vmem>>, vector<16xi32>,
    %swap3A_111 = arith.constant 10128 : index
    %swap3A_112 = tpu.vector_load %arg9[%swap3A_111] {strides = array<i32>} : memref<10240xi32, #tpu.memory_space<vmem>>, vector<16xi32>,
    %swap3A_113 = vector.shape_cast %swap3A_112 : vector<16xi32> to vector<16xi32>
    %swap3A_114 = vector.shape_cast %broadcast_in_dim3A_43 : vector<16xi32> to vector<16xi32>
    tpu.vector_store %arg9[%swap3A_111], %swap3A_114 {strides = array<i32>} : memref<10240xi32, #tpu.memory_space<vmem>>, vector<16xi32>,
    %swap3A_115 = arith.constant 10144 : index
    %swap3A_116 = tpu.vector_load %arg8[%swap3A_115] {strides = array<i32>} : memref<10240xi32, #tpu.memory_space<vmem>>, vector<16xi32>,
    %swap3A_117 = vector.shape_cast %swap3A_116 : vector<16xi32> to vector<16xi32>
    %swap3A_118 = vector.shape_cast %broadcast_in_dim3A_43 : vector<16xi32> to vector<16xi32>
    tpu.vector_store %arg8[%swap3A_115], %swap3A_118 {strides = array<i32>} : memref<10240xi32, #tpu.memory_space<vmem>>, vector<16xi32>,
    %swap3A_119 = arith.constant 10144 : index
    %swap3A_120 = tpu.vector_load %arg9[%swap3A_119] {strides = array<i32>} : memref<10240xi32, #tpu.memory_space<vmem>>, vector<16xi32>,
    %swap3A_121 = vector.shape_cast %swap3A_120 : vector<16xi32> to vector<16xi32>
    %swap3A_122 = vector.shape_cast %broadcast_in_dim3A_43 : vector<16xi32> to vector<16xi32>
    tpu.vector_store %arg9[%swap3A_119], %swap3A_122 {strides = array<i32>} : memref<10240xi32, #tpu.memory_space<vmem>>, vector<16xi32>,
    %swap3A_123 = arith.constant 10160 : index
    %swap3A_124 = tpu.vector_load %arg8[%swap3A_123] {strides = array<i32>} : memref<10240xi32, #tpu.memory_space<vmem>>, vector<16xi32>,
    %swap3A_125 = vector.shape_cast %swap3A_124 : vector<16xi32> to vector<16xi32>
    %swap3A_126 = vector.shape_cast %broadcast_in_dim3A_43 : vector<16xi32> to vector<16xi32>
    tpu.vector_store %arg8[%swap3A_123], %swap3A_126 {strides = array<i32>} : memref<10240xi32, #tpu.memory_space<vmem>>, vector<16xi32>,
    %swap3A_127 = arith.constant 10160 : index
    %swap3A_128 = tpu.vector_load %arg9[%swap3A_127] {strides = array<i32>} : memref<10240xi32, #tpu.memory_space<vmem>>, vector<16xi32>,
    %swap3A_129 = vector.shape_cast %swap3A_128 : vector<16xi32> to vector<16xi32>
    %swap3A_130 = vector.shape_cast %broadcast_in_dim3A_43 : vector<16xi32> to vector<16xi32>
    tpu.vector_store %arg9[%swap3A_127], %swap3A_130 {strides = array<i32>} : memref<10240xi32, #tpu.memory_space<vmem>>, vector<16xi32>,
    %swap3A_131 = arith.constant 10176 : index
    %swap3A_132 = tpu.vector_load %arg8[%swap3A_131] {strides = array<i32>} : memref<10240xi32, #tpu.memory_space<vmem>>, vector<16xi32>,
    %swap3A_133 = vector.shape_cast %swap3A_132 : vector<16xi32> to vector<16xi32>
    %swap3A_134 = vector.shape_cast %broadcast_in_dim3A_43 : vector<16xi32> to vector<16xi32>
    tpu.vector_store %arg8[%swap3A_131], %swap3A_134 {strides = array<i32>} : memref<10240xi32, #tpu.memory_space<vmem>>, vector<16xi32>,
    %swap3A_135 = arith.constant 10176 : index
    %swap3A_136 = tpu.vector_load %arg9[%swap3A_135] {strides = array<i32>} : memref<10240xi32, #tpu.memory_space<vmem>>, vector<16xi32>,
    %swap3A_137 = vector.shape_cast %swap3A_136 : vector<16xi32> to vector<16xi32>
    %swap3A_138 = vector.shape_cast %broadcast_in_dim3A_43 : vector<16xi32> to vector<16xi32>
    tpu.vector_store %arg9[%swap3A_135], %swap3A_138 {strides = array<i32>} : memref<10240xi32, #tpu.memory_space<vmem>>, vector<16xi32>,
    %swap3A_139 = arith.constant 10192 : index
    %swap3A_140 = tpu.vector_load %arg8[%swap3A_139] {strides = array<i32>} : memref<10240xi32, #tpu.memory_space<vmem>>, vector<16xi32>,
    %swap3A_141 = vector.shape_cast %swap3A_140 : vector<16xi32> to vector<16xi32>
    %swap3A_142 = vector.shape_cast %broadcast_in_dim3A_43 : vector<16xi32> to vector<16xi32>
    tpu.vector_store %arg8[%swap3A_139], %swap3A_142 {strides = array<i32>} : memref<10240xi32, #tpu.memory_space<vmem>>, vector<16xi32>,
    %swap3A_143 = arith.constant 10192 : index
    %swap3A_144 = tpu.vector_load %arg9[%swap3A_143] {strides = array<i32>} : memref<10240xi32, #tpu.memory_space<vmem>>, vector<16xi32>,
    %swap3A_145 = vector.shape_cast %swap3A_144 : vector<16xi32> to vector<16xi32>
    %swap3A_146 = vector.shape_cast %broadcast_in_dim3A_43 : vector<16xi32> to vector<16xi32>
    tpu.vector_store %arg9[%swap3A_143], %swap3A_146 {strides = array<i32>} : memref<10240xi32, #tpu.memory_space<vmem>>, vector<16xi32>,
    %swap3A_147 = arith.constant 10208 : index
    %swap3A_148 = tpu.vector_load %arg8[%swap3A_147] {strides = array<i32>} : memref<10240xi32, #tpu.memory_space<vmem>>, vector<16xi32>,
    %swap3A_149 = vector.shape_cast %swap3A_148 : vector<16xi32> to vector<16xi32>
    %swap3A_150 = vector.shape_cast %broadcast_in_dim3A_43 : vector<16xi32> to vector<16xi32>
    tpu.vector_store %arg8[%swap3A_147], %swap3A_150 {strides = array<i32>} : memref<10240xi32, #tpu.memory_space<vmem>>, vector<16xi32>,
    %swap3A_151 = arith.constant 10208 : index
    %swap3A_152 = tpu.vector_load %arg9[%swap3A_151] {strides = array<i32>} : memref<10240xi32, #tpu.memory_space<vmem>>, vector<16xi32>,
    %swap3A_153 = vector.shape_cast %swap3A_152 : vector<16xi32> to vector<16xi32>
    %swap3A_154 = vector.shape_cast %broadcast_in_dim3A_43 : vector<16xi32> to vector<16xi32>
    tpu.vector_store %arg9[%swap3A_151], %swap3A_154 {strides = array<i32>} : memref<10240xi32, #tpu.memory_space<vmem>>, vector<16xi32>,
    %swap3A_155 = arith.constant 10224 : index
    %swap3A_156 = tpu.vector_load %arg8[%swap3A_155] {strides = array<i32>} : memref<10240xi32, #tpu.memory_space<vmem>>, vector<16xi32>,
    %swap3A_157 = vector.shape_cast %swap3A_156 : vector<16xi32> to vector<16xi32>
    %swap3A_158 = vector.shape_cast %broadcast_in_dim3A_43 : vector<16xi32> to vector<16xi32>
    tpu.vector_store %arg8[%swap3A_155], %swap3A_158 {strides = array<i32>} : memref<10240xi32, #tpu.memory_space<vmem>>, vector<16xi32>,
    %swap3A_159 = arith.constant 10224 : index
    %swap3A_160 = tpu.vector_load %arg9[%swap3A_159] {strides = array<i32>} : memref<10240xi32, #tpu.memory_space<vmem>>, vector<16xi32>,
    %swap3A_161 = vector.shape_cast %swap3A_160 : vector<16xi32> to vector<16xi32>
    %swap3A_162 = vector.shape_cast %broadcast_in_dim3A_43 : vector<16xi32> to vector<16xi32>
    tpu.vector_store %arg9[%swap3A_159], %swap3A_162 {strides = array<i32>} : memref<10240xi32, #tpu.memory_space<vmem>>, vector<16xi32>,
    %dma_wait3A_163 = arith.constant 0 : i32
    %dma_wait3A_164 = tpu.memref_slice %arg12[%mul3A_4, %dma_wait3A_163] : memref<10112x32xf32, #tpu.memory_space<vmem_shared>> -> memref<632x32xf32, #tpu.memory_space<vmem_shared>>
    %dma_wait3A_165 = arith.constant 0 : i32
    %dma_wait3A_166 = tpu.memref_slice %arg5[%mul3A_2, %dma_wait3A_165] : memref<10112x32xf32, #tpu.memory_space<hbm>> -> memref<632x32xf32, #tpu.memory_space<hbm>>
    tpu.wait_dma2 semaphore(%arg14 : memref<!tpu.dma_semaphore, #tpu.memory_space<semaphore_mem>>) src(%dma_wait3A_166 : memref<632x32xf32, #tpu.memory_space<hbm>>) dst(%dma_wait3A_164 : memref<632x32xf32, #tpu.memory_space<vmem_shared>>)
    %dma_wait3A_167 = arith.constant 0 : i32
    %dma_wait3A_168 = tpu.memref_slice %arg13[%mul3A_11, %dma_wait3A_167] : memref<10112x32xf32, #tpu.memory_space<vmem_shared>> -> memref<632x32xf32, #tpu.memory_space<vmem_shared>>
    %dma_wait3A_169 = arith.constant 0 : i32
    %dma_wait3A_170 = tpu.memref_slice %arg2[%mul3A_9, %dma_wait3A_169] : memref<10112x32xf32, #tpu.memory_space<hbm>> -> memref<632x32xf32, #tpu.memory_space<hbm>>
    tpu.wait_dma2 semaphore(%arg14 : memref<!tpu.dma_semaphore, #tpu.memory_space<semaphore_mem>>) src(%dma_wait3A_170 : memref<632x32xf32, #tpu.memory_space<hbm>>) dst(%dma_wait3A_168 : memref<632x32xf32, #tpu.memory_space<vmem_shared>>)
    %barrier3A = arith.constant 0 : index
    tpu.barrier barrier_id(%barrier3A)
    %dma_start3A_171 = arith.constant 0 : i32
    %dma_start3A_172 = arith.constant 0 : i32
    %dma_start3A_173 = arith.constant 0 : i32
    %dma_start3A_174 = tpu.memref_slice %arg11[%dma_start3A_171, %dma_start3A_172, %dma_start3A_173] : memref<8x128x32xf32, #tpu.memory_space<vmem>> -> memref<1x128x32xf32, #tpu.memory_space<vmem>>
    %dma_start3A_175 = tpu.memref_squeeze %dma_start3A_174 : memref<1x128x32xf32, #tpu.memory_space<vmem>> -> memref<128x32xf32, #tpu.memory_space<vmem>>
    %dma_start3A_176 = arith.constant 0 : i32
    %dma_start3A_177 = tpu.memref_slice %arg8[%dma_start3A_176] : memref<10240xi32, #tpu.memory_space<vmem>> -> memref<128xi32, #tpu.memory_space<vmem>>
    %dma_start3A_178 = arith.constant 0 : i32
    %dma_start3A_179 = arith.constant 0 : i32
    %dma_start3A_180 = tpu.memref_slice %arg13[%dma_start3A_178, %dma_start3A_179] : memref<10112x32xf32, #tpu.memory_space<vmem_shared>> -> memref<10112x32xf32, #tpu.memory_space<vmem_shared>>
    tpu.enqueue_indirect_dma source(%dma_start3A_180 : memref<10112x32xf32, #tpu.memory_space<vmem_shared>>) target(%dma_start3A_175 : memref<128x32xf32, #tpu.memory_space<vmem>>) offsets(%dma_start3A_177 : memref<128xi32, #tpu.memory_space<vmem>>) semaphore(%arg14 : memref<!tpu.dma_semaphore, #tpu.memory_space<semaphore_mem>>)
    %dma_start3A_181 = arith.constant 1 : i32
    %dma_start3A_182 = arith.constant 0 : i32
    %dma_start3A_183 = arith.constant 0 : i32
    %dma_start3A_184 = tpu.memref_slice %arg11[%dma_start3A_181, %dma_start3A_182, %dma_start3A_183] : memref<8x128x32xf32, #tpu.memory_space<vmem>> -> memref<1x128x32xf32, #tpu.memory_space<vmem>>
    %dma_start3A_185 = tpu.memref_squeeze %dma_start3A_184 : memref<1x128x32xf32, #tpu.memory_space<vmem>> -> memref<128x32xf32, #tpu.memory_space<vmem>>
    %dma_start3A_186 = arith.constant 128 : i32
    %dma_start3A_187 = tpu.memref_slice %arg8[%dma_start3A_186] : memref<10240xi32, #tpu.memory_space<vmem>> -> memref<128xi32, #tpu.memory_space<vmem>>
    %dma_start3A_188 = arith.constant 0 : i32
    %dma_start3A_189 = arith.constant 0 : i32
    %dma_start3A_190 = tpu.memref_slice %arg13[%dma_start3A_188, %dma_start3A_189] : memref<10112x32xf32, #tpu.memory_space<vmem_shared>> -> memref<10112x32xf32, #tpu.memory_space<vmem_shared>>
    tpu.enqueue_indirect_dma source(%dma_start3A_190 : memref<10112x32xf32, #tpu.memory_space<vmem_shared>>) target(%dma_start3A_185 : memref<128x32xf32, #tpu.memory_space<vmem>>) offsets(%dma_start3A_187 : memref<128xi32, #tpu.memory_space<vmem>>) semaphore(%arg14 : memref<!tpu.dma_semaphore, #tpu.memory_space<semaphore_mem>>)
    %dma_start3A_191 = arith.constant 2 : i32
    %dma_start3A_192 = arith.constant 0 : i32
    %dma_start3A_193 = arith.constant 0 : i32
    %dma_start3A_194 = tpu.memref_slice %arg11[%dma_start3A_191, %dma_start3A_192, %dma_start3A_193] : memref<8x128x32xf32, #tpu.memory_space<vmem>> -> memref<1x128x32xf32, #tpu.memory_space<vmem>>
    %dma_start3A_195 = tpu.memref_squeeze %dma_start3A_194 : memref<1x128x32xf32, #tpu.memory_space<vmem>> -> memref<128x32xf32, #tpu.memory_space<vmem>>
    %dma_start3A_196 = arith.constant 256 : i32
    %dma_start3A_197 = tpu.memref_slice %arg8[%dma_start3A_196] : memref<10240xi32, #tpu.memory_space<vmem>> -> memref<128xi32, #tpu.memory_space<vmem>>
    %dma_start3A_198 = arith.constant 0 : i32
    %dma_start3A_199 = arith.constant 0 : i32
    %dma_start3A_200 = tpu.memref_slice %arg13[%dma_start3A_198, %dma_start3A_199] : memref<10112x32xf32, #tpu.memory_space<vmem_shared>> -> memref<10112x32xf32, #tpu.memory_space<vmem_shared>>
    tpu.enqueue_indirect_dma source(%dma_start3A_200 : memref<10112x32xf32, #tpu.memory_space<vmem_shared>>) target(%dma_start3A_195 : memref<128x32xf32, #tpu.memory_space<vmem>>) offsets(%dma_start3A_197 : memref<128xi32, #tpu.memory_space<vmem>>) semaphore(%arg14 : memref<!tpu.dma_semaphore, #tpu.memory_space<semaphore_mem>>)
    %dma_start3A_201 = arith.constant 3 : i32
    %dma_start3A_202 = arith.constant 0 : i32
    %dma_start3A_203 = arith.constant 0 : i32
    %dma_start3A_204 = tpu.memref_slice %arg11[%dma_start3A_201, %dma_start3A_202, %dma_start3A_203] : memref<8x128x32xf32, #tpu.memory_space<vmem>> -> memref<1x128x32xf32, #tpu.memory_space<vmem>>
    %dma_start3A_205 = tpu.memref_squeeze %dma_start3A_204 : memref<1x128x32xf32, #tpu.memory_space<vmem>> -> memref<128x32xf32, #tpu.memory_space<vmem>>
    %dma_start3A_206 = arith.constant 384 : i32
    %dma_start3A_207 = tpu.memref_slice %arg8[%dma_start3A_206] : memref<10240xi32, #tpu.memory_space<vmem>> -> memref<128xi32, #tpu.memory_space<vmem>>
    %dma_start3A_208 = arith.constant 0 : i32
    %dma_start3A_209 = arith.constant 0 : i32
    %dma_start3A_210 = tpu.memref_slice %arg13[%dma_start3A_208, %dma_start3A_209] : memref<10112x32xf32, #tpu.memory_space<vmem_shared>> -> memref<10112x32xf32, #tpu.memory_space<vmem_shared>>
    tpu.enqueue_indirect_dma source(%dma_start3A_210 : memref<10112x32xf32, #tpu.memory_space<vmem_shared>>) target(%dma_start3A_205 : memref<128x32xf32, #tpu.memory_space<vmem>>) offsets(%dma_start3A_207 : memref<128xi32, #tpu.memory_space<vmem>>) semaphore(%arg14 : memref<!tpu.dma_semaphore, #tpu.memory_space<semaphore_mem>>)
    %scan3A = arith.constant 0 : i32
    %scan3A_211 = arith.constant 0 : i32
    %scan3A_212 = arith.constant 10 : i32
    %scan3A_213 = arith.addi %scan3A_211, %scan3A_212 : i32
    %scan3A_214 = arith.constant 1 : i32
    scf.for %scan3A_224 = %scan3A_211 to %scan3A_213 step %scan3A_214  : i32 {
      %mul3A_225 = arith.constant 2 : i32
      %mul3A_226 = arith.muli %mul3A_225, %scan3A_224 : i32
      %mul3A_227 = arith.constant 4 : i32
      %mul3A_228 = arith.muli %mul3A_226, %mul3A_227 : i32
      %add3A_229 = arith.constant 4 : i32
      %add3A_230 = arith.addi %mul3A_228, %add3A_229 : i32
      %add3A_231 = arith.constant 0 : i32
      %add3A_232 = arith.addi %add3A_230, %add3A_231 : i32
      %mul3A_233 = arith.constant 128 : i32
      %mul3A_234 = arith.muli %add3A_232, %mul3A_233 : i32
      %dma_start3A_235 = arith.constant 4 : i32
      %dma_start3A_236 = arith.constant 0 : i32
      %dma_start3A_237 = arith.constant 0 : i32
      %dma_start3A_238 = tpu.memref_slice %arg11[%dma_start3A_235, %dma_start3A_236, %dma_start3A_237] : memref<8x128x32xf32, #tpu.memory_space<vmem>> -> memref<1x128x32xf32, #tpu.memory_space<vmem>>
      %dma_start3A_239 = tpu.memref_squeeze %dma_start3A_238 : memref<1x128x32xf32, #tpu.memory_space<vmem>> -> memref<128x32xf32, #tpu.memory_space<vmem>>
      %dma_start3A_240 = tpu.memref_slice %arg8[%mul3A_234] : memref<10240xi32, #tpu.memory_space<vmem>> -> memref<128xi32, #tpu.memory_space<vmem>>
      %dma_start3A_241 = arith.constant 0 : i32
      %dma_start3A_242 = arith.constant 0 : i32
      %dma_start3A_243 = tpu.memref_slice %arg13[%dma_start3A_241, %dma_start3A_242] : memref<10112x32xf32, #tpu.memory_space<vmem_shared>> -> memref<10112x32xf32, #tpu.memory_space<vmem_shared>>
      tpu.enqueue_indirect_dma source(%dma_start3A_243 : memref<10112x32xf32, #tpu.memory_space<vmem_shared>>) target(%dma_start3A_239 : memref<128x32xf32, #tpu.memory_space<vmem>>) offsets(%dma_start3A_240 : memref<128xi32, #tpu.memory_space<vmem>>) semaphore(%arg15 : memref<!tpu.dma_semaphore, #tpu.memory_space<semaphore_mem>>)
      %add3A_244 = arith.constant 1 : i32
      %add3A_245 = arith.addi %add3A_230, %add3A_244 : i32
      %mul3A_246 = arith.constant 128 : i32
      %mul3A_247 = arith.muli %add3A_245, %mul3A_246 : i32
      %dma_start3A_248 = arith.constant 5 : i32
      %dma_start3A_249 = arith.constant 0 : i32
      %dma_start3A_250 = arith.constant 0 : i32
      %dma_start3A_251 = tpu.memref_slice %arg11[%dma_start3A_248, %dma_start3A_249, %dma_start3A_250] : memref<8x128x32xf32, #tpu.memory_space<vmem>> -> memref<1x128x32xf32, #tpu.memory_space<vmem>>
      %dma_start3A_252 = tpu.memref_squeeze %dma_start3A_251 : memref<1x128x32xf32, #tpu.memory_space<vmem>> -> memref<128x32xf32, #tpu.memory_space<vmem>>
      %dma_start3A_253 = tpu.memref_slice %arg8[%mul3A_247] : memref<10240xi32, #tpu.memory_space<vmem>> -> memref<128xi32, #tpu.memory_space<vmem>>
      %dma_start3A_254 = arith.constant 0 : i32
      %dma_start3A_255 = arith.constant 0 : i32
      %dma_start3A_256 = tpu.memref_slice %arg13[%dma_start3A_254, %dma_start3A_255] : memref<10112x32xf32, #tpu.memory_space<vmem_shared>> -> memref<10112x32xf32, #tpu.memory_space<vmem_shared>>
      tpu.enqueue_indirect_dma source(%dma_start3A_256 : memref<10112x32xf32, #tpu.memory_space<vmem_shared>>) target(%dma_start3A_252 : memref<128x32xf32, #tpu.memory_space<vmem>>) offsets(%dma_start3A_253 : memref<128xi32, #tpu.memory_space<vmem>>) semaphore(%arg15 : memref<!tpu.dma_semaphore, #tpu.memory_space<semaphore_mem>>)
      %add3A_257 = arith.constant 2 : i32
      %add3A_258 = arith.addi %add3A_230, %add3A_257 : i32
      %mul3A_259 = arith.constant 128 : i32
      %mul3A_260 = arith.muli %add3A_258, %mul3A_259 : i32
      %dma_start3A_261 = arith.constant 6 : i32
      %dma_start3A_262 = arith.constant 0 : i32
      %dma_start3A_263 = arith.constant 0 : i32
      %dma_start3A_264 = tpu.memref_slice %arg11[%dma_start3A_261, %dma_start3A_262, %dma_start3A_263] : memref<8x128x32xf32, #tpu.memory_space<vmem>> -> memref<1x128x32xf32, #tpu.memory_space<vmem>>
      %dma_start3A_265 = tpu.memref_squeeze %dma_start3A_264 : memref<1x128x32xf32, #tpu.memory_space<vmem>> -> memref<128x32xf32, #tpu.memory_space<vmem>>
      %dma_start3A_266 = tpu.memref_slice %arg8[%mul3A_260] : memref<10240xi32, #tpu.memory_space<vmem>> -> memref<128xi32, #tpu.memory_space<vmem>>
      %dma_start3A_267 = arith.constant 0 : i32
      %dma_start3A_268 = arith.constant 0 : i32
      %dma_start3A_269 = tpu.memref_slice %arg13[%dma_start3A_267, %dma_start3A_268] : memref<10112x32xf32, #tpu.memory_space<vmem_shared>> -> memref<10112x32xf32, #tpu.memory_space<vmem_shared>>
      tpu.enqueue_indirect_dma source(%dma_start3A_269 : memref<10112x32xf32, #tpu.memory_space<vmem_shared>>) target(%dma_start3A_265 : memref<128x32xf32, #tpu.memory_space<vmem>>) offsets(%dma_start3A_266 : memref<128xi32, #tpu.memory_space<vmem>>) semaphore(%arg15 : memref<!tpu.dma_semaphore, #tpu.memory_space<semaphore_mem>>)
      %add3A_270 = arith.constant 3 : i32
      %add3A_271 = arith.addi %add3A_230, %add3A_270 : i32
      %mul3A_272 = arith.constant 128 : i32
      %mul3A_273 = arith.muli %add3A_271, %mul3A_272 : i32
      %dma_start3A_274 = arith.constant 7 : i32
      %dma_start3A_275 = arith.constant 0 : i32
      %dma_start3A_276 = arith.constant 0 : i32
      %dma_start3A_277 = tpu.memref_slice %arg11[%dma_start3A_274, %dma_start3A_275, %dma_start3A_276] : memref<8x128x32xf32, #tpu.memory_space<vmem>> -> memref<1x128x32xf32, #tpu.memory_space<vmem>>
      %dma_start3A_278 = tpu.memref_squeeze %dma_start3A_277 : memref<1x128x32xf32, #tpu.memory_space<vmem>> -> memref<128x32xf32, #tpu.memory_space<vmem>>
      %dma_start3A_279 = tpu.memref_slice %arg8[%mul3A_273] : memref<10240xi32, #tpu.memory_space<vmem>> -> memref<128xi32, #tpu.memory_space<vmem>>
      %dma_start3A_280 = arith.constant 0 : i32
      %dma_start3A_281 = arith.constant 0 : i32
      %dma_start3A_282 = tpu.memref_slice %arg13[%dma_start3A_280, %dma_start3A_281] : memref<10112x32xf32, #tpu.memory_space<vmem_shared>> -> memref<10112x32xf32, #tpu.memory_space<vmem_shared>>
      tpu.enqueue_indirect_dma source(%dma_start3A_282 : memref<10112x32xf32, #tpu.memory_space<vmem_shared>>) target(%dma_start3A_278 : memref<128x32xf32, #tpu.memory_space<vmem>>) offsets(%dma_start3A_279 : memref<128xi32, #tpu.memory_space<vmem>>) semaphore(%arg15 : memref<!tpu.dma_semaphore, #tpu.memory_space<semaphore_mem>>)
      %add3A_283 = arith.constant 0 : i32
      %add3A_284 = arith.addi %mul3A_228, %add3A_283 : i32
      %mul3A_285 = arith.constant 128 : i32
      %mul3A_286 = arith.muli %add3A_284, %mul3A_285 : i32
      %add3A_287 = arith.constant 0 : i32
      %add3A_288 = arith.addi %mul3A_286, %add3A_287 : i32
      %get3A = arith.index_cast %add3A_288 : i32 to index
      %get3A_289 = tpu.vector_load %arg9[%get3A] {strides = array<i32>} : memref<10240xi32, #tpu.memory_space<vmem>>, vector<16xi32>,
      %get3A_290 = vector.shape_cast %get3A_289 : vector<16xi32> to vector<16xi32>
      %add3A_291 = arith.constant 0 : i32
      %add3A_292 = arith.addi %mul3A_228, %add3A_291 : i32
      %swap3A_293 = arith.index_cast %add3A_292 : i32 to index
      %swap3A_294 = arith.constant 0 : index
      %swap3A_295 = tpu.vector_load %arg10[%swap3A_293, %swap3A_294] {strides = array<i32>} : memref<80x128xi32, #tpu.memory_space<vmem>>, vector<1x16xi32>,
      %swap3A_296 = vector.shape_cast %swap3A_295 : vector<1x16xi32> to vector<16xi32>
      %swap3A_297 = vector.shape_cast %get3A_290 : vector<16xi32> to vector<1x16xi32>
      tpu.vector_store %arg10[%swap3A_293, %swap3A_294], %swap3A_297 {strides = array<i32>} : memref<80x128xi32, #tpu.memory_space<vmem>>, vector<1x16xi32>,
      %add3A_298 = arith.constant 0 : i32
      %add3A_299 = arith.addi %mul3A_228, %add3A_298 : i32
      %mul3A_300 = arith.constant 128 : i32
      %mul3A_301 = arith.muli %add3A_299, %mul3A_300 : i32
      %add3A_302 = arith.constant 16 : i32
      %add3A_303 = arith.addi %mul3A_301, %add3A_302 : i32
      %get3A_304 = arith.index_cast %add3A_303 : i32 to index
      %get3A_305 = tpu.vector_load %arg9[%get3A_304] {strides = array<i32>} : memref<10240xi32, #tpu.memory_space<vmem>>, vector<16xi32>,
      %get3A_306 = vector.shape_cast %get3A_305 : vector<16xi32> to vector<16xi32>
      %add3A_307 = arith.constant 0 : i32
      %add3A_308 = arith.addi %mul3A_228, %add3A_307 : i32
      %swap3A_309 = arith.index_cast %add3A_308 : i32 to index
      %swap3A_310 = arith.constant 16 : index
      %swap3A_311 = tpu.vector_load %arg10[%swap3A_309, %swap3A_310] {strides = array<i32>} : memref<80x128xi32, #tpu.memory_space<vmem>>, vector<1x16xi32>,
      %swap3A_312 = vector.shape_cast %swap3A_311 : vector<1x16xi32> to vector<16xi32>
      %swap3A_313 = vector.shape_cast %get3A_306 : vector<16xi32> to vector<1x16xi32>
      tpu.vector_store %arg10[%swap3A_309, %swap3A_310], %swap3A_313 {strides = array<i32>} : memref<80x128xi32, #tpu.memory_space<vmem>>, vector<1x16xi32>,
      %add3A_314 = arith.constant 0 : i32
      %add3A_315 = arith.addi %mul3A_228, %add3A_314 : i32
      %mul3A_316 = arith.constant 128 : i32
      %mul3A_317 = arith.muli %add3A_315, %mul3A_316 : i32
      %add3A_318 = arith.constant 32 : i32
      %add3A_319 = arith.addi %mul3A_317, %add3A_318 : i32
      %get3A_320 = arith.index_cast %add3A_319 : i32 to index
      %get3A_321 = tpu.vector_load %arg9[%get3A_320] {strides = array<i32>} : memref<10240xi32, #tpu.memory_space<vmem>>, vector<16xi32>,
      %get3A_322 = vector.shape_cast %get3A_321 : vector<16xi32> to vector<16xi32>
      %add3A_323 = arith.constant 0 : i32
      %add3A_324 = arith.addi %mul3A_228, %add3A_323 : i32
      %swap3A_325 = arith.index_cast %add3A_324 : i32 to index
      %swap3A_326 = arith.constant 32 : index
      %swap3A_327 = tpu.vector_load %arg10[%swap3A_325, %swap3A_326] {strides = array<i32>} : memref<80x128xi32, #tpu.memory_space<vmem>>, vector<1x16xi32>,
      %swap3A_328 = vector.shape_cast %swap3A_327 : vector<1x16xi32> to vector<16xi32>
      %swap3A_329 = vector.shape_cast %get3A_322 : vector<16xi32> to vector<1x16xi32>
      tpu.vector_store %arg10[%swap3A_325, %swap3A_326], %swap3A_329 {strides = array<i32>} : memref<80x128xi32, #tpu.memory_space<vmem>>, vector<1x16xi32>,
      %add3A_330 = arith.constant 0 : i32
      %add3A_331 = arith.addi %mul3A_228, %add3A_330 : i32
      %mul3A_332 = arith.constant 128 : i32
      %mul3A_333 = arith.muli %add3A_331, %mul3A_332 : i32
      %add3A_334 = arith.constant 48 : i32
      %add3A_335 = arith.addi %mul3A_333, %add3A_334 : i32
      %get3A_336 = arith.index_cast %add3A_335 : i32 to index
      %get3A_337 = tpu.vector_load %arg9[%get3A_336] {strides = array<i32>} : memref<10240xi32, #tpu.memory_space<vmem>>, vector<16xi32>,
      %get3A_338 = vector.shape_cast %get3A_337 : vector<16xi32> to vector<16xi32>
      %add3A_339 = arith.constant 0 : i32
      %add3A_340 = arith.addi %mul3A_228, %add3A_339 : i32
      %swap3A_341 = arith.index_cast %add3A_340 : i32 to index
      %swap3A_342 = arith.constant 48 : index
      %swap3A_343 = tpu.vector_load %arg10[%swap3A_341, %swap3A_342] {strides = array<i32>} : memref<80x128xi32, #tpu.memory_space<vmem>>, vector<1x16xi32>,
      %swap3A_344 = vector.shape_cast %swap3A_343 : vector<1x16xi32> to vector<16xi32>
      %swap3A_345 = vector.shape_cast %get3A_338 : vector<16xi32> to vector<1x16xi32>
      tpu.vector_store %arg10[%swap3A_341, %swap3A_342], %swap3A_345 {strides = array<i32>} : memref<80x128xi32, #tpu.memory_space<vmem>>, vector<1x16xi32>,
      %add3A_346 = arith.constant 0 : i32
      %add3A_347 = arith.addi %mul3A_228, %add3A_346 : i32
      %mul3A_348 = arith.constant 128 : i32
      %mul3A_349 = arith.muli %add3A_347, %mul3A_348 : i32
      %add3A_350 = arith.constant 64 : i32
      %add3A_351 = arith.addi %mul3A_349, %add3A_350 : i32
      %get3A_352 = arith.index_cast %add3A_351 : i32 to index
      %get3A_353 = tpu.vector_load %arg9[%get3A_352] {strides = array<i32>} : memref<10240xi32, #tpu.memory_space<vmem>>, vector<16xi32>,
      %get3A_354 = vector.shape_cast %get3A_353 : vector<16xi32> to vector<16xi32>
      %add3A_355 = arith.constant 0 : i32
      %add3A_356 = arith.addi %mul3A_228, %add3A_355 : i32
      %swap3A_357 = arith.index_cast %add3A_356 : i32 to index
      %swap3A_358 = arith.constant 64 : index
      %swap3A_359 = tpu.vector_load %arg10[%swap3A_357, %swap3A_358] {strides = array<i32>} : memref<80x128xi32, #tpu.memory_space<vmem>>, vector<1x16xi32>,
      %swap3A_360 = vector.shape_cast %swap3A_359 : vector<1x16xi32> to vector<16xi32>
      %swap3A_361 = vector.shape_cast %get3A_354 : vector<16xi32> to vector<1x16xi32>
      tpu.vector_store %arg10[%swap3A_357, %swap3A_358], %swap3A_361 {strides = array<i32>} : memref<80x128xi32, #tpu.memory_space<vmem>>, vector<1x16xi32>,
      %add3A_362 = arith.constant 0 : i32
      %add3A_363 = arith.addi %mul3A_228, %add3A_362 : i32
      %mul3A_364 = arith.constant 128 : i32
      %mul3A_365 = arith.muli %add3A_363, %mul3A_364 : i32
      %add3A_366 = arith.constant 80 : i32
      %add3A_367 = arith.addi %mul3A_365, %add3A_366 : i32
      %get3A_368 = arith.index_cast %add3A_367 : i32 to index
      %get3A_369 = tpu.vector_load %arg9[%get3A_368] {strides = array<i32>} : memref<10240xi32, #tpu.memory_space<vmem>>, vector<16xi32>,
      %get3A_370 = vector.shape_cast %get3A_369 : vector<16xi32> to vector<16xi32>
      %add3A_371 = arith.constant 0 : i32
      %add3A_372 = arith.addi %mul3A_228, %add3A_371 : i32
      %swap3A_373 = arith.index_cast %add3A_372 : i32 to index
      %swap3A_374 = arith.constant 80 : index
      %swap3A_375 = tpu.vector_load %arg10[%swap3A_373, %swap3A_374] {strides = array<i32>} : memref<80x128xi32, #tpu.memory_space<vmem>>, vector<1x16xi32>,
      %swap3A_376 = vector.shape_cast %swap3A_375 : vector<1x16xi32> to vector<16xi32>
      %swap3A_377 = vector.shape_cast %get3A_370 : vector<16xi32> to vector<1x16xi32>
      tpu.vector_store %arg10[%swap3A_373, %swap3A_374], %swap3A_377 {strides = array<i32>} : memref<80x128xi32, #tpu.memory_space<vmem>>, vector<1x16xi32>,
      %add3A_378 = arith.constant 0 : i32
      %add3A_379 = arith.addi %mul3A_228, %add3A_378 : i32
      %mul3A_380 = arith.constant 128 : i32
      %mul3A_381 = arith.muli %add3A_379, %mul3A_380 : i32
      %add3A_382 = arith.constant 96 : i32
      %add3A_383 = arith.addi %mul3A_381, %add3A_382 : i32
      %get3A_384 = arith.index_cast %add3A_383 : i32 to index
      %get3A_385 = tpu.vector_load %arg9[%get3A_384] {strides = array<i32>} : memref<10240xi32, #tpu.memory_space<vmem>>, vector<16xi32>,
      %get3A_386 = vector.shape_cast %get3A_385 : vector<16xi32> to vector<16xi32>
      %add3A_387 = arith.constant 0 : i32
      %add3A_388 = arith.addi %mul3A_228, %add3A_387 : i32
      %swap3A_389 = arith.index_cast %add3A_388 : i32 to index
      %swap3A_390 = arith.constant 96 : index
      %swap3A_391 = tpu.vector_load %arg10[%swap3A_389, %swap3A_390] {strides = array<i32>} : memref<80x128xi32, #tpu.memory_space<vmem>>, vector<1x16xi32>,
      %swap3A_392 = vector.shape_cast %swap3A_391 : vector<1x16xi32> to vector<16xi32>
      %swap3A_393 = vector.shape_cast %get3A_386 : vector<16xi32> to vector<1x16xi32>
      tpu.vector_store %arg10[%swap3A_389, %swap3A_390], %swap3A_393 {strides = array<i32>} : memref<80x128xi32, #tpu.memory_space<vmem>>, vector<1x16xi32>,
      %add3A_394 = arith.constant 0 : i32
      %add3A_395 = arith.addi %mul3A_228, %add3A_394 : i32
      %mul3A_396 = arith.constant 128 : i32
      %mul3A_397 = arith.muli %add3A_395, %mul3A_396 : i32
      %add3A_398 = arith.constant 112 : i32
      %add3A_399 = arith.addi %mul3A_397, %add3A_398 : i32
      %get3A_400 = arith.index_cast %add3A_399 : i32 to index
      %get3A_401 = tpu.vector_load %arg9[%get3A_400] {strides = array<i32>} : memref<10240xi32, #tpu.memory_space<vmem>>, vector<16xi32>,
      %get3A_402 = vector.shape_cast %get3A_401 : vector<16xi32> to vector<16xi32>
      %add3A_403 = arith.constant 0 : i32
      %add3A_404 = arith.addi %mul3A_228, %add3A_403 : i32
      %swap3A_405 = arith.index_cast %add3A_404 : i32 to index
      %swap3A_406 = arith.constant 112 : index
      %swap3A_407 = tpu.vector_load %arg10[%swap3A_405, %swap3A_406] {strides = array<i32>} : memref<80x128xi32, #tpu.memory_space<vmem>>, vector<1x16xi32>,
      %swap3A_408 = vector.shape_cast %swap3A_407 : vector<1x16xi32> to vector<16xi32>
      %swap3A_409 = vector.shape_cast %get3A_402 : vector<16xi32> to vector<1x16xi32>
      tpu.vector_store %arg10[%swap3A_405, %swap3A_406], %swap3A_409 {strides = array<i32>} : memref<80x128xi32, #tpu.memory_space<vmem>>, vector<1x16xi32>,
      %add3A_410 = arith.constant 1 : i32
      %add3A_411 = arith.addi %mul3A_228, %add3A_410 : i32
      %mul3A_412 = arith.constant 128 : i32
      %mul3A_413 = arith.muli %add3A_411, %mul3A_412 : i32
      %add3A_414 = arith.constant 0 : i32
      %add3A_415 = arith.addi %mul3A_413, %add3A_414 : i32
      %get3A_416 = arith.index_cast %add3A_415 : i32 to index
      %get3A_417 = tpu.vector_load %arg9[%get3A_416] {strides = array<i32>} : memref<10240xi32, #tpu.memory_space<vmem>>, vector<16xi32>,
      %get3A_418 = vector.shape_cast %get3A_417 : vector<16xi32> to vector<16xi32>
      %add3A_419 = arith.constant 1 : i32
      %add3A_420 = arith.addi %mul3A_228, %add3A_419 : i32
      %swap3A_421 = arith.index_cast %add3A_420 : i32 to index
      %swap3A_422 = arith.constant 0 : index
      %swap3A_423 = tpu.vector_load %arg10[%swap3A_421, %swap3A_422] {strides = array<i32>} : memref<80x128xi32, #tpu.memory_space<vmem>>, vector<1x16xi32>,
      %swap3A_424 = vector.shape_cast %swap3A_423 : vector<1x16xi32> to vector<16xi32>
      %swap3A_425 = vector.shape_cast %get3A_418 : vector<16xi32> to vector<1x16xi32>
      tpu.vector_store %arg10[%swap3A_421, %swap3A_422], %swap3A_425 {strides = array<i32>} : memref<80x128xi32, #tpu.memory_space<vmem>>, vector<1x16xi32>,
      %add3A_426 = arith.constant 1 : i32
      %add3A_427 = arith.addi %mul3A_228, %add3A_426 : i32
      %mul3A_428 = arith.constant 128 : i32
      %mul3A_429 = arith.muli %add3A_427, %mul3A_428 : i32
      %add3A_430 = arith.constant 16 : i32
      %add3A_431 = arith.addi %mul3A_429, %add3A_430 : i32
      %get3A_432 = arith.index_cast %add3A_431 : i32 to index
      %get3A_433 = tpu.vector_load %arg9[%get3A_432] {strides = array<i32>} : memref<10240xi32, #tpu.memory_space<vmem>>, vector<16xi32>,
      %get3A_434 = vector.shape_cast %get3A_433 : vector<16xi32> to vector<16xi32>
      %add3A_435 = arith.constant 1 : i32
      %add3A_436 = arith.addi %mul3A_228, %add3A_435 : i32
      %swap3A_437 = arith.index_cast %add3A_436 : i32 to index
      %swap3A_438 = arith.constant 16 : index
      %swap3A_439 = tpu.vector_load %arg10[%swap3A_437, %swap3A_438] {strides = array<i32>} : memref<80x128xi32, #tpu.memory_space<vmem>>, vector<1x16xi32>,
      %swap3A_440 = vector.shape_cast %swap3A_439 : vector<1x16xi32> to vector<16xi32>
      %swap3A_441 = vector.shape_cast %get3A_434 : vector<16xi32> to vector<1x16xi32>
      tpu.vector_store %arg10[%swap3A_437, %swap3A_438], %swap3A_441 {strides = array<i32>} : memref<80x128xi32, #tpu.memory_space<vmem>>, vector<1x16xi32>,
      %add3A_442 = arith.constant 1 : i32
      %add3A_443 = arith.addi %mul3A_228, %add3A_442 : i32
      %mul3A_444 = arith.constant 128 : i32
      %mul3A_445 = arith.muli %add3A_443, %mul3A_444 : i32
      %add3A_446 = arith.constant 32 : i32
      %add3A_447 = arith.addi %mul3A_445, %add3A_446 : i32
      %get3A_448 = arith.index_cast %add3A_447 : i32 to index
      %get3A_449 = tpu.vector_load %arg9[%get3A_448] {strides = array<i32>} : memref<10240xi32, #tpu.memory_space<vmem>>, vector<16xi32>,
      %get3A_450 = vector.shape_cast %get3A_449 : vector<16xi32> to vector<16xi32>
      %add3A_451 = arith.constant 1 : i32
      %add3A_452 = arith.addi %mul3A_228, %add3A_451 : i32
      %swap3A_453 = arith.index_cast %add3A_452 : i32 to index
      %swap3A_454 = arith.constant 32 : index
      %swap3A_455 = tpu.vector_load %arg10[%swap3A_453, %swap3A_454] {strides = array<i32>} : memref<80x128xi32, #tpu.memory_space<vmem>>, vector<1x16xi32>,
      %swap3A_456 = vector.shape_cast %swap3A_455 : vector<1x16xi32> to vector<16xi32>
      %swap3A_457 = vector.shape_cast %get3A_450 : vector<16xi32> to vector<1x16xi32>
      tpu.vector_store %arg10[%swap3A_453, %swap3A_454], %swap3A_457 {strides = array<i32>} : memref<80x128xi32, #tpu.memory_space<vmem>>, vector<1x16xi32>,
      %add3A_458 = arith.constant 1 : i32
      %add3A_459 = arith.addi %mul3A_228, %add3A_458 : i32
      %mul3A_460 = arith.constant 128 : i32
      %mul3A_461 = arith.muli %add3A_459, %mul3A_460 : i32
      %add3A_462 = arith.constant 48 : i32
      %add3A_463 = arith.addi %mul3A_461, %add3A_462 : i32
      %get3A_464 = arith.index_cast %add3A_463 : i32 to index
      %get3A_465 = tpu.vector_load %arg9[%get3A_464] {strides = array<i32>} : memref<10240xi32, #tpu.memory_space<vmem>>, vector<16xi32>,
      %get3A_466 = vector.shape_cast %get3A_465 : vector<16xi32> to vector<16xi32>
      %add3A_467 = arith.constant 1 : i32
      %add3A_468 = arith.addi %mul3A_228, %add3A_467 : i32
      %swap3A_469 = arith.index_cast %add3A_468 : i32 to index
      %swap3A_470 = arith.constant 48 : index
      %swap3A_471 = tpu.vector_load %arg10[%swap3A_469, %swap3A_470] {strides = array<i32>} : memref<80x128xi32, #tpu.memory_space<vmem>>, vector<1x16xi32>,
      %swap3A_472 = vector.shape_cast %swap3A_471 : vector<1x16xi32> to vector<16xi32>
      %swap3A_473 = vector.shape_cast %get3A_466 : vector<16xi32> to vector<1x16xi32>
      tpu.vector_store %arg10[%swap3A_469, %swap3A_470], %swap3A_473 {strides = array<i32>} : memref<80x128xi32, #tpu.memory_space<vmem>>, vector<1x16xi32>,
      %add3A_474 = arith.constant 1 : i32
      %add3A_475 = arith.addi %mul3A_228, %add3A_474 : i32
      %mul3A_476 = arith.constant 128 : i32
      %mul3A_477 = arith.muli %add3A_475, %mul3A_476 : i32
      %add3A_478 = arith.constant 64 : i32
      %add3A_479 = arith.addi %mul3A_477, %add3A_478 : i32
      %get3A_480 = arith.index_cast %add3A_479 : i32 to index
      %get3A_481 = tpu.vector_load %arg9[%get3A_480] {strides = array<i32>} : memref<10240xi32, #tpu.memory_space<vmem>>, vector<16xi32>,
      %get3A_482 = vector.shape_cast %get3A_481 : vector<16xi32> to vector<16xi32>
      %add3A_483 = arith.constant 1 : i32
      %add3A_484 = arith.addi %mul3A_228, %add3A_483 : i32
      %swap3A_485 = arith.index_cast %add3A_484 : i32 to index
      %swap3A_486 = arith.constant 64 : index
      %swap3A_487 = tpu.vector_load %arg10[%swap3A_485, %swap3A_486] {strides = array<i32>} : memref<80x128xi32, #tpu.memory_space<vmem>>, vector<1x16xi32>,
      %swap3A_488 = vector.shape_cast %swap3A_487 : vector<1x16xi32> to vector<16xi32>
      %swap3A_489 = vector.shape_cast %get3A_482 : vector<16xi32> to vector<1x16xi32>
      tpu.vector_store %arg10[%swap3A_485, %swap3A_486], %swap3A_489 {strides = array<i32>} : memref<80x128xi32, #tpu.memory_space<vmem>>, vector<1x16xi32>,
      %add3A_490 = arith.constant 1 : i32
      %add3A_491 = arith.addi %mul3A_228, %add3A_490 : i32
      %mul3A_492 = arith.constant 128 : i32
      %mul3A_493 = arith.muli %add3A_491, %mul3A_492 : i32
      %add3A_494 = arith.constant 80 : i32
      %add3A_495 = arith.addi %mul3A_493, %add3A_494 : i32
      %get3A_496 = arith.index_cast %add3A_495 : i32 to index
      %get3A_497 = tpu.vector_load %arg9[%get3A_496] {strides = array<i32>} : memref<10240xi32, #tpu.memory_space<vmem>>, vector<16xi32>,
      %get3A_498 = vector.shape_cast %get3A_497 : vector<16xi32> to vector<16xi32>
      %add3A_499 = arith.constant 1 : i32
      %add3A_500 = arith.addi %mul3A_228, %add3A_499 : i32
      %swap3A_501 = arith.index_cast %add3A_500 : i32 to index
      %swap3A_502 = arith.constant 80 : index
      %swap3A_503 = tpu.vector_load %arg10[%swap3A_501, %swap3A_502] {strides = array<i32>} : memref<80x128xi32, #tpu.memory_space<vmem>>, vector<1x16xi32>,
      %swap3A_504 = vector.shape_cast %swap3A_503 : vector<1x16xi32> to vector<16xi32>
      %swap3A_505 = vector.shape_cast %get3A_498 : vector<16xi32> to vector<1x16xi32>
      tpu.vector_store %arg10[%swap3A_501, %swap3A_502], %swap3A_505 {strides = array<i32>} : memref<80x128xi32, #tpu.memory_space<vmem>>, vector<1x16xi32>,
      %add3A_506 = arith.constant 1 : i32
      %add3A_507 = arith.addi %mul3A_228, %add3A_506 : i32
      %mul3A_508 = arith.constant 128 : i32
      %mul3A_509 = arith.muli %add3A_507, %mul3A_508 : i32
      %add3A_510 = arith.constant 96 : i32
      %add3A_511 = arith.addi %mul3A_509, %add3A_510 : i32
      %get3A_512 = arith.index_cast %add3A_511 : i32 to index
      %get3A_513 = tpu.vector_load %arg9[%get3A_512] {strides = array<i32>} : memref<10240xi32, #tpu.memory_space<vmem>>, vector<16xi32>,
      %get3A_514 = vector.shape_cast %get3A_513 : vector<16xi32> to vector<16xi32>
      %add3A_515 = arith.constant 1 : i32
      %add3A_516 = arith.addi %mul3A_228, %add3A_515 : i32
      %swap3A_517 = arith.index_cast %add3A_516 : i32 to index
      %swap3A_518 = arith.constant 96 : index
      %swap3A_519 = tpu.vector_load %arg10[%swap3A_517, %swap3A_518] {strides = array<i32>} : memref<80x128xi32, #tpu.memory_space<vmem>>, vector<1x16xi32>,
      %swap3A_520 = vector.shape_cast %swap3A_519 : vector<1x16xi32> to vector<16xi32>
      %swap3A_521 = vector.shape_cast %get3A_514 : vector<16xi32> to vector<1x16xi32>
      tpu.vector_store %arg10[%swap3A_517, %swap3A_518], %swap3A_521 {strides = array<i32>} : memref<80x128xi32, #tpu.memory_space<vmem>>, vector<1x16xi32>,
      %add3A_522 = arith.constant 1 : i32
      %add3A_523 = arith.addi %mul3A_228, %add3A_522 : i32
      %mul3A_524 = arith.constant 128 : i32
      %mul3A_525 = arith.muli %add3A_523, %mul3A_524 : i32
      %add3A_526 = arith.constant 112 : i32
      %add3A_527 = arith.addi %mul3A_525, %add3A_526 : i32
      %get3A_528 = arith.index_cast %add3A_527 : i32 to index
      %get3A_529 = tpu.vector_load %arg9[%get3A_528] {strides = array<i32>} : memref<10240xi32, #tpu.memory_space<vmem>>, vector<16xi32>,
      %get3A_530 = vector.shape_cast %get3A_529 : vector<16xi32> to vector<16xi32>
      %add3A_531 = arith.constant 1 : i32
      %add3A_532 = arith.addi %mul3A_228, %add3A_531 : i32
      %swap3A_533 = arith.index_cast %add3A_532 : i32 to index
      %swap3A_534 = arith.constant 112 : index
      %swap3A_535 = tpu.vector_load %arg10[%swap3A_533, %swap3A_534] {strides = array<i32>} : memref<80x128xi32, #tpu.memory_space<vmem>>, vector<1x16xi32>,
      %swap3A_536 = vector.shape_cast %swap3A_535 : vector<1x16xi32> to vector<16xi32>
      %swap3A_537 = vector.shape_cast %get3A_530 : vector<16xi32> to vector<1x16xi32>
      tpu.vector_store %arg10[%swap3A_533, %swap3A_534], %swap3A_537 {strides = array<i32>} : memref<80x128xi32, #tpu.memory_space<vmem>>, vector<1x16xi32>,
      %add3A_538 = arith.constant 2 : i32
      %add3A_539 = arith.addi %mul3A_228, %add3A_538 : i32
      %mul3A_540 = arith.constant 128 : i32
      %mul3A_541 = arith.muli %add3A_539, %mul3A_540 : i32
      %add3A_542 = arith.constant 0 : i32
      %add3A_543 = arith.addi %mul3A_541, %add3A_542 : i32
      %get3A_544 = arith.index_cast %add3A_543 : i32 to index
      %get3A_545 = tpu.vector_load %arg9[%get3A_544] {strides = array<i32>} : memref<10240xi32, #tpu.memory_space<vmem>>, vector<16xi32>,
      %get3A_546 = vector.shape_cast %get3A_545 : vector<16xi32> to vector<16xi32>
      %add3A_547 = arith.constant 2 : i32
      %add3A_548 = arith.addi %mul3A_228, %add3A_547 : i32
      %swap3A_549 = arith.index_cast %add3A_548 : i32 to index
      %swap3A_550 = arith.constant 0 : index
      %swap3A_551 = tpu.vector_load %arg10[%swap3A_549, %swap3A_550] {strides = array<i32>} : memref<80x128xi32, #tpu.memory_space<vmem>>, vector<1x16xi32>,
      %swap3A_552 = vector.shape_cast %swap3A_551 : vector<1x16xi32> to vector<16xi32>
      %swap3A_553 = vector.shape_cast %get3A_546 : vector<16xi32> to vector<1x16xi32>
      tpu.vector_store %arg10[%swap3A_549, %swap3A_550], %swap3A_553 {strides = array<i32>} : memref<80x128xi32, #tpu.memory_space<vmem>>, vector<1x16xi32>,
      %add3A_554 = arith.constant 2 : i32
      %add3A_555 = arith.addi %mul3A_228, %add3A_554 : i32
      %mul3A_556 = arith.constant 128 : i32
      %mul3A_557 = arith.muli %add3A_555, %mul3A_556 : i32
      %add3A_558 = arith.constant 16 : i32
      %add3A_559 = arith.addi %mul3A_557, %add3A_558 : i32
      %get3A_560 = arith.index_cast %add3A_559 : i32 to index
      %get3A_561 = tpu.vector_load %arg9[%get3A_560] {strides = array<i32>} : memref<10240xi32, #tpu.memory_space<vmem>>, vector<16xi32>,
      %get3A_562 = vector.shape_cast %get3A_561 : vector<16xi32> to vector<16xi32>
      %add3A_563 = arith.constant 2 : i32
      %add3A_564 = arith.addi %mul3A_228, %add3A_563 : i32
      %swap3A_565 = arith.index_cast %add3A_564 : i32 to index
      %swap3A_566 = arith.constant 16 : index
      %swap3A_567 = tpu.vector_load %arg10[%swap3A_565, %swap3A_566] {strides = array<i32>} : memref<80x128xi32, #tpu.memory_space<vmem>>, vector<1x16xi32>,
      %swap3A_568 = vector.shape_cast %swap3A_567 : vector<1x16xi32> to vector<16xi32>
      %swap3A_569 = vector.shape_cast %get3A_562 : vector<16xi32> to vector<1x16xi32>
      tpu.vector_store %arg10[%swap3A_565, %swap3A_566], %swap3A_569 {strides = array<i32>} : memref<80x128xi32, #tpu.memory_space<vmem>>, vector<1x16xi32>,
      %add3A_570 = arith.constant 2 : i32
      %add3A_571 = arith.addi %mul3A_228, %add3A_570 : i32
      %mul3A_572 = arith.constant 128 : i32
      %mul3A_573 = arith.muli %add3A_571, %mul3A_572 : i32
      %add3A_574 = arith.constant 32 : i32
      %add3A_575 = arith.addi %mul3A_573, %add3A_574 : i32
      %get3A_576 = arith.index_cast %add3A_575 : i32 to index
      %get3A_577 = tpu.vector_load %arg9[%get3A_576] {strides = array<i32>} : memref<10240xi32, #tpu.memory_space<vmem>>, vector<16xi32>,
      %get3A_578 = vector.shape_cast %get3A_577 : vector<16xi32> to vector<16xi32>
      %add3A_579 = arith.constant 2 : i32
      %add3A_580 = arith.addi %mul3A_228, %add3A_579 : i32
      %swap3A_581 = arith.index_cast %add3A_580 : i32 to index
      %swap3A_582 = arith.constant 32 : index
      %swap3A_583 = tpu.vector_load %arg10[%swap3A_581, %swap3A_582] {strides = array<i32>} : memref<80x128xi32, #tpu.memory_space<vmem>>, vector<1x16xi32>,
      %swap3A_584 = vector.shape_cast %swap3A_583 : vector<1x16xi32> to vector<16xi32>
      %swap3A_585 = vector.shape_cast %get3A_578 : vector<16xi32> to vector<1x16xi32>
      tpu.vector_store %arg10[%swap3A_581, %swap3A_582], %swap3A_585 {strides = array<i32>} : memref<80x128xi32, #tpu.memory_space<vmem>>, vector<1x16xi32>,
      %add3A_586 = arith.constant 2 : i32
      %add3A_587 = arith.addi %mul3A_228, %add3A_586 : i32
      %mul3A_588 = arith.constant 128 : i32
      %mul3A_589 = arith.muli %add3A_587, %mul3A_588 : i32
      %add3A_590 = arith.constant 48 : i32
      %add3A_591 = arith.addi %mul3A_589, %add3A_590 : i32
      %get3A_592 = arith.index_cast %add3A_591 : i32 to index
      %get3A_593 = tpu.vector_load %arg9[%get3A_592] {strides = array<i32>} : memref<10240xi32, #tpu.memory_space<vmem>>, vector<16xi32>,
      %get3A_594 = vector.shape_cast %get3A_593 : vector<16xi32> to vector<16xi32>
      %add3A_595 = arith.constant 2 : i32
      %add3A_596 = arith.addi %mul3A_228, %add3A_595 : i32
      %swap3A_597 = arith.index_cast %add3A_596 : i32 to index
      %swap3A_598 = arith.constant 48 : index
      %swap3A_599 = tpu.vector_load %arg10[%swap3A_597, %swap3A_598] {strides = array<i32>} : memref<80x128xi32, #tpu.memory_space<vmem>>, vector<1x16xi32>,
      %swap3A_600 = vector.shape_cast %swap3A_599 : vector<1x16xi32> to vector<16xi32>
      %swap3A_601 = vector.shape_cast %get3A_594 : vector<16xi32> to vector<1x16xi32>
      tpu.vector_store %arg10[%swap3A_597, %swap3A_598], %swap3A_601 {strides = array<i32>} : memref<80x128xi32, #tpu.memory_space<vmem>>, vector<1x16xi32>,
      %add3A_602 = arith.constant 2 : i32
      %add3A_603 = arith.addi %mul3A_228, %add3A_602 : i32
      %mul3A_604 = arith.constant 128 : i32
      %mul3A_605 = arith.muli %add3A_603, %mul3A_604 : i32
      %add3A_606 = arith.constant 64 : i32
      %add3A_607 = arith.addi %mul3A_605, %add3A_606 : i32
      %get3A_608 = arith.index_cast %add3A_607 : i32 to index
      %get3A_609 = tpu.vector_load %arg9[%get3A_608] {strides = array<i32>} : memref<10240xi32, #tpu.memory_space<vmem>>, vector<16xi32>,
      %get3A_610 = vector.shape_cast %get3A_609 : vector<16xi32> to vector<16xi32>
      %add3A_611 = arith.constant 2 : i32
      %add3A_612 = arith.addi %mul3A_228, %add3A_611 : i32
      %swap3A_613 = arith.index_cast %add3A_612 : i32 to index
      %swap3A_614 = arith.constant 64 : index
      %swap3A_615 = tpu.vector_load %arg10[%swap3A_613, %swap3A_614] {strides = array<i32>} : memref<80x128xi32, #tpu.memory_space<vmem>>, vector<1x16xi32>,
      %swap3A_616 = vector.shape_cast %swap3A_615 : vector<1x16xi32> to vector<16xi32>
      %swap3A_617 = vector.shape_cast %get3A_610 : vector<16xi32> to vector<1x16xi32>
      tpu.vector_store %arg10[%swap3A_613, %swap3A_614], %swap3A_617 {strides = array<i32>} : memref<80x128xi32, #tpu.memory_space<vmem>>, vector<1x16xi32>,
      %add3A_618 = arith.constant 2 : i32
      %add3A_619 = arith.addi %mul3A_228, %add3A_618 : i32
      %mul3A_620 = arith.constant 128 : i32
      %mul3A_621 = arith.muli %add3A_619, %mul3A_620 : i32
      %add3A_622 = arith.constant 80 : i32
      %add3A_623 = arith.addi %mul3A_621, %add3A_622 : i32
      %get3A_624 = arith.index_cast %add3A_623 : i32 to index
      %get3A_625 = tpu.vector_load %arg9[%get3A_624] {strides = array<i32>} : memref<10240xi32, #tpu.memory_space<vmem>>, vector<16xi32>,
      %get3A_626 = vector.shape_cast %get3A_625 : vector<16xi32> to vector<16xi32>
      %add3A_627 = arith.constant 2 : i32
      %add3A_628 = arith.addi %mul3A_228, %add3A_627 : i32
      %swap3A_629 = arith.index_cast %add3A_628 : i32 to index
      %swap3A_630 = arith.constant 80 : index
      %swap3A_631 = tpu.vector_load %arg10[%swap3A_629, %swap3A_630] {strides = array<i32>} : memref<80x128xi32, #tpu.memory_space<vmem>>, vector<1x16xi32>,
      %swap3A_632 = vector.shape_cast %swap3A_631 : vector<1x16xi32> to vector<16xi32>
      %swap3A_633 = vector.shape_cast %get3A_626 : vector<16xi32> to vector<1x16xi32>
      tpu.vector_store %arg10[%swap3A_629, %swap3A_630], %swap3A_633 {strides = array<i32>} : memref<80x128xi32, #tpu.memory_space<vmem>>, vector<1x16xi32>,
      %add3A_634 = arith.constant 2 : i32
      %add3A_635 = arith.addi %mul3A_228, %add3A_634 : i32
      %mul3A_636 = arith.constant 128 : i32
      %mul3A_637 = arith.muli %add3A_635, %mul3A_636 : i32
      %add3A_638 = arith.constant 96 : i32
      %add3A_639 = arith.addi %mul3A_637, %add3A_638 : i32
      %get3A_640 = arith.index_cast %add3A_639 : i32 to index
      %get3A_641 = tpu.vector_load %arg9[%get3A_640] {strides = array<i32>} : memref<10240xi32, #tpu.memory_space<vmem>>, vector<16xi32>,
      %get3A_642 = vector.shape_cast %get3A_641 : vector<16xi32> to vector<16xi32>
      %add3A_643 = arith.constant 2 : i32
      %add3A_644 = arith.addi %mul3A_228, %add3A_643 : i32
      %swap3A_645 = arith.index_cast %add3A_644 : i32 to index
      %swap3A_646 = arith.constant 96 : index
      %swap3A_647 = tpu.vector_load %arg10[%swap3A_645, %swap3A_646] {strides = array<i32>} : memref<80x128xi32, #tpu.memory_space<vmem>>, vector<1x16xi32>,
      %swap3A_648 = vector.shape_cast %swap3A_647 : vector<1x16xi32> to vector<16xi32>
      %swap3A_649 = vector.shape_cast %get3A_642 : vector<16xi32> to vector<1x16xi32>
      tpu.vector_store %arg10[%swap3A_645, %swap3A_646], %swap3A_649 {strides = array<i32>} : memref<80x128xi32, #tpu.memory_space<vmem>>, vector<1x16xi32>,
      %add3A_650 = arith.constant 2 : i32
      %add3A_651 = arith.addi %mul3A_228, %add3A_650 : i32
      %mul3A_652 = arith.constant 128 : i32
      %mul3A_653 = arith.muli %add3A_651, %mul3A_652 : i32
      %add3A_654 = arith.constant 112 : i32
      %add3A_655 = arith.addi %mul3A_653, %add3A_654 : i32
      %get3A_656 = arith.index_cast %add3A_655 : i32 to index
      %get3A_657 = tpu.vector_load %arg9[%get3A_656] {strides = array<i32>} : memref<10240xi32, #tpu.memory_space<vmem>>, vector<16xi32>,
      %get3A_658 = vector.shape_cast %get3A_657 : vector<16xi32> to vector<16xi32>
      %add3A_659 = arith.constant 2 : i32
      %add3A_660 = arith.addi %mul3A_228, %add3A_659 : i32
      %swap3A_661 = arith.index_cast %add3A_660 : i32 to index
      %swap3A_662 = arith.constant 112 : index
      %swap3A_663 = tpu.vector_load %arg10[%swap3A_661, %swap3A_662] {strides = array<i32>} : memref<80x128xi32, #tpu.memory_space<vmem>>, vector<1x16xi32>,
      %swap3A_664 = vector.shape_cast %swap3A_663 : vector<1x16xi32> to vector<16xi32>
      %swap3A_665 = vector.shape_cast %get3A_658 : vector<16xi32> to vector<1x16xi32>
      tpu.vector_store %arg10[%swap3A_661, %swap3A_662], %swap3A_665 {strides = array<i32>} : memref<80x128xi32, #tpu.memory_space<vmem>>, vector<1x16xi32>,
      %add3A_666 = arith.constant 3 : i32
      %add3A_667 = arith.addi %mul3A_228, %add3A_666 : i32
      %mul3A_668 = arith.constant 128 : i32
      %mul3A_669 = arith.muli %add3A_667, %mul3A_668 : i32
      %add3A_670 = arith.constant 0 : i32
      %add3A_671 = arith.addi %mul3A_669, %add3A_670 : i32
      %get3A_672 = arith.index_cast %add3A_671 : i32 to index
      %get3A_673 = tpu.vector_load %arg9[%get3A_672] {strides = array<i32>} : memref<10240xi32, #tpu.memory_space<vmem>>, vector<16xi32>,
      %get3A_674 = vector.shape_cast %get3A_673 : vector<16xi32> to vector<16xi32>
      %add3A_675 = arith.constant 3 : i32
      %add3A_676 = arith.addi %mul3A_228, %add3A_675 : i32
      %swap3A_677 = arith.index_cast %add3A_676 : i32 to index
      %swap3A_678 = arith.constant 0 : index
      %swap3A_679 = tpu.vector_load %arg10[%swap3A_677, %swap3A_678] {strides = array<i32>} : memref<80x128xi32, #tpu.memory_space<vmem>>, vector<1x16xi32>,
      %swap3A_680 = vector.shape_cast %swap3A_679 : vector<1x16xi32> to vector<16xi32>
      %swap3A_681 = vector.shape_cast %get3A_674 : vector<16xi32> to vector<1x16xi32>
      tpu.vector_store %arg10[%swap3A_677, %swap3A_678], %swap3A_681 {strides = array<i32>} : memref<80x128xi32, #tpu.memory_space<vmem>>, vector<1x16xi32>,
      %add3A_682 = arith.constant 3 : i32
      %add3A_683 = arith.addi %mul3A_228, %add3A_682 : i32
      %mul3A_684 = arith.constant 128 : i32
      %mul3A_685 = arith.muli %add3A_683, %mul3A_684 : i32
      %add3A_686 = arith.constant 16 : i32
      %add3A_687 = arith.addi %mul3A_685, %add3A_686 : i32
      %get3A_688 = arith.index_cast %add3A_687 : i32 to index
      %get3A_689 = tpu.vector_load %arg9[%get3A_688] {strides = array<i32>} : memref<10240xi32, #tpu.memory_space<vmem>>, vector<16xi32>,
      %get3A_690 = vector.shape_cast %get3A_689 : vector<16xi32> to vector<16xi32>
      %add3A_691 = arith.constant 3 : i32
      %add3A_692 = arith.addi %mul3A_228, %add3A_691 : i32
      %swap3A_693 = arith.index_cast %add3A_692 : i32 to index
      %swap3A_694 = arith.constant 16 : index
      %swap3A_695 = tpu.vector_load %arg10[%swap3A_693, %swap3A_694] {strides = array<i32>} : memref<80x128xi32, #tpu.memory_space<vmem>>, vector<1x16xi32>,
      %swap3A_696 = vector.shape_cast %swap3A_695 : vector<1x16xi32> to vector<16xi32>
      %swap3A_697 = vector.shape_cast %get3A_690 : vector<16xi32> to vector<1x16xi32>
      tpu.vector_store %arg10[%swap3A_693, %swap3A_694], %swap3A_697 {strides = array<i32>} : memref<80x128xi32, #tpu.memory_space<vmem>>, vector<1x16xi32>,
      %add3A_698 = arith.constant 3 : i32
      %add3A_699 = arith.addi %mul3A_228, %add3A_698 : i32
      %mul3A_700 = arith.constant 128 : i32
      %mul3A_701 = arith.muli %add3A_699, %mul3A_700 : i32
      %add3A_702 = arith.constant 32 : i32
      %add3A_703 = arith.addi %mul3A_701, %add3A_702 : i32
      %get3A_704 = arith.index_cast %add3A_703 : i32 to index
      %get3A_705 = tpu.vector_load %arg9[%get3A_704] {strides = array<i32>} : memref<10240xi32, #tpu.memory_space<vmem>>, vector<16xi32>,
      %get3A_706 = vector.shape_cast %get3A_705 : vector<16xi32> to vector<16xi32>
      %add3A_707 = arith.constant 3 : i32
      %add3A_708 = arith.addi %mul3A_228, %add3A_707 : i32
      %swap3A_709 = arith.index_cast %add3A_708 : i32 to index
      %swap3A_710 = arith.constant 32 : index
      %swap3A_711 = tpu.vector_load %arg10[%swap3A_709, %swap3A_710] {strides = array<i32>} : memref<80x128xi32, #tpu.memory_space<vmem>>, vector<1x16xi32>,
      %swap3A_712 = vector.shape_cast %swap3A_711 : vector<1x16xi32> to vector<16xi32>
      %swap3A_713 = vector.shape_cast %get3A_706 : vector<16xi32> to vector<1x16xi32>
      tpu.vector_store %arg10[%swap3A_709, %swap3A_710], %swap3A_713 {strides = array<i32>} : memref<80x128xi32, #tpu.memory_space<vmem>>, vector<1x16xi32>,
      %add3A_714 = arith.constant 3 : i32
      %add3A_715 = arith.addi %mul3A_228, %add3A_714 : i32
      %mul3A_716 = arith.constant 128 : i32
      %mul3A_717 = arith.muli %add3A_715, %mul3A_716 : i32
      %add3A_718 = arith.constant 48 : i32
      %add3A_719 = arith.addi %mul3A_717, %add3A_718 : i32
      %get3A_720 = arith.index_cast %add3A_719 : i32 to index
      %get3A_721 = tpu.vector_load %arg9[%get3A_720] {strides = array<i32>} : memref<10240xi32, #tpu.memory_space<vmem>>, vector<16xi32>,
      %get3A_722 = vector.shape_cast %get3A_721 : vector<16xi32> to vector<16xi32>
      %add3A_723 = arith.constant 3 : i32
      %add3A_724 = arith.addi %mul3A_228, %add3A_723 : i32
      %swap3A_725 = arith.index_cast %add3A_724 : i32 to index
      %swap3A_726 = arith.constant 48 : index
      %swap3A_727 = tpu.vector_load %arg10[%swap3A_725, %swap3A_726] {strides = array<i32>} : memref<80x128xi32, #tpu.memory_space<vmem>>, vector<1x16xi32>,
      %swap3A_728 = vector.shape_cast %swap3A_727 : vector<1x16xi32> to vector<16xi32>
      %swap3A_729 = vector.shape_cast %get3A_722 : vector<16xi32> to vector<1x16xi32>
      tpu.vector_store %arg10[%swap3A_725, %swap3A_726], %swap3A_729 {strides = array<i32>} : memref<80x128xi32, #tpu.memory_space<vmem>>, vector<1x16xi32>,
      %add3A_730 = arith.constant 3 : i32
      %add3A_731 = arith.addi %mul3A_228, %add3A_730 : i32
      %mul3A_732 = arith.constant 128 : i32
      %mul3A_733 = arith.muli %add3A_731, %mul3A_732 : i32
      %add3A_734 = arith.constant 64 : i32
      %add3A_735 = arith.addi %mul3A_733, %add3A_734 : i32
      %get3A_736 = arith.index_cast %add3A_735 : i32 to index
      %get3A_737 = tpu.vector_load %arg9[%get3A_736] {strides = array<i32>} : memref<10240xi32, #tpu.memory_space<vmem>>, vector<16xi32>,
      %get3A_738 = vector.shape_cast %get3A_737 : vector<16xi32> to vector<16xi32>
      %add3A_739 = arith.constant 3 : i32
      %add3A_740 = arith.addi %mul3A_228, %add3A_739 : i32
      %swap3A_741 = arith.index_cast %add3A_740 : i32 to index
      %swap3A_742 = arith.constant 64 : index
      %swap3A_743 = tpu.vector_load %arg10[%swap3A_741, %swap3A_742] {strides = array<i32>} : memref<80x128xi32, #tpu.memory_space<vmem>>, vector<1x16xi32>,
      %swap3A_744 = vector.shape_cast %swap3A_743 : vector<1x16xi32> to vector<16xi32>
      %swap3A_745 = vector.shape_cast %get3A_738 : vector<16xi32> to vector<1x16xi32>
      tpu.vector_store %arg10[%swap3A_741, %swap3A_742], %swap3A_745 {strides = array<i32>} : memref<80x128xi32, #tpu.memory_space<vmem>>, vector<1x16xi32>,
      %add3A_746 = arith.constant 3 : i32
      %add3A_747 = arith.addi %mul3A_228, %add3A_746 : i32
      %mul3A_748 = arith.constant 128 : i32
      %mul3A_749 = arith.muli %add3A_747, %mul3A_748 : i32
      %add3A_750 = arith.constant 80 : i32
      %add3A_751 = arith.addi %mul3A_749, %add3A_750 : i32
      %get3A_752 = arith.index_cast %add3A_751 : i32 to index
      %get3A_753 = tpu.vector_load %arg9[%get3A_752] {strides = array<i32>} : memref<10240xi32, #tpu.memory_space<vmem>>, vector<16xi32>,
      %get3A_754 = vector.shape_cast %get3A_753 : vector<16xi32> to vector<16xi32>
      %add3A_755 = arith.constant 3 : i32
      %add3A_756 = arith.addi %mul3A_228, %add3A_755 : i32
      %swap3A_757 = arith.index_cast %add3A_756 : i32 to index
      %swap3A_758 = arith.constant 80 : index
      %swap3A_759 = tpu.vector_load %arg10[%swap3A_757, %swap3A_758] {strides = array<i32>} : memref<80x128xi32, #tpu.memory_space<vmem>>, vector<1x16xi32>,
      %swap3A_760 = vector.shape_cast %swap3A_759 : vector<1x16xi32> to vector<16xi32>
      %swap3A_761 = vector.shape_cast %get3A_754 : vector<16xi32> to vector<1x16xi32>
      tpu.vector_store %arg10[%swap3A_757, %swap3A_758], %swap3A_761 {strides = array<i32>} : memref<80x128xi32, #tpu.memory_space<vmem>>, vector<1x16xi32>,
      %add3A_762 = arith.constant 3 : i32
      %add3A_763 = arith.addi %mul3A_228, %add3A_762 : i32
      %mul3A_764 = arith.constant 128 : i32
      %mul3A_765 = arith.muli %add3A_763, %mul3A_764 : i32
      %add3A_766 = arith.constant 96 : i32
      %add3A_767 = arith.addi %mul3A_765, %add3A_766 : i32
      %get3A_768 = arith.index_cast %add3A_767 : i32 to index
      %get3A_769 = tpu.vector_load %arg9[%get3A_768] {strides = array<i32>} : memref<10240xi32, #tpu.memory_space<vmem>>, vector<16xi32>,
      %get3A_770 = vector.shape_cast %get3A_769 : vector<16xi32> to vector<16xi32>
      %add3A_771 = arith.constant 3 : i32
      %add3A_772 = arith.addi %mul3A_228, %add3A_771 : i32
      %swap3A_773 = arith.index_cast %add3A_772 : i32 to index
      %swap3A_774 = arith.constant 96 : index
      %swap3A_775 = tpu.vector_load %arg10[%swap3A_773, %swap3A_774] {strides = array<i32>} : memref<80x128xi32, #tpu.memory_space<vmem>>, vector<1x16xi32>,
      %swap3A_776 = vector.shape_cast %swap3A_775 : vector<1x16xi32> to vector<16xi32>
      %swap3A_777 = vector.shape_cast %get3A_770 : vector<16xi32> to vector<1x16xi32>
      tpu.vector_store %arg10[%swap3A_773, %swap3A_774], %swap3A_777 {strides = array<i32>} : memref<80x128xi32, #tpu.memory_space<vmem>>, vector<1x16xi32>,
      %add3A_778 = arith.constant 3 : i32
      %add3A_779 = arith.addi %mul3A_228, %add3A_778 : i32
      %mul3A_780 = arith.constant 128 : i32
      %mul3A_781 = arith.muli %add3A_779, %mul3A_780 : i32
      %add3A_782 = arith.constant 112 : i32
      %add3A_783 = arith.addi %mul3A_781, %add3A_782 : i32
      %get3A_784 = arith.index_cast %add3A_783 : i32 to index
      %get3A_785 = tpu.vector_load %arg9[%get3A_784] {strides = array<i32>} : memref<10240xi32, #tpu.memory_space<vmem>>, vector<16xi32>,
      %get3A_786 = vector.shape_cast %get3A_785 : vector<16xi32> to vector<16xi32>
      %add3A_787 = arith.constant 3 : i32
      %add3A_788 = arith.addi %mul3A_228, %add3A_787 : i32
      %swap3A_789 = arith.index_cast %add3A_788 : i32 to index
      %swap3A_790 = arith.constant 112 : index
      %swap3A_791 = tpu.vector_load %arg10[%swap3A_789, %swap3A_790] {strides = array<i32>} : memref<80x128xi32, #tpu.memory_space<vmem>>, vector<1x16xi32>,
      %swap3A_792 = vector.shape_cast %swap3A_791 : vector<1x16xi32> to vector<16xi32>
      %swap3A_793 = vector.shape_cast %get3A_786 : vector<16xi32> to vector<1x16xi32>
      tpu.vector_store %arg10[%swap3A_789, %swap3A_790], %swap3A_793 {strides = array<i32>} : memref<80x128xi32, #tpu.memory_space<vmem>>, vector<1x16xi32>,
      %add3A_794 = arith.constant 0 : i32
      %add3A_795 = arith.addi %mul3A_228, %add3A_794 : i32
      %mul3A_796 = arith.constant 128 : i32
      %mul3A_797 = arith.muli %add3A_795, %mul3A_796 : i32
      %dma_wait3A_798 = arith.constant 0 : i32
      %dma_wait3A_799 = arith.constant 0 : i32
      %dma_wait3A_800 = arith.constant 0 : i32
      %dma_wait3A_801 = tpu.memref_slice %arg11[%dma_wait3A_798, %dma_wait3A_799, %dma_wait3A_800] : memref<8x128x32xf32, #tpu.memory_space<vmem>> -> memref<1x128x32xf32, #tpu.memory_space<vmem>>
      %dma_wait3A_802 = tpu.memref_squeeze %dma_wait3A_801 : memref<1x128x32xf32, #tpu.memory_space<vmem>> -> memref<128x32xf32, #tpu.memory_space<vmem>>
      %dma_wait3A_803 = tpu.memref_slice %arg8[%mul3A_797] : memref<10240xi32, #tpu.memory_space<vmem>> -> memref<128xi32, #tpu.memory_space<vmem>>
      %dma_wait3A_804 = arith.constant 0 : i32
      %dma_wait3A_805 = arith.constant 0 : i32
      %dma_wait3A_806 = tpu.memref_slice %arg13[%dma_wait3A_804, %dma_wait3A_805] : memref<10112x32xf32, #tpu.memory_space<vmem_shared>> -> memref<10112x32xf32, #tpu.memory_space<vmem_shared>>
      tpu.wait_indirect_dma semaphore(%arg14 : memref<!tpu.dma_semaphore, #tpu.memory_space<semaphore_mem>>) src(%dma_wait3A_806 : memref<10112x32xf32, #tpu.memory_space<vmem_shared>>) dst(%dma_wait3A_802 : memref<128x32xf32, #tpu.memory_space<vmem>>)
      %add3A_807 = arith.constant 1 : i32
      %add3A_808 = arith.addi %mul3A_228, %add3A_807 : i32
      %mul3A_809 = arith.constant 128 : i32
      %mul3A_810 = arith.muli %add3A_808, %mul3A_809 : i32
      %dma_wait3A_811 = arith.constant 1 : i32
      %dma_wait3A_812 = arith.constant 0 : i32
      %dma_wait3A_813 = arith.constant 0 : i32
      %dma_wait3A_814 = tpu.memref_slice %arg11[%dma_wait3A_811, %dma_wait3A_812, %dma_wait3A_813] : memref<8x128x32xf32, #tpu.memory_space<vmem>> -> memref<1x128x32xf32, #tpu.memory_space<vmem>>
      %dma_wait3A_815 = tpu.memref_squeeze %dma_wait3A_814 : memref<1x128x32xf32, #tpu.memory_space<vmem>> -> memref<128x32xf32, #tpu.memory_space<vmem>>
      %dma_wait3A_816 = tpu.memref_slice %arg8[%mul3A_810] : memref<10240xi32, #tpu.memory_space<vmem>> -> memref<128xi32, #tpu.memory_space<vmem>>
      %dma_wait3A_817 = arith.constant 0 : i32
      %dma_wait3A_818 = arith.constant 0 : i32
      %dma_wait3A_819 = tpu.memref_slice %arg13[%dma_wait3A_817, %dma_wait3A_818] : memref<10112x32xf32, #tpu.memory_space<vmem_shared>> -> memref<10112x32xf32, #tpu.memory_space<vmem_shared>>
      tpu.wait_indirect_dma semaphore(%arg14 : memref<!tpu.dma_semaphore, #tpu.memory_space<semaphore_mem>>) src(%dma_wait3A_819 : memref<10112x32xf32, #tpu.memory_space<vmem_shared>>) dst(%dma_wait3A_815 : memref<128x32xf32, #tpu.memory_space<vmem>>)
      %add3A_820 = arith.constant 2 : i32
      %add3A_821 = arith.addi %mul3A_228, %add3A_820 : i32
      %mul3A_822 = arith.constant 128 : i32
      %mul3A_823 = arith.muli %add3A_821, %mul3A_822 : i32
      %dma_wait3A_824 = arith.constant 2 : i32
      %dma_wait3A_825 = arith.constant 0 : i32
      %dma_wait3A_826 = arith.constant 0 : i32
      %dma_wait3A_827 = tpu.memref_slice %arg11[%dma_wait3A_824, %dma_wait3A_825, %dma_wait3A_826] : memref<8x128x32xf32, #tpu.memory_space<vmem>> -> memref<1x128x32xf32, #tpu.memory_space<vmem>>
      %dma_wait3A_828 = tpu.memref_squeeze %dma_wait3A_827 : memref<1x128x32xf32, #tpu.memory_space<vmem>> -> memref<128x32xf32, #tpu.memory_space<vmem>>
      %dma_wait3A_829 = tpu.memref_slice %arg8[%mul3A_823] : memref<10240xi32, #tpu.memory_space<vmem>> -> memref<128xi32, #tpu.memory_space<vmem>>
      %dma_wait3A_830 = arith.constant 0 : i32
      %dma_wait3A_831 = arith.constant 0 : i32
      %dma_wait3A_832 = tpu.memref_slice %arg13[%dma_wait3A_830, %dma_wait3A_831] : memref<10112x32xf32, #tpu.memory_space<vmem_shared>> -> memref<10112x32xf32, #tpu.memory_space<vmem_shared>>
      tpu.wait_indirect_dma semaphore(%arg14 : memref<!tpu.dma_semaphore, #tpu.memory_space<semaphore_mem>>) src(%dma_wait3A_832 : memref<10112x32xf32, #tpu.memory_space<vmem_shared>>) dst(%dma_wait3A_828 : memref<128x32xf32, #tpu.memory_space<vmem>>)
      %add3A_833 = arith.constant 3 : i32
      %add3A_834 = arith.addi %mul3A_228, %add3A_833 : i32
      %mul3A_835 = arith.constant 128 : i32
      %mul3A_836 = arith.muli %add3A_834, %mul3A_835 : i32
      %dma_wait3A_837 = arith.constant 3 : i32
      %dma_wait3A_838 = arith.constant 0 : i32
      %dma_wait3A_839 = arith.constant 0 : i32
      %dma_wait3A_840 = tpu.memref_slice %arg11[%dma_wait3A_837, %dma_wait3A_838, %dma_wait3A_839] : memref<8x128x32xf32, #tpu.memory_space<vmem>> -> memref<1x128x32xf32, #tpu.memory_space<vmem>>
      %dma_wait3A_841 = tpu.memref_squeeze %dma_wait3A_840 : memref<1x128x32xf32, #tpu.memory_space<vmem>> -> memref<128x32xf32, #tpu.memory_space<vmem>>
      %dma_wait3A_842 = tpu.memref_slice %arg8[%mul3A_836] : memref<10240xi32, #tpu.memory_space<vmem>> -> memref<128xi32, #tpu.memory_space<vmem>>
      %dma_wait3A_843 = arith.constant 0 : i32
      %dma_wait3A_844 = arith.constant 0 : i32
      %dma_wait3A_845 = tpu.memref_slice %arg13[%dma_wait3A_843, %dma_wait3A_844] : memref<10112x32xf32, #tpu.memory_space<vmem_shared>> -> memref<10112x32xf32, #tpu.memory_space<vmem_shared>>
      tpu.wait_indirect_dma semaphore(%arg14 : memref<!tpu.dma_semaphore, #tpu.memory_space<semaphore_mem>>) src(%dma_wait3A_845 : memref<10112x32xf32, #tpu.memory_space<vmem_shared>>) dst(%dma_wait3A_841 : memref<128x32xf32, #tpu.memory_space<vmem>>)
      %add3A_846 = arith.constant 0 : i32
      %add3A_847 = arith.addi %mul3A_228, %add3A_846 : i32
      %dma_start3A_848 = arith.constant 0 : i32
      %dma_start3A_849 = arith.constant 0 : i32
      %dma_start3A_850 = arith.constant 0 : i32
      %dma_start3A_851 = tpu.memref_slice %arg11[%dma_start3A_848, %dma_start3A_849, %dma_start3A_850] : memref<8x128x32xf32, #tpu.memory_space<vmem>> -> memref<1x128x32xf32, #tpu.memory_space<vmem>>
      %dma_start3A_852 = tpu.memref_squeeze %dma_start3A_851 : memref<1x128x32xf32, #tpu.memory_space<vmem>> -> memref<128x32xf32, #tpu.memory_space<vmem>>
      %dma_start3A_853 = arith.constant 0 : i32
      %dma_start3A_854 = tpu.memref_slice %arg10[%add3A_847, %dma_start3A_853] : memref<80x128xi32, #tpu.memory_space<vmem>> -> memref<1x128xi32, #tpu.memory_space<vmem>>
      %dma_start3A_855 = tpu.memref_squeeze %dma_start3A_854 : memref<1x128xi32, #tpu.memory_space<vmem>> -> memref<128xi32, #tpu.memory_space<vmem>>
      %dma_start3A_856 = arith.constant 0 : i32
      %dma_start3A_857 = arith.constant 0 : i32
      %dma_start3A_858 = tpu.memref_slice %arg12[%dma_start3A_856, %dma_start3A_857] : memref<10112x32xf32, #tpu.memory_space<vmem_shared>> -> memref<10112x32xf32, #tpu.memory_space<vmem_shared>>
      tpu.enqueue_indirect_dma source(%dma_start3A_852 : memref<128x32xf32, #tpu.memory_space<vmem>>) target(%dma_start3A_858 : memref<10112x32xf32, #tpu.memory_space<vmem_shared>>) offsets(%dma_start3A_855 : memref<128xi32, #tpu.memory_space<vmem>>) semaphore(%arg16 : memref<!tpu.dma_semaphore, #tpu.memory_space<semaphore_mem>>) {add = true}
      %add3A_859 = arith.constant 1 : i32
      %add3A_860 = arith.addi %mul3A_228, %add3A_859 : i32
      %dma_start3A_861 = arith.constant 1 : i32
      %dma_start3A_862 = arith.constant 0 : i32
      %dma_start3A_863 = arith.constant 0 : i32
      %dma_start3A_864 = tpu.memref_slice %arg11[%dma_start3A_861, %dma_start3A_862, %dma_start3A_863] : memref<8x128x32xf32, #tpu.memory_space<vmem>> -> memref<1x128x32xf32, #tpu.memory_space<vmem>>
      %dma_start3A_865 = tpu.memref_squeeze %dma_start3A_864 : memref<1x128x32xf32, #tpu.memory_space<vmem>> -> memref<128x32xf32, #tpu.memory_space<vmem>>
      %dma_start3A_866 = arith.constant 0 : i32
      %dma_start3A_867 = tpu.memref_slice %arg10[%add3A_860, %dma_start3A_866] : memref<80x128xi32, #tpu.memory_space<vmem>> -> memref<1x128xi32, #tpu.memory_space<vmem>>
      %dma_start3A_868 = tpu.memref_squeeze %dma_start3A_867 : memref<1x128xi32, #tpu.memory_space<vmem>> -> memref<128xi32, #tpu.memory_space<vmem>>
      %dma_start3A_869 = arith.constant 0 : i32
      %dma_start3A_870 = arith.constant 0 : i32
      %dma_start3A_871 = tpu.memref_slice %arg12[%dma_start3A_869, %dma_start3A_870] : memref<10112x32xf32, #tpu.memory_space<vmem_shared>> -> memref<10112x32xf32, #tpu.memory_space<vmem_shared>>
      tpu.enqueue_indirect_dma source(%dma_start3A_865 : memref<128x32xf32, #tpu.memory_space<vmem>>) target(%dma_start3A_871 : memref<10112x32xf32, #tpu.memory_space<vmem_shared>>) offsets(%dma_start3A_868 : memref<128xi32, #tpu.memory_space<vmem>>) semaphore(%arg16 : memref<!tpu.dma_semaphore, #tpu.memory_space<semaphore_mem>>) {add = true}
      %add3A_872 = arith.constant 2 : i32
      %add3A_873 = arith.addi %mul3A_228, %add3A_872 : i32
      %dma_start3A_874 = arith.constant 2 : i32
      %dma_start3A_875 = arith.constant 0 : i32
      %dma_start3A_876 = arith.constant 0 : i32
      %dma_start3A_877 = tpu.memref_slice %arg11[%dma_start3A_874, %dma_start3A_875, %dma_start3A_876] : memref<8x128x32xf32, #tpu.memory_space<vmem>> -> memref<1x128x32xf32, #tpu.memory_space<vmem>>
      %dma_start3A_878 = tpu.memref_squeeze %dma_start3A_877 : memref<1x128x32xf32, #tpu.memory_space<vmem>> -> memref<128x32xf32, #tpu.memory_space<vmem>>
      %dma_start3A_879 = arith.constant 0 : i32
      %dma_start3A_880 = tpu.memref_slice %arg10[%add3A_873, %dma_start3A_879] : memref<80x128xi32, #tpu.memory_space<vmem>> -> memref<1x128xi32, #tpu.memory_space<vmem>>
      %dma_start3A_881 = tpu.memref_squeeze %dma_start3A_880 : memref<1x128xi32, #tpu.memory_space<vmem>> -> memref<128xi32, #tpu.memory_space<vmem>>
      %dma_start3A_882 = arith.constant 0 : i32
      %dma_start3A_883 = arith.constant 0 : i32
      %dma_start3A_884 = tpu.memref_slice %arg12[%dma_start3A_882, %dma_start3A_883] : memref<10112x32xf32, #tpu.memory_space<vmem_shared>> -> memref<10112x32xf32, #tpu.memory_space<vmem_shared>>
      tpu.enqueue_indirect_dma source(%dma_start3A_878 : memref<128x32xf32, #tpu.memory_space<vmem>>) target(%dma_start3A_884 : memref<10112x32xf32, #tpu.memory_space<vmem_shared>>) offsets(%dma_start3A_881 : memref<128xi32, #tpu.memory_space<vmem>>) semaphore(%arg16 : memref<!tpu.dma_semaphore, #tpu.memory_space<semaphore_mem>>) {add = true}
      %add3A_885 = arith.constant 3 : i32
      %add3A_886 = arith.addi %mul3A_228, %add3A_885 : i32
      %dma_start3A_887 = arith.constant 3 : i32
      %dma_start3A_888 = arith.constant 0 : i32
      %dma_start3A_889 = arith.constant 0 : i32
      %dma_start3A_890 = tpu.memref_slice %arg11[%dma_start3A_887, %dma_start3A_888, %dma_start3A_889] : memref<8x128x32xf32, #tpu.memory_space<vmem>> -> memref<1x128x32xf32, #tpu.memory_space<vmem>>
      %dma_start3A_891 = tpu.memref_squeeze %dma_start3A_890 : memref<1x128x32xf32, #tpu.memory_space<vmem>> -> memref<128x32xf32, #tpu.memory_space<vmem>>
      %dma_start3A_892 = arith.constant 0 : i32
      %dma_start3A_893 = tpu.memref_slice %arg10[%add3A_886, %dma_start3A_892] : memref<80x128xi32, #tpu.memory_space<vmem>> -> memref<1x128xi32, #tpu.memory_space<vmem>>
      %dma_start3A_894 = tpu.memref_squeeze %dma_start3A_893 : memref<1x128xi32, #tpu.memory_space<vmem>> -> memref<128xi32, #tpu.memory_space<vmem>>
      %dma_start3A_895 = arith.constant 0 : i32
      %dma_start3A_896 = arith.constant 0 : i32
      %dma_start3A_897 = tpu.memref_slice %arg12[%dma_start3A_895, %dma_start3A_896] : memref<10112x32xf32, #tpu.memory_space<vmem_shared>> -> memref<10112x32xf32, #tpu.memory_space<vmem_shared>>
      tpu.enqueue_indirect_dma source(%dma_start3A_891 : memref<128x32xf32, #tpu.memory_space<vmem>>) target(%dma_start3A_897 : memref<10112x32xf32, #tpu.memory_space<vmem_shared>>) offsets(%dma_start3A_894 : memref<128xi32, #tpu.memory_space<vmem>>) semaphore(%arg16 : memref<!tpu.dma_semaphore, #tpu.memory_space<semaphore_mem>>) {add = true}
      %add3A_898 = arith.constant 0 : i32
      %add3A_899 = arith.addi %mul3A_228, %add3A_898 : i32
      %dma_wait3A_900 = arith.constant 0 : i32
      %dma_wait3A_901 = arith.constant 0 : i32
      %dma_wait3A_902 = arith.constant 0 : i32
      %dma_wait3A_903 = tpu.memref_slice %arg11[%dma_wait3A_900, %dma_wait3A_901, %dma_wait3A_902] : memref<8x128x32xf32, #tpu.memory_space<vmem>> -> memref<1x128x32xf32, #tpu.memory_space<vmem>>
      %dma_wait3A_904 = tpu.memref_squeeze %dma_wait3A_903 : memref<1x128x32xf32, #tpu.memory_space<vmem>> -> memref<128x32xf32, #tpu.memory_space<vmem>>
      %dma_wait3A_905 = arith.constant 0 : i32
      %dma_wait3A_906 = tpu.memref_slice %arg10[%add3A_899, %dma_wait3A_905] : memref<80x128xi32, #tpu.memory_space<vmem>> -> memref<1x128xi32, #tpu.memory_space<vmem>>
      %dma_wait3A_907 = tpu.memref_squeeze %dma_wait3A_906 : memref<1x128xi32, #tpu.memory_space<vmem>> -> memref<128xi32, #tpu.memory_space<vmem>>
      %dma_wait3A_908 = arith.constant 0 : i32
      %dma_wait3A_909 = arith.constant 0 : i32
      %dma_wait3A_910 = tpu.memref_slice %arg12[%dma_wait3A_908, %dma_wait3A_909] : memref<10112x32xf32, #tpu.memory_space<vmem_shared>> -> memref<10112x32xf32, #tpu.memory_space<vmem_shared>>
      tpu.wait_indirect_dma semaphore(%arg16 : memref<!tpu.dma_semaphore, #tpu.memory_space<semaphore_mem>>) src(%dma_wait3A_904 : memref<128x32xf32, #tpu.memory_space<vmem>>) dst(%dma_wait3A_910 : memref<10112x32xf32, #tpu.memory_space<vmem_shared>>)
      %add3A_911 = arith.constant 1 : i32
      %add3A_912 = arith.addi %mul3A_228, %add3A_911 : i32
      %dma_wait3A_913 = arith.constant 1 : i32
      %dma_wait3A_914 = arith.constant 0 : i32
      %dma_wait3A_915 = arith.constant 0 : i32
      %dma_wait3A_916 = tpu.memref_slice %arg11[%dma_wait3A_913, %dma_wait3A_914, %dma_wait3A_915] : memref<8x128x32xf32, #tpu.memory_space<vmem>> -> memref<1x128x32xf32, #tpu.memory_space<vmem>>
      %dma_wait3A_917 = tpu.memref_squeeze %dma_wait3A_916 : memref<1x128x32xf32, #tpu.memory_space<vmem>> -> memref<128x32xf32, #tpu.memory_space<vmem>>
      %dma_wait3A_918 = arith.constant 0 : i32
      %dma_wait3A_919 = tpu.memref_slice %arg10[%add3A_912, %dma_wait3A_918] : memref<80x128xi32, #tpu.memory_space<vmem>> -> memref<1x128xi32, #tpu.memory_space<vmem>>
      %dma_wait3A_920 = tpu.memref_squeeze %dma_wait3A_919 : memref<1x128xi32, #tpu.memory_space<vmem>> -> memref<128xi32, #tpu.memory_space<vmem>>
      %dma_wait3A_921 = arith.constant 0 : i32
      %dma_wait3A_922 = arith.constant 0 : i32
      %dma_wait3A_923 = tpu.memref_slice %arg12[%dma_wait3A_921, %dma_wait3A_922] : memref<10112x32xf32, #tpu.memory_space<vmem_shared>> -> memref<10112x32xf32, #tpu.memory_space<vmem_shared>>
      tpu.wait_indirect_dma semaphore(%arg16 : memref<!tpu.dma_semaphore, #tpu.memory_space<semaphore_mem>>) src(%dma_wait3A_917 : memref<128x32xf32, #tpu.memory_space<vmem>>) dst(%dma_wait3A_923 : memref<10112x32xf32, #tpu.memory_space<vmem_shared>>)
      %add3A_924 = arith.constant 2 : i32
      %add3A_925 = arith.addi %mul3A_228, %add3A_924 : i32
      %dma_wait3A_926 = arith.constant 2 : i32
      %dma_wait3A_927 = arith.constant 0 : i32
      %dma_wait3A_928 = arith.constant 0 : i32
      %dma_wait3A_929 = tpu.memref_slice %arg11[%dma_wait3A_926, %dma_wait3A_927, %dma_wait3A_928] : memref<8x128x32xf32, #tpu.memory_space<vmem>> -> memref<1x128x32xf32, #tpu.memory_space<vmem>>
      %dma_wait3A_930 = tpu.memref_squeeze %dma_wait3A_929 : memref<1x128x32xf32, #tpu.memory_space<vmem>> -> memref<128x32xf32, #tpu.memory_space<vmem>>
      %dma_wait3A_931 = arith.constant 0 : i32
      %dma_wait3A_932 = tpu.memref_slice %arg10[%add3A_925, %dma_wait3A_931] : memref<80x128xi32, #tpu.memory_space<vmem>> -> memref<1x128xi32, #tpu.memory_space<vmem>>
      %dma_wait3A_933 = tpu.memref_squeeze %dma_wait3A_932 : memref<1x128xi32, #tpu.memory_space<vmem>> -> memref<128xi32, #tpu.memory_space<vmem>>
      %dma_wait3A_934 = arith.constant 0 : i32
      %dma_wait3A_935 = arith.constant 0 : i32
      %dma_wait3A_936 = tpu.memref_slice %arg12[%dma_wait3A_934, %dma_wait3A_935] : memref<10112x32xf32, #tpu.memory_space<vmem_shared>> -> memref<10112x32xf32, #tpu.memory_space<vmem_shared>>
      tpu.wait_indirect_dma semaphore(%arg16 : memref<!tpu.dma_semaphore, #tpu.memory_space<semaphore_mem>>) src(%dma_wait3A_930 : memref<128x32xf32, #tpu.memory_space<vmem>>) dst(%dma_wait3A_936 : memref<10112x32xf32, #tpu.memory_space<vmem_shared>>)
      %add3A_937 = arith.constant 3 : i32
      %add3A_938 = arith.addi %mul3A_228, %add3A_937 : i32
      %dma_wait3A_939 = arith.constant 3 : i32
      %dma_wait3A_940 = arith.constant 0 : i32
      %dma_wait3A_941 = arith.constant 0 : i32
      %dma_wait3A_942 = tpu.memref_slice %arg11[%dma_wait3A_939, %dma_wait3A_940, %dma_wait3A_941] : memref<8x128x32xf32, #tpu.memory_space<vmem>> -> memref<1x128x32xf32, #tpu.memory_space<vmem>>
      %dma_wait3A_943 = tpu.memref_squeeze %dma_wait3A_942 : memref<1x128x32xf32, #tpu.memory_space<vmem>> -> memref<128x32xf32, #tpu.memory_space<vmem>>
      %dma_wait3A_944 = arith.constant 0 : i32
      %dma_wait3A_945 = tpu.memref_slice %arg10[%add3A_938, %dma_wait3A_944] : memref<80x128xi32, #tpu.memory_space<vmem>> -> memref<1x128xi32, #tpu.memory_space<vmem>>
      %dma_wait3A_946 = tpu.memref_squeeze %dma_wait3A_945 : memref<1x128xi32, #tpu.memory_space<vmem>> -> memref<128xi32, #tpu.memory_space<vmem>>
      %dma_wait3A_947 = arith.constant 0 : i32
      %dma_wait3A_948 = arith.constant 0 : i32
      %dma_wait3A_949 = tpu.memref_slice %arg12[%dma_wait3A_947, %dma_wait3A_948] : memref<10112x32xf32, #tpu.memory_space<vmem_shared>> -> memref<10112x32xf32, #tpu.memory_space<vmem_shared>>
      tpu.wait_indirect_dma semaphore(%arg16 : memref<!tpu.dma_semaphore, #tpu.memory_space<semaphore_mem>>) src(%dma_wait3A_943 : memref<128x32xf32, #tpu.memory_space<vmem>>) dst(%dma_wait3A_949 : memref<10112x32xf32, #tpu.memory_space<vmem_shared>>)
      %add3A_950 = arith.constant 1 : i32
      %add3A_951 = arith.addi %scan3A_224, %add3A_950 : i32
      %lt3A = arith.constant 10 : i32
      %lt3A_952 = arith.cmpi slt, %add3A_951, %lt3A : i32
      %convert_element_type3A_953 = arith.extui %lt3A_952 : i1 to i32
      %cond3A_954 = arith.constant 0 : i32
      %cond3A_955 = arith.cmpi ne, %convert_element_type3A_953, %cond3A_954 : i32
      scf.if %cond3A_955 {
        %add3A_1624 = arith.constant 4 : i32
        %add3A_1625 = arith.addi %add3A_230, %add3A_1624 : i32
        %add3A_1626 = arith.constant 0 : i32
        %add3A_1627 = arith.addi %add3A_1625, %add3A_1626 : i32
        %mul3A_1628 = arith.constant 128 : i32
        %mul3A_1629 = arith.muli %add3A_1627, %mul3A_1628 : i32
        %dma_start3A_1630 = arith.constant 0 : i32
        %dma_start3A_1631 = arith.constant 0 : i32
        %dma_start3A_1632 = arith.constant 0 : i32
        %dma_start3A_1633 = tpu.memref_slice %arg11[%dma_start3A_1630, %dma_start3A_1631, %dma_start3A_1632] : memref<8x128x32xf32, #tpu.memory_space<vmem>> -> memref<1x128x32xf32, #tpu.memory_space<vmem>>
        %dma_start3A_1634 = tpu.memref_squeeze %dma_start3A_1633 : memref<1x128x32xf32, #tpu.memory_space<vmem>> -> memref<128x32xf32, #tpu.memory_space<vmem>>
        %dma_start3A_1635 = tpu.memref_slice %arg8[%mul3A_1629] : memref<10240xi32, #tpu.memory_space<vmem>> -> memref<128xi32, #tpu.memory_space<vmem>>
        %dma_start3A_1636 = arith.constant 0 : i32
        %dma_start3A_1637 = arith.constant 0 : i32
        %dma_start3A_1638 = tpu.memref_slice %arg13[%dma_start3A_1636, %dma_start3A_1637] : memref<10112x32xf32, #tpu.memory_space<vmem_shared>> -> memref<10112x32xf32, #tpu.memory_space<vmem_shared>>
        tpu.enqueue_indirect_dma source(%dma_start3A_1638 : memref<10112x32xf32, #tpu.memory_space<vmem_shared>>) target(%dma_start3A_1634 : memref<128x32xf32, #tpu.memory_space<vmem>>) offsets(%dma_start3A_1635 : memref<128xi32, #tpu.memory_space<vmem>>) semaphore(%arg14 : memref<!tpu.dma_semaphore, #tpu.memory_space<semaphore_mem>>)
        %add3A_1639 = arith.constant 4 : i32
        %add3A_1640 = arith.addi %add3A_230, %add3A_1639 : i32
        %add3A_1641 = arith.constant 1 : i32
        %add3A_1642 = arith.addi %add3A_1640, %add3A_1641 : i32
        %mul3A_1643 = arith.constant 128 : i32
        %mul3A_1644 = arith.muli %add3A_1642, %mul3A_1643 : i32
        %dma_start3A_1645 = arith.constant 1 : i32
        %dma_start3A_1646 = arith.constant 0 : i32
        %dma_start3A_1647 = arith.constant 0 : i32
        %dma_start3A_1648 = tpu.memref_slice %arg11[%dma_start3A_1645, %dma_start3A_1646, %dma_start3A_1647] : memref<8x128x32xf32, #tpu.memory_space<vmem>> -> memref<1x128x32xf32, #tpu.memory_space<vmem>>
        %dma_start3A_1649 = tpu.memref_squeeze %dma_start3A_1648 : memref<1x128x32xf32, #tpu.memory_space<vmem>> -> memref<128x32xf32, #tpu.memory_space<vmem>>
        %dma_start3A_1650 = tpu.memref_slice %arg8[%mul3A_1644] : memref<10240xi32, #tpu.memory_space<vmem>> -> memref<128xi32, #tpu.memory_space<vmem>>
        %dma_start3A_1651 = arith.constant 0 : i32
        %dma_start3A_1652 = arith.constant 0 : i32
        %dma_start3A_1653 = tpu.memref_slice %arg13[%dma_start3A_1651, %dma_start3A_1652] : memref<10112x32xf32, #tpu.memory_space<vmem_shared>> -> memref<10112x32xf32, #tpu.memory_space<vmem_shared>>
        tpu.enqueue_indirect_dma source(%dma_start3A_1653 : memref<10112x32xf32, #tpu.memory_space<vmem_shared>>) target(%dma_start3A_1649 : memref<128x32xf32, #tpu.memory_space<vmem>>) offsets(%dma_start3A_1650 : memref<128xi32, #tpu.memory_space<vmem>>) semaphore(%arg14 : memref<!tpu.dma_semaphore, #tpu.memory_space<semaphore_mem>>)
        %add3A_1654 = arith.constant 4 : i32
        %add3A_1655 = arith.addi %add3A_230, %add3A_1654 : i32
        %add3A_1656 = arith.constant 2 : i32
        %add3A_1657 = arith.addi %add3A_1655, %add3A_1656 : i32
        %mul3A_1658 = arith.constant 128 : i32
        %mul3A_1659 = arith.muli %add3A_1657, %mul3A_1658 : i32
        %dma_start3A_1660 = arith.constant 2 : i32
        %dma_start3A_1661 = arith.constant 0 : i32
        %dma_start3A_1662 = arith.constant 0 : i32
        %dma_start3A_1663 = tpu.memref_slice %arg11[%dma_start3A_1660, %dma_start3A_1661, %dma_start3A_1662] : memref<8x128x32xf32, #tpu.memory_space<vmem>> -> memref<1x128x32xf32, #tpu.memory_space<vmem>>
        %dma_start3A_1664 = tpu.memref_squeeze %dma_start3A_1663 : memref<1x128x32xf32, #tpu.memory_space<vmem>> -> memref<128x32xf32, #tpu.memory_space<vmem>>
        %dma_start3A_1665 = tpu.memref_slice %arg8[%mul3A_1659] : memref<10240xi32, #tpu.memory_space<vmem>> -> memref<128xi32, #tpu.memory_space<vmem>>
        %dma_start3A_1666 = arith.constant 0 : i32
        %dma_start3A_1667 = arith.constant 0 : i32
        %dma_start3A_1668 = tpu.memref_slice %arg13[%dma_start3A_1666, %dma_start3A_1667] : memref<10112x32xf32, #tpu.memory_space<vmem_shared>> -> memref<10112x32xf32, #tpu.memory_space<vmem_shared>>
        tpu.enqueue_indirect_dma source(%dma_start3A_1668 : memref<10112x32xf32, #tpu.memory_space<vmem_shared>>) target(%dma_start3A_1664 : memref<128x32xf32, #tpu.memory_space<vmem>>) offsets(%dma_start3A_1665 : memref<128xi32, #tpu.memory_space<vmem>>) semaphore(%arg14 : memref<!tpu.dma_semaphore, #tpu.memory_space<semaphore_mem>>)
        %add3A_1669 = arith.constant 4 : i32
        %add3A_1670 = arith.addi %add3A_230, %add3A_1669 : i32
        %add3A_1671 = arith.constant 3 : i32
        %add3A_1672 = arith.addi %add3A_1670, %add3A_1671 : i32
        %mul3A_1673 = arith.constant 128 : i32
        %mul3A_1674 = arith.muli %add3A_1672, %mul3A_1673 : i32
        %dma_start3A_1675 = arith.constant 3 : i32
        %dma_start3A_1676 = arith.constant 0 : i32
        %dma_start3A_1677 = arith.constant 0 : i32
        %dma_start3A_1678 = tpu.memref_slice %arg11[%dma_start3A_1675, %dma_start3A_1676, %dma_start3A_1677] : memref<8x128x32xf32, #tpu.memory_space<vmem>> -> memref<1x128x32xf32, #tpu.memory_space<vmem>>
        %dma_start3A_1679 = tpu.memref_squeeze %dma_start3A_1678 : memref<1x128x32xf32, #tpu.memory_space<vmem>> -> memref<128x32xf32, #tpu.memory_space<vmem>>
        %dma_start3A_1680 = tpu.memref_slice %arg8[%mul3A_1674] : memref<10240xi32, #tpu.memory_space<vmem>> -> memref<128xi32, #tpu.memory_space<vmem>>
        %dma_start3A_1681 = arith.constant 0 : i32
        %dma_start3A_1682 = arith.constant 0 : i32
        %dma_start3A_1683 = tpu.memref_slice %arg13[%dma_start3A_1681, %dma_start3A_1682] : memref<10112x32xf32, #tpu.memory_space<vmem_shared>> -> memref<10112x32xf32, #tpu.memory_space<vmem_shared>>
        tpu.enqueue_indirect_dma source(%dma_start3A_1683 : memref<10112x32xf32, #tpu.memory_space<vmem_shared>>) target(%dma_start3A_1679 : memref<128x32xf32, #tpu.memory_space<vmem>>) offsets(%dma_start3A_1680 : memref<128xi32, #tpu.memory_space<vmem>>) semaphore(%arg14 : memref<!tpu.dma_semaphore, #tpu.memory_space<semaphore_mem>>)
      } else {
      }
      %add3A_956 = arith.constant 0 : i32
      %add3A_957 = arith.addi %add3A_230, %add3A_956 : i32
      %mul3A_958 = arith.constant 128 : i32
      %mul3A_959 = arith.muli %add3A_957, %mul3A_958 : i32
      %add3A_960 = arith.constant 0 : i32
      %add3A_961 = arith.addi %mul3A_959, %add3A_960 : i32
      %get3A_962 = arith.index_cast %add3A_961 : i32 to index
      %get3A_963 = tpu.vector_load %arg9[%get3A_962] {strides = array<i32>} : memref<10240xi32, #tpu.memory_space<vmem>>, vector<16xi32>,
      %get3A_964 = vector.shape_cast %get3A_963 : vector<16xi32> to vector<16xi32>
      %add3A_965 = arith.constant 0 : i32
      %add3A_966 = arith.addi %add3A_230, %add3A_965 : i32
      %swap3A_967 = arith.index_cast %add3A_966 : i32 to index
      %swap3A_968 = arith.constant 0 : index
      %swap3A_969 = tpu.vector_load %arg10[%swap3A_967, %swap3A_968] {strides = array<i32>} : memref<80x128xi32, #tpu.memory_space<vmem>>, vector<1x16xi32>,
      %swap3A_970 = vector.shape_cast %swap3A_969 : vector<1x16xi32> to vector<16xi32>
      %swap3A_971 = vector.shape_cast %get3A_964 : vector<16xi32> to vector<1x16xi32>
      tpu.vector_store %arg10[%swap3A_967, %swap3A_968], %swap3A_971 {strides = array<i32>} : memref<80x128xi32, #tpu.memory_space<vmem>>, vector<1x16xi32>,
      %add3A_972 = arith.constant 0 : i32
      %add3A_973 = arith.addi %add3A_230, %add3A_972 : i32
      %mul3A_974 = arith.constant 128 : i32
      %mul3A_975 = arith.muli %add3A_973, %mul3A_974 : i32
      %add3A_976 = arith.constant 16 : i32
      %add3A_977 = arith.addi %mul3A_975, %add3A_976 : i32
      %get3A_978 = arith.index_cast %add3A_977 : i32 to index
      %get3A_979 = tpu.vector_load %arg9[%get3A_978] {strides = array<i32>} : memref<10240xi32, #tpu.memory_space<vmem>>, vector<16xi32>,
      %get3A_980 = vector.shape_cast %get3A_979 : vector<16xi32> to vector<16xi32>
      %add3A_981 = arith.constant 0 : i32
      %add3A_982 = arith.addi %add3A_230, %add3A_981 : i32
      %swap3A_983 = arith.index_cast %add3A_982 : i32 to index
      %swap3A_984 = arith.constant 16 : index
      %swap3A_985 = tpu.vector_load %arg10[%swap3A_983, %swap3A_984] {strides = array<i32>} : memref<80x128xi32, #tpu.memory_space<vmem>>, vector<1x16xi32>,
      %swap3A_986 = vector.shape_cast %swap3A_985 : vector<1x16xi32> to vector<16xi32>
      %swap3A_987 = vector.shape_cast %get3A_980 : vector<16xi32> to vector<1x16xi32>
      tpu.vector_store %arg10[%swap3A_983, %swap3A_984], %swap3A_987 {strides = array<i32>} : memref<80x128xi32, #tpu.memory_space<vmem>>, vector<1x16xi32>,
      %add3A_988 = arith.constant 0 : i32
      %add3A_989 = arith.addi %add3A_230, %add3A_988 : i32
      %mul3A_990 = arith.constant 128 : i32
      %mul3A_991 = arith.muli %add3A_989, %mul3A_990 : i32
      %add3A_992 = arith.constant 32 : i32
      %add3A_993 = arith.addi %mul3A_991, %add3A_992 : i32
      %get3A_994 = arith.index_cast %add3A_993 : i32 to index
      %get3A_995 = tpu.vector_load %arg9[%get3A_994] {strides = array<i32>} : memref<10240xi32, #tpu.memory_space<vmem>>, vector<16xi32>,
      %get3A_996 = vector.shape_cast %get3A_995 : vector<16xi32> to vector<16xi32>
      %add3A_997 = arith.constant 0 : i32
      %add3A_998 = arith.addi %add3A_230, %add3A_997 : i32
      %swap3A_999 = arith.index_cast %add3A_998 : i32 to index
      %swap3A_1000 = arith.constant 32 : index
      %swap3A_1001 = tpu.vector_load %arg10[%swap3A_999, %swap3A_1000] {strides = array<i32>} : memref<80x128xi32, #tpu.memory_space<vmem>>, vector<1x16xi32>,
      %swap3A_1002 = vector.shape_cast %swap3A_1001 : vector<1x16xi32> to vector<16xi32>
      %swap3A_1003 = vector.shape_cast %get3A_996 : vector<16xi32> to vector<1x16xi32>
      tpu.vector_store %arg10[%swap3A_999, %swap3A_1000], %swap3A_1003 {strides = array<i32>} : memref<80x128xi32, #tpu.memory_space<vmem>>, vector<1x16xi32>,
      %add3A_1004 = arith.constant 0 : i32
      %add3A_1005 = arith.addi %add3A_230, %add3A_1004 : i32
      %mul3A_1006 = arith.constant 128 : i32
      %mul3A_1007 = arith.muli %add3A_1005, %mul3A_1006 : i32
      %add3A_1008 = arith.constant 48 : i32
      %add3A_1009 = arith.addi %mul3A_1007, %add3A_1008 : i32
      %get3A_1010 = arith.index_cast %add3A_1009 : i32 to index
      %get3A_1011 = tpu.vector_load %arg9[%get3A_1010] {strides = array<i32>} : memref<10240xi32, #tpu.memory_space<vmem>>, vector<16xi32>,
      %get3A_1012 = vector.shape_cast %get3A_1011 : vector<16xi32> to vector<16xi32>
      %add3A_1013 = arith.constant 0 : i32
      %add3A_1014 = arith.addi %add3A_230, %add3A_1013 : i32
      %swap3A_1015 = arith.index_cast %add3A_1014 : i32 to index
      %swap3A_1016 = arith.constant 48 : index
      %swap3A_1017 = tpu.vector_load %arg10[%swap3A_1015, %swap3A_1016] {strides = array<i32>} : memref<80x128xi32, #tpu.memory_space<vmem>>, vector<1x16xi32>,
      %swap3A_1018 = vector.shape_cast %swap3A_1017 : vector<1x16xi32> to vector<16xi32>
      %swap3A_1019 = vector.shape_cast %get3A_1012 : vector<16xi32> to vector<1x16xi32>
      tpu.vector_store %arg10[%swap3A_1015, %swap3A_1016], %swap3A_1019 {strides = array<i32>} : memref<80x128xi32, #tpu.memory_space<vmem>>, vector<1x16xi32>,
      %add3A_1020 = arith.constant 0 : i32
      %add3A_1021 = arith.addi %add3A_230, %add3A_1020 : i32
      %mul3A_1022 = arith.constant 128 : i32
      %mul3A_1023 = arith.muli %add3A_1021, %mul3A_1022 : i32
      %add3A_1024 = arith.constant 64 : i32
      %add3A_1025 = arith.addi %mul3A_1023, %add3A_1024 : i32
      %get3A_1026 = arith.index_cast %add3A_1025 : i32 to index
      %get3A_1027 = tpu.vector_load %arg9[%get3A_1026] {strides = array<i32>} : memref<10240xi32, #tpu.memory_space<vmem>>, vector<16xi32>,
      %get3A_1028 = vector.shape_cast %get3A_1027 : vector<16xi32> to vector<16xi32>
      %add3A_1029 = arith.constant 0 : i32
      %add3A_1030 = arith.addi %add3A_230, %add3A_1029 : i32
      %swap3A_1031 = arith.index_cast %add3A_1030 : i32 to index
      %swap3A_1032 = arith.constant 64 : index
      %swap3A_1033 = tpu.vector_load %arg10[%swap3A_1031, %swap3A_1032] {strides = array<i32>} : memref<80x128xi32, #tpu.memory_space<vmem>>, vector<1x16xi32>,
      %swap3A_1034 = vector.shape_cast %swap3A_1033 : vector<1x16xi32> to vector<16xi32>
      %swap3A_1035 = vector.shape_cast %get3A_1028 : vector<16xi32> to vector<1x16xi32>
      tpu.vector_store %arg10[%swap3A_1031, %swap3A_1032], %swap3A_1035 {strides = array<i32>} : memref<80x128xi32, #tpu.memory_space<vmem>>, vector<1x16xi32>,
      %add3A_1036 = arith.constant 0 : i32
      %add3A_1037 = arith.addi %add3A_230, %add3A_1036 : i32
      %mul3A_1038 = arith.constant 128 : i32
      %mul3A_1039 = arith.muli %add3A_1037, %mul3A_1038 : i32
      %add3A_1040 = arith.constant 80 : i32
      %add3A_1041 = arith.addi %mul3A_1039, %add3A_1040 : i32
      %get3A_1042 = arith.index_cast %add3A_1041 : i32 to index
      %get3A_1043 = tpu.vector_load %arg9[%get3A_1042] {strides = array<i32>} : memref<10240xi32, #tpu.memory_space<vmem>>, vector<16xi32>,
      %get3A_1044 = vector.shape_cast %get3A_1043 : vector<16xi32> to vector<16xi32>
      %add3A_1045 = arith.constant 0 : i32
      %add3A_1046 = arith.addi %add3A_230, %add3A_1045 : i32
      %swap3A_1047 = arith.index_cast %add3A_1046 : i32 to index
      %swap3A_1048 = arith.constant 80 : index
      %swap3A_1049 = tpu.vector_load %arg10[%swap3A_1047, %swap3A_1048] {strides = array<i32>} : memref<80x128xi32, #tpu.memory_space<vmem>>, vector<1x16xi32>,
      %swap3A_1050 = vector.shape_cast %swap3A_1049 : vector<1x16xi32> to vector<16xi32>
      %swap3A_1051 = vector.shape_cast %get3A_1044 : vector<16xi32> to vector<1x16xi32>
      tpu.vector_store %arg10[%swap3A_1047, %swap3A_1048], %swap3A_1051 {strides = array<i32>} : memref<80x128xi32, #tpu.memory_space<vmem>>, vector<1x16xi32>,
      %add3A_1052 = arith.constant 0 : i32
      %add3A_1053 = arith.addi %add3A_230, %add3A_1052 : i32
      %mul3A_1054 = arith.constant 128 : i32
      %mul3A_1055 = arith.muli %add3A_1053, %mul3A_1054 : i32
      %add3A_1056 = arith.constant 96 : i32
      %add3A_1057 = arith.addi %mul3A_1055, %add3A_1056 : i32
      %get3A_1058 = arith.index_cast %add3A_1057 : i32 to index
      %get3A_1059 = tpu.vector_load %arg9[%get3A_1058] {strides = array<i32>} : memref<10240xi32, #tpu.memory_space<vmem>>, vector<16xi32>,
      %get3A_1060 = vector.shape_cast %get3A_1059 : vector<16xi32> to vector<16xi32>
      %add3A_1061 = arith.constant 0 : i32
      %add3A_1062 = arith.addi %add3A_230, %add3A_1061 : i32
      %swap3A_1063 = arith.index_cast %add3A_1062 : i32 to index
      %swap3A_1064 = arith.constant 96 : index
      %swap3A_1065 = tpu.vector_load %arg10[%swap3A_1063, %swap3A_1064] {strides = array<i32>} : memref<80x128xi32, #tpu.memory_space<vmem>>, vector<1x16xi32>,
      %swap3A_1066 = vector.shape_cast %swap3A_1065 : vector<1x16xi32> to vector<16xi32>
      %swap3A_1067 = vector.shape_cast %get3A_1060 : vector<16xi32> to vector<1x16xi32>
      tpu.vector_store %arg10[%swap3A_1063, %swap3A_1064], %swap3A_1067 {strides = array<i32>} : memref<80x128xi32, #tpu.memory_space<vmem>>, vector<1x16xi32>,
      %add3A_1068 = arith.constant 0 : i32
      %add3A_1069 = arith.addi %add3A_230, %add3A_1068 : i32
      %mul3A_1070 = arith.constant 128 : i32
      %mul3A_1071 = arith.muli %add3A_1069, %mul3A_1070 : i32
      %add3A_1072 = arith.constant 112 : i32
      %add3A_1073 = arith.addi %mul3A_1071, %add3A_1072 : i32
      %get3A_1074 = arith.index_cast %add3A_1073 : i32 to index
      %get3A_1075 = tpu.vector_load %arg9[%get3A_1074] {strides = array<i32>} : memref<10240xi32, #tpu.memory_space<vmem>>, vector<16xi32>,
      %get3A_1076 = vector.shape_cast %get3A_1075 : vector<16xi32> to vector<16xi32>
      %add3A_1077 = arith.constant 0 : i32
      %add3A_1078 = arith.addi %add3A_230, %add3A_1077 : i32
      %swap3A_1079 = arith.index_cast %add3A_1078 : i32 to index
      %swap3A_1080 = arith.constant 112 : index
      %swap3A_1081 = tpu.vector_load %arg10[%swap3A_1079, %swap3A_1080] {strides = array<i32>} : memref<80x128xi32, #tpu.memory_space<vmem>>, vector<1x16xi32>,
      %swap3A_1082 = vector.shape_cast %swap3A_1081 : vector<1x16xi32> to vector<16xi32>
      %swap3A_1083 = vector.shape_cast %get3A_1076 : vector<16xi32> to vector<1x16xi32>
      tpu.vector_store %arg10[%swap3A_1079, %swap3A_1080], %swap3A_1083 {strides = array<i32>} : memref<80x128xi32, #tpu.memory_space<vmem>>, vector<1x16xi32>,
      %add3A_1084 = arith.constant 1 : i32
      %add3A_1085 = arith.addi %add3A_230, %add3A_1084 : i32
      %mul3A_1086 = arith.constant 128 : i32
      %mul3A_1087 = arith.muli %add3A_1085, %mul3A_1086 : i32
      %add3A_1088 = arith.constant 0 : i32
      %add3A_1089 = arith.addi %mul3A_1087, %add3A_1088 : i32
      %get3A_1090 = arith.index_cast %add3A_1089 : i32 to index
      %get3A_1091 = tpu.vector_load %arg9[%get3A_1090] {strides = array<i32>} : memref<10240xi32, #tpu.memory_space<vmem>>, vector<16xi32>,
      %get3A_1092 = vector.shape_cast %get3A_1091 : vector<16xi32> to vector<16xi32>
      %add3A_1093 = arith.constant 1 : i32
      %add3A_1094 = arith.addi %add3A_230, %add3A_1093 : i32
      %swap3A_1095 = arith.index_cast %add3A_1094 : i32 to index
      %swap3A_1096 = arith.constant 0 : index
      %swap3A_1097 = tpu.vector_load %arg10[%swap3A_1095, %swap3A_1096] {strides = array<i32>} : memref<80x128xi32, #tpu.memory_space<vmem>>, vector<1x16xi32>,
      %swap3A_1098 = vector.shape_cast %swap3A_1097 : vector<1x16xi32> to vector<16xi32>
      %swap3A_1099 = vector.shape_cast %get3A_1092 : vector<16xi32> to vector<1x16xi32>
      tpu.vector_store %arg10[%swap3A_1095, %swap3A_1096], %swap3A_1099 {strides = array<i32>} : memref<80x128xi32, #tpu.memory_space<vmem>>, vector<1x16xi32>,
      %add3A_1100 = arith.constant 1 : i32
      %add3A_1101 = arith.addi %add3A_230, %add3A_1100 : i32
      %mul3A_1102 = arith.constant 128 : i32
      %mul3A_1103 = arith.muli %add3A_1101, %mul3A_1102 : i32
      %add3A_1104 = arith.constant 16 : i32
      %add3A_1105 = arith.addi %mul3A_1103, %add3A_1104 : i32
      %get3A_1106 = arith.index_cast %add3A_1105 : i32 to index
      %get3A_1107 = tpu.vector_load %arg9[%get3A_1106] {strides = array<i32>} : memref<10240xi32, #tpu.memory_space<vmem>>, vector<16xi32>,
      %get3A_1108 = vector.shape_cast %get3A_1107 : vector<16xi32> to vector<16xi32>
      %add3A_1109 = arith.constant 1 : i32
      %add3A_1110 = arith.addi %add3A_230, %add3A_1109 : i32
      %swap3A_1111 = arith.index_cast %add3A_1110 : i32 to index
      %swap3A_1112 = arith.constant 16 : index
      %swap3A_1113 = tpu.vector_load %arg10[%swap3A_1111, %swap3A_1112] {strides = array<i32>} : memref<80x128xi32, #tpu.memory_space<vmem>>, vector<1x16xi32>,
      %swap3A_1114 = vector.shape_cast %swap3A_1113 : vector<1x16xi32> to vector<16xi32>
      %swap3A_1115 = vector.shape_cast %get3A_1108 : vector<16xi32> to vector<1x16xi32>
      tpu.vector_store %arg10[%swap3A_1111, %swap3A_1112], %swap3A_1115 {strides = array<i32>} : memref<80x128xi32, #tpu.memory_space<vmem>>, vector<1x16xi32>,
      %add3A_1116 = arith.constant 1 : i32
      %add3A_1117 = arith.addi %add3A_230, %add3A_1116 : i32
      %mul3A_1118 = arith.constant 128 : i32
      %mul3A_1119 = arith.muli %add3A_1117, %mul3A_1118 : i32
      %add3A_1120 = arith.constant 32 : i32
      %add3A_1121 = arith.addi %mul3A_1119, %add3A_1120 : i32
      %get3A_1122 = arith.index_cast %add3A_1121 : i32 to index
      %get3A_1123 = tpu.vector_load %arg9[%get3A_1122] {strides = array<i32>} : memref<10240xi32, #tpu.memory_space<vmem>>, vector<16xi32>,
      %get3A_1124 = vector.shape_cast %get3A_1123 : vector<16xi32> to vector<16xi32>
      %add3A_1125 = arith.constant 1 : i32
      %add3A_1126 = arith.addi %add3A_230, %add3A_1125 : i32
      %swap3A_1127 = arith.index_cast %add3A_1126 : i32 to index
      %swap3A_1128 = arith.constant 32 : index
      %swap3A_1129 = tpu.vector_load %arg10[%swap3A_1127, %swap3A_1128] {strides = array<i32>} : memref<80x128xi32, #tpu.memory_space<vmem>>, vector<1x16xi32>,
      %swap3A_1130 = vector.shape_cast %swap3A_1129 : vector<1x16xi32> to vector<16xi32>
      %swap3A_1131 = vector.shape_cast %get3A_1124 : vector<16xi32> to vector<1x16xi32>
      tpu.vector_store %arg10[%swap3A_1127, %swap3A_1128], %swap3A_1131 {strides = array<i32>} : memref<80x128xi32, #tpu.memory_space<vmem>>, vector<1x16xi32>,
      %add3A_1132 = arith.constant 1 : i32
      %add3A_1133 = arith.addi %add3A_230, %add3A_1132 : i32
      %mul3A_1134 = arith.constant 128 : i32
      %mul3A_1135 = arith.muli %add3A_1133, %mul3A_1134 : i32
      %add3A_1136 = arith.constant 48 : i32
      %add3A_1137 = arith.addi %mul3A_1135, %add3A_1136 : i32
      %get3A_1138 = arith.index_cast %add3A_1137 : i32 to index
      %get3A_1139 = tpu.vector_load %arg9[%get3A_1138] {strides = array<i32>} : memref<10240xi32, #tpu.memory_space<vmem>>, vector<16xi32>,
      %get3A_1140 = vector.shape_cast %get3A_1139 : vector<16xi32> to vector<16xi32>
      %add3A_1141 = arith.constant 1 : i32
      %add3A_1142 = arith.addi %add3A_230, %add3A_1141 : i32
      %swap3A_1143 = arith.index_cast %add3A_1142 : i32 to index
      %swap3A_1144 = arith.constant 48 : index
      %swap3A_1145 = tpu.vector_load %arg10[%swap3A_1143, %swap3A_1144] {strides = array<i32>} : memref<80x128xi32, #tpu.memory_space<vmem>>, vector<1x16xi32>,
      %swap3A_1146 = vector.shape_cast %swap3A_1145 : vector<1x16xi32> to vector<16xi32>
      %swap3A_1147 = vector.shape_cast %get3A_1140 : vector<16xi32> to vector<1x16xi32>
      tpu.vector_store %arg10[%swap3A_1143, %swap3A_1144], %swap3A_1147 {strides = array<i32>} : memref<80x128xi32, #tpu.memory_space<vmem>>, vector<1x16xi32>,
      %add3A_1148 = arith.constant 1 : i32
      %add3A_1149 = arith.addi %add3A_230, %add3A_1148 : i32
      %mul3A_1150 = arith.constant 128 : i32
      %mul3A_1151 = arith.muli %add3A_1149, %mul3A_1150 : i32
      %add3A_1152 = arith.constant 64 : i32
      %add3A_1153 = arith.addi %mul3A_1151, %add3A_1152 : i32
      %get3A_1154 = arith.index_cast %add3A_1153 : i32 to index
      %get3A_1155 = tpu.vector_load %arg9[%get3A_1154] {strides = array<i32>} : memref<10240xi32, #tpu.memory_space<vmem>>, vector<16xi32>,
      %get3A_1156 = vector.shape_cast %get3A_1155 : vector<16xi32> to vector<16xi32>
      %add3A_1157 = arith.constant 1 : i32
      %add3A_1158 = arith.addi %add3A_230, %add3A_1157 : i32
      %swap3A_1159 = arith.index_cast %add3A_1158 : i32 to index
      %swap3A_1160 = arith.constant 64 : index
      %swap3A_1161 = tpu.vector_load %arg10[%swap3A_1159, %swap3A_1160] {strides = array<i32>} : memref<80x128xi32, #tpu.memory_space<vmem>>, vector<1x16xi32>,
      %swap3A_1162 = vector.shape_cast %swap3A_1161 : vector<1x16xi32> to vector<16xi32>
      %swap3A_1163 = vector.shape_cast %get3A_1156 : vector<16xi32> to vector<1x16xi32>
      tpu.vector_store %arg10[%swap3A_1159, %swap3A_1160], %swap3A_1163 {strides = array<i32>} : memref<80x128xi32, #tpu.memory_space<vmem>>, vector<1x16xi32>,
      %add3A_1164 = arith.constant 1 : i32
      %add3A_1165 = arith.addi %add3A_230, %add3A_1164 : i32
      %mul3A_1166 = arith.constant 128 : i32
      %mul3A_1167 = arith.muli %add3A_1165, %mul3A_1166 : i32
      %add3A_1168 = arith.constant 80 : i32
      %add3A_1169 = arith.addi %mul3A_1167, %add3A_1168 : i32
      %get3A_1170 = arith.index_cast %add3A_1169 : i32 to index
      %get3A_1171 = tpu.vector_load %arg9[%get3A_1170] {strides = array<i32>} : memref<10240xi32, #tpu.memory_space<vmem>>, vector<16xi32>,
      %get3A_1172 = vector.shape_cast %get3A_1171 : vector<16xi32> to vector<16xi32>
      %add3A_1173 = arith.constant 1 : i32
      %add3A_1174 = arith.addi %add3A_230, %add3A_1173 : i32
      %swap3A_1175 = arith.index_cast %add3A_1174 : i32 to index
      %swap3A_1176 = arith.constant 80 : index
      %swap3A_1177 = tpu.vector_load %arg10[%swap3A_1175, %swap3A_1176] {strides = array<i32>} : memref<80x128xi32, #tpu.memory_space<vmem>>, vector<1x16xi32>,
      %swap3A_1178 = vector.shape_cast %swap3A_1177 : vector<1x16xi32> to vector<16xi32>
      %swap3A_1179 = vector.shape_cast %get3A_1172 : vector<16xi32> to vector<1x16xi32>
      tpu.vector_store %arg10[%swap3A_1175, %swap3A_1176], %swap3A_1179 {strides = array<i32>} : memref<80x128xi32, #tpu.memory_space<vmem>>, vector<1x16xi32>,
      %add3A_1180 = arith.constant 1 : i32
      %add3A_1181 = arith.addi %add3A_230, %add3A_1180 : i32
      %mul3A_1182 = arith.constant 128 : i32
      %mul3A_1183 = arith.muli %add3A_1181, %mul3A_1182 : i32
      %add3A_1184 = arith.constant 96 : i32
      %add3A_1185 = arith.addi %mul3A_1183, %add3A_1184 : i32
      %get3A_1186 = arith.index_cast %add3A_1185 : i32 to index
      %get3A_1187 = tpu.vector_load %arg9[%get3A_1186] {strides = array<i32>} : memref<10240xi32, #tpu.memory_space<vmem>>, vector<16xi32>,
      %get3A_1188 = vector.shape_cast %get3A_1187 : vector<16xi32> to vector<16xi32>
      %add3A_1189 = arith.constant 1 : i32
      %add3A_1190 = arith.addi %add3A_230, %add3A_1189 : i32
      %swap3A_1191 = arith.index_cast %add3A_1190 : i32 to index
      %swap3A_1192 = arith.constant 96 : index
      %swap3A_1193 = tpu.vector_load %arg10[%swap3A_1191, %swap3A_1192] {strides = array<i32>} : memref<80x128xi32, #tpu.memory_space<vmem>>, vector<1x16xi32>,
      %swap3A_1194 = vector.shape_cast %swap3A_1193 : vector<1x16xi32> to vector<16xi32>
      %swap3A_1195 = vector.shape_cast %get3A_1188 : vector<16xi32> to vector<1x16xi32>
      tpu.vector_store %arg10[%swap3A_1191, %swap3A_1192], %swap3A_1195 {strides = array<i32>} : memref<80x128xi32, #tpu.memory_space<vmem>>, vector<1x16xi32>,
      %add3A_1196 = arith.constant 1 : i32
      %add3A_1197 = arith.addi %add3A_230, %add3A_1196 : i32
      %mul3A_1198 = arith.constant 128 : i32
      %mul3A_1199 = arith.muli %add3A_1197, %mul3A_1198 : i32
      %add3A_1200 = arith.constant 112 : i32
      %add3A_1201 = arith.addi %mul3A_1199, %add3A_1200 : i32
      %get3A_1202 = arith.index_cast %add3A_1201 : i32 to index
      %get3A_1203 = tpu.vector_load %arg9[%get3A_1202] {strides = array<i32>} : memref<10240xi32, #tpu.memory_space<vmem>>, vector<16xi32>,
      %get3A_1204 = vector.shape_cast %get3A_1203 : vector<16xi32> to vector<16xi32>
      %add3A_1205 = arith.constant 1 : i32
      %add3A_1206 = arith.addi %add3A_230, %add3A_1205 : i32
      %swap3A_1207 = arith.index_cast %add3A_1206 : i32 to index
      %swap3A_1208 = arith.constant 112 : index
      %swap3A_1209 = tpu.vector_load %arg10[%swap3A_1207, %swap3A_1208] {strides = array<i32>} : memref<80x128xi32, #tpu.memory_space<vmem>>, vector<1x16xi32>,
      %swap3A_1210 = vector.shape_cast %swap3A_1209 : vector<1x16xi32> to vector<16xi32>
      %swap3A_1211 = vector.shape_cast %get3A_1204 : vector<16xi32> to vector<1x16xi32>
      tpu.vector_store %arg10[%swap3A_1207, %swap3A_1208], %swap3A_1211 {strides = array<i32>} : memref<80x128xi32, #tpu.memory_space<vmem>>, vector<1x16xi32>,
      %add3A_1212 = arith.constant 2 : i32
      %add3A_1213 = arith.addi %add3A_230, %add3A_1212 : i32
      %mul3A_1214 = arith.constant 128 : i32
      %mul3A_1215 = arith.muli %add3A_1213, %mul3A_1214 : i32
      %add3A_1216 = arith.constant 0 : i32
      %add3A_1217 = arith.addi %mul3A_1215, %add3A_1216 : i32
      %get3A_1218 = arith.index_cast %add3A_1217 : i32 to index
      %get3A_1219 = tpu.vector_load %arg9[%get3A_1218] {strides = array<i32>} : memref<10240xi32, #tpu.memory_space<vmem>>, vector<16xi32>,
      %get3A_1220 = vector.shape_cast %get3A_1219 : vector<16xi32> to vector<16xi32>
      %add3A_1221 = arith.constant 2 : i32
      %add3A_1222 = arith.addi %add3A_230, %add3A_1221 : i32
      %swap3A_1223 = arith.index_cast %add3A_1222 : i32 to index
      %swap3A_1224 = arith.constant 0 : index
      %swap3A_1225 = tpu.vector_load %arg10[%swap3A_1223, %swap3A_1224] {strides = array<i32>} : memref<80x128xi32, #tpu.memory_space<vmem>>, vector<1x16xi32>,
      %swap3A_1226 = vector.shape_cast %swap3A_1225 : vector<1x16xi32> to vector<16xi32>
      %swap3A_1227 = vector.shape_cast %get3A_1220 : vector<16xi32> to vector<1x16xi32>
      tpu.vector_store %arg10[%swap3A_1223, %swap3A_1224], %swap3A_1227 {strides = array<i32>} : memref<80x128xi32, #tpu.memory_space<vmem>>, vector<1x16xi32>,
      %add3A_1228 = arith.constant 2 : i32
      %add3A_1229 = arith.addi %add3A_230, %add3A_1228 : i32
      %mul3A_1230 = arith.constant 128 : i32
      %mul3A_1231 = arith.muli %add3A_1229, %mul3A_1230 : i32
      %add3A_1232 = arith.constant 16 : i32
      %add3A_1233 = arith.addi %mul3A_1231, %add3A_1232 : i32
      %get3A_1234 = arith.index_cast %add3A_1233 : i32 to index
      %get3A_1235 = tpu.vector_load %arg9[%get3A_1234] {strides = array<i32>} : memref<10240xi32, #tpu.memory_space<vmem>>, vector<16xi32>,
      %get3A_1236 = vector.shape_cast %get3A_1235 : vector<16xi32> to vector<16xi32>
      %add3A_1237 = arith.constant 2 : i32
      %add3A_1238 = arith.addi %add3A_230, %add3A_1237 : i32
      %swap3A_1239 = arith.index_cast %add3A_1238 : i32 to index
      %swap3A_1240 = arith.constant 16 : index
      %swap3A_1241 = tpu.vector_load %arg10[%swap3A_1239, %swap3A_1240] {strides = array<i32>} : memref<80x128xi32, #tpu.memory_space<vmem>>, vector<1x16xi32>,
      %swap3A_1242 = vector.shape_cast %swap3A_1241 : vector<1x16xi32> to vector<16xi32>
      %swap3A_1243 = vector.shape_cast %get3A_1236 : vector<16xi32> to vector<1x16xi32>
      tpu.vector_store %arg10[%swap3A_1239, %swap3A_1240], %swap3A_1243 {strides = array<i32>} : memref<80x128xi32, #tpu.memory_space<vmem>>, vector<1x16xi32>,
      %add3A_1244 = arith.constant 2 : i32
      %add3A_1245 = arith.addi %add3A_230, %add3A_1244 : i32
      %mul3A_1246 = arith.constant 128 : i32
      %mul3A_1247 = arith.muli %add3A_1245, %mul3A_1246 : i32
      %add3A_1248 = arith.constant 32 : i32
      %add3A_1249 = arith.addi %mul3A_1247, %add3A_1248 : i32
      %get3A_1250 = arith.index_cast %add3A_1249 : i32 to index
      %get3A_1251 = tpu.vector_load %arg9[%get3A_1250] {strides = array<i32>} : memref<10240xi32, #tpu.memory_space<vmem>>, vector<16xi32>,
      %get3A_1252 = vector.shape_cast %get3A_1251 : vector<16xi32> to vector<16xi32>
      %add3A_1253 = arith.constant 2 : i32
      %add3A_1254 = arith.addi %add3A_230, %add3A_1253 : i32
      %swap3A_1255 = arith.index_cast %add3A_1254 : i32 to index
      %swap3A_1256 = arith.constant 32 : index
      %swap3A_1257 = tpu.vector_load %arg10[%swap3A_1255, %swap3A_1256] {strides = array<i32>} : memref<80x128xi32, #tpu.memory_space<vmem>>, vector<1x16xi32>,
      %swap3A_1258 = vector.shape_cast %swap3A_1257 : vector<1x16xi32> to vector<16xi32>
      %swap3A_1259 = vector.shape_cast %get3A_1252 : vector<16xi32> to vector<1x16xi32>
      tpu.vector_store %arg10[%swap3A_1255, %swap3A_1256], %swap3A_1259 {strides = array<i32>} : memref<80x128xi32, #tpu.memory_space<vmem>>, vector<1x16xi32>,
      %add3A_1260 = arith.constant 2 : i32
      %add3A_1261 = arith.addi %add3A_230, %add3A_1260 : i32
      %mul3A_1262 = arith.constant 128 : i32
      %mul3A_1263 = arith.muli %add3A_1261, %mul3A_1262 : i32
      %add3A_1264 = arith.constant 48 : i32
      %add3A_1265 = arith.addi %mul3A_1263, %add3A_1264 : i32
      %get3A_1266 = arith.index_cast %add3A_1265 : i32 to index
      %get3A_1267 = tpu.vector_load %arg9[%get3A_1266] {strides = array<i32>} : memref<10240xi32, #tpu.memory_space<vmem>>, vector<16xi32>,
      %get3A_1268 = vector.shape_cast %get3A_1267 : vector<16xi32> to vector<16xi32>
      %add3A_1269 = arith.constant 2 : i32
      %add3A_1270 = arith.addi %add3A_230, %add3A_1269 : i32
      %swap3A_1271 = arith.index_cast %add3A_1270 : i32 to index
      %swap3A_1272 = arith.constant 48 : index
      %swap3A_1273 = tpu.vector_load %arg10[%swap3A_1271, %swap3A_1272] {strides = array<i32>} : memref<80x128xi32, #tpu.memory_space<vmem>>, vector<1x16xi32>,
      %swap3A_1274 = vector.shape_cast %swap3A_1273 : vector<1x16xi32> to vector<16xi32>
      %swap3A_1275 = vector.shape_cast %get3A_1268 : vector<16xi32> to vector<1x16xi32>
      tpu.vector_store %arg10[%swap3A_1271, %swap3A_1272], %swap3A_1275 {strides = array<i32>} : memref<80x128xi32, #tpu.memory_space<vmem>>, vector<1x16xi32>,
      %add3A_1276 = arith.constant 2 : i32
      %add3A_1277 = arith.addi %add3A_230, %add3A_1276 : i32
      %mul3A_1278 = arith.constant 128 : i32
      %mul3A_1279 = arith.muli %add3A_1277, %mul3A_1278 : i32
      %add3A_1280 = arith.constant 64 : i32
      %add3A_1281 = arith.addi %mul3A_1279, %add3A_1280 : i32
      %get3A_1282 = arith.index_cast %add3A_1281 : i32 to index
      %get3A_1283 = tpu.vector_load %arg9[%get3A_1282] {strides = array<i32>} : memref<10240xi32, #tpu.memory_space<vmem>>, vector<16xi32>,
      %get3A_1284 = vector.shape_cast %get3A_1283 : vector<16xi32> to vector<16xi32>
      %add3A_1285 = arith.constant 2 : i32
      %add3A_1286 = arith.addi %add3A_230, %add3A_1285 : i32
      %swap3A_1287 = arith.index_cast %add3A_1286 : i32 to index
      %swap3A_1288 = arith.constant 64 : index
      %swap3A_1289 = tpu.vector_load %arg10[%swap3A_1287, %swap3A_1288] {strides = array<i32>} : memref<80x128xi32, #tpu.memory_space<vmem>>, vector<1x16xi32>,
      %swap3A_1290 = vector.shape_cast %swap3A_1289 : vector<1x16xi32> to vector<16xi32>
      %swap3A_1291 = vector.shape_cast %get3A_1284 : vector<16xi32> to vector<1x16xi32>
      tpu.vector_store %arg10[%swap3A_1287, %swap3A_1288], %swap3A_1291 {strides = array<i32>} : memref<80x128xi32, #tpu.memory_space<vmem>>, vector<1x16xi32>,
      %add3A_1292 = arith.constant 2 : i32
      %add3A_1293 = arith.addi %add3A_230, %add3A_1292 : i32
      %mul3A_1294 = arith.constant 128 : i32
      %mul3A_1295 = arith.muli %add3A_1293, %mul3A_1294 : i32
      %add3A_1296 = arith.constant 80 : i32
      %add3A_1297 = arith.addi %mul3A_1295, %add3A_1296 : i32
      %get3A_1298 = arith.index_cast %add3A_1297 : i32 to index
      %get3A_1299 = tpu.vector_load %arg9[%get3A_1298] {strides = array<i32>} : memref<10240xi32, #tpu.memory_space<vmem>>, vector<16xi32>,
      %get3A_1300 = vector.shape_cast %get3A_1299 : vector<16xi32> to vector<16xi32>
      %add3A_1301 = arith.constant 2 : i32
      %add3A_1302 = arith.addi %add3A_230, %add3A_1301 : i32
      %swap3A_1303 = arith.index_cast %add3A_1302 : i32 to index
      %swap3A_1304 = arith.constant 80 : index
      %swap3A_1305 = tpu.vector_load %arg10[%swap3A_1303, %swap3A_1304] {strides = array<i32>} : memref<80x128xi32, #tpu.memory_space<vmem>>, vector<1x16xi32>,
      %swap3A_1306 = vector.shape_cast %swap3A_1305 : vector<1x16xi32> to vector<16xi32>
      %swap3A_1307 = vector.shape_cast %get3A_1300 : vector<16xi32> to vector<1x16xi32>
      tpu.vector_store %arg10[%swap3A_1303, %swap3A_1304], %swap3A_1307 {strides = array<i32>} : memref<80x128xi32, #tpu.memory_space<vmem>>, vector<1x16xi32>,
      %add3A_1308 = arith.constant 2 : i32
      %add3A_1309 = arith.addi %add3A_230, %add3A_1308 : i32
      %mul3A_1310 = arith.constant 128 : i32
      %mul3A_1311 = arith.muli %add3A_1309, %mul3A_1310 : i32
      %add3A_1312 = arith.constant 96 : i32
      %add3A_1313 = arith.addi %mul3A_1311, %add3A_1312 : i32
      %get3A_1314 = arith.index_cast %add3A_1313 : i32 to index
      %get3A_1315 = tpu.vector_load %arg9[%get3A_1314] {strides = array<i32>} : memref<10240xi32, #tpu.memory_space<vmem>>, vector<16xi32>,
      %get3A_1316 = vector.shape_cast %get3A_1315 : vector<16xi32> to vector<16xi32>
      %add3A_1317 = arith.constant 2 : i32
      %add3A_1318 = arith.addi %add3A_230, %add3A_1317 : i32
      %swap3A_1319 = arith.index_cast %add3A_1318 : i32 to index
      %swap3A_1320 = arith.constant 96 : index
      %swap3A_1321 = tpu.vector_load %arg10[%swap3A_1319, %swap3A_1320] {strides = array<i32>} : memref<80x128xi32, #tpu.memory_space<vmem>>, vector<1x16xi32>,
      %swap3A_1322 = vector.shape_cast %swap3A_1321 : vector<1x16xi32> to vector<16xi32>
      %swap3A_1323 = vector.shape_cast %get3A_1316 : vector<16xi32> to vector<1x16xi32>
      tpu.vector_store %arg10[%swap3A_1319, %swap3A_1320], %swap3A_1323 {strides = array<i32>} : memref<80x128xi32, #tpu.memory_space<vmem>>, vector<1x16xi32>,
      %add3A_1324 = arith.constant 2 : i32
      %add3A_1325 = arith.addi %add3A_230, %add3A_1324 : i32
      %mul3A_1326 = arith.constant 128 : i32
      %mul3A_1327 = arith.muli %add3A_1325, %mul3A_1326 : i32
      %add3A_1328 = arith.constant 112 : i32
      %add3A_1329 = arith.addi %mul3A_1327, %add3A_1328 : i32
      %get3A_1330 = arith.index_cast %add3A_1329 : i32 to index
      %get3A_1331 = tpu.vector_load %arg9[%get3A_1330] {strides = array<i32>} : memref<10240xi32, #tpu.memory_space<vmem>>, vector<16xi32>,
      %get3A_1332 = vector.shape_cast %get3A_1331 : vector<16xi32> to vector<16xi32>
      %add3A_1333 = arith.constant 2 : i32
      %add3A_1334 = arith.addi %add3A_230, %add3A_1333 : i32
      %swap3A_1335 = arith.index_cast %add3A_1334 : i32 to index
      %swap3A_1336 = arith.constant 112 : index
      %swap3A_1337 = tpu.vector_load %arg10[%swap3A_1335, %swap3A_1336] {strides = array<i32>} : memref<80x128xi32, #tpu.memory_space<vmem>>, vector<1x16xi32>,
      %swap3A_1338 = vector.shape_cast %swap3A_1337 : vector<1x16xi32> to vector<16xi32>
      %swap3A_1339 = vector.shape_cast %get3A_1332 : vector<16xi32> to vector<1x16xi32>
      tpu.vector_store %arg10[%swap3A_1335, %swap3A_1336], %swap3A_1339 {strides = array<i32>} : memref<80x128xi32, #tpu.memory_space<vmem>>, vector<1x16xi32>,
      %add3A_1340 = arith.constant 3 : i32
      %add3A_1341 = arith.addi %add3A_230, %add3A_1340 : i32
      %mul3A_1342 = arith.constant 128 : i32
      %mul3A_1343 = arith.muli %add3A_1341, %mul3A_1342 : i32
      %add3A_1344 = arith.constant 0 : i32
      %add3A_1345 = arith.addi %mul3A_1343, %add3A_1344 : i32
      %get3A_1346 = arith.index_cast %add3A_1345 : i32 to index
      %get3A_1347 = tpu.vector_load %arg9[%get3A_1346] {strides = array<i32>} : memref<10240xi32, #tpu.memory_space<vmem>>, vector<16xi32>,
      %get3A_1348 = vector.shape_cast %get3A_1347 : vector<16xi32> to vector<16xi32>
      %add3A_1349 = arith.constant 3 : i32
      %add3A_1350 = arith.addi %add3A_230, %add3A_1349 : i32
      %swap3A_1351 = arith.index_cast %add3A_1350 : i32 to index
      %swap3A_1352 = arith.constant 0 : index
      %swap3A_1353 = tpu.vector_load %arg10[%swap3A_1351, %swap3A_1352] {strides = array<i32>} : memref<80x128xi32, #tpu.memory_space<vmem>>, vector<1x16xi32>,
      %swap3A_1354 = vector.shape_cast %swap3A_1353 : vector<1x16xi32> to vector<16xi32>
      %swap3A_1355 = vector.shape_cast %get3A_1348 : vector<16xi32> to vector<1x16xi32>
      tpu.vector_store %arg10[%swap3A_1351, %swap3A_1352], %swap3A_1355 {strides = array<i32>} : memref<80x128xi32, #tpu.memory_space<vmem>>, vector<1x16xi32>,
      %add3A_1356 = arith.constant 3 : i32
      %add3A_1357 = arith.addi %add3A_230, %add3A_1356 : i32
      %mul3A_1358 = arith.constant 128 : i32
      %mul3A_1359 = arith.muli %add3A_1357, %mul3A_1358 : i32
      %add3A_1360 = arith.constant 16 : i32
      %add3A_1361 = arith.addi %mul3A_1359, %add3A_1360 : i32
      %get3A_1362 = arith.index_cast %add3A_1361 : i32 to index
      %get3A_1363 = tpu.vector_load %arg9[%get3A_1362] {strides = array<i32>} : memref<10240xi32, #tpu.memory_space<vmem>>, vector<16xi32>,
      %get3A_1364 = vector.shape_cast %get3A_1363 : vector<16xi32> to vector<16xi32>
      %add3A_1365 = arith.constant 3 : i32
      %add3A_1366 = arith.addi %add3A_230, %add3A_1365 : i32
      %swap3A_1367 = arith.index_cast %add3A_1366 : i32 to index
      %swap3A_1368 = arith.constant 16 : index
      %swap3A_1369 = tpu.vector_load %arg10[%swap3A_1367, %swap3A_1368] {strides = array<i32>} : memref<80x128xi32, #tpu.memory_space<vmem>>, vector<1x16xi32>,
      %swap3A_1370 = vector.shape_cast %swap3A_1369 : vector<1x16xi32> to vector<16xi32>
      %swap3A_1371 = vector.shape_cast %get3A_1364 : vector<16xi32> to vector<1x16xi32>
      tpu.vector_store %arg10[%swap3A_1367, %swap3A_1368], %swap3A_1371 {strides = array<i32>} : memref<80x128xi32, #tpu.memory_space<vmem>>, vector<1x16xi32>,
      %add3A_1372 = arith.constant 3 : i32
      %add3A_1373 = arith.addi %add3A_230, %add3A_1372 : i32
      %mul3A_1374 = arith.constant 128 : i32
      %mul3A_1375 = arith.muli %add3A_1373, %mul3A_1374 : i32
      %add3A_1376 = arith.constant 32 : i32
      %add3A_1377 = arith.addi %mul3A_1375, %add3A_1376 : i32
      %get3A_1378 = arith.index_cast %add3A_1377 : i32 to index
      %get3A_1379 = tpu.vector_load %arg9[%get3A_1378] {strides = array<i32>} : memref<10240xi32, #tpu.memory_space<vmem>>, vector<16xi32>,
      %get3A_1380 = vector.shape_cast %get3A_1379 : vector<16xi32> to vector<16xi32>
      %add3A_1381 = arith.constant 3 : i32
      %add3A_1382 = arith.addi %add3A_230, %add3A_1381 : i32
      %swap3A_1383 = arith.index_cast %add3A_1382 : i32 to index
      %swap3A_1384 = arith.constant 32 : index
      %swap3A_1385 = tpu.vector_load %arg10[%swap3A_1383, %swap3A_1384] {strides = array<i32>} : memref<80x128xi32, #tpu.memory_space<vmem>>, vector<1x16xi32>,
      %swap3A_1386 = vector.shape_cast %swap3A_1385 : vector<1x16xi32> to vector<16xi32>
      %swap3A_1387 = vector.shape_cast %get3A_1380 : vector<16xi32> to vector<1x16xi32>
      tpu.vector_store %arg10[%swap3A_1383, %swap3A_1384], %swap3A_1387 {strides = array<i32>} : memref<80x128xi32, #tpu.memory_space<vmem>>, vector<1x16xi32>,
      %add3A_1388 = arith.constant 3 : i32
      %add3A_1389 = arith.addi %add3A_230, %add3A_1388 : i32
      %mul3A_1390 = arith.constant 128 : i32
      %mul3A_1391 = arith.muli %add3A_1389, %mul3A_1390 : i32
      %add3A_1392 = arith.constant 48 : i32
      %add3A_1393 = arith.addi %mul3A_1391, %add3A_1392 : i32
      %get3A_1394 = arith.index_cast %add3A_1393 : i32 to index
      %get3A_1395 = tpu.vector_load %arg9[%get3A_1394] {strides = array<i32>} : memref<10240xi32, #tpu.memory_space<vmem>>, vector<16xi32>,
      %get3A_1396 = vector.shape_cast %get3A_1395 : vector<16xi32> to vector<16xi32>
      %add3A_1397 = arith.constant 3 : i32
      %add3A_1398 = arith.addi %add3A_230, %add3A_1397 : i32
      %swap3A_1399 = arith.index_cast %add3A_1398 : i32 to index
      %swap3A_1400 = arith.constant 48 : index
      %swap3A_1401 = tpu.vector_load %arg10[%swap3A_1399, %swap3A_1400] {strides = array<i32>} : memref<80x128xi32, #tpu.memory_space<vmem>>, vector<1x16xi32>,
      %swap3A_1402 = vector.shape_cast %swap3A_1401 : vector<1x16xi32> to vector<16xi32>
      %swap3A_1403 = vector.shape_cast %get3A_1396 : vector<16xi32> to vector<1x16xi32>
      tpu.vector_store %arg10[%swap3A_1399, %swap3A_1400], %swap3A_1403 {strides = array<i32>} : memref<80x128xi32, #tpu.memory_space<vmem>>, vector<1x16xi32>,
      %add3A_1404 = arith.constant 3 : i32
      %add3A_1405 = arith.addi %add3A_230, %add3A_1404 : i32
      %mul3A_1406 = arith.constant 128 : i32
      %mul3A_1407 = arith.muli %add3A_1405, %mul3A_1406 : i32
      %add3A_1408 = arith.constant 64 : i32
      %add3A_1409 = arith.addi %mul3A_1407, %add3A_1408 : i32
      %get3A_1410 = arith.index_cast %add3A_1409 : i32 to index
      %get3A_1411 = tpu.vector_load %arg9[%get3A_1410] {strides = array<i32>} : memref<10240xi32, #tpu.memory_space<vmem>>, vector<16xi32>,
      %get3A_1412 = vector.shape_cast %get3A_1411 : vector<16xi32> to vector<16xi32>
      %add3A_1413 = arith.constant 3 : i32
      %add3A_1414 = arith.addi %add3A_230, %add3A_1413 : i32
      %swap3A_1415 = arith.index_cast %add3A_1414 : i32 to index
      %swap3A_1416 = arith.constant 64 : index
      %swap3A_1417 = tpu.vector_load %arg10[%swap3A_1415, %swap3A_1416] {strides = array<i32>} : memref<80x128xi32, #tpu.memory_space<vmem>>, vector<1x16xi32>,
      %swap3A_1418 = vector.shape_cast %swap3A_1417 : vector<1x16xi32> to vector<16xi32>
      %swap3A_1419 = vector.shape_cast %get3A_1412 : vector<16xi32> to vector<1x16xi32>
      tpu.vector_store %arg10[%swap3A_1415, %swap3A_1416], %swap3A_1419 {strides = array<i32>} : memref<80x128xi32, #tpu.memory_space<vmem>>, vector<1x16xi32>,
      %add3A_1420 = arith.constant 3 : i32
      %add3A_1421 = arith.addi %add3A_230, %add3A_1420 : i32
      %mul3A_1422 = arith.constant 128 : i32
      %mul3A_1423 = arith.muli %add3A_1421, %mul3A_1422 : i32
      %add3A_1424 = arith.constant 80 : i32
      %add3A_1425 = arith.addi %mul3A_1423, %add3A_1424 : i32
      %get3A_1426 = arith.index_cast %add3A_1425 : i32 to index
      %get3A_1427 = tpu.vector_load %arg9[%get3A_1426] {strides = array<i32>} : memref<10240xi32, #tpu.memory_space<vmem>>, vector<16xi32>,
      %get3A_1428 = vector.shape_cast %get3A_1427 : vector<16xi32> to vector<16xi32>
      %add3A_1429 = arith.constant 3 : i32
      %add3A_1430 = arith.addi %add3A_230, %add3A_1429 : i32
      %swap3A_1431 = arith.index_cast %add3A_1430 : i32 to index
      %swap3A_1432 = arith.constant 80 : index
      %swap3A_1433 = tpu.vector_load %arg10[%swap3A_1431, %swap3A_1432] {strides = array<i32>} : memref<80x128xi32, #tpu.memory_space<vmem>>, vector<1x16xi32>,
      %swap3A_1434 = vector.shape_cast %swap3A_1433 : vector<1x16xi32> to vector<16xi32>
      %swap3A_1435 = vector.shape_cast %get3A_1428 : vector<16xi32> to vector<1x16xi32>
      tpu.vector_store %arg10[%swap3A_1431, %swap3A_1432], %swap3A_1435 {strides = array<i32>} : memref<80x128xi32, #tpu.memory_space<vmem>>, vector<1x16xi32>,
      %add3A_1436 = arith.constant 3 : i32
      %add3A_1437 = arith.addi %add3A_230, %add3A_1436 : i32
      %mul3A_1438 = arith.constant 128 : i32
      %mul3A_1439 = arith.muli %add3A_1437, %mul3A_1438 : i32
      %add3A_1440 = arith.constant 96 : i32
      %add3A_1441 = arith.addi %mul3A_1439, %add3A_1440 : i32
      %get3A_1442 = arith.index_cast %add3A_1441 : i32 to index
      %get3A_1443 = tpu.vector_load %arg9[%get3A_1442] {strides = array<i32>} : memref<10240xi32, #tpu.memory_space<vmem>>, vector<16xi32>,
      %get3A_1444 = vector.shape_cast %get3A_1443 : vector<16xi32> to vector<16xi32>
      %add3A_1445 = arith.constant 3 : i32
      %add3A_1446 = arith.addi %add3A_230, %add3A_1445 : i32
      %swap3A_1447 = arith.index_cast %add3A_1446 : i32 to index
      %swap3A_1448 = arith.constant 96 : index
      %swap3A_1449 = tpu.vector_load %arg10[%swap3A_1447, %swap3A_1448] {strides = array<i32>} : memref<80x128xi32, #tpu.memory_space<vmem>>, vector<1x16xi32>,
      %swap3A_1450 = vector.shape_cast %swap3A_1449 : vector<1x16xi32> to vector<16xi32>
      %swap3A_1451 = vector.shape_cast %get3A_1444 : vector<16xi32> to vector<1x16xi32>
      tpu.vector_store %arg10[%swap3A_1447, %swap3A_1448], %swap3A_1451 {strides = array<i32>} : memref<80x128xi32, #tpu.memory_space<vmem>>, vector<1x16xi32>,
      %add3A_1452 = arith.constant 3 : i32
      %add3A_1453 = arith.addi %add3A_230, %add3A_1452 : i32
      %mul3A_1454 = arith.constant 128 : i32
      %mul3A_1455 = arith.muli %add3A_1453, %mul3A_1454 : i32
      %add3A_1456 = arith.constant 112 : i32
      %add3A_1457 = arith.addi %mul3A_1455, %add3A_1456 : i32
      %get3A_1458 = arith.index_cast %add3A_1457 : i32 to index
      %get3A_1459 = tpu.vector_load %arg9[%get3A_1458] {strides = array<i32>} : memref<10240xi32, #tpu.memory_space<vmem>>, vector<16xi32>,
      %get3A_1460 = vector.shape_cast %get3A_1459 : vector<16xi32> to vector<16xi32>
      %add3A_1461 = arith.constant 3 : i32
      %add3A_1462 = arith.addi %add3A_230, %add3A_1461 : i32
      %swap3A_1463 = arith.index_cast %add3A_1462 : i32 to index
      %swap3A_1464 = arith.constant 112 : index
      %swap3A_1465 = tpu.vector_load %arg10[%swap3A_1463, %swap3A_1464] {strides = array<i32>} : memref<80x128xi32, #tpu.memory_space<vmem>>, vector<1x16xi32>,
      %swap3A_1466 = vector.shape_cast %swap3A_1465 : vector<1x16xi32> to vector<16xi32>
      %swap3A_1467 = vector.shape_cast %get3A_1460 : vector<16xi32> to vector<1x16xi32>
      tpu.vector_store %arg10[%swap3A_1463, %swap3A_1464], %swap3A_1467 {strides = array<i32>} : memref<80x128xi32, #tpu.memory_space<vmem>>, vector<1x16xi32>,
      %add3A_1468 = arith.constant 0 : i32
      %add3A_1469 = arith.addi %add3A_230, %add3A_1468 : i32
      %mul3A_1470 = arith.constant 128 : i32
      %mul3A_1471 = arith.muli %add3A_1469, %mul3A_1470 : i32
      %dma_wait3A_1472 = arith.constant 4 : i32
      %dma_wait3A_1473 = arith.constant 0 : i32
      %dma_wait3A_1474 = arith.constant 0 : i32
      %dma_wait3A_1475 = tpu.memref_slice %arg11[%dma_wait3A_1472, %dma_wait3A_1473, %dma_wait3A_1474] : memref<8x128x32xf32, #tpu.memory_space<vmem>> -> memref<1x128x32xf32, #tpu.memory_space<vmem>>
      %dma_wait3A_1476 = tpu.memref_squeeze %dma_wait3A_1475 : memref<1x128x32xf32, #tpu.memory_space<vmem>> -> memref<128x32xf32, #tpu.memory_space<vmem>>
      %dma_wait3A_1477 = tpu.memref_slice %arg8[%mul3A_1471] : memref<10240xi32, #tpu.memory_space<vmem>> -> memref<128xi32, #tpu.memory_space<vmem>>
      %dma_wait3A_1478 = arith.constant 0 : i32
      %dma_wait3A_1479 = arith.constant 0 : i32
      %dma_wait3A_1480 = tpu.memref_slice %arg13[%dma_wait3A_1478, %dma_wait3A_1479] : memref<10112x32xf32, #tpu.memory_space<vmem_shared>> -> memref<10112x32xf32, #tpu.memory_space<vmem_shared>>
      tpu.wait_indirect_dma semaphore(%arg15 : memref<!tpu.dma_semaphore, #tpu.memory_space<semaphore_mem>>) src(%dma_wait3A_1480 : memref<10112x32xf32, #tpu.memory_space<vmem_shared>>) dst(%dma_wait3A_1476 : memref<128x32xf32, #tpu.memory_space<vmem>>)
      %add3A_1481 = arith.constant 1 : i32
      %add3A_1482 = arith.addi %add3A_230, %add3A_1481 : i32
      %mul3A_1483 = arith.constant 128 : i32
      %mul3A_1484 = arith.muli %add3A_1482, %mul3A_1483 : i32
      %dma_wait3A_1485 = arith.constant 5 : i32
      %dma_wait3A_1486 = arith.constant 0 : i32
      %dma_wait3A_1487 = arith.constant 0 : i32
      %dma_wait3A_1488 = tpu.memref_slice %arg11[%dma_wait3A_1485, %dma_wait3A_1486, %dma_wait3A_1487] : memref<8x128x32xf32, #tpu.memory_space<vmem>> -> memref<1x128x32xf32, #tpu.memory_space<vmem>>
      %dma_wait3A_1489 = tpu.memref_squeeze %dma_wait3A_1488 : memref<1x128x32xf32, #tpu.memory_space<vmem>> -> memref<128x32xf32, #tpu.memory_space<vmem>>
      %dma_wait3A_1490 = tpu.memref_slice %arg8[%mul3A_1484] : memref<10240xi32, #tpu.memory_space<vmem>> -> memref<128xi32, #tpu.memory_space<vmem>>
      %dma_wait3A_1491 = arith.constant 0 : i32
      %dma_wait3A_1492 = arith.constant 0 : i32
      %dma_wait3A_1493 = tpu.memref_slice %arg13[%dma_wait3A_1491, %dma_wait3A_1492] : memref<10112x32xf32, #tpu.memory_space<vmem_shared>> -> memref<10112x32xf32, #tpu.memory_space<vmem_shared>>
      tpu.wait_indirect_dma semaphore(%arg15 : memref<!tpu.dma_semaphore, #tpu.memory_space<semaphore_mem>>) src(%dma_wait3A_1493 : memref<10112x32xf32, #tpu.memory_space<vmem_shared>>) dst(%dma_wait3A_1489 : memref<128x32xf32, #tpu.memory_space<vmem>>)
      %add3A_1494 = arith.constant 2 : i32
      %add3A_1495 = arith.addi %add3A_230, %add3A_1494 : i32
      %mul3A_1496 = arith.constant 128 : i32
      %mul3A_1497 = arith.muli %add3A_1495, %mul3A_1496 : i32
      %dma_wait3A_1498 = arith.constant 6 : i32
      %dma_wait3A_1499 = arith.constant 0 : i32
      %dma_wait3A_1500 = arith.constant 0 : i32
      %dma_wait3A_1501 = tpu.memref_slice %arg11[%dma_wait3A_1498, %dma_wait3A_1499, %dma_wait3A_1500] : memref<8x128x32xf32, #tpu.memory_space<vmem>> -> memref<1x128x32xf32, #tpu.memory_space<vmem>>
      %dma_wait3A_1502 = tpu.memref_squeeze %dma_wait3A_1501 : memref<1x128x32xf32, #tpu.memory_space<vmem>> -> memref<128x32xf32, #tpu.memory_space<vmem>>
      %dma_wait3A_1503 = tpu.memref_slice %arg8[%mul3A_1497] : memref<10240xi32, #tpu.memory_space<vmem>> -> memref<128xi32, #tpu.memory_space<vmem>>
      %dma_wait3A_1504 = arith.constant 0 : i32
      %dma_wait3A_1505 = arith.constant 0 : i32
      %dma_wait3A_1506 = tpu.memref_slice %arg13[%dma_wait3A_1504, %dma_wait3A_1505] : memref<10112x32xf32, #tpu.memory_space<vmem_shared>> -> memref<10112x32xf32, #tpu.memory_space<vmem_shared>>
      tpu.wait_indirect_dma semaphore(%arg15 : memref<!tpu.dma_semaphore, #tpu.memory_space<semaphore_mem>>) src(%dma_wait3A_1506 : memref<10112x32xf32, #tpu.memory_space<vmem_shared>>) dst(%dma_wait3A_1502 : memref<128x32xf32, #tpu.memory_space<vmem>>)
      %add3A_1507 = arith.constant 3 : i32
      %add3A_1508 = arith.addi %add3A_230, %add3A_1507 : i32
      %mul3A_1509 = arith.constant 128 : i32
      %mul3A_1510 = arith.muli %add3A_1508, %mul3A_1509 : i32
      %dma_wait3A_1511 = arith.constant 7 : i32
      %dma_wait3A_1512 = arith.constant 0 : i32
      %dma_wait3A_1513 = arith.constant 0 : i32
      %dma_wait3A_1514 = tpu.memref_slice %arg11[%dma_wait3A_1511, %dma_wait3A_1512, %dma_wait3A_1513] : memref<8x128x32xf32, #tpu.memory_space<vmem>> -> memref<1x128x32xf32, #tpu.memory_space<vmem>>
      %dma_wait3A_1515 = tpu.memref_squeeze %dma_wait3A_1514 : memref<1x128x32xf32, #tpu.memory_space<vmem>> -> memref<128x32xf32, #tpu.memory_space<vmem>>
      %dma_wait3A_1516 = tpu.memref_slice %arg8[%mul3A_1510] : memref<10240xi32, #tpu.memory_space<vmem>> -> memref<128xi32, #tpu.memory_space<vmem>>
      %dma_wait3A_1517 = arith.constant 0 : i32
      %dma_wait3A_1518 = arith.constant 0 : i32
      %dma_wait3A_1519 = tpu.memref_slice %arg13[%dma_wait3A_1517, %dma_wait3A_1518] : memref<10112x32xf32, #tpu.memory_space<vmem_shared>> -> memref<10112x32xf32, #tpu.memory_space<vmem_shared>>
      tpu.wait_indirect_dma semaphore(%arg15 : memref<!tpu.dma_semaphore, #tpu.memory_space<semaphore_mem>>) src(%dma_wait3A_1519 : memref<10112x32xf32, #tpu.memory_space<vmem_shared>>) dst(%dma_wait3A_1515 : memref<128x32xf32, #tpu.memory_space<vmem>>)
      %add3A_1520 = arith.constant 0 : i32
      %add3A_1521 = arith.addi %add3A_230, %add3A_1520 : i32
      %dma_start3A_1522 = arith.constant 4 : i32
      %dma_start3A_1523 = arith.constant 0 : i32
      %dma_start3A_1524 = arith.constant 0 : i32
      %dma_start3A_1525 = tpu.memref_slice %arg11[%dma_start3A_1522, %dma_start3A_1523, %dma_start3A_1524] : memref<8x128x32xf32, #tpu.memory_space<vmem>> -> memref<1x128x32xf32, #tpu.memory_space<vmem>>
      %dma_start3A_1526 = tpu.memref_squeeze %dma_start3A_1525 : memref<1x128x32xf32, #tpu.memory_space<vmem>> -> memref<128x32xf32, #tpu.memory_space<vmem>>
      %dma_start3A_1527 = arith.constant 0 : i32
      %dma_start3A_1528 = tpu.memref_slice %arg10[%add3A_1521, %dma_start3A_1527] : memref<80x128xi32, #tpu.memory_space<vmem>> -> memref<1x128xi32, #tpu.memory_space<vmem>>
      %dma_start3A_1529 = tpu.memref_squeeze %dma_start3A_1528 : memref<1x128xi32, #tpu.memory_space<vmem>> -> memref<128xi32, #tpu.memory_space<vmem>>
      %dma_start3A_1530 = arith.constant 0 : i32
      %dma_start3A_1531 = arith.constant 0 : i32
      %dma_start3A_1532 = tpu.memref_slice %arg12[%dma_start3A_1530, %dma_start3A_1531] : memref<10112x32xf32, #tpu.memory_space<vmem_shared>> -> memref<10112x32xf32, #tpu.memory_space<vmem_shared>>
      tpu.enqueue_indirect_dma source(%dma_start3A_1526 : memref<128x32xf32, #tpu.memory_space<vmem>>) target(%dma_start3A_1532 : memref<10112x32xf32, #tpu.memory_space<vmem_shared>>) offsets(%dma_start3A_1529 : memref<128xi32, #tpu.memory_space<vmem>>) semaphore(%arg16 : memref<!tpu.dma_semaphore, #tpu.memory_space<semaphore_mem>>) {add = true}
      %add3A_1533 = arith.constant 1 : i32
      %add3A_1534 = arith.addi %add3A_230, %add3A_1533 : i32
      %dma_start3A_1535 = arith.constant 5 : i32
      %dma_start3A_1536 = arith.constant 0 : i32
      %dma_start3A_1537 = arith.constant 0 : i32
      %dma_start3A_1538 = tpu.memref_slice %arg11[%dma_start3A_1535, %dma_start3A_1536, %dma_start3A_1537] : memref<8x128x32xf32, #tpu.memory_space<vmem>> -> memref<1x128x32xf32, #tpu.memory_space<vmem>>
      %dma_start3A_1539 = tpu.memref_squeeze %dma_start3A_1538 : memref<1x128x32xf32, #tpu.memory_space<vmem>> -> memref<128x32xf32, #tpu.memory_space<vmem>>
      %dma_start3A_1540 = arith.constant 0 : i32
      %dma_start3A_1541 = tpu.memref_slice %arg10[%add3A_1534, %dma_start3A_1540] : memref<80x128xi32, #tpu.memory_space<vmem>> -> memref<1x128xi32, #tpu.memory_space<vmem>>
      %dma_start3A_1542 = tpu.memref_squeeze %dma_start3A_1541 : memref<1x128xi32, #tpu.memory_space<vmem>> -> memref<128xi32, #tpu.memory_space<vmem>>
      %dma_start3A_1543 = arith.constant 0 : i32
      %dma_start3A_1544 = arith.constant 0 : i32
      %dma_start3A_1545 = tpu.memref_slice %arg12[%dma_start3A_1543, %dma_start3A_1544] : memref<10112x32xf32, #tpu.memory_space<vmem_shared>> -> memref<10112x32xf32, #tpu.memory_space<vmem_shared>>
      tpu.enqueue_indirect_dma source(%dma_start3A_1539 : memref<128x32xf32, #tpu.memory_space<vmem>>) target(%dma_start3A_1545 : memref<10112x32xf32, #tpu.memory_space<vmem_shared>>) offsets(%dma_start3A_1542 : memref<128xi32, #tpu.memory_space<vmem>>) semaphore(%arg16 : memref<!tpu.dma_semaphore, #tpu.memory_space<semaphore_mem>>) {add = true}
      %add3A_1546 = arith.constant 2 : i32
      %add3A_1547 = arith.addi %add3A_230, %add3A_1546 : i32
      %dma_start3A_1548 = arith.constant 6 : i32
      %dma_start3A_1549 = arith.constant 0 : i32
      %dma_start3A_1550 = arith.constant 0 : i32
      %dma_start3A_1551 = tpu.memref_slice %arg11[%dma_start3A_1548, %dma_start3A_1549, %dma_start3A_1550] : memref<8x128x32xf32, #tpu.memory_space<vmem>> -> memref<1x128x32xf32, #tpu.memory_space<vmem>>
      %dma_start3A_1552 = tpu.memref_squeeze %dma_start3A_1551 : memref<1x128x32xf32, #tpu.memory_space<vmem>> -> memref<128x32xf32, #tpu.memory_space<vmem>>
      %dma_start3A_1553 = arith.constant 0 : i32
      %dma_start3A_1554 = tpu.memref_slice %arg10[%add3A_1547, %dma_start3A_1553] : memref<80x128xi32, #tpu.memory_space<vmem>> -> memref<1x128xi32, #tpu.memory_space<vmem>>
      %dma_start3A_1555 = tpu.memref_squeeze %dma_start3A_1554 : memref<1x128xi32, #tpu.memory_space<vmem>> -> memref<128xi32, #tpu.memory_space<vmem>>
      %dma_start3A_1556 = arith.constant 0 : i32
      %dma_start3A_1557 = arith.constant 0 : i32
      %dma_start3A_1558 = tpu.memref_slice %arg12[%dma_start3A_1556, %dma_start3A_1557] : memref<10112x32xf32, #tpu.memory_space<vmem_shared>> -> memref<10112x32xf32, #tpu.memory_space<vmem_shared>>
      tpu.enqueue_indirect_dma source(%dma_start3A_1552 : memref<128x32xf32, #tpu.memory_space<vmem>>) target(%dma_start3A_1558 : memref<10112x32xf32, #tpu.memory_space<vmem_shared>>) offsets(%dma_start3A_1555 : memref<128xi32, #tpu.memory_space<vmem>>) semaphore(%arg16 : memref<!tpu.dma_semaphore, #tpu.memory_space<semaphore_mem>>) {add = true}
      %add3A_1559 = arith.constant 3 : i32
      %add3A_1560 = arith.addi %add3A_230, %add3A_1559 : i32
      %dma_start3A_1561 = arith.constant 7 : i32
      %dma_start3A_1562 = arith.constant 0 : i32
      %dma_start3A_1563 = arith.constant 0 : i32
      %dma_start3A_1564 = tpu.memref_slice %arg11[%dma_start3A_1561, %dma_start3A_1562, %dma_start3A_1563] : memref<8x128x32xf32, #tpu.memory_space<vmem>> -> memref<1x128x32xf32, #tpu.memory_space<vmem>>
      %dma_start3A_1565 = tpu.memref_squeeze %dma_start3A_1564 : memref<1x128x32xf32, #tpu.memory_space<vmem>> -> memref<128x32xf32, #tpu.memory_space<vmem>>
      %dma_start3A_1566 = arith.constant 0 : i32
      %dma_start3A_1567 = tpu.memref_slice %arg10[%add3A_1560, %dma_start3A_1566] : memref<80x128xi32, #tpu.memory_space<vmem>> -> memref<1x128xi32, #tpu.memory_space<vmem>>
      %dma_start3A_1568 = tpu.memref_squeeze %dma_start3A_1567 : memref<1x128xi32, #tpu.memory_space<vmem>> -> memref<128xi32, #tpu.memory_space<vmem>>
      %dma_start3A_1569 = arith.constant 0 : i32
      %dma_start3A_1570 = arith.constant 0 : i32
      %dma_start3A_1571 = tpu.memref_slice %arg12[%dma_start3A_1569, %dma_start3A_1570] : memref<10112x32xf32, #tpu.memory_space<vmem_shared>> -> memref<10112x32xf32, #tpu.memory_space<vmem_shared>>
      tpu.enqueue_indirect_dma source(%dma_start3A_1565 : memref<128x32xf32, #tpu.memory_space<vmem>>) target(%dma_start3A_1571 : memref<10112x32xf32, #tpu.memory_space<vmem_shared>>) offsets(%dma_start3A_1568 : memref<128xi32, #tpu.memory_space<vmem>>) semaphore(%arg16 : memref<!tpu.dma_semaphore, #tpu.memory_space<semaphore_mem>>) {add = true}
      %add3A_1572 = arith.constant 0 : i32
      %add3A_1573 = arith.addi %add3A_230, %add3A_1572 : i32
      %dma_wait3A_1574 = arith.constant 4 : i32
      %dma_wait3A_1575 = arith.constant 0 : i32
      %dma_wait3A_1576 = arith.constant 0 : i32
      %dma_wait3A_1577 = tpu.memref_slice %arg11[%dma_wait3A_1574, %dma_wait3A_1575, %dma_wait3A_1576] : memref<8x128x32xf32, #tpu.memory_space<vmem>> -> memref<1x128x32xf32, #tpu.memory_space<vmem>>
      %dma_wait3A_1578 = tpu.memref_squeeze %dma_wait3A_1577 : memref<1x128x32xf32, #tpu.memory_space<vmem>> -> memref<128x32xf32, #tpu.memory_space<vmem>>
      %dma_wait3A_1579 = arith.constant 0 : i32
      %dma_wait3A_1580 = tpu.memref_slice %arg10[%add3A_1573, %dma_wait3A_1579] : memref<80x128xi32, #tpu.memory_space<vmem>> -> memref<1x128xi32, #tpu.memory_space<vmem>>
      %dma_wait3A_1581 = tpu.memref_squeeze %dma_wait3A_1580 : memref<1x128xi32, #tpu.memory_space<vmem>> -> memref<128xi32, #tpu.memory_space<vmem>>
      %dma_wait3A_1582 = arith.constant 0 : i32
      %dma_wait3A_1583 = arith.constant 0 : i32
      %dma_wait3A_1584 = tpu.memref_slice %arg12[%dma_wait3A_1582, %dma_wait3A_1583] : memref<10112x32xf32, #tpu.memory_space<vmem_shared>> -> memref<10112x32xf32, #tpu.memory_space<vmem_shared>>
      tpu.wait_indirect_dma semaphore(%arg16 : memref<!tpu.dma_semaphore, #tpu.memory_space<semaphore_mem>>) src(%dma_wait3A_1578 : memref<128x32xf32, #tpu.memory_space<vmem>>) dst(%dma_wait3A_1584 : memref<10112x32xf32, #tpu.memory_space<vmem_shared>>)
      %add3A_1585 = arith.constant 1 : i32
      %add3A_1586 = arith.addi %add3A_230, %add3A_1585 : i32
      %dma_wait3A_1587 = arith.constant 5 : i32
      %dma_wait3A_1588 = arith.constant 0 : i32
      %dma_wait3A_1589 = arith.constant 0 : i32
      %dma_wait3A_1590 = tpu.memref_slice %arg11[%dma_wait3A_1587, %dma_wait3A_1588, %dma_wait3A_1589] : memref<8x128x32xf32, #tpu.memory_space<vmem>> -> memref<1x128x32xf32, #tpu.memory_space<vmem>>
      %dma_wait3A_1591 = tpu.memref_squeeze %dma_wait3A_1590 : memref<1x128x32xf32, #tpu.memory_space<vmem>> -> memref<128x32xf32, #tpu.memory_space<vmem>>
      %dma_wait3A_1592 = arith.constant 0 : i32
      %dma_wait3A_1593 = tpu.memref_slice %arg10[%add3A_1586, %dma_wait3A_1592] : memref<80x128xi32, #tpu.memory_space<vmem>> -> memref<1x128xi32, #tpu.memory_space<vmem>>
      %dma_wait3A_1594 = tpu.memref_squeeze %dma_wait3A_1593 : memref<1x128xi32, #tpu.memory_space<vmem>> -> memref<128xi32, #tpu.memory_space<vmem>>
      %dma_wait3A_1595 = arith.constant 0 : i32
      %dma_wait3A_1596 = arith.constant 0 : i32
      %dma_wait3A_1597 = tpu.memref_slice %arg12[%dma_wait3A_1595, %dma_wait3A_1596] : memref<10112x32xf32, #tpu.memory_space<vmem_shared>> -> memref<10112x32xf32, #tpu.memory_space<vmem_shared>>
      tpu.wait_indirect_dma semaphore(%arg16 : memref<!tpu.dma_semaphore, #tpu.memory_space<semaphore_mem>>) src(%dma_wait3A_1591 : memref<128x32xf32, #tpu.memory_space<vmem>>) dst(%dma_wait3A_1597 : memref<10112x32xf32, #tpu.memory_space<vmem_shared>>)
      %add3A_1598 = arith.constant 2 : i32
      %add3A_1599 = arith.addi %add3A_230, %add3A_1598 : i32
      %dma_wait3A_1600 = arith.constant 6 : i32
      %dma_wait3A_1601 = arith.constant 0 : i32
      %dma_wait3A_1602 = arith.constant 0 : i32
      %dma_wait3A_1603 = tpu.memref_slice %arg11[%dma_wait3A_1600, %dma_wait3A_1601, %dma_wait3A_1602] : memref<8x128x32xf32, #tpu.memory_space<vmem>> -> memref<1x128x32xf32, #tpu.memory_space<vmem>>
      %dma_wait3A_1604 = tpu.memref_squeeze %dma_wait3A_1603 : memref<1x128x32xf32, #tpu.memory_space<vmem>> -> memref<128x32xf32, #tpu.memory_space<vmem>>
      %dma_wait3A_1605 = arith.constant 0 : i32
      %dma_wait3A_1606 = tpu.memref_slice %arg10[%add3A_1599, %dma_wait3A_1605] : memref<80x128xi32, #tpu.memory_space<vmem>> -> memref<1x128xi32, #tpu.memory_space<vmem>>
      %dma_wait3A_1607 = tpu.memref_squeeze %dma_wait3A_1606 : memref<1x128xi32, #tpu.memory_space<vmem>> -> memref<128xi32, #tpu.memory_space<vmem>>
      %dma_wait3A_1608 = arith.constant 0 : i32
      %dma_wait3A_1609 = arith.constant 0 : i32
      %dma_wait3A_1610 = tpu.memref_slice %arg12[%dma_wait3A_1608, %dma_wait3A_1609] : memref<10112x32xf32, #tpu.memory_space<vmem_shared>> -> memref<10112x32xf32, #tpu.memory_space<vmem_shared>>
      tpu.wait_indirect_dma semaphore(%arg16 : memref<!tpu.dma_semaphore, #tpu.memory_space<semaphore_mem>>) src(%dma_wait3A_1604 : memref<128x32xf32, #tpu.memory_space<vmem>>) dst(%dma_wait3A_1610 : memref<10112x32xf32, #tpu.memory_space<vmem_shared>>)
      %add3A_1611 = arith.constant 3 : i32
      %add3A_1612 = arith.addi %add3A_230, %add3A_1611 : i32
      %dma_wait3A_1613 = arith.constant 7 : i32
      %dma_wait3A_1614 = arith.constant 0 : i32
      %dma_wait3A_1615 = arith.constant 0 : i32
      %dma_wait3A_1616 = tpu.memref_slice %arg11[%dma_wait3A_1613, %dma_wait3A_1614, %dma_wait3A_1615] : memref<8x128x32xf32, #tpu.memory_space<vmem>> -> memref<1x128x32xf32, #tpu.memory_space<vmem>>
      %dma_wait3A_1617 = tpu.memref_squeeze %dma_wait3A_1616 : memref<1x128x32xf32, #tpu.memory_space<vmem>> -> memref<128x32xf32, #tpu.memory_space<vmem>>
      %dma_wait3A_1618 = arith.constant 0 : i32
      %dma_wait3A_1619 = tpu.memref_slice %arg10[%add3A_1612, %dma_wait3A_1618] : memref<80x128xi32, #tpu.memory_space<vmem>> -> memref<1x128xi32, #tpu.memory_space<vmem>>
      %dma_wait3A_1620 = tpu.memref_squeeze %dma_wait3A_1619 : memref<1x128xi32, #tpu.memory_space<vmem>> -> memref<128xi32, #tpu.memory_space<vmem>>
      %dma_wait3A_1621 = arith.constant 0 : i32
      %dma_wait3A_1622 = arith.constant 0 : i32
      %dma_wait3A_1623 = tpu.memref_slice %arg12[%dma_wait3A_1621, %dma_wait3A_1622] : memref<10112x32xf32, #tpu.memory_space<vmem_shared>> -> memref<10112x32xf32, #tpu.memory_space<vmem_shared>>
      tpu.wait_indirect_dma semaphore(%arg16 : memref<!tpu.dma_semaphore, #tpu.memory_space<semaphore_mem>>) src(%dma_wait3A_1617 : memref<128x32xf32, #tpu.memory_space<vmem>>) dst(%dma_wait3A_1623 : memref<10112x32xf32, #tpu.memory_space<vmem_shared>>)
    }
    %scan3A_215 = arith.constant 10 : i32
    %barrier3A_216 = arith.constant 0 : index
    tpu.barrier barrier_id(%barrier3A_216)
    %eq3A = arith.constant 0 : i32
    %eq3A_217 = arith.cmpi eq, %arg0, %eq3A : i32
    %convert_element_type3A = arith.extui %eq3A_217 : i1 to i32
    %cond3A = arith.constant 0 : i32
    %cond3A_218 = arith.cmpi ne, %convert_element_type3A, %cond3A : i32
    scf.if %cond3A_218 {
      %mul3A_224 = arith.constant 632 : i32
      %mul3A_225 = arith.muli %arg1, %mul3A_224 : i32
      %mul3A_226 = arith.constant 632 : i32
      %mul3A_227 = arith.muli %arg1, %mul3A_226 : i32
      "tpu.region"() ({
        %run_scoped3A = tpu.sem_alloc : memref<!tpu.dma_semaphore, #tpu.memory_space<semaphore_mem>>
        %dma_start3A_228 = arith.constant 0 : i32
        %dma_start3A_229 = tpu.memref_slice %arg6[%mul3A_227, %dma_start3A_228] : memref<10112x32xf32, #tpu.memory_space<hbm>> -> memref<632x32xf32, #tpu.memory_space<hbm>>
        %dma_start3A_230 = arith.constant 0 : i32
        %dma_start3A_231 = tpu.memref_slice %arg12[%mul3A_225, %dma_start3A_230] : memref<10112x32xf32, #tpu.memory_space<vmem_shared>> -> memref<632x32xf32, #tpu.memory_space<vmem_shared>>
        tpu.enqueue_dma source(%dma_start3A_231 : memref<632x32xf32, #tpu.memory_space<vmem_shared>>) target(%dma_start3A_229 : memref<632x32xf32, #tpu.memory_space<hbm>>) target_semaphore(%run_scoped3A : memref<!tpu.dma_semaphore, #tpu.memory_space<semaphore_mem>>)
        %dma_wait3A_232 = arith.constant 0 : i32
        %dma_wait3A_233 = tpu.memref_slice %arg6[%mul3A_227, %dma_wait3A_232] : memref<10112x32xf32, #tpu.memory_space<hbm>> -> memref<632x32xf32, #tpu.memory_space<hbm>>
        %dma_wait3A_234 = arith.constant 0 : i32
        %dma_wait3A_235 = tpu.memref_slice %arg12[%mul3A_225, %dma_wait3A_234] : memref<10112x32xf32, #tpu.memory_space<vmem_shared>> -> memref<632x32xf32, #tpu.memory_space<vmem_shared>>
        tpu.wait_dma2 semaphore(%run_scoped3A : memref<!tpu.dma_semaphore, #tpu.memory_space<semaphore_mem>>) src(%dma_wait3A_235 : memref<632x32xf32, #tpu.memory_space<vmem_shared>>) dst(%dma_wait3A_233 : memref<632x32xf32, #tpu.memory_space<hbm>>)
        tpu.yield
      }) : () -> ()
    } else {
    }
    %eq3A_219 = arith.constant 1 : i32
    %eq3A_220 = arith.cmpi eq, %arg0, %eq3A_219 : i32
    %convert_element_type3A_221 = arith.extui %eq3A_220 : i1 to i32
    %cond3A_222 = arith.constant 0 : i32
    %cond3A_223 = arith.cmpi ne, %convert_element_type3A_221, %cond3A_222 : i32
    scf.if %cond3A_223 {
      %mul3A_224 = arith.constant 632 : i32
      %mul3A_225 = arith.muli %arg1, %mul3A_224 : i32
      %mul3A_226 = arith.constant 632 : i32
      %mul3A_227 = arith.muli %arg1, %mul3A_226 : i32
      "tpu.region"() ({
        %run_scoped3A = tpu.sem_alloc : memref<!tpu.dma_semaphore, #tpu.memory_space<semaphore_mem>>
        %dma_start3A_228 = arith.constant 0 : i32
        %dma_start3A_229 = tpu.memref_slice %arg7[%mul3A_227, %dma_start3A_228] : memref<10112x32xf32, #tpu.memory_space<hbm>> -> memref<632x32xf32, #tpu.memory_space<hbm>>
        %dma_start3A_230 = arith.constant 0 : i32
        %dma_start3A_231 = tpu.memref_slice %arg12[%mul3A_225, %dma_start3A_230] : memref<10112x32xf32, #tpu.memory_space<vmem_shared>> -> memref<632x32xf32, #tpu.memory_space<vmem_shared>>
        tpu.enqueue_dma source(%dma_start3A_231 : memref<632x32xf32, #tpu.memory_space<vmem_shared>>) target(%dma_start3A_229 : memref<632x32xf32, #tpu.memory_space<hbm>>) target_semaphore(%run_scoped3A : memref<!tpu.dma_semaphore, #tpu.memory_space<semaphore_mem>>)
        %dma_wait3A_232 = arith.constant 0 : i32
        %dma_wait3A_233 = tpu.memref_slice %arg7[%mul3A_227, %dma_wait3A_232] : memref<10112x32xf32, #tpu.memory_space<hbm>> -> memref<632x32xf32, #tpu.memory_space<hbm>>
        %dma_wait3A_234 = arith.constant 0 : i32
        %dma_wait3A_235 = tpu.memref_slice %arg12[%mul3A_225, %dma_wait3A_234] : memref<10112x32xf32, #tpu.memory_space<vmem_shared>> -> memref<632x32xf32, #tpu.memory_space<vmem_shared>>
        tpu.wait_dma2 semaphore(%run_scoped3A : memref<!tpu.dma_semaphore, #tpu.memory_space<semaphore_mem>>) src(%dma_wait3A_235 : memref<632x32xf32, #tpu.memory_space<vmem_shared>>) dst(%dma_wait3A_233 : memref<632x32xf32, #tpu.memory_space<hbm>>)
        tpu.yield
      }) : () -> ()
    } else {
    }
    return
  }
}

module attributes {stable_mosaic.version = 14 : i64} {
  func.func @_mm_a_body(%arg0: memref<2500x512xf32, #tpu.memory_space<vmem>>, %arg1: memref<512x128xf32, #tpu.memory_space<vmem>>, %arg2: memref<2528x128xf32, #tpu.memory_space<vmem>>) attributes {dimension_semantics = [], scalar_prefetch = 0 : i64, scratch_operands = 0 : i64, tpu.core_type = #tpu.core_type<tc>} {
    %get3A = arith.constant 0 : index
    %get3A_0 = arith.constant 0 : index
    %get3A_1 = vector.load %arg0[%get3A, %get3A_0] : memref<2500x512xf32, #tpu.memory_space<vmem>>, vector<2500x512xf32>
    %get3A_2 = arith.constant 0 : index
    %get3A_3 = arith.constant 0 : index
    %get3A_4 = vector.load %arg1[%get3A_2, %get3A_3] : memref<512x128xf32, #tpu.memory_space<vmem>>, vector<512x128xf32>
    %dot_general3A = arith.constant dense<0.000000e+00> : vector<2500x128xf32>
    %dot_general3A_5 = tpu.matmul %get3A_1, %get3A_4, %dot_general3A {dimension_numbers = #tpu.dot_dimension_numbers<[1], [0], [0], [1], [0, 0, 1, 1], [], []>, precision = #tpu.contract_precision<fp32>, transpose_lhs_hint = false} : vector<2500x512xf32>, vector<512x128xf32>, vector<2500x128xf32> -> vector<2500x128xf32>
    %broadcast_in_dim3A = arith.constant 0.000000e+00 : f32
    %broadcast_in_dim3A_6 = vector.broadcast %broadcast_in_dim3A : f32 to vector<28x128xf32>
    %concatenate3A = tpu.concatenate %dot_general3A_5, %broadcast_in_dim3A_6 in 0 : vector<2500x128xf32>, vector<28x128xf32> -> vector<2528x128xf32>
    %swap3A = arith.constant 0 : index
    %swap3A_7 = arith.constant 0 : index
    %swap3A_8 = vector.load %arg2[%swap3A, %swap3A_7] : memref<2528x128xf32, #tpu.memory_space<vmem>>, vector<2528x128xf32>
    tpu.vector_store %arg2[%swap3A, %swap3A_7], %concatenate3A {strides = array<i32>} : memref<2528x128xf32, #tpu.memory_space<vmem>>, vector<2528x128xf32>,
    return
  }
}

module attributes {stable_mosaic.version = 14 : i64} {
  func.func @_phase_b_body(%arg0: memref<2528x128xf32, #tpu.memory_space<vmem>>, %arg1: memref<2528x128xf32, #tpu.memory_space<vmem>>, %arg2: memref<2528x128xf32, #tpu.memory_space<vmem>>, %arg3: memref<1x128xf32, #tpu.memory_space<vmem>>, %arg4: memref<128x128xf32, #tpu.memory_space<vmem>>, %arg5: memref<1x128xf32, #tpu.memory_space<vmem>>, %arg6: memref<1x128xf32, #tpu.memory_space<vmem>>, %arg7: memref<1x128xf32, #tpu.memory_space<vmem>>, %arg8: memref<128x128xf32, #tpu.memory_space<vmem>>, %arg9: memref<128x128xf32, #tpu.memory_space<vmem>>, %arg10: memref<2528x128xf32, #tpu.memory_space<vmem>>) attributes {dimension_semantics = [], scalar_prefetch = 0 : i64, scratch_operands = 0 : i64, tpu.core_type = #tpu.core_type<tc>} {
    %get3A = arith.constant 0 : index
    %get3A_0 = arith.constant 0 : index
    %get3A_1 = vector.load %arg0[%get3A, %get3A_0] : memref<2528x128xf32, #tpu.memory_space<vmem>>, vector<2528x128xf32>
    %get3A_2 = arith.constant 0 : index
    %get3A_3 = arith.constant 0 : index
    %get3A_4 = vector.load %arg1[%get3A_2, %get3A_3] : memref<2528x128xf32, #tpu.memory_space<vmem>>, vector<2528x128xf32>
    %add3A = arith.addf %get3A_1, %get3A_4 : vector<2528x128xf32>
    %get3A_5 = arith.constant 0 : index
    %get3A_6 = arith.constant 0 : index
    %get3A_7 = vector.load %arg2[%get3A_5, %get3A_6] : memref<2528x128xf32, #tpu.memory_space<vmem>>, vector<2528x128xf32>
    %add3A_8 = arith.addf %add3A, %get3A_7 : vector<2528x128xf32>
    %get3A_9 = arith.constant 0 : index
    %get3A_10 = arith.constant 0 : index
    %get3A_11 = vector.load %arg3[%get3A_9, %get3A_10] : memref<1x128xf32, #tpu.memory_space<vmem>>, vector<1x128xf32>
    %add3A_12 = vector.broadcast %get3A_11 : vector<1x128xf32> to vector<2528x128xf32>
    %add3A_13 = arith.addf %add3A_8, %add3A_12 : vector<2528x128xf32>
    %max3A = arith.constant 0.000000e+00 : f32
    %max3A_14 = vector.broadcast %max3A : f32 to vector<2528x128xf32>
    %max3A_15 = arith.maximumf %add3A_13, %max3A_14 : vector<2528x128xf32>
    %get3A_16 = arith.constant 0 : index
    %get3A_17 = arith.constant 0 : index
    %get3A_18 = vector.load %arg4[%get3A_16, %get3A_17] : memref<128x128xf32, #tpu.memory_space<vmem>>, vector<128x128xf32>
    %dot_general3A = arith.constant dense<0.000000e+00> : vector<2528x128xf32>
    %dot_general3A_19 = tpu.matmul %max3A_15, %get3A_18, %dot_general3A {dimension_numbers = #tpu.dot_dimension_numbers<[1], [0], [0], [1], [0, 0, 1, 1], [], []>, precision = #tpu.contract_precision<fp32>, transpose_lhs_hint = false} : vector<2528x128xf32>, vector<128x128xf32>, vector<2528x128xf32> -> vector<2528x128xf32>
    %get3A_20 = arith.constant 0 : index
    %get3A_21 = arith.constant 0 : index
    %get3A_22 = vector.load %arg5[%get3A_20, %get3A_21] : memref<1x128xf32, #tpu.memory_space<vmem>>, vector<1x128xf32>
    %add3A_23 = vector.broadcast %get3A_22 : vector<1x128xf32> to vector<2528x128xf32>
    %add3A_24 = arith.addf %dot_general3A_19, %add3A_23 : vector<2528x128xf32>
    %iota3A = tpu.iota {dimensions = array<i32: 0>} : vector<2528x128xi32>
    %lt3A = arith.constant 2500 : i32
    %lt3A_25 = vector.broadcast %lt3A : i32 to vector<2528x128xi32>
    %lt3A_26 = arith.cmpi slt, %iota3A, %lt3A_25 : vector<2528x128xi32>
    %jit3A = arith.constant 0.000000e+00 : f32
    %broadcast_in_dim3A = vector.broadcast %jit3A : f32 to vector<2528x128xf32>
    %select_n3A = arith.select %lt3A_26, %add3A_24, %broadcast_in_dim3A : vector<2528x128xi1>, vector<2528x128xf32>
    %reduce_sum3A = arith.constant dense<0.000000e+00> : vector<128xf32>
    %reduce_sum3A_27 = vector.multi_reduction <add>, %select_n3A, %reduce_sum3A [0] : vector<2528x128xf32> to vector<128xf32>
    %broadcast_in_dim3A_28 = vector.shape_cast %reduce_sum3A_27 : vector<128xf32> to vector<1x128xf32>
    %get3A_29 = arith.constant 0 : index
    %get3A_30 = arith.constant 0 : index
    %get3A_31 = vector.load %arg9[%get3A_29, %get3A_30] : memref<128x128xf32, #tpu.memory_space<vmem>>, vector<128x128xf32>
    %dot_general3A_32 = arith.constant dense<0.000000e+00> : vector<1x128xf32>
    %dot_general3A_33 = tpu.matmul %broadcast_in_dim3A_28, %get3A_31, %dot_general3A_32 {dimension_numbers = #tpu.dot_dimension_numbers<[1], [0], [0], [1], [0, 0, 1, 1], [], []>, precision = #tpu.contract_precision<fp32>, transpose_lhs_hint = false} : vector<1x128xf32>, vector<128x128xf32>, vector<1x128xf32> -> vector<1x128xf32>
    %mul3A = arith.constant 9.99999974E-5 : f32
    %mul3A_34 = vector.broadcast %mul3A : f32 to vector<1x128xf32>
    %mul3A_35 = arith.mulf %dot_general3A_33, %mul3A_34 : vector<1x128xf32>
    %sub3A = vector.broadcast %mul3A_35 : vector<1x128xf32> to vector<2528x128xf32>
    %sub3A_36 = arith.subf %add3A_24, %sub3A : vector<2528x128xf32>
    %jit3A_37 = arith.constant 0.000000e+00 : f32
    %broadcast_in_dim3A_38 = vector.broadcast %jit3A_37 : f32 to vector<2528x128xf32>
    %select_n3A_39 = arith.select %lt3A_26, %sub3A_36, %broadcast_in_dim3A_38 : vector<2528x128xi1>, vector<2528x128xf32>
    %mul3A_40 = arith.mulf %select_n3A_39, %select_n3A_39 : vector<2528x128xf32>
    %reduce_sum3A_41 = arith.constant dense<0.000000e+00> : vector<128xf32>
    %reduce_sum3A_42 = vector.multi_reduction <add>, %mul3A_40, %reduce_sum3A_41 [0] : vector<2528x128xf32> to vector<128xf32>
    %broadcast_in_dim3A_43 = vector.shape_cast %reduce_sum3A_42 : vector<128xf32> to vector<1x128xf32>
    %get3A_44 = arith.constant 0 : index
    %get3A_45 = arith.constant 0 : index
    %get3A_46 = vector.load %arg9[%get3A_44, %get3A_45] : memref<128x128xf32, #tpu.memory_space<vmem>>, vector<128x128xf32>
    %dot_general3A_47 = arith.constant dense<0.000000e+00> : vector<1x128xf32>
    %dot_general3A_48 = tpu.matmul %broadcast_in_dim3A_43, %get3A_46, %dot_general3A_47 {dimension_numbers = #tpu.dot_dimension_numbers<[1], [0], [0], [1], [0, 0, 1, 1], [], []>, precision = #tpu.contract_precision<fp32>, transpose_lhs_hint = false} : vector<1x128xf32>, vector<128x128xf32>, vector<1x128xf32> -> vector<1x128xf32>
    %mul3A_49 = arith.constant 9.99999974E-5 : f32
    %mul3A_50 = vector.broadcast %mul3A_49 : f32 to vector<1x128xf32>
    %mul3A_51 = arith.mulf %dot_general3A_48, %mul3A_50 : vector<1x128xf32>
    %get3A_52 = arith.constant 0 : index
    %get3A_53 = arith.constant 0 : index
    %get3A_54 = vector.load %arg6[%get3A_52, %get3A_53] : memref<1x128xf32, #tpu.memory_space<vmem>>, vector<1x128xf32>
    %sub3A_55 = vector.broadcast %mul3A_35 : vector<1x128xf32> to vector<2528x128xf32>
    %sub3A_56 = arith.subf %add3A_24, %sub3A_55 : vector<2528x128xf32>
    %mul3A_57 = vector.broadcast %get3A_54 : vector<1x128xf32> to vector<2528x128xf32>
    %mul3A_58 = arith.mulf %mul3A_57, %sub3A_56 : vector<2528x128xf32>
    %add3A_59 = arith.constant 9.99999974E-6 : f32
    %add3A_60 = vector.broadcast %add3A_59 : f32 to vector<1x128xf32>
    %add3A_61 = arith.addf %mul3A_51, %add3A_60 : vector<1x128xf32>
    %rsqrt3A = math.rsqrt %add3A_61 : vector<1x128xf32>
    %mul3A_62 = vector.broadcast %rsqrt3A : vector<1x128xf32> to vector<2528x128xf32>
    %mul3A_63 = arith.mulf %mul3A_58, %mul3A_62 : vector<2528x128xf32>
    %get3A_64 = arith.constant 0 : index
    %get3A_65 = arith.constant 0 : index
    %get3A_66 = vector.load %arg7[%get3A_64, %get3A_65] : memref<1x128xf32, #tpu.memory_space<vmem>>, vector<1x128xf32>
    %add3A_67 = vector.broadcast %get3A_66 : vector<1x128xf32> to vector<2528x128xf32>
    %add3A_68 = arith.addf %mul3A_63, %add3A_67 : vector<2528x128xf32>
    %get3A_69 = arith.constant 0 : index
    %get3A_70 = arith.constant 0 : index
    %get3A_71 = vector.load %arg8[%get3A_69, %get3A_70] : memref<128x128xf32, #tpu.memory_space<vmem>>, vector<128x128xf32>
    %dot_general3A_72 = arith.constant dense<0.000000e+00> : vector<2528x128xf32>
    %dot_general3A_73 = tpu.matmul %add3A_68, %get3A_71, %dot_general3A_72 {dimension_numbers = #tpu.dot_dimension_numbers<[1], [0], [0], [1], [0, 0, 1, 1], [], []>, precision = #tpu.contract_precision<fp32>, transpose_lhs_hint = false} : vector<2528x128xf32>, vector<128x128xf32>, vector<2528x128xf32> -> vector<2528x128xf32>
    %jit3A_74 = arith.constant 0.000000e+00 : f32
    %broadcast_in_dim3A_75 = vector.broadcast %jit3A_74 : f32 to vector<2528x128xf32>
    %select_n3A_76 = arith.select %lt3A_26, %dot_general3A_73, %broadcast_in_dim3A_75 : vector<2528x128xi1>, vector<2528x128xf32>
    %swap3A = arith.constant 0 : index
    %swap3A_77 = arith.constant 0 : index
    %swap3A_78 = vector.load %arg10[%swap3A, %swap3A_77] : memref<2528x128xf32, #tpu.memory_space<vmem>>, vector<2528x128xf32>
    tpu.vector_store %arg10[%swap3A, %swap3A_77], %select_n3A_76 {strides = array<i32>} : memref<2528x128xf32, #tpu.memory_space<vmem>>, vector<2528x128xf32>,
    return
  }
}

module attributes {stable_mosaic.version = 14 : i64} {
  func.func @_phase_c_body(%arg0: memref<2528x128xf32, #tpu.memory_space<vmem>>, %arg1: memref<2528x128xf32, #tpu.memory_space<vmem>>, %arg2: memref<2528x128xf32, #tpu.memory_space<vmem>>, %arg3: memref<1x128xf32, #tpu.memory_space<vmem>>, %arg4: memref<128x128xf32, #tpu.memory_space<vmem>>, %arg5: memref<1x128xf32, #tpu.memory_space<vmem>>, %arg6: memref<1x128xf32, #tpu.memory_space<vmem>>, %arg7: memref<1x128xf32, #tpu.memory_space<vmem>>, %arg8: memref<128x128xf32, #tpu.memory_space<vmem>>, %arg9: memref<1x128xf32, #tpu.memory_space<vmem>>, %arg10: memref<128x164xf32, #tpu.memory_space<vmem>>, %arg11: memref<1x164xf32, #tpu.memory_space<vmem>>, %arg12: memref<128x128xf32, #tpu.memory_space<vmem>>, %arg13: memref<2528x164xf32, #tpu.memory_space<vmem>>) attributes {dimension_semantics = [], scalar_prefetch = 0 : i64, scratch_operands = 0 : i64, tpu.core_type = #tpu.core_type<tc>} {
    %get3A = arith.constant 0 : index
    %get3A_0 = arith.constant 0 : index
    %get3A_1 = vector.load %arg0[%get3A, %get3A_0] : memref<2528x128xf32, #tpu.memory_space<vmem>>, vector<2528x128xf32>
    %get3A_2 = arith.constant 0 : index
    %get3A_3 = arith.constant 0 : index
    %get3A_4 = vector.load %arg1[%get3A_2, %get3A_3] : memref<2528x128xf32, #tpu.memory_space<vmem>>, vector<2528x128xf32>
    %add3A = arith.addf %get3A_1, %get3A_4 : vector<2528x128xf32>
    %get3A_5 = arith.constant 0 : index
    %get3A_6 = arith.constant 0 : index
    %get3A_7 = vector.load %arg2[%get3A_5, %get3A_6] : memref<2528x128xf32, #tpu.memory_space<vmem>>, vector<2528x128xf32>
    %add3A_8 = arith.addf %add3A, %get3A_7 : vector<2528x128xf32>
    %get3A_9 = arith.constant 0 : index
    %get3A_10 = arith.constant 0 : index
    %get3A_11 = vector.load %arg3[%get3A_9, %get3A_10] : memref<1x128xf32, #tpu.memory_space<vmem>>, vector<1x128xf32>
    %add3A_12 = vector.broadcast %get3A_11 : vector<1x128xf32> to vector<2528x128xf32>
    %add3A_13 = arith.addf %add3A_8, %add3A_12 : vector<2528x128xf32>
    %max3A = arith.constant 0.000000e+00 : f32
    %max3A_14 = vector.broadcast %max3A : f32 to vector<2528x128xf32>
    %max3A_15 = arith.maximumf %add3A_13, %max3A_14 : vector<2528x128xf32>
    %get3A_16 = arith.constant 0 : index
    %get3A_17 = arith.constant 0 : index
    %get3A_18 = vector.load %arg4[%get3A_16, %get3A_17] : memref<128x128xf32, #tpu.memory_space<vmem>>, vector<128x128xf32>
    %dot_general3A = arith.constant dense<0.000000e+00> : vector<2528x128xf32>
    %dot_general3A_19 = tpu.matmul %max3A_15, %get3A_18, %dot_general3A {dimension_numbers = #tpu.dot_dimension_numbers<[1], [0], [0], [1], [0, 0, 1, 1], [], []>, precision = #tpu.contract_precision<fp32>, transpose_lhs_hint = false} : vector<2528x128xf32>, vector<128x128xf32>, vector<2528x128xf32> -> vector<2528x128xf32>
    %get3A_20 = arith.constant 0 : index
    %get3A_21 = arith.constant 0 : index
    %get3A_22 = vector.load %arg5[%get3A_20, %get3A_21] : memref<1x128xf32, #tpu.memory_space<vmem>>, vector<1x128xf32>
    %add3A_23 = vector.broadcast %get3A_22 : vector<1x128xf32> to vector<2528x128xf32>
    %add3A_24 = arith.addf %dot_general3A_19, %add3A_23 : vector<2528x128xf32>
    %iota3A = tpu.iota {dimensions = array<i32: 0>} : vector<2528x128xi32>
    %lt3A = arith.constant 2500 : i32
    %lt3A_25 = vector.broadcast %lt3A : i32 to vector<2528x128xi32>
    %lt3A_26 = arith.cmpi slt, %iota3A, %lt3A_25 : vector<2528x128xi32>
    %jit3A = arith.constant 0.000000e+00 : f32
    %broadcast_in_dim3A = vector.broadcast %jit3A : f32 to vector<2528x128xf32>
    %select_n3A = arith.select %lt3A_26, %add3A_24, %broadcast_in_dim3A : vector<2528x128xi1>, vector<2528x128xf32>
    %reduce_sum3A = arith.constant dense<0.000000e+00> : vector<128xf32>
    %reduce_sum3A_27 = vector.multi_reduction <add>, %select_n3A, %reduce_sum3A [0] : vector<2528x128xf32> to vector<128xf32>
    %broadcast_in_dim3A_28 = vector.shape_cast %reduce_sum3A_27 : vector<128xf32> to vector<1x128xf32>
    %get3A_29 = arith.constant 0 : index
    %get3A_30 = arith.constant 0 : index
    %get3A_31 = vector.load %arg12[%get3A_29, %get3A_30] : memref<128x128xf32, #tpu.memory_space<vmem>>, vector<128x128xf32>
    %dot_general3A_32 = arith.constant dense<0.000000e+00> : vector<1x128xf32>
    %dot_general3A_33 = tpu.matmul %broadcast_in_dim3A_28, %get3A_31, %dot_general3A_32 {dimension_numbers = #tpu.dot_dimension_numbers<[1], [0], [0], [1], [0, 0, 1, 1], [], []>, precision = #tpu.contract_precision<fp32>, transpose_lhs_hint = false} : vector<1x128xf32>, vector<128x128xf32>, vector<1x128xf32> -> vector<1x128xf32>
    %mul3A = arith.constant 9.99999974E-5 : f32
    %mul3A_34 = vector.broadcast %mul3A : f32 to vector<1x128xf32>
    %mul3A_35 = arith.mulf %dot_general3A_33, %mul3A_34 : vector<1x128xf32>
    %sub3A = vector.broadcast %mul3A_35 : vector<1x128xf32> to vector<2528x128xf32>
    %sub3A_36 = arith.subf %add3A_24, %sub3A : vector<2528x128xf32>
    %jit3A_37 = arith.constant 0.000000e+00 : f32
    %broadcast_in_dim3A_38 = vector.broadcast %jit3A_37 : f32 to vector<2528x128xf32>
    %select_n3A_39 = arith.select %lt3A_26, %sub3A_36, %broadcast_in_dim3A_38 : vector<2528x128xi1>, vector<2528x128xf32>
    %mul3A_40 = arith.mulf %select_n3A_39, %select_n3A_39 : vector<2528x128xf32>
    %reduce_sum3A_41 = arith.constant dense<0.000000e+00> : vector<128xf32>
    %reduce_sum3A_42 = vector.multi_reduction <add>, %mul3A_40, %reduce_sum3A_41 [0] : vector<2528x128xf32> to vector<128xf32>
    %broadcast_in_dim3A_43 = vector.shape_cast %reduce_sum3A_42 : vector<128xf32> to vector<1x128xf32>
    %get3A_44 = arith.constant 0 : index
    %get3A_45 = arith.constant 0 : index
    %get3A_46 = vector.load %arg12[%get3A_44, %get3A_45] : memref<128x128xf32, #tpu.memory_space<vmem>>, vector<128x128xf32>
    %dot_general3A_47 = arith.constant dense<0.000000e+00> : vector<1x128xf32>
    %dot_general3A_48 = tpu.matmul %broadcast_in_dim3A_43, %get3A_46, %dot_general3A_47 {dimension_numbers = #tpu.dot_dimension_numbers<[1], [0], [0], [1], [0, 0, 1, 1], [], []>, precision = #tpu.contract_precision<fp32>, transpose_lhs_hint = false} : vector<1x128xf32>, vector<128x128xf32>, vector<1x128xf32> -> vector<1x128xf32>
    %mul3A_49 = arith.constant 9.99999974E-5 : f32
    %mul3A_50 = vector.broadcast %mul3A_49 : f32 to vector<1x128xf32>
    %mul3A_51 = arith.mulf %dot_general3A_48, %mul3A_50 : vector<1x128xf32>
    %get3A_52 = arith.constant 0 : index
    %get3A_53 = arith.constant 0 : index
    %get3A_54 = vector.load %arg6[%get3A_52, %get3A_53] : memref<1x128xf32, #tpu.memory_space<vmem>>, vector<1x128xf32>
    %sub3A_55 = vector.broadcast %mul3A_35 : vector<1x128xf32> to vector<2528x128xf32>
    %sub3A_56 = arith.subf %add3A_24, %sub3A_55 : vector<2528x128xf32>
    %mul3A_57 = vector.broadcast %get3A_54 : vector<1x128xf32> to vector<2528x128xf32>
    %mul3A_58 = arith.mulf %mul3A_57, %sub3A_56 : vector<2528x128xf32>
    %add3A_59 = arith.constant 9.99999974E-6 : f32
    %add3A_60 = vector.broadcast %add3A_59 : f32 to vector<1x128xf32>
    %add3A_61 = arith.addf %mul3A_51, %add3A_60 : vector<1x128xf32>
    %rsqrt3A = math.rsqrt %add3A_61 : vector<1x128xf32>
    %mul3A_62 = vector.broadcast %rsqrt3A : vector<1x128xf32> to vector<2528x128xf32>
    %mul3A_63 = arith.mulf %mul3A_58, %mul3A_62 : vector<2528x128xf32>
    %get3A_64 = arith.constant 0 : index
    %get3A_65 = arith.constant 0 : index
    %get3A_66 = vector.load %arg7[%get3A_64, %get3A_65] : memref<1x128xf32, #tpu.memory_space<vmem>>, vector<1x128xf32>
    %add3A_67 = vector.broadcast %get3A_66 : vector<1x128xf32> to vector<2528x128xf32>
    %add3A_68 = arith.addf %mul3A_63, %add3A_67 : vector<2528x128xf32>
    %get3A_69 = arith.constant 0 : index
    %get3A_70 = arith.constant 0 : index
    %get3A_71 = vector.load %arg8[%get3A_69, %get3A_70] : memref<128x128xf32, #tpu.memory_space<vmem>>, vector<128x128xf32>
    %dot_general3A_72 = arith.constant dense<0.000000e+00> : vector<2528x128xf32>
    %dot_general3A_73 = tpu.matmul %add3A_68, %get3A_71, %dot_general3A_72 {dimension_numbers = #tpu.dot_dimension_numbers<[1], [0], [0], [1], [0, 0, 1, 1], [], []>, precision = #tpu.contract_precision<fp32>, transpose_lhs_hint = false} : vector<2528x128xf32>, vector<128x128xf32>, vector<2528x128xf32> -> vector<2528x128xf32>
    %get3A_74 = arith.constant 0 : index
    %get3A_75 = arith.constant 0 : index
    %get3A_76 = vector.load %arg9[%get3A_74, %get3A_75] : memref<1x128xf32, #tpu.memory_space<vmem>>, vector<1x128xf32>
    %add3A_77 = vector.broadcast %get3A_76 : vector<1x128xf32> to vector<2528x128xf32>
    %add3A_78 = arith.addf %dot_general3A_73, %add3A_77 : vector<2528x128xf32>
    %max3A_79 = arith.constant 0.000000e+00 : f32
    %max3A_80 = vector.broadcast %max3A_79 : f32 to vector<2528x128xf32>
    %max3A_81 = arith.maximumf %add3A_78, %max3A_80 : vector<2528x128xf32>
    %get3A_82 = arith.constant 0 : index
    %get3A_83 = arith.constant 0 : index
    %get3A_84 = vector.load %arg10[%get3A_82, %get3A_83] : memref<128x164xf32, #tpu.memory_space<vmem>>, vector<128x164xf32>
    %dot_general3A_85 = arith.constant dense<0.000000e+00> : vector<2528x164xf32>
    %dot_general3A_86 = tpu.matmul %max3A_81, %get3A_84, %dot_general3A_85 {dimension_numbers = #tpu.dot_dimension_numbers<[1], [0], [0], [1], [0, 0, 1, 1], [], []>, precision = #tpu.contract_precision<fp32>, transpose_lhs_hint = false} : vector<2528x128xf32>, vector<128x164xf32>, vector<2528x164xf32> -> vector<2528x164xf32>
    %get3A_87 = arith.constant 0 : index
    %get3A_88 = arith.constant 0 : index
    %get3A_89 = vector.load %arg11[%get3A_87, %get3A_88] : memref<1x164xf32, #tpu.memory_space<vmem>>, vector<1x164xf32>
    %add3A_90 = vector.broadcast %get3A_89 : vector<1x164xf32> to vector<2528x164xf32>
    %add3A_91 = arith.addf %dot_general3A_86, %add3A_90 : vector<2528x164xf32>
    %swap3A = arith.constant 0 : index
    %swap3A_92 = arith.constant 0 : index
    %swap3A_93 = vector.load %arg13[%swap3A, %swap3A_92] : memref<2528x164xf32, #tpu.memory_space<vmem>>, vector<2528x164xf32>
    tpu.vector_store %arg13[%swap3A, %swap3A_92], %add3A_91 {strides = array<i32>} : memref<2528x164xf32, #tpu.memory_space<vmem>>, vector<2528x164xf32>,
    return
  }
}

</mosaic_0001>

<sc_bundles>
// kernel: kernel.10.cloned.1.call-start
scs
__scs_entry_jumppad:
0x0: {  	(pc) =	sbr.rel $0x88, $3  }
0x1: {  	(tag) =	ssettag $0x0;
	lr =	simm.s32 $0x1  }
0x2: {  	[smem:$0x3F8F] =	sst lr;
	_ =	strace $0xD0000000  }
0x3: {  	_ = 	snop  }
0x4: {  	_ = 	snop  }
0x5: {  	_ = 	snop  }
0x6: {  	_ = 	snop  }
0x7: {  	_ = 	snop  }
__scs_overlays_trampoline_lowered:
0x8: {  	[smem:$0x3F9E] =	sst s0  }
0x9: {  	[smem:$0x3F9F] =	sst s1  }
0xa: {  	[smem:$0x3FA0] =	sst s2  }
0xb: {  	[smem:$0x3FA1] =	sst s3  }
0xc: {  	[smem:$0x3FA2] =	sst s4  }
0xd: {  	[smem:$0x3FA3] =	sst s5  }
0xe: {  	[smem:$0x3FA4] =	sst s6  }
0xf: {  	[smem:$0x3FA5] =	sst s7  }
0x10: {  	[smem:$0x3FA6] =	sst s8  }
0x11: {  	[smem:$0x3FA7] =	sst s9;
	s0 =	simm.s32 @!p0 $0x0  }
0x12: {  	s1 =	sld [smem:$0x3F8D];
	s0 =	simm.s32 @p0 $0x1  }
0x13: {  	[smem:$0x3FA8] =	sst s0;
	s0 =	simm.s32 @!p1 $0x0  }
0x14: {  	s2 =	sld [smem:$0x3F8C];
	s0 =	simm.s32 @p1 $0x1  }
0x15: {  	[smem:$0x3FA9] =	sst s0;
	s0 =	simm.s32 @!p2 $0x0  }
0x16: {  	s3 =	sld [smem:$0x3FDB];
	s0 =	simm.s32 @p2 $0x1  }
0x17: {  	s4 =	simm.s32 $0x1BF5;
	[smem:$0x3FAB] =	sst s0  }
0x18: {  	s0 =	sld [smem:$0x3F8E];
	_ =	swait.ge [sflag:s4], $0x0  }
0x19: {  	s7 =	sld [smem:$0x3F8F]  }
0x1a: {  	s8 =	sadd.s32 $0xFFFFE003, lr  }
0x1b: {  	s9 =	sadd.s32 $0xFFFFFEF7, lr;
	s5 =	simm.s32 $0xFFFFFFFF;
	p2 =	slt.u32 s8, $0xFFFFF086  }
0x1c: {  	p1 =	slt.u32 s9, $0xF7A;
	s5 =	simm.s32 @!p2 $0x0  }
0x1d: {  	s5 =	simm.s32 @p1 $0x1;
	p0 =	seq.s32 s7, s2  }
0x1e: {  	s7 =	smul.u32 @!p0 $0xF7A, s2;
	p2 =	seq.s32 @!p0 s5, $0x0  }
0x1f: {  	s9 =	smul.u32 $0xF7A, s1;
	s8 =	simm.s32 @!p0 $0x1BF5;
	p2 =	por !p2, p0  }
0x20: {  	[sflag:s8] =	ssyncset.s32 @!p0 $0xFFFFF086;
	s6 =	sadd.s32 @!p0 s3, s7;
	s7 =	simm.s32 @!p0 $0x108  }
0x21: {  	s3 =	sadd.s32 s3, s9;
	s6 =	sadd.s32 @!p0 $0x88, s6;
	s7 =	simm.s32 @p2 $0x1082  }
0x22: {  	[simem:s7], [sflag:s8] =	dma.local @!p0 [hbm:s6], $0xF7A  }
0x23: {  	s9 =	sor.u32 $0xD0000000, s2;
	s6 =	simm.s32 $0x108;
	_ =	swait.ge @!p0 [sflag:s8], $0x0  }
0x24: {  	s3 =	sadd.s32 $0x88, s3;
	s6 =	simm.s32 @!p1 $0x1082;
	[sflag:s4] =	ssyncset.s32 $0xFFFFF086  }
0x25: {  	[simem:s6], [sflag:s4] =	dma.local [hbm:s3], $0xF7A  }
0x26: {  	[smem:$0x3F8F] =	sst s1;
	(tag) =	ssettag s2;
	_ =	strace s9  }
0x27: {  	s1 =	sld [smem:$0x3F9F]  }
0x28: {  	s2 =	sld [smem:$0x3FA0]  }
0x29: {  	s4 =	sld [smem:$0x3FA2]  }
0x2a: {  	p0 =	seq.s32 s5, $0x0;
	s5 =	sld [smem:$0x3FA3]  }
0x2b: {  	s6 =	sld [smem:$0x3FA4]  }
0x2c: {  	s7 =	sld [smem:$0x3FA5]  }
0x2d: {  	s3 =	simm.s32 $0x108;
	s8 =	sld [smem:$0x3FA6]  }
0x2e: {  	s3 =	simm.s32 @!p0 $0x1082;
	s9 =	sld [smem:$0x3FA7]  }
0x2f: {  	lr =	sadd.s32 s0, s3;
	s0 =	sld [smem:$0x3F9E]  }
0x30: {  	s3 =	sld [smem:$0x3FA1]  }
0x31: {  	[smem:$0x3FAA] =	sst s10  }
0x32: {  	s10 =	sld [smem:$0x3FA8];
	_ =	sdelay $0x3  }
0x33: {  	p0 =	seq.s32 s10, $0x1;
	s10 =	sld [smem:$0x3FAA];
	_ =	sdelay $0x3  }
0x34: {  	[smem:$0x3FAA] =	sst s10  }
0x35: {  	s10 =	sld [smem:$0x3FA9];
	_ =	sdelay $0x3  }
0x36: {  	p1 =	seq.s32 s10, $0x1;
	s10 =	sld [smem:$0x3FAA];
	_ =	sdelay $0x3  }
0x37: {  	[smem:$0x3FAA] =	sst s10  }
0x38: {  	s10 =	sld [smem:$0x3FAB]  }
0x39: {  	_ = 	snop;
	(pc) =	sbr.ind lr, $3  }
0x3a: {  	_ = 	snop  }
0x3b: {  	_ = 	snop  }
0x3c: {  	p2 =	seq.s32 s10, $0x1;
	s10 =	sld [smem:$0x3FAA]  }
0x3d: {  	_ =	shalt  }
0x3e: {  	_ =	shalt  }
0x3f: {  	_ =	shalt  }
0x40: {  	_ =	shalt  }
0x41: {  	_ =	shalt  }
0x42: {  	_ =	shalt  }
0x43: {  	_ =	shalt  }
0x44: {  	_ =	shalt  }
0x45: {  	_ =	shalt  }
0x46: {  	_ =	shalt  }
0x47: {  	_ =	shalt  }
0x48: {  	_ =	shalt  }
0x49: {  	_ =	shalt  }
0x4a: {  	_ =	shalt  }
0x4b: {  	_ =	shalt  }
0x4c: {  	_ =	shalt  }
0x4d: {  	_ =	shalt  }
0x4e: {  	_ =	shalt  }
0x4f: {  	_ =	shalt  }
0x50: {  	_ =	shalt  }
0x51: {  	_ =	shalt  }
0x52: {  	_ =	shalt  }
0x53: {  	_ =	shalt  }
0x54: {  	_ =	shalt  }
0x55: {  	_ =	shalt  }
0x56: {  	_ =	shalt  }
0x57: {  	_ =	shalt  }
0x58: {  	_ =	shalt  }
0x59: {  	_ =	shalt  }
0x5a: {  	_ =	shalt  }
0x5b: {  	_ =	shalt  }
0x5c: {  	_ =	shalt  }
0x5d: {  	_ =	shalt  }
0x5e: {  	_ =	shalt  }
0x5f: {  	_ =	shalt  }
0x60: {  	_ =	shalt  }
0x61: {  	_ =	shalt  }
0x62: {  	_ =	shalt  }
0x63: {  	_ =	shalt  }
0x64: {  	_ =	shalt  }
0x65: {  	_ =	shalt  }
0x66: {  	_ =	shalt  }
0x67: {  	_ =	shalt  }
0x68: {  	_ =	shalt  }
0x69: {  	_ =	shalt  }
0x6a: {  	_ =	shalt  }
0x6b: {  	_ =	shalt  }
0x6c: {  	_ =	shalt  }
0x6d: {  	_ =	shalt  }
0x6e: {  	_ =	shalt  }
0x6f: {  	_ =	shalt  }
0x70: {  	_ =	shalt  }
0x71: {  	_ =	shalt  }
0x72: {  	_ =	shalt  }
0x73: {  	_ =	shalt  }
0x74: {  	_ =	shalt  }
0x75: {  	_ =	shalt  }
0x76: {  	_ =	shalt  }
0x77: {  	_ =	shalt  }
0x78: {  	_ =	shalt  }
0x79: {  	_ =	shalt  }
0x7a: {  	_ =	shalt  }
0x7b: {  	_ =	shalt  }
0x7c: {  	_ =	shalt  }
0x7d: {  	_ =	shalt  }
0x7e: {  	_ =	shalt  }
0x7f: {  	_ =	shalt  }
0x80: {  	_ =	shalt  }
0x81: {  	_ =	shalt  }
0x82: {  	_ =	shalt  }
0x83: {  	_ =	shalt  }
0x84: {  	_ =	shalt  }
0x85: {  	_ =	shalt  }
0x86: {  	_ =	shalt  }
0x87: {  	_ =	shalt  }
.Lfunc_end0:
.L_simem_size_0:
called_computation.1_lowered:
.L_overlay_start_0:
0x88: {  	s2 =	sld [smem:$0x3FD9]  }
0x89: {  	s3 =	sld [smem:$0x3FFE];
	_ =	sdelay $0x1  }
0x8a: {  	s1 =	srdreg.scid  }
0x8b: {  	s0 =	sand.u32 $0x1, s1  }
0x8c: {  	s17 =	sshll.u32 s0, $0xA;
	s2 =	sadd.s32 s3, s2  }
0x8d: {  	s2 =	sadd.s32 s2, s17  }
0x8e: {  	[smem:$0x3FB6] =	sst s2  }
0x8f: {  	_ = 	snop  }
0x90: {  	s2 =	sld [smem:$0x3FD0];
	(tm) =	ssettm $0x1  }
0x91: {  	s18 =	sld [smem:$0x3FFB];
	_ =	sdelay $0x3  }
0x92: {  	_ =	strace s18  }
0x93: {  	s3 =	sld [smem:$0x3FFC];
	_ =	sdelay $0x3  }
0x94: {  	_ =	strace s3  }
0x95: {  	s3 =	sld [smem:$0x3FFD];
	_ =	sdelay $0x3  }
0x96: {  	_ =	strace s3  }
0x97: {  	_ =	strace $0x8FFFFFFF  }
0x98: {  	s19 =	sld [smem:$0x3FDB];
	_ =	sdelay $0x1  }
0x99: {  	s4 =	simm.s32 $_scs_section_size  }
0x9a: {  	s5 =	simm.s32 $_size__tile_overlayer_lowered;
	s6 =	simm.s32 $_tile_overlayer_lowered  }
0x9b: {  	s22 =	simm.s32 $0x1BFF;
	s21 =	sshll.u32 s6, $0x1;
	s3 =	sadd.s32 s4, s19  }
0x9c: {  	s7 =	simm.s32 $0x0;
	s20 =	sshll.u32 s5, $0x1;
	s5 =	sadd.s32 s21, s3  }
0x9d: {  	[timem:s7], [sflag:s22] =	dma.local [hbm:s5], s20  }
0x9e: {  	_ =	swait.ge [sflag:s22], s20  }
0x9f: {  	s4 =	ssub.s32 $0x0, s20;
	[sflag:s22] =	ssyncset.done $0x0  }
0xa0: {  	[sflag:s22] =	ssyncadd.s32 s4;
	_ =	sdelay $0x1  }
0xa1: {  	s23 =	simm.s32 $0x1B8B  }
0xa2: {  	_ =	swait.ge [sflag:s23], $0x1  }
0xa3: {  	[sflag:s23] =	ssyncset.done $0x0  }
0xa4: {  	s25 =	simm.s32 $0x1B8E;
	s24 =	sld [smem:$0x3FFE];
	[sflag:s23] =	ssyncadd.s32 $0xFFFFFFFF  }
0xa5: {  	s26 =	simm.s32 $execute0_lowered;
	[smem:$0x3FD2] =	sst s25  }
0xa6: {  	s5 =	sshll.u32 s26, $0x1;
	_ =	strace $0x80000049;
	[dreg:$0x1] =	wrdreg $0xFFFFFFFF  }
0xa7: {  	s28 =	simm.s32 $_size_execute0_lowered;
	s3 =	sadd.s32 s3, s5;
	[dreg:$0x0] =	wrdreg $0x0  }
0xa8: {  	s5 =	sshll.u32 s28, $0x1;
	[dreg:$0x2] =	wrdreg s3  }
0xa9: {  	[dreg:$0x3] =	wrdreg s5  }
0xaa: {  	[dreg:$0x4] =	wrdreg $0xC0  }
0xab: {  	_ =	task [dreg:s7], $0x5FFFF  }
0xac: {  	[dreg:$0x1] =	wrdreg $0xFFFFFFFF  }
0xad: {  	[dreg:$0x0] =	wrdreg $0x60  }
0xae: {  	[dreg:$0x2] =	wrdreg s2  }
0xaf: {  	[dreg:$0x3] =	wrdreg s24  }
0xb0: {  	[dreg:$0x4] =	wrdreg $0xF8000  }
0xb1: {  	[dreg:$0x5] =	wrdreg $0x147000  }
0xb2: {  	[dreg:$0x6] =	wrdreg $0x9  }
0xb3: {  	_ =	task.clear_ibuf [dreg:s7], $0x7FFFF;
	_ =	strace $0x90000049  }
0xb4: {  	s29 =	simm.s32 $0x9;
	_ =	strace $0x8000004B  }
0xb5: {  	_ =	swait.ge [sflag:s29], $0x1  }
0xb6: {  	[sflag:s29] =	ssyncadd.s32 $0xFFFFFFFF  }
0xb7: {  	_ =	strace $0x9000004B  }
0xb8: {  	_ =	sfence  }
0xb9: {  	s30 =	sld [smem:$0x0];
	_ =	sdelay $0x2  }
0xba: {  	s31 =	sshll.u32 s1, $0xD;
	s1 =	sshrl.u32 s1, $0x2  }
0xbb: {  	s3 =	sand.u32 $0x4000, s31;
	s1 =	sadd.s32 s1, s30  }
0xbc: {  	s0 =	sor.u32 s3, s0;
	s1 =	sshll.u32 s1, $0x11  }
0xbd: {  	s0 =	sor.u32 s1, s0  }
0xbe: {  	s0 =	sadd.s32 $0x8F2B, s0  }
0xbf: {  	[sflag:s0] =	ssyncadd.remote.s32 $0x1  }
0xc0: {  	_ =	sfence.sel $0xFFFF  }
0xc1: {  	[dreg:$0x0] =	wrdreg $0xFFFFFFFF;
	(pc) =	sbr.abs _section_cstart, $3  }
0xc2: {  	[dreg:$0x1] =	wrdreg $0xFFFFFFFF  }
0xc3: {  	_ =	task.clear_ibuf [dreg:s7], $0x2FFFF;
	_ =	strace $0x9FFFFFFF  }
0xc4: {  	(tm) =	ssettm $0x7FFFFFFF  }
0xc5: {  	_ =	shalt  }
tec
execute0_lowered:
.L_overlay_start_1:
0x0: {  	(tag) =	ssettag $0x1  }
0x1: {  	s0 =	rddreg [dreg:$0x0]  }
0x2: {  	s1 =	rddreg [dreg:$0x1]  }
0x3: {  	s2 =	rddreg [dreg:$0x2]  }
0x4: {  	s3 =	rddreg [dreg:$0x3]  }
0x5: {  	s4 =	srdreg.scid;
	s7 =	stileid.u32  }
0x6: {  	s16 =	simm.s32 $0x2;
	s17 =	simm.s32 $0x1;
	s18 =	simm.s32 $0x80  }
0x7: {  	s19 =	simm.s32 $0x7800;
	s20 =	simm.s32 $0x8800;
	s22 =	simm.s32 $0x9800  }
0x8: {  	s24 =	simm.s32 $0xA800;
	s28 =	simm.s32 $0xD800;
	s29 =	simm.s32 $0xE800  }
0x9: {  	s30 =	simm.s32 $0x3;
	s31 =	simm.s32 $0x4;
	s9 =	sand.u32 $0x1, s4  }
0xa: {  	s5 =	sshll.u32 s7, $0x1;
	s4 =	simm.s32 $0x0;
	s8 =	smul.u32 $0x4F00, s7  }
0xb: {  	s5 =	sor.u32 s9, s5;
	[smem:$0x7FF] =	sst s4;
	s6 =	ssub.s32 $0x2, s9  }
0xc: {  	p0 =	seq.s32 s9, $0x1;
	s5 =	smul.u32 $0x4E2, s5;
	_ =	strace $0x8000004A  }
0xd: {  	s10 =	sshrl.u32 s8, $0x3;
	s25 =	sshrl.u32 s6, $0x1;
	s13 =	sadd.s32 s8, s2  }
0xe: {  	s14 =	sadd.s32 s8, s3;
	s12 =	ssub.s32 s6, s25;
	s0 =	sadd.s32 s0, s10  }
0xf: {  	s13 =	sshrl.u32 s13, $0x3;
	s14 =	sshrl.u32 s14, $0x3;
	s25 =	simm.s32 $0xB800  }
0x10: {  	s11 =	sadd.s32 s5, s1;
	s1 =	sadd.s32 s10, s1;
	s5 =	sshll.u32 s7, $0x6  }
0x11: {  	[dreg:$0x6] =	wrdreg s0;
	s0 =	simm.s32 $0x2B200;
	s26 =	sadd.s32 $0x17600, s1  }
0x12: {  	s7 =	sor.u32 $0x1C01, s5;
	s9 =	sadd.s32 $0xD800, s11;
	s10 =	sadd.s32 $0x3A00, s11  }
0x13: {  	s0 =	simm.s32 @!p0 $0x21400;
	s11 =	smax.u32 s12, $0x1;
	[dreg:$0x5] =	wrdreg s26  }
0x14: {  	v0 =	vimm.s32 $0x2710;
	s12 =	sadd.s32 s0, s1;
	s26 =	simm.s32 $0xC800;
	s0 =	simm.s32 $0x0  }
.LBB2_1:
0x15: {  	s1 =	rddreg [dreg:$0x5]  }
0x16: {  	[spmem:s13], [sflag:s7] =	dma.local [hbm:s1], $0x9E0  }
0x17: {  	s1 =	rddreg [dreg:$0x6]  }
0x18: {  	[spmem:s14], [sflag:s7] =	dma.local [hbm:s1], $0x9E0  }
0x19: {  	[tilespmem:s4], [sflag:$0x2] =	stream.linear.gather [hbm4b:s9+s4], $0x2710, $0x38;
	[tilespmem:$0x19600] =	vst v63  }
0x1a: {  	s15 =	simm.s32 $0x2800  }
0x1b: {  	[tilespmem:s15], [sflag:$0x2] =	stream.linear.gather [hbm4b:s10+s4], $0x2710, $0x38;
	[tilespmem:$0x19600] =	vst v63  }
0x1c: {  	_ =	swait.ge [sflag:s16], $0x2710  }
0x1d: {  	[sflag:s16] =	ssyncset.done $0x0  }
0x1e: {  	[sflag:s16] =	ssyncadd.s32 $0xFFFFD8F0  }
0x1f: {  	_ =	swait.ge [sflag:s16], $0x2710  }
0x20: {  	[sflag:s16] =	ssyncset.done $0x0  }
0x21: {  	[sflag:s16] =	ssyncadd.s32 $0xFFFFD8F0  }
0x22: {  	[tilespmem:$0x2710] =	vst v0  }
0x23: {  	[tilespmem:$0x4F10] =	vst v0  }
0x24: {  	[tilespmem:$0x2720] =	vst v0  }
0x25: {  	[tilespmem:$0x4F20] =	vst v0  }
0x26: {  	[tilespmem:$0x2730] =	vst v0  }
0x27: {  	[tilespmem:$0x4F30] =	vst v0  }
0x28: {  	[tilespmem:$0x2740] =	vst v0  }
0x29: {  	[tilespmem:$0x4F40] =	vst v0  }
0x2a: {  	[tilespmem:$0x2750] =	vst v0  }
0x2b: {  	[tilespmem:$0x4F50] =	vst v0  }
0x2c: {  	[tilespmem:$0x2760] =	vst v0  }
0x2d: {  	[tilespmem:$0x4F60] =	vst v0  }
0x2e: {  	[tilespmem:$0x2770] =	vst v0  }
0x2f: {  	[tilespmem:$0x4F70] =	vst v0  }
0x30: {  	[tilespmem:$0x2780] =	vst v0  }
0x31: {  	[tilespmem:$0x4F80] =	vst v0  }
0x32: {  	[tilespmem:$0x2790] =	vst v0  }
0x33: {  	[tilespmem:$0x4F90] =	vst v0  }
0x34: {  	[tilespmem:$0x27A0] =	vst v0  }
0x35: {  	[tilespmem:$0x4FA0] =	vst v0  }
0x36: {  	[tilespmem:$0x27B0] =	vst v0  }
0x37: {  	[tilespmem:$0x4FB0] =	vst v0  }
0x38: {  	[tilespmem:$0x27C0] =	vst v0  }
0x39: {  	[tilespmem:$0x4FC0] =	vst v0  }
0x3a: {  	[tilespmem:$0x27D0] =	vst v0  }
0x3b: {  	[tilespmem:$0x4FD0] =	vst v0  }
0x3c: {  	[tilespmem:$0x27E0] =	vst v0  }
0x3d: {  	[tilespmem:$0x4FE0] =	vst v0  }
0x3e: {  	[tilespmem:$0x27F0] =	vst v0  }
0x3f: {  	[tilespmem:$0x4FF0] =	vst v0  }
0x40: {  	_ =	swait.ge [sflag:s17], $0x9E0  }
0x41: {  	[sflag:s17] =	ssyncset.done $0x0  }
0x42: {  	[sflag:s17] =	ssyncadd.s32 $0xFFFFF620  }
0x43: {  	_ =	swait.ge [sflag:s17], $0x9E0  }
0x44: {  	[sflag:s17] =	ssyncset.done $0x0  }
0x45: {  	[sflag:s17] =	ssyncadd.s32 $0xFFFFF620  }
0x46: {  	[bflag:$0x0] =	sbarrier.arrive $0xFFFF  }
0x47: {  	[tilespmem:s19], [sflag:$0x1] =	stream.indirect.gather [spmem:s3], $0x20, s4, s18, $0xb8;
	[tilespmem:$0x19600] =	vst v63  }
0x48: {  	_ = 	snop  }
0x49: {  	[tilespmem:s20], [sflag:$0x1] =	stream.indirect.gather [spmem:s3], $0x20, s18, s18, $0xb8;
	[tilespmem:$0x19600] =	vst v63  }
0x4a: {  	s21 =	simm.s32 $0x100  }
0x4b: {  	[tilespmem:s22], [sflag:$0x1] =	stream.indirect.gather [spmem:s3], $0x20, s21, s18, $0xb8;
	[tilespmem:$0x19600] =	vst v63  }
0x4c: {  	s23 =	simm.s32 $0x180;
	s1 =	simm.s32 $0x0  }
0x4d: {  	[tilespmem:s24], [sflag:$0x1] =	stream.indirect.gather [spmem:s3], $0x20, s23, s18, $0xb8;
	[tilespmem:$0x19600] =	vst v63  }
.LBB2_2:
0x4e: {  	s15 =	sshra.s32 s1, $0x2  }
0x4f: {  	s21 =	sadd.s32 $0x200, s15  }
0x50: {  	[tilespmem:s25], [sflag:$0x2] =	stream.indirect.gather [spmem:s3], $0x20, s21, s18, $0xb8;
	[tilespmem:$0x19600] =	vst v63  }
0x51: {  	s8 =	sadd.s32 $0x280, s15  }
0x52: {  	[tilespmem:s26], [sflag:$0x2] =	stream.indirect.gather [spmem:s3], $0x20, s8, s18, $0xb8;
	[tilespmem:$0x19600] =	vst v63  }
0x53: {  	s23 =	sadd.s32 $0x300, s15  }
0x54: {  	[tilespmem:s28], [sflag:$0x2] =	stream.indirect.gather [spmem:s3], $0x20, s23, s18, $0xb8;
	[tilespmem:$0x19600] =	vst v63  }
0x55: {  	s6 =	sadd.s32 $0x380, s15  }
0x56: {  	[tilespmem:s29], [sflag:$0x2] =	stream.indirect.gather [spmem:s3], $0x20, s6, s18, $0xb8;
	[tilespmem:$0x19600] =	vst v63  }
0x57: {  	v1 =	vld [tilespmem:s15+$0x2800]  }
0x58: {  	v2 =	vld [tilespmem:s15+$0x2810]  }
0x59: {  	v3 =	vld [tilespmem:s15+$0x2820]  }
0x5a: {  	v4 =	vld [tilespmem:s15+$0x2830]  }
0x5b: {  	v5 =	vld [tilespmem:s15+$0x2840]  }
0x5c: {  	[tilespmem:s15+$0x5000] =	vst v1;
	v1 =	vld [tilespmem:s15+$0x2850]  }
0x5d: {  	[tilespmem:s15+$0x5010] =	vst v2;
	v2 =	vld [tilespmem:s15+$0x2860]  }
0x5e: {  	v42 =	vld [tilespmem:s15+$0x2880];
	[tilespmem:s15+$0x5020] =	vst v3  }
0x5f: {  	v43 =	vld [tilespmem:s15+$0x2890];
	[tilespmem:s15+$0x5030] =	vst v4  }
0x60: {  	v3 =	vld [tilespmem:s15+$0x2870];
	[tilespmem:s15+$0x5040] =	vst v5  }
0x61: {  	[tilespmem:s15+$0x5050] =	vst v1;
	v1 =	vld [tilespmem:s15+$0x28A0]  }
0x62: {  	[tilespmem:s15+$0x5060] =	vst v2;
	v2 =	vld [tilespmem:s15+$0x28B0]  }
0x63: {  	v44 =	vld [tilespmem:s15+$0x28D0];
	[tilespmem:s15+$0x5080] =	vst v42  }
0x64: {  	v45 =	vld [tilespmem:s15+$0x28E0];
	[tilespmem:s15+$0x5090] =	vst v43  }
0x65: {  	[tilespmem:s15+$0x5070] =	vst v3;
	v3 =	vld [tilespmem:s15+$0x28C0]  }
0x66: {  	[tilespmem:s15+$0x50A0] =	vst v1;
	v1 =	vld [tilespmem:s15+$0x28F0]  }
0x67: {  	[tilespmem:s15+$0x50B0] =	vst v2;
	v2 =	vld [tilespmem:s15+$0x2900]  }
0x68: {  	v46 =	vld [tilespmem:s15+$0x2920];
	[tilespmem:s15+$0x50D0] =	vst v44  }
0x69: {  	v47 =	vld [tilespmem:s15+$0x2930];
	[tilespmem:s15+$0x50E0] =	vst v45  }
0x6a: {  	[tilespmem:s15+$0x50C0] =	vst v3;
	v3 =	vld [tilespmem:s15+$0x2910]  }
0x6b: {  	[tilespmem:s15+$0x50F0] =	vst v1;
	v1 =	vld [tilespmem:s15+$0x2940]  }
0x6c: {  	[tilespmem:s15+$0x5100] =	vst v2;
	v2 =	vld [tilespmem:s15+$0x2950]  }
0x6d: {  	v48 =	vld [tilespmem:s15+$0x2970];
	[tilespmem:s15+$0x5120] =	vst v46  }
0x6e: {  	v49 =	vld [tilespmem:s15+$0x2980];
	[tilespmem:s15+$0x5130] =	vst v47  }
0x6f: {  	[tilespmem:s15+$0x5110] =	vst v3;
	v3 =	vld [tilespmem:s15+$0x2960]  }
0x70: {  	[tilespmem:s15+$0x5140] =	vst v1;
	v1 =	vld [tilespmem:s15+$0x2990]  }
0x71: {  	[tilespmem:s15+$0x5150] =	vst v2;
	v2 =	vld [tilespmem:s15+$0x29A0]  }
0x72: {  	v50 =	vld [tilespmem:s15+$0x29C0];
	[tilespmem:s15+$0x5170] =	vst v48  }
0x73: {  	v51 =	vld [tilespmem:s15+$0x29D0];
	[tilespmem:s15+$0x5180] =	vst v49  }
0x74: {  	[tilespmem:s15+$0x5160] =	vst v3;
	v3 =	vld [tilespmem:s15+$0x29B0]  }
0x75: {  	[tilespmem:s15+$0x5190] =	vst v1;
	v1 =	vld [tilespmem:s15+$0x29E0]  }
0x76: {  	[tilespmem:s15+$0x51A0] =	vst v2;
	v2 =	vld [tilespmem:s15+$0x29F0]  }
0x77: {  	[tilespmem:s15+$0x51C0] =	vst v50  }
0x78: {  	[tilespmem:s15+$0x51D0] =	vst v51  }
0x79: {  	[tilespmem:s15+$0x51B0] =	vst v3  }
0x7a: {  	[tilespmem:s15+$0x51E0] =	vst v1  }
0x7b: {  	[tilespmem:s15+$0x51F0] =	vst v2  }
0x7c: {  	_ =	swait.ge [sflag:s17], $0x1000  }
0x7d: {  	[sflag:s17] =	ssyncset.done $0x0  }
0x7e: {  	[sflag:s17] =	ssyncadd.s32 $0xFFFFF000  }
0x7f: {  	_ =	swait.ge [sflag:s17], $0x1000  }
0x80: {  	[sflag:s17] =	ssyncset.done $0x0  }
0x81: {  	[sflag:s17] =	ssyncadd.s32 $0xFFFFF000  }
0x82: {  	_ =	swait.ge [sflag:s17], $0x1000  }
0x83: {  	[sflag:s17] =	ssyncset.done $0x0  }
0x84: {  	[sflag:s17] =	ssyncadd.s32 $0xFFFFF000  }
0x85: {  	_ =	swait.ge [sflag:s17], $0x1000  }
0x86: {  	[sflag:s17] =	ssyncset.done $0x0  }
0x87: {  	s8 =	sadd.s32 $0x5000, s15;
	[sflag:s17] =	ssyncadd.s32 $0xFFFFF000  }
0x88: {  	[spmem:s2] =	stream.indirect.scatter.add.f32 [tilespmem:s19], [sflag:$0x3], $0x20, s8, s18, $0xb8;
	[tilespmem:$0x19600] =	vst v63  }
0x89: {  	s23 =	sadd.s32 $0x5080, s15  }
0x8a: {  	[spmem:s2] =	stream.indirect.scatter.add.f32 [tilespmem:s20], [sflag:$0x3], $0x20, s23, s18, $0xb8;
	[tilespmem:$0x19600] =	vst v63  }
0x8b: {  	s6 =	sadd.s32 $0x5100, s15  }
0x8c: {  	[spmem:s2] =	stream.indirect.scatter.add.f32 [tilespmem:s22], [sflag:$0x3], $0x20, s6, s18, $0xb8;
	[tilespmem:$0x19600] =	vst v63  }
0x8d: {  	s8 =	sadd.s32 $0x5180, s15  }
0x8e: {  	[spmem:s2] =	stream.indirect.scatter.add.f32 [tilespmem:s24], [sflag:$0x3], $0x20, s8, s18, $0xb8;
	[tilespmem:$0x19600] =	vst v63  }
0x8f: {  	_ =	swait.ge [sflag:s30], $0x1000  }
0x90: {  	[sflag:s30] =	ssyncset.done $0x0  }
0x91: {  	[sflag:s30] =	ssyncadd.s32 $0xFFFFF000  }
0x92: {  	_ =	swait.ge [sflag:s30], $0x1000  }
0x93: {  	[sflag:s30] =	ssyncset.done $0x0  }
0x94: {  	[sflag:s30] =	ssyncadd.s32 $0xFFFFF000  }
0x95: {  	_ =	swait.ge [sflag:s30], $0x1000  }
0x96: {  	[sflag:s30] =	ssyncset.done $0x0  }
0x97: {  	p0 =	seq.s32 s1, $0x9000;
	[sflag:s30] =	ssyncadd.s32 $0xFFFFF000  }
0x98: {  	s21 =	sshra.s32 @!p0 s1, $0x2;
	_ =	swait.ge [sflag:s30], $0x1000  }
0x99: {  	s23 =	sadd.s32 @!p0 $0x400, s21;
	[sflag:s30] =	ssyncset.done $0x0  }
0x9a: {  	s6 =	simm.s32 @!p0 $0x80;
	s8 =	simm.s32 @!p0 $0x7800;
	[sflag:s30] =	ssyncadd.s32 $0xFFFFF000  }
0x9b: {  	[tilespmem:s8], [sflag:$0x1] =	stream.indirect.gather @!p0 [spmem:s3], $0x20, s23, s6, $0xb8;
	[tilespmem:$0x19600] =	vst v63  }
0x9c: {  	s8 =	sadd.s32 @!p0 $0x480, s21;
	s23 =	simm.s32 @!p0 $0x8800  }
0x9d: {  	[tilespmem:s23], [sflag:$0x1] =	stream.indirect.gather @!p0 [spmem:s3], $0x20, s8, s6, $0xb8;
	[tilespmem:$0x19600] =	vst v63  }
0x9e: {  	s8 =	sadd.s32 @!p0 $0x500, s21;
	s23 =	simm.s32 @!p0 $0x9800  }
0x9f: {  	[tilespmem:s23], [sflag:$0x1] =	stream.indirect.gather @!p0 [spmem:s3], $0x20, s8, s6, $0xb8;
	[tilespmem:$0x19600] =	vst v63  }
0xa0: {  	s8 =	sadd.s32 @!p0 $0x580, s21;
	s21 =	simm.s32 @!p0 $0xA800  }
0xa1: {  	[tilespmem:s21], [sflag:$0x1] =	stream.indirect.gather @!p0 [spmem:s3], $0x20, s8, s6, $0xb8;
	[tilespmem:$0x19600] =	vst v63  }
0xa2: {  	v1 =	vld [tilespmem:s15+$0x2A00]  }
0xa3: {  	v2 =	vld [tilespmem:s15+$0x2A10]  }
0xa4: {  	v3 =	vld [tilespmem:s15+$0x2A20]  }
0xa5: {  	v52 =	vld [tilespmem:s15+$0x2A30]  }
0xa6: {  	v53 =	vld [tilespmem:s15+$0x2A40]  }
0xa7: {  	[tilespmem:s15+$0x5200] =	vst v1;
	v1 =	vld [tilespmem:s15+$0x2A50]  }
0xa8: {  	[tilespmem:s15+$0x5210] =	vst v2;
	v2 =	vld [tilespmem:s15+$0x2A60]  }
0xa9: {  	v54 =	vld [tilespmem:s15+$0x2A80];
	[tilespmem:s15+$0x5220] =	vst v3  }
0xaa: {  	v55 =	vld [tilespmem:s15+$0x2A90];
	[tilespmem:s15+$0x5230] =	vst v52  }
0xab: {  	v3 =	vld [tilespmem:s15+$0x2A70];
	[tilespmem:s15+$0x5240] =	vst v53  }
0xac: {  	[tilespmem:s15+$0x5250] =	vst v1;
	v1 =	vld [tilespmem:s15+$0x2AA0]  }
0xad: {  	[tilespmem:s15+$0x5260] =	vst v2;
	v2 =	vld [tilespmem:s15+$0x2AB0]  }
0xae: {  	v56 =	vld [tilespmem:s15+$0x2AD0];
	[tilespmem:s15+$0x5280] =	vst v54  }
0xaf: {  	v57 =	vld [tilespmem:s15+$0x2AE0];
	[tilespmem:s15+$0x5290] =	vst v55  }
0xb0: {  	[tilespmem:s15+$0x5270] =	vst v3;
	v3 =	vld [tilespmem:s15+$0x2AC0]  }
0xb1: {  	[tilespmem:s15+$0x52A0] =	vst v1;
	v1 =	vld [tilespmem:s15+$0x2AF0]  }
0xb2: {  	[tilespmem:s15+$0x52B0] =	vst v2;
	v2 =	vld [tilespmem:s15+$0x2B00]  }
0xb3: {  	v58 =	vld [tilespmem:s15+$0x2B20];
	[tilespmem:s15+$0x52D0] =	vst v56  }
0xb4: {  	v59 =	vld [tilespmem:s15+$0x2B30];
	[tilespmem:s15+$0x52E0] =	vst v57  }
0xb5: {  	[tilespmem:s15+$0x52C0] =	vst v3;
	v3 =	vld [tilespmem:s15+$0x2B10]  }
0xb6: {  	[tilespmem:s15+$0x52F0] =	vst v1;
	v1 =	vld [tilespmem:s15+$0x2B40]  }
0xb7: {  	[tilespmem:s15+$0x5300] =	vst v2;
	v2 =	vld [tilespmem:s15+$0x2B50]  }
0xb8: {  	v60 =	vld [tilespmem:s15+$0x2B70];
	[tilespmem:s15+$0x5320] =	vst v58  }
0xb9: {  	v61 =	vld [tilespmem:s15+$0x2B80];
	[tilespmem:s15+$0x5330] =	vst v59  }
0xba: {  	[tilespmem:s15+$0x5310] =	vst v3;
	v3 =	vld [tilespmem:s15+$0x2B60]  }
0xbb: {  	[tilespmem:s15+$0x5340] =	vst v1;
	v1 =	vld [tilespmem:s15+$0x2B90]  }
0xbc: {  	[tilespmem:s15+$0x5350] =	vst v2;
	v2 =	vld [tilespmem:s15+$0x2BA0]  }
0xbd: {  	v62 =	vld [tilespmem:s15+$0x2BC0];
	[tilespmem:s15+$0x5370] =	vst v60  }
0xbe: {  	v63 =	vld [tilespmem:s15+$0x2BD0];
	[tilespmem:s15+$0x5380] =	vst v61  }
0xbf: {  	[tilespmem:s15+$0x5360] =	vst v3;
	v3 =	vld [tilespmem:s15+$0x2BB0]  }
0xc0: {  	[tilespmem:s15+$0x5390] =	vst v1;
	v1 =	vld [tilespmem:s15+$0x2BE0]  }
0xc1: {  	[tilespmem:s15+$0x53A0] =	vst v2;
	v2 =	vld [tilespmem:s15+$0x2BF0]  }
0xc2: {  	[tilespmem:s15+$0x53C0] =	vst v62  }
0xc3: {  	[tilespmem:s15+$0x53D0] =	vst v63  }
0xc4: {  	[tilespmem:s15+$0x53B0] =	vst v3  }
0xc5: {  	[tilespmem:s15+$0x53E0] =	vst v1  }
0xc6: {  	[tilespmem:s15+$0x53F0] =	vst v2  }
0xc7: {  	_ =	swait.ge [sflag:s16], $0x1000  }
0xc8: {  	[sflag:s16] =	ssyncset.done $0x0  }
0xc9: {  	[sflag:s16] =	ssyncadd.s32 $0xFFFFF000  }
0xca: {  	_ =	swait.ge [sflag:s16], $0x1000  }
0xcb: {  	[sflag:s16] =	ssyncset.done $0x0  }
0xcc: {  	[sflag:s16] =	ssyncadd.s32 $0xFFFFF000  }
0xcd: {  	_ =	swait.ge [sflag:s16], $0x1000  }
0xce: {  	[sflag:s16] =	ssyncset.done $0x0  }
0xcf: {  	[sflag:s16] =	ssyncadd.s32 $0xFFFFF000  }
0xd0: {  	_ =	swait.ge [sflag:s16], $0x1000  }
0xd1: {  	[sflag:s16] =	ssyncset.done $0x0  }
0xd2: {  	s23 =	sadd.s32 $0x5200, s15;
	[sflag:s16] =	ssyncadd.s32 $0xFFFFF000  }
0xd3: {  	[spmem:s2] =	stream.indirect.scatter.add.f32 [tilespmem:s25], [sflag:$0x3], $0x20, s23, s18, $0xb8;
	[tilespmem:$0x19600] =	vst v63  }
0xd4: {  	s8 =	sadd.s32 $0x5280, s15  }
0xd5: {  	[spmem:s2] =	stream.indirect.scatter.add.f32 [tilespmem:s26], [sflag:$0x3], $0x20, s8, s18, $0xb8;
	[tilespmem:$0x19600] =	vst v63  }
0xd6: {  	s21 =	sadd.s32 $0x5300, s15  }
0xd7: {  	[spmem:s2] =	stream.indirect.scatter.add.f32 [tilespmem:s28], [sflag:$0x3], $0x20, s21, s18, $0xb8;
	[tilespmem:$0x19600] =	vst v63  }
0xd8: {  	s23 =	sadd.s32 $0x5380, s15  }
0xd9: {  	[spmem:s2] =	stream.indirect.scatter.add.f32 [tilespmem:s29], [sflag:$0x3], $0x20, s23, s18, $0xb8;
	[tilespmem:$0x19600] =	vst v63  }
0xda: {  	_ =	swait.ge [sflag:s30], $0x1000  }
0xdb: {  	[sflag:s30] =	ssyncset.done $0x0  }
0xdc: {  	[sflag:s30] =	ssyncadd.s32 $0xFFFFF000  }
0xdd: {  	_ =	swait.ge [sflag:s30], $0x1000  }
0xde: {  	[sflag:s30] =	ssyncset.done $0x0  }
0xdf: {  	s1 =	sadd.s32 $0x1000, s1;
	[sflag:s30] =	ssyncadd.s32 $0xFFFFF000  }
0xe0: {  	p0 =	sne.s32 s1, $0xA000;
	_ =	swait.ge [sflag:s30], $0x1000  }
.Ltmp0:
0xe1: {  	[sflag:s30] =	ssyncset.done $0x0;
	(pc) =	sbr.rel @p0 .LBB2_2-.Ltmp0, $4  }
0xe2: {  	[sflag:s30] =	ssyncadd.s32 $0xFFFFF000  }
0xe3: {  	_ =	swait.ge [sflag:s30], $0x1000  }
0xe4: {  	[sflag:s30] =	ssyncset.done $0x0  }
0xe5: {  	[sflag:s30] =	ssyncadd.s32 $0xFFFFF000  }
0xe6: {  	s0 =	sadd.s32 $0x1, s0  }
0xe7: {  	p0 =	sne.s32 s0, s11  }
.Ltmp1:
0xe8: {  	[bflag:$0x0] =	sbarrier.arrive $0xFFFF;
	s1 =	sor.u32 $0x1C04, s5;
	(pc) =	sbr.rel @p0 .LBB2_1-.Ltmp1, $4  }
0xe9: {  	[hbm:s12], [sflag:s1] =	dma.local [spmem:s13], $0x9E0  }
0xea: {  	_ =	swait.ge [sflag:s31], $0x9E0  }
0xeb: {  	[sflag:s31] =	ssyncset.done $0x0  }
0xec: {  	[sflag:s31] =	ssyncadd.s32 $0xFFFFF620  }
0xed: {  	_ =	sfence.sel $0x180000  }
0xee: {  	[bflag:$0x0] =	sbarrier.arrive $0xFFFF  }
0xef: {  	_ =	strace $0x9000004A  }
0xf0: {  	s0 =	stileid.u32;
	[bflag:$0x2] =	sbarrier.arrive $0xFFFF  }
0xf1: {  	p0 =	sne.s32 s0, $0x0;
	s0 =	rddreg [dreg:$0x4]  }
0xf2: {  	s0 =	sadd.s32 @!p0 $0x100000, s0  }
0xf3: {  	[sflag:s0] =	ssyncadd.tile.s32 @!p0 $0x1;
	_ =	shalt  }
.Lfunc_end2:
_tile_overlayer_lowered:
.L_overlay_start_2:
0xf4: {  	(tag) =	ssettag $0x2  }
0xf5: {  	s0 =	rddreg [dreg:$0x0];
	s2 =	stileid.u32  }
0xf6: {  	s1 =	rddreg [dreg:$0x1];
	p0 =	sne.s32 s2, $0x0  }
0xf7: {  	s3 =	rddreg [dreg:$0x2];
	[bflag:$0x3] =	sbarrier.arrive $0xFFFF;
	s2 =	simm.s32 @!p0 $0x1C04  }
0xf8: {  	[timem:s3], [sflag:s2] =	dma.local @!p0 [hbm:s0], s1  }
0xf9: {  	s0 =	simm.s32 @!p0 $0x4  }
0xfa: {  	_ =	swait.ge @!p0 [sflag:s0], s1  }
0xfb: {  	s1 =	ssub.s32 @!p0 $0x0, s1;
	[sflag:s0] =	ssyncset.done @!p0 $0x0  }
0xfc: {  	[sflag:s0] =	ssyncadd.s32 @!p0 s1  }
0xfd: {  	[bflag:$0x3] =	sbarrier.arrive $0xFFFF  }
0xfe: {  	_ =	shalt  }

// kernel: kernel.7.cloned.1.call-start
scs
__scs_entry_jumppad:
0x0: {  	(pc) =	sbr.rel $0x88, $3  }
0x1: {  	(tag) =	ssettag $0x0;
	lr =	simm.s32 $0x1  }
0x2: {  	[smem:$0x3F8F] =	sst lr;
	_ =	strace $0xD0000000  }
0x3: {  	_ = 	snop  }
0x4: {  	_ = 	snop  }
0x5: {  	_ = 	snop  }
0x6: {  	_ = 	snop  }
0x7: {  	_ = 	snop  }
__scs_overlays_trampoline_lowered:
0x8: {  	[smem:$0x3F9E] =	sst s0  }
0x9: {  	[smem:$0x3F9F] =	sst s1  }
0xa: {  	[smem:$0x3FA0] =	sst s2  }
0xb: {  	[smem:$0x3FA1] =	sst s3  }
0xc: {  	[smem:$0x3FA2] =	sst s4  }
0xd: {  	[smem:$0x3FA3] =	sst s5  }
0xe: {  	[smem:$0x3FA4] =	sst s6  }
0xf: {  	[smem:$0x3FA5] =	sst s7  }
0x10: {  	[smem:$0x3FA6] =	sst s8  }
0x11: {  	[smem:$0x3FA7] =	sst s9;
	s0 =	simm.s32 @!p0 $0x0  }
0x12: {  	s1 =	sld [smem:$0x3F8D];
	s0 =	simm.s32 @p0 $0x1  }
0x13: {  	[smem:$0x3FA8] =	sst s0;
	s0 =	simm.s32 @!p1 $0x0  }
0x14: {  	s2 =	sld [smem:$0x3F8C];
	s0 =	simm.s32 @p1 $0x1  }
0x15: {  	[smem:$0x3FA9] =	sst s0;
	s0 =	simm.s32 @!p2 $0x0  }
0x16: {  	s3 =	sld [smem:$0x3FDB];
	s0 =	simm.s32 @p2 $0x1  }
0x17: {  	s4 =	simm.s32 $0x1BF5;
	[smem:$0x3FAB] =	sst s0  }
0x18: {  	s0 =	sld [smem:$0x3F8E];
	_ =	swait.ge [sflag:s4], $0x0  }
0x19: {  	s7 =	sld [smem:$0x3F8F]  }
0x1a: {  	s8 =	sadd.s32 $0xFFFFE003, lr  }
0x1b: {  	s9 =	sadd.s32 $0xFFFFFEF7, lr;
	s5 =	simm.s32 $0xFFFFFFFF;
	p2 =	slt.u32 s8, $0xFFFFF086  }
0x1c: {  	p1 =	slt.u32 s9, $0xF7A;
	s5 =	simm.s32 @!p2 $0x0  }
0x1d: {  	s5 =	simm.s32 @p1 $0x1;
	p0 =	seq.s32 s7, s2  }
0x1e: {  	s7 =	smul.u32 @!p0 $0xF7A, s2;
	p2 =	seq.s32 @!p0 s5, $0x0  }
0x1f: {  	s9 =	smul.u32 $0xF7A, s1;
	s8 =	simm.s32 @!p0 $0x1BF5;
	p2 =	por !p2, p0  }
0x20: {  	[sflag:s8] =	ssyncset.s32 @!p0 $0xFFFFF086;
	s6 =	sadd.s32 @!p0 s3, s7;
	s7 =	simm.s32 @!p0 $0x108  }
0x21: {  	s3 =	sadd.s32 s3, s9;
	s6 =	sadd.s32 @!p0 $0x88, s6;
	s7 =	simm.s32 @p2 $0x1082  }
0x22: {  	[simem:s7], [sflag:s8] =	dma.local @!p0 [hbm:s6], $0xF7A  }
0x23: {  	s9 =	sor.u32 $0xD0000000, s2;
	s6 =	simm.s32 $0x108;
	_ =	swait.ge @!p0 [sflag:s8], $0x0  }
0x24: {  	s3 =	sadd.s32 $0x88, s3;
	s6 =	simm.s32 @!p1 $0x1082;
	[sflag:s4] =	ssyncset.s32 $0xFFFFF086  }
0x25: {  	[simem:s6], [sflag:s4] =	dma.local [hbm:s3], $0xF7A  }
0x26: {  	[smem:$0x3F8F] =	sst s1;
	(tag) =	ssettag s2;
	_ =	strace s9  }
0x27: {  	s1 =	sld [smem:$0x3F9F]  }
0x28: {  	s2 =	sld [smem:$0x3FA0]  }
0x29: {  	s4 =	sld [smem:$0x3FA2]  }
0x2a: {  	p0 =	seq.s32 s5, $0x0;
	s5 =	sld [smem:$0x3FA3]  }
0x2b: {  	s6 =	sld [smem:$0x3FA4]  }
0x2c: {  	s7 =	sld [smem:$0x3FA5]  }
0x2d: {  	s3 =	simm.s32 $0x108;
	s8 =	sld [smem:$0x3FA6]  }
0x2e: {  	s3 =	simm.s32 @!p0 $0x1082;
	s9 =	sld [smem:$0x3FA7]  }
0x2f: {  	lr =	sadd.s32 s0, s3;
	s0 =	sld [smem:$0x3F9E]  }
0x30: {  	s3 =	sld [smem:$0x3FA1]  }
0x31: {  	[smem:$0x3FAA] =	sst s10  }
0x32: {  	s10 =	sld [smem:$0x3FA8];
	_ =	sdelay $0x3  }
0x33: {  	p0 =	seq.s32 s10, $0x1;
	s10 =	sld [smem:$0x3FAA];
	_ =	sdelay $0x3  }
0x34: {  	[smem:$0x3FAA] =	sst s10  }
0x35: {  	s10 =	sld [smem:$0x3FA9];
	_ =	sdelay $0x3  }
0x36: {  	p1 =	seq.s32 s10, $0x1;
	s10 =	sld [smem:$0x3FAA];
	_ =	sdelay $0x3  }
0x37: {  	[smem:$0x3FAA] =	sst s10  }
0x38: {  	s10 =	sld [smem:$0x3FAB]  }
0x39: {  	_ = 	snop;
	(pc) =	sbr.ind lr, $3  }
0x3a: {  	_ = 	snop  }
0x3b: {  	_ = 	snop  }
0x3c: {  	p2 =	seq.s32 s10, $0x1;
	s10 =	sld [smem:$0x3FAA]  }
0x3d: {  	_ =	shalt  }
0x3e: {  	_ =	shalt  }
0x3f: {  	_ =	shalt  }
0x40: {  	_ =	shalt  }
0x41: {  	_ =	shalt  }
0x42: {  	_ =	shalt  }
0x43: {  	_ =	shalt  }
0x44: {  	_ =	shalt  }
0x45: {  	_ =	shalt  }
0x46: {  	_ =	shalt  }
0x47: {  	_ =	shalt  }
0x48: {  	_ =	shalt  }
0x49: {  	_ =	shalt  }
0x4a: {  	_ =	shalt  }
0x4b: {  	_ =	shalt  }
0x4c: {  	_ =	shalt  }
0x4d: {  	_ =	shalt  }
0x4e: {  	_ =	shalt  }
0x4f: {  	_ =	shalt  }
0x50: {  	_ =	shalt  }
0x51: {  	_ =	shalt  }
0x52: {  	_ =	shalt  }
0x53: {  	_ =	shalt  }
0x54: {  	_ =	shalt  }
0x55: {  	_ =	shalt  }
0x56: {  	_ =	shalt  }
0x57: {  	_ =	shalt  }
0x58: {  	_ =	shalt  }
0x59: {  	_ =	shalt  }
0x5a: {  	_ =	shalt  }
0x5b: {  	_ =	shalt  }
0x5c: {  	_ =	shalt  }
0x5d: {  	_ =	shalt  }
0x5e: {  	_ =	shalt  }
0x5f: {  	_ =	shalt  }
0x60: {  	_ =	shalt  }
0x61: {  	_ =	shalt  }
0x62: {  	_ =	shalt  }
0x63: {  	_ =	shalt  }
0x64: {  	_ =	shalt  }
0x65: {  	_ =	shalt  }
0x66: {  	_ =	shalt  }
0x67: {  	_ =	shalt  }
0x68: {  	_ =	shalt  }
0x69: {  	_ =	shalt  }
0x6a: {  	_ =	shalt  }
0x6b: {  	_ =	shalt  }
0x6c: {  	_ =	shalt  }
0x6d: {  	_ =	shalt  }
0x6e: {  	_ =	shalt  }
0x6f: {  	_ =	shalt  }
0x70: {  	_ =	shalt  }
0x71: {  	_ =	shalt  }
0x72: {  	_ =	shalt  }
0x73: {  	_ =	shalt  }
0x74: {  	_ =	shalt  }
0x75: {  	_ =	shalt  }
0x76: {  	_ =	shalt  }
0x77: {  	_ =	shalt  }
0x78: {  	_ =	shalt  }
0x79: {  	_ =	shalt  }
0x7a: {  	_ =	shalt  }
0x7b: {  	_ =	shalt  }
0x7c: {  	_ =	shalt  }
0x7d: {  	_ =	shalt  }
0x7e: {  	_ =	shalt  }
0x7f: {  	_ =	shalt  }
0x80: {  	_ =	shalt  }
0x81: {  	_ =	shalt  }
0x82: {  	_ =	shalt  }
0x83: {  	_ =	shalt  }
0x84: {  	_ =	shalt  }
0x85: {  	_ =	shalt  }
0x86: {  	_ =	shalt  }
0x87: {  	_ =	shalt  }
.Lfunc_end0:
.L_simem_size_0:
called_computation_lowered:
.L_overlay_start_0:
0x88: {  	s2 =	sld [smem:$0x3FD9]  }
0x89: {  	s3 =	sld [smem:$0x3FFE];
	_ =	sdelay $0x1  }
0x8a: {  	s1 =	srdreg.scid  }
0x8b: {  	s0 =	sand.u32 $0x1, s1  }
0x8c: {  	s17 =	sshll.u32 s0, $0xA;
	s2 =	sadd.s32 s3, s2  }
0x8d: {  	s2 =	sadd.s32 s2, s17  }
0x8e: {  	[smem:$0x3FB6] =	sst s2  }
0x8f: {  	_ = 	snop  }
0x90: {  	s2 =	sld [smem:$0x3FD0];
	(tm) =	ssettm $0x1  }
0x91: {  	s18 =	sld [smem:$0x3FFB];
	_ =	sdelay $0x3  }
0x92: {  	_ =	strace s18  }
0x93: {  	s3 =	sld [smem:$0x3FFC];
	_ =	sdelay $0x3  }
0x94: {  	_ =	strace s3  }
0x95: {  	s3 =	sld [smem:$0x3FFD];
	_ =	sdelay $0x3  }
0x96: {  	_ =	strace s3  }
0x97: {  	_ =	strace $0x8FFFFFFF  }
0x98: {  	s19 =	sld [smem:$0x3FDB];
	_ =	sdelay $0x1  }
0x99: {  	s4 =	simm.s32 $_scs_section_size  }
0x9a: {  	s5 =	simm.s32 $_size__tile_overlayer_lowered;
	s6 =	simm.s32 $_tile_overlayer_lowered  }
0x9b: {  	s22 =	simm.s32 $0x1BFF;
	s21 =	sshll.u32 s6, $0x1;
	s3 =	sadd.s32 s4, s19  }
0x9c: {  	s7 =	simm.s32 $0x0;
	s20 =	sshll.u32 s5, $0x1;
	s5 =	sadd.s32 s21, s3  }
0x9d: {  	[timem:s7], [sflag:s22] =	dma.local [hbm:s5], s20  }
0x9e: {  	_ =	swait.ge [sflag:s22], s20  }
0x9f: {  	s4 =	ssub.s32 $0x0, s20;
	[sflag:s22] =	ssyncset.done $0x0  }
0xa0: {  	[sflag:s22] =	ssyncadd.s32 s4;
	_ =	sdelay $0x1  }
0xa1: {  	s23 =	simm.s32 $0x1B8B  }
0xa2: {  	_ =	swait.ge [sflag:s23], $0x1  }
0xa3: {  	[sflag:s23] =	ssyncset.done $0x0  }
0xa4: {  	s25 =	simm.s32 $0x1B8E;
	s24 =	sld [smem:$0x3FFE];
	[sflag:s23] =	ssyncadd.s32 $0xFFFFFFFF  }
0xa5: {  	s26 =	simm.s32 $execute0_lowered;
	[smem:$0x3FD2] =	sst s25  }
0xa6: {  	s5 =	sshll.u32 s26, $0x1;
	_ =	strace $0x80000046;
	[dreg:$0x1] =	wrdreg $0xFFFFFFFF  }
0xa7: {  	s28 =	simm.s32 $_size_execute0_lowered;
	s3 =	sadd.s32 s3, s5;
	[dreg:$0x0] =	wrdreg $0x0  }
0xa8: {  	s5 =	sshll.u32 s28, $0x1;
	[dreg:$0x2] =	wrdreg s3  }
0xa9: {  	[dreg:$0x3] =	wrdreg s5  }
0xaa: {  	[dreg:$0x4] =	wrdreg $0xC0  }
0xab: {  	_ =	task [dreg:s7], $0x5FFFF  }
0xac: {  	[dreg:$0x1] =	wrdreg $0xFFFFFFFF  }
0xad: {  	[dreg:$0x0] =	wrdreg $0x60  }
0xae: {  	[dreg:$0x2] =	wrdreg s2  }
0xaf: {  	[dreg:$0x3] =	wrdreg s24  }
0xb0: {  	[dreg:$0x4] =	wrdreg $0xF8000  }
0xb1: {  	[dreg:$0x5] =	wrdreg $0x147000  }
0xb2: {  	[dreg:$0x6] =	wrdreg $0x9  }
0xb3: {  	_ =	task.clear_ibuf [dreg:s7], $0x7FFFF;
	_ =	strace $0x90000046  }
0xb4: {  	s29 =	simm.s32 $0x9;
	_ =	strace $0x80000048  }
0xb5: {  	_ =	swait.ge [sflag:s29], $0x1  }
0xb6: {  	[sflag:s29] =	ssyncadd.s32 $0xFFFFFFFF  }
0xb7: {  	_ =	strace $0x90000048  }
0xb8: {  	_ =	sfence  }
0xb9: {  	s30 =	sld [smem:$0x0];
	_ =	sdelay $0x2  }
0xba: {  	s31 =	sshll.u32 s1, $0xD;
	s1 =	sshrl.u32 s1, $0x2  }
0xbb: {  	s3 =	sand.u32 $0x4000, s31;
	s1 =	sadd.s32 s1, s30  }
0xbc: {  	s0 =	sor.u32 s3, s0;
	s1 =	sshll.u32 s1, $0x11  }
0xbd: {  	s0 =	sor.u32 s1, s0  }
0xbe: {  	s0 =	sadd.s32 $0x8F2B, s0  }
0xbf: {  	[sflag:s0] =	ssyncadd.remote.s32 $0x1  }
0xc0: {  	_ =	sfence.sel $0xFFFF  }
0xc1: {  	[dreg:$0x0] =	wrdreg $0xFFFFFFFF;
	(pc) =	sbr.abs _section_cstart, $3  }
0xc2: {  	[dreg:$0x1] =	wrdreg $0xFFFFFFFF  }
0xc3: {  	_ =	task.clear_ibuf [dreg:s7], $0x2FFFF;
	_ =	strace $0x9FFFFFFF  }
0xc4: {  	(tm) =	ssettm $0x7FFFFFFF  }
0xc5: {  	_ =	shalt  }
tec
execute0_lowered:
.L_overlay_start_1:
0x0: {  	(tag) =	ssettag $0x1  }
0x1: {  	s0 =	rddreg [dreg:$0x0]  }
0x2: {  	s1 =	rddreg [dreg:$0x1]  }
0x3: {  	s2 =	rddreg [dreg:$0x2]  }
0x4: {  	s3 =	rddreg [dreg:$0x3]  }
0x5: {  	s4 =	srdreg.scid;
	s7 =	stileid.u32  }
0x6: {  	s16 =	simm.s32 $0x2;
	s17 =	simm.s32 $0x1;
	s18 =	simm.s32 $0x80  }
0x7: {  	s19 =	simm.s32 $0x7800;
	s20 =	simm.s32 $0x8800;
	s22 =	simm.s32 $0x9800  }
0x8: {  	s24 =	simm.s32 $0xA800;
	s28 =	simm.s32 $0xD800;
	s29 =	simm.s32 $0xE800  }
0x9: {  	s30 =	simm.s32 $0x3;
	s31 =	simm.s32 $0x4;
	s9 =	sand.u32 $0x1, s4  }
0xa: {  	s5 =	sshll.u32 s7, $0x1;
	s4 =	simm.s32 $0x0;
	s8 =	smul.u32 $0x4F00, s7  }
0xb: {  	s5 =	sor.u32 s9, s5;
	[smem:$0x7FF] =	sst s4;
	s6 =	ssub.s32 $0x2, s9  }
0xc: {  	p0 =	seq.s32 s9, $0x1;
	s5 =	smul.u32 $0x4E2, s5;
	_ =	strace $0x80000047  }
0xd: {  	s10 =	sshrl.u32 s8, $0x3;
	s25 =	sshrl.u32 s6, $0x1;
	s13 =	sadd.s32 s8, s2  }
0xe: {  	s14 =	sadd.s32 s8, s3;
	s12 =	ssub.s32 s6, s25;
	s0 =	sadd.s32 s0, s10  }
0xf: {  	s13 =	sshrl.u32 s13, $0x3;
	s14 =	sshrl.u32 s14, $0x3;
	s25 =	simm.s32 $0xB800  }
0x10: {  	s11 =	sadd.s32 s5, s1;
	s1 =	sadd.s32 s10, s1;
	s5 =	sshll.u32 s7, $0x6  }
0x11: {  	[dreg:$0x6] =	wrdreg s0;
	s0 =	simm.s32 $0x2B200;
	s26 =	sadd.s32 $0x17600, s1  }
0x12: {  	s7 =	sor.u32 $0x1C01, s5;
	s9 =	sadd.s32 $0xD800, s11;
	s10 =	sadd.s32 $0x3A00, s11  }
0x13: {  	s0 =	simm.s32 @!p0 $0x21400;
	s11 =	smax.u32 s12, $0x1;
	[dreg:$0x5] =	wrdreg s26  }
0x14: {  	v0 =	vimm.s32 $0x2710;
	s12 =	sadd.s32 s0, s1;
	s26 =	simm.s32 $0xC800;
	s0 =	simm.s32 $0x0  }
.LBB2_1:
0x15: {  	s1 =	rddreg [dreg:$0x5]  }
0x16: {  	[spmem:s13], [sflag:s7] =	dma.local [hbm:s1], $0x9E0  }
0x17: {  	s1 =	rddreg [dreg:$0x6]  }
0x18: {  	[spmem:s14], [sflag:s7] =	dma.local [hbm:s1], $0x9E0  }
0x19: {  	[tilespmem:s4], [sflag:$0x2] =	stream.linear.gather [hbm4b:s9+s4], $0x2710, $0x38;
	[tilespmem:$0x19600] =	vst v63  }
0x1a: {  	s15 =	simm.s32 $0x2800  }
0x1b: {  	[tilespmem:s15], [sflag:$0x2] =	stream.linear.gather [hbm4b:s10+s4], $0x2710, $0x38;
	[tilespmem:$0x19600] =	vst v63  }
0x1c: {  	_ =	swait.ge [sflag:s16], $0x2710  }
0x1d: {  	[sflag:s16] =	ssyncset.done $0x0  }
0x1e: {  	[sflag:s16] =	ssyncadd.s32 $0xFFFFD8F0  }
0x1f: {  	_ =	swait.ge [sflag:s16], $0x2710  }
0x20: {  	[sflag:s16] =	ssyncset.done $0x0  }
0x21: {  	[sflag:s16] =	ssyncadd.s32 $0xFFFFD8F0  }
0x22: {  	[tilespmem:$0x2710] =	vst v0  }
0x23: {  	[tilespmem:$0x4F10] =	vst v0  }
0x24: {  	[tilespmem:$0x2720] =	vst v0  }
0x25: {  	[tilespmem:$0x4F20] =	vst v0  }
0x26: {  	[tilespmem:$0x2730] =	vst v0  }
0x27: {  	[tilespmem:$0x4F30] =	vst v0  }
0x28: {  	[tilespmem:$0x2740] =	vst v0  }
0x29: {  	[tilespmem:$0x4F40] =	vst v0  }
0x2a: {  	[tilespmem:$0x2750] =	vst v0  }
0x2b: {  	[tilespmem:$0x4F50] =	vst v0  }
0x2c: {  	[tilespmem:$0x2760] =	vst v0  }
0x2d: {  	[tilespmem:$0x4F60] =	vst v0  }
0x2e: {  	[tilespmem:$0x2770] =	vst v0  }
0x2f: {  	[tilespmem:$0x4F70] =	vst v0  }
0x30: {  	[tilespmem:$0x2780] =	vst v0  }
0x31: {  	[tilespmem:$0x4F80] =	vst v0  }
0x32: {  	[tilespmem:$0x2790] =	vst v0  }
0x33: {  	[tilespmem:$0x4F90] =	vst v0  }
0x34: {  	[tilespmem:$0x27A0] =	vst v0  }
0x35: {  	[tilespmem:$0x4FA0] =	vst v0  }
0x36: {  	[tilespmem:$0x27B0] =	vst v0  }
0x37: {  	[tilespmem:$0x4FB0] =	vst v0  }
0x38: {  	[tilespmem:$0x27C0] =	vst v0  }
0x39: {  	[tilespmem:$0x4FC0] =	vst v0  }
0x3a: {  	[tilespmem:$0x27D0] =	vst v0  }
0x3b: {  	[tilespmem:$0x4FD0] =	vst v0  }
0x3c: {  	[tilespmem:$0x27E0] =	vst v0  }
0x3d: {  	[tilespmem:$0x4FE0] =	vst v0  }
0x3e: {  	[tilespmem:$0x27F0] =	vst v0  }
0x3f: {  	[tilespmem:$0x4FF0] =	vst v0  }
0x40: {  	_ =	swait.ge [sflag:s17], $0x9E0  }
0x41: {  	[sflag:s17] =	ssyncset.done $0x0  }
0x42: {  	[sflag:s17] =	ssyncadd.s32 $0xFFFFF620  }
0x43: {  	_ =	swait.ge [sflag:s17], $0x9E0  }
0x44: {  	[sflag:s17] =	ssyncset.done $0x0  }
0x45: {  	[sflag:s17] =	ssyncadd.s32 $0xFFFFF620  }
0x46: {  	[bflag:$0x0] =	sbarrier.arrive $0xFFFF  }
0x47: {  	[tilespmem:s19], [sflag:$0x1] =	stream.indirect.gather [spmem:s3], $0x20, s4, s18, $0xb8;
	[tilespmem:$0x19600] =	vst v63  }
0x48: {  	_ = 	snop  }
0x49: {  	[tilespmem:s20], [sflag:$0x1] =	stream.indirect.gather [spmem:s3], $0x20, s18, s18, $0xb8;
	[tilespmem:$0x19600] =	vst v63  }
0x4a: {  	s21 =	simm.s32 $0x100  }
0x4b: {  	[tilespmem:s22], [sflag:$0x1] =	stream.indirect.gather [spmem:s3], $0x20, s21, s18, $0xb8;
	[tilespmem:$0x19600] =	vst v63  }
0x4c: {  	s23 =	simm.s32 $0x180;
	s1 =	simm.s32 $0x0  }
0x4d: {  	[tilespmem:s24], [sflag:$0x1] =	stream.indirect.gather [spmem:s3], $0x20, s23, s18, $0xb8;
	[tilespmem:$0x19600] =	vst v63  }
.LBB2_2:
0x4e: {  	s15 =	sshra.s32 s1, $0x2  }
0x4f: {  	s21 =	sadd.s32 $0x200, s15  }
0x50: {  	[tilespmem:s25], [sflag:$0x2] =	stream.indirect.gather [spmem:s3], $0x20, s21, s18, $0xb8;
	[tilespmem:$0x19600] =	vst v63  }
0x51: {  	s8 =	sadd.s32 $0x280, s15  }
0x52: {  	[tilespmem:s26], [sflag:$0x2] =	stream.indirect.gather [spmem:s3], $0x20, s8, s18, $0xb8;
	[tilespmem:$0x19600] =	vst v63  }
0x53: {  	s23 =	sadd.s32 $0x300, s15  }
0x54: {  	[tilespmem:s28], [sflag:$0x2] =	stream.indirect.gather [spmem:s3], $0x20, s23, s18, $0xb8;
	[tilespmem:$0x19600] =	vst v63  }
0x55: {  	s6 =	sadd.s32 $0x380, s15  }
0x56: {  	[tilespmem:s29], [sflag:$0x2] =	stream.indirect.gather [spmem:s3], $0x20, s6, s18, $0xb8;
	[tilespmem:$0x19600] =	vst v63  }
0x57: {  	v1 =	vld [tilespmem:s15+$0x2800]  }
0x58: {  	v2 =	vld [tilespmem:s15+$0x2810]  }
0x59: {  	v3 =	vld [tilespmem:s15+$0x2820]  }
0x5a: {  	v4 =	vld [tilespmem:s15+$0x2830]  }
0x5b: {  	v5 =	vld [tilespmem:s15+$0x2840]  }
0x5c: {  	[tilespmem:s15+$0x5000] =	vst v1;
	v1 =	vld [tilespmem:s15+$0x2850]  }
0x5d: {  	[tilespmem:s15+$0x5010] =	vst v2;
	v2 =	vld [tilespmem:s15+$0x2860]  }
0x5e: {  	v42 =	vld [tilespmem:s15+$0x2880];
	[tilespmem:s15+$0x5020] =	vst v3  }
0x5f: {  	v43 =	vld [tilespmem:s15+$0x2890];
	[tilespmem:s15+$0x5030] =	vst v4  }
0x60: {  	v3 =	vld [tilespmem:s15+$0x2870];
	[tilespmem:s15+$0x5040] =	vst v5  }
0x61: {  	[tilespmem:s15+$0x5050] =	vst v1;
	v1 =	vld [tilespmem:s15+$0x28A0]  }
0x62: {  	[tilespmem:s15+$0x5060] =	vst v2;
	v2 =	vld [tilespmem:s15+$0x28B0]  }
0x63: {  	v44 =	vld [tilespmem:s15+$0x28D0];
	[tilespmem:s15+$0x5080] =	vst v42  }
0x64: {  	v45 =	vld [tilespmem:s15+$0x28E0];
	[tilespmem:s15+$0x5090] =	vst v43  }
0x65: {  	[tilespmem:s15+$0x5070] =	vst v3;
	v3 =	vld [tilespmem:s15+$0x28C0]  }
0x66: {  	[tilespmem:s15+$0x50A0] =	vst v1;
	v1 =	vld [tilespmem:s15+$0x28F0]  }
0x67: {  	[tilespmem:s15+$0x50B0] =	vst v2;
	v2 =	vld [tilespmem:s15+$0x2900]  }
0x68: {  	v46 =	vld [tilespmem:s15+$0x2920];
	[tilespmem:s15+$0x50D0] =	vst v44  }
0x69: {  	v47 =	vld [tilespmem:s15+$0x2930];
	[tilespmem:s15+$0x50E0] =	vst v45  }
0x6a: {  	[tilespmem:s15+$0x50C0] =	vst v3;
	v3 =	vld [tilespmem:s15+$0x2910]  }
0x6b: {  	[tilespmem:s15+$0x50F0] =	vst v1;
	v1 =	vld [tilespmem:s15+$0x2940]  }
0x6c: {  	[tilespmem:s15+$0x5100] =	vst v2;
	v2 =	vld [tilespmem:s15+$0x2950]  }
0x6d: {  	v48 =	vld [tilespmem:s15+$0x2970];
	[tilespmem:s15+$0x5120] =	vst v46  }
0x6e: {  	v49 =	vld [tilespmem:s15+$0x2980];
	[tilespmem:s15+$0x5130] =	vst v47  }
0x6f: {  	[tilespmem:s15+$0x5110] =	vst v3;
	v3 =	vld [tilespmem:s15+$0x2960]  }
0x70: {  	[tilespmem:s15+$0x5140] =	vst v1;
	v1 =	vld [tilespmem:s15+$0x2990]  }
0x71: {  	[tilespmem:s15+$0x5150] =	vst v2;
	v2 =	vld [tilespmem:s15+$0x29A0]  }
0x72: {  	v50 =	vld [tilespmem:s15+$0x29C0];
	[tilespmem:s15+$0x5170] =	vst v48  }
0x73: {  	v51 =	vld [tilespmem:s15+$0x29D0];
	[tilespmem:s15+$0x5180] =	vst v49  }
0x74: {  	[tilespmem:s15+$0x5160] =	vst v3;
	v3 =	vld [tilespmem:s15+$0x29B0]  }
0x75: {  	[tilespmem:s15+$0x5190] =	vst v1;
	v1 =	vld [tilespmem:s15+$0x29E0]  }
0x76: {  	[tilespmem:s15+$0x51A0] =	vst v2;
	v2 =	vld [tilespmem:s15+$0x29F0]  }
0x77: {  	[tilespmem:s15+$0x51C0] =	vst v50  }
0x78: {  	[tilespmem:s15+$0x51D0] =	vst v51  }
0x79: {  	[tilespmem:s15+$0x51B0] =	vst v3  }
0x7a: {  	[tilespmem:s15+$0x51E0] =	vst v1  }
0x7b: {  	[tilespmem:s15+$0x51F0] =	vst v2  }
0x7c: {  	_ =	swait.ge [sflag:s17], $0x1000  }
0x7d: {  	[sflag:s17] =	ssyncset.done $0x0  }
0x7e: {  	[sflag:s17] =	ssyncadd.s32 $0xFFFFF000  }
0x7f: {  	_ =	swait.ge [sflag:s17], $0x1000  }
0x80: {  	[sflag:s17] =	ssyncset.done $0x0  }
0x81: {  	[sflag:s17] =	ssyncadd.s32 $0xFFFFF000  }
0x82: {  	_ =	swait.ge [sflag:s17], $0x1000  }
0x83: {  	[sflag:s17] =	ssyncset.done $0x0  }
0x84: {  	[sflag:s17] =	ssyncadd.s32 $0xFFFFF000  }
0x85: {  	_ =	swait.ge [sflag:s17], $0x1000  }
0x86: {  	[sflag:s17] =	ssyncset.done $0x0  }
0x87: {  	s8 =	sadd.s32 $0x5000, s15;
	[sflag:s17] =	ssyncadd.s32 $0xFFFFF000  }
0x88: {  	[spmem:s2] =	stream.indirect.scatter.add.f32 [tilespmem:s19], [sflag:$0x3], $0x20, s8, s18, $0xb8;
	[tilespmem:$0x19600] =	vst v63  }
0x89: {  	s23 =	sadd.s32 $0x5080, s15  }
0x8a: {  	[spmem:s2] =	stream.indirect.scatter.add.f32 [tilespmem:s20], [sflag:$0x3], $0x20, s23, s18, $0xb8;
	[tilespmem:$0x19600] =	vst v63  }
0x8b: {  	s6 =	sadd.s32 $0x5100, s15  }
0x8c: {  	[spmem:s2] =	stream.indirect.scatter.add.f32 [tilespmem:s22], [sflag:$0x3], $0x20, s6, s18, $0xb8;
	[tilespmem:$0x19600] =	vst v63  }
0x8d: {  	s8 =	sadd.s32 $0x5180, s15  }
0x8e: {  	[spmem:s2] =	stream.indirect.scatter.add.f32 [tilespmem:s24], [sflag:$0x3], $0x20, s8, s18, $0xb8;
	[tilespmem:$0x19600] =	vst v63  }
0x8f: {  	_ =	swait.ge [sflag:s30], $0x1000  }
0x90: {  	[sflag:s30] =	ssyncset.done $0x0  }
0x91: {  	[sflag:s30] =	ssyncadd.s32 $0xFFFFF000  }
0x92: {  	_ =	swait.ge [sflag:s30], $0x1000  }
0x93: {  	[sflag:s30] =	ssyncset.done $0x0  }
0x94: {  	[sflag:s30] =	ssyncadd.s32 $0xFFFFF000  }
0x95: {  	_ =	swait.ge [sflag:s30], $0x1000  }
0x96: {  	[sflag:s30] =	ssyncset.done $0x0  }
0x97: {  	p0 =	seq.s32 s1, $0x9000;
	[sflag:s30] =	ssyncadd.s32 $0xFFFFF000  }
0x98: {  	s21 =	sshra.s32 @!p0 s1, $0x2;
	_ =	swait.ge [sflag:s30], $0x1000  }
0x99: {  	s23 =	sadd.s32 @!p0 $0x400, s21;
	[sflag:s30] =	ssyncset.done $0x0  }
0x9a: {  	s6 =	simm.s32 @!p0 $0x80;
	s8 =	simm.s32 @!p0 $0x7800;
	[sflag:s30] =	ssyncadd.s32 $0xFFFFF000  }
0x9b: {  	[tilespmem:s8], [sflag:$0x1] =	stream.indirect.gather @!p0 [spmem:s3], $0x20, s23, s6, $0xb8;
	[tilespmem:$0x19600] =	vst v63  }
0x9c: {  	s8 =	sadd.s32 @!p0 $0x480, s21;
	s23 =	simm.s32 @!p0 $0x8800  }
0x9d: {  	[tilespmem:s23], [sflag:$0x1] =	stream.indirect.gather @!p0 [spmem:s3], $0x20, s8, s6, $0xb8;
	[tilespmem:$0x19600] =	vst v63  }
0x9e: {  	s8 =	sadd.s32 @!p0 $0x500, s21;
	s23 =	simm.s32 @!p0 $0x9800  }
0x9f: {  	[tilespmem:s23], [sflag:$0x1] =	stream.indirect.gather @!p0 [spmem:s3], $0x20, s8, s6, $0xb8;
	[tilespmem:$0x19600] =	vst v63  }
0xa0: {  	s8 =	sadd.s32 @!p0 $0x580, s21;
	s21 =	simm.s32 @!p0 $0xA800  }
0xa1: {  	[tilespmem:s21], [sflag:$0x1] =	stream.indirect.gather @!p0 [spmem:s3], $0x20, s8, s6, $0xb8;
	[tilespmem:$0x19600] =	vst v63  }
0xa2: {  	v1 =	vld [tilespmem:s15+$0x2A00]  }
0xa3: {  	v2 =	vld [tilespmem:s15+$0x2A10]  }
0xa4: {  	v3 =	vld [tilespmem:s15+$0x2A20]  }
0xa5: {  	v52 =	vld [tilespmem:s15+$0x2A30]  }
0xa6: {  	v53 =	vld [tilespmem:s15+$0x2A40]  }
0xa7: {  	[tilespmem:s15+$0x5200] =	vst v1;
	v1 =	vld [tilespmem:s15+$0x2A50]  }
0xa8: {  	[tilespmem:s15+$0x5210] =	vst v2;
	v2 =	vld [tilespmem:s15+$0x2A60]  }
0xa9: {  	v54 =	vld [tilespmem:s15+$0x2A80];
	[tilespmem:s15+$0x5220] =	vst v3  }
0xaa: {  	v55 =	vld [tilespmem:s15+$0x2A90];
	[tilespmem:s15+$0x5230] =	vst v52  }
0xab: {  	v3 =	vld [tilespmem:s15+$0x2A70];
	[tilespmem:s15+$0x5240] =	vst v53  }
0xac: {  	[tilespmem:s15+$0x5250] =	vst v1;
	v1 =	vld [tilespmem:s15+$0x2AA0]  }
0xad: {  	[tilespmem:s15+$0x5260] =	vst v2;
	v2 =	vld [tilespmem:s15+$0x2AB0]  }
0xae: {  	v56 =	vld [tilespmem:s15+$0x2AD0];
	[tilespmem:s15+$0x5280] =	vst v54  }
0xaf: {  	v57 =	vld [tilespmem:s15+$0x2AE0];
	[tilespmem:s15+$0x5290] =	vst v55  }
0xb0: {  	[tilespmem:s15+$0x5270] =	vst v3;
	v3 =	vld [tilespmem:s15+$0x2AC0]  }
0xb1: {  	[tilespmem:s15+$0x52A0] =	vst v1;
	v1 =	vld [tilespmem:s15+$0x2AF0]  }
0xb2: {  	[tilespmem:s15+$0x52B0] =	vst v2;
	v2 =	vld [tilespmem:s15+$0x2B00]  }
0xb3: {  	v58 =	vld [tilespmem:s15+$0x2B20];
	[tilespmem:s15+$0x52D0] =	vst v56  }
0xb4: {  	v59 =	vld [tilespmem:s15+$0x2B30];
	[tilespmem:s15+$0x52E0] =	vst v57  }
0xb5: {  	[tilespmem:s15+$0x52C0] =	vst v3;
	v3 =	vld [tilespmem:s15+$0x2B10]  }
0xb6: {  	[tilespmem:s15+$0x52F0] =	vst v1;
	v1 =	vld [tilespmem:s15+$0x2B40]  }
0xb7: {  	[tilespmem:s15+$0x5300] =	vst v2;
	v2 =	vld [tilespmem:s15+$0x2B50]  }
0xb8: {  	v60 =	vld [tilespmem:s15+$0x2B70];
	[tilespmem:s15+$0x5320] =	vst v58  }
0xb9: {  	v61 =	vld [tilespmem:s15+$0x2B80];
	[tilespmem:s15+$0x5330] =	vst v59  }
0xba: {  	[tilespmem:s15+$0x5310] =	vst v3;
	v3 =	vld [tilespmem:s15+$0x2B60]  }
0xbb: {  	[tilespmem:s15+$0x5340] =	vst v1;
	v1 =	vld [tilespmem:s15+$0x2B90]  }
0xbc: {  	[tilespmem:s15+$0x5350] =	vst v2;
	v2 =	vld [tilespmem:s15+$0x2BA0]  }
0xbd: {  	v62 =	vld [tilespmem:s15+$0x2BC0];
	[tilespmem:s15+$0x5370] =	vst v60  }
0xbe: {  	v63 =	vld [tilespmem:s15+$0x2BD0];
	[tilespmem:s15+$0x5380] =	vst v61  }
0xbf: {  	[tilespmem:s15+$0x5360] =	vst v3;
	v3 =	vld [tilespmem:s15+$0x2BB0]  }
0xc0: {  	[tilespmem:s15+$0x5390] =	vst v1;
	v1 =	vld [tilespmem:s15+$0x2BE0]  }
0xc1: {  	[tilespmem:s15+$0x53A0] =	vst v2;
	v2 =	vld [tilespmem:s15+$0x2BF0]  }
0xc2: {  	[tilespmem:s15+$0x53C0] =	vst v62  }
0xc3: {  	[tilespmem:s15+$0x53D0] =	vst v63  }
0xc4: {  	[tilespmem:s15+$0x53B0] =	vst v3  }
0xc5: {  	[tilespmem:s15+$0x53E0] =	vst v1  }
0xc6: {  	[tilespmem:s15+$0x53F0] =	vst v2  }
0xc7: {  	_ =	swait.ge [sflag:s16], $0x1000  }
0xc8: {  	[sflag:s16] =	ssyncset.done $0x0  }
0xc9: {  	[sflag:s16] =	ssyncadd.s32 $0xFFFFF000  }
0xca: {  	_ =	swait.ge [sflag:s16], $0x1000  }
0xcb: {  	[sflag:s16] =	ssyncset.done $0x0  }
0xcc: {  	[sflag:s16] =	ssyncadd.s32 $0xFFFFF000  }
0xcd: {  	_ =	swait.ge [sflag:s16], $0x1000  }
0xce: {  	[sflag:s16] =	ssyncset.done $0x0  }
0xcf: {  	[sflag:s16] =	ssyncadd.s32 $0xFFFFF000  }
0xd0: {  	_ =	swait.ge [sflag:s16], $0x1000  }
0xd1: {  	[sflag:s16] =	ssyncset.done $0x0  }
0xd2: {  	s23 =	sadd.s32 $0x5200, s15;
	[sflag:s16] =	ssyncadd.s32 $0xFFFFF000  }
0xd3: {  	[spmem:s2] =	stream.indirect.scatter.add.f32 [tilespmem:s25], [sflag:$0x3], $0x20, s23, s18, $0xb8;
	[tilespmem:$0x19600] =	vst v63  }
0xd4: {  	s8 =	sadd.s32 $0x5280, s15  }
0xd5: {  	[spmem:s2] =	stream.indirect.scatter.add.f32 [tilespmem:s26], [sflag:$0x3], $0x20, s8, s18, $0xb8;
	[tilespmem:$0x19600] =	vst v63  }
0xd6: {  	s21 =	sadd.s32 $0x5300, s15  }
0xd7: {  	[spmem:s2] =	stream.indirect.scatter.add.f32 [tilespmem:s28], [sflag:$0x3], $0x20, s21, s18, $0xb8;
	[tilespmem:$0x19600] =	vst v63  }
0xd8: {  	s23 =	sadd.s32 $0x5380, s15  }
0xd9: {  	[spmem:s2] =	stream.indirect.scatter.add.f32 [tilespmem:s29], [sflag:$0x3], $0x20, s23, s18, $0xb8;
	[tilespmem:$0x19600] =	vst v63  }
0xda: {  	_ =	swait.ge [sflag:s30], $0x1000  }
0xdb: {  	[sflag:s30] =	ssyncset.done $0x0  }
0xdc: {  	[sflag:s30] =	ssyncadd.s32 $0xFFFFF000  }
0xdd: {  	_ =	swait.ge [sflag:s30], $0x1000  }
0xde: {  	[sflag:s30] =	ssyncset.done $0x0  }
0xdf: {  	s1 =	sadd.s32 $0x1000, s1;
	[sflag:s30] =	ssyncadd.s32 $0xFFFFF000  }
0xe0: {  	p0 =	sne.s32 s1, $0xA000;
	_ =	swait.ge [sflag:s30], $0x1000  }
.Ltmp0:
0xe1: {  	[sflag:s30] =	ssyncset.done $0x0;
	(pc) =	sbr.rel @p0 .LBB2_2-.Ltmp0, $4  }
0xe2: {  	[sflag:s30] =	ssyncadd.s32 $0xFFFFF000  }
0xe3: {  	_ =	swait.ge [sflag:s30], $0x1000  }
0xe4: {  	[sflag:s30] =	ssyncset.done $0x0  }
0xe5: {  	[sflag:s30] =	ssyncadd.s32 $0xFFFFF000  }
0xe6: {  	s0 =	sadd.s32 $0x1, s0  }
0xe7: {  	p0 =	sne.s32 s0, s11  }
.Ltmp1:
0xe8: {  	[bflag:$0x0] =	sbarrier.arrive $0xFFFF;
	s1 =	sor.u32 $0x1C04, s5;
	(pc) =	sbr.rel @p0 .LBB2_1-.Ltmp1, $4  }
0xe9: {  	[hbm:s12], [sflag:s1] =	dma.local [spmem:s13], $0x9E0  }
0xea: {  	_ =	swait.ge [sflag:s31], $0x9E0  }
0xeb: {  	[sflag:s31] =	ssyncset.done $0x0  }
0xec: {  	[sflag:s31] =	ssyncadd.s32 $0xFFFFF620  }
0xed: {  	_ =	sfence.sel $0x180000  }
0xee: {  	[bflag:$0x0] =	sbarrier.arrive $0xFFFF  }
0xef: {  	_ =	strace $0x90000047  }
0xf0: {  	s0 =	stileid.u32;
	[bflag:$0x2] =	sbarrier.arrive $0xFFFF  }
0xf1: {  	p0 =	sne.s32 s0, $0x0;
	s0 =	rddreg [dreg:$0x4]  }
0xf2: {  	s0 =	sadd.s32 @!p0 $0x100000, s0  }
0xf3: {  	[sflag:s0] =	ssyncadd.tile.s32 @!p0 $0x1;
	_ =	shalt  }
.Lfunc_end2:
_tile_overlayer_lowered:
.L_overlay_start_2:
0xf4: {  	(tag) =	ssettag $0x2  }
0xf5: {  	s0 =	rddreg [dreg:$0x0];
	s2 =	stileid.u32  }
0xf6: {  	s1 =	rddreg [dreg:$0x1];
	p0 =	sne.s32 s2, $0x0  }
0xf7: {  	s3 =	rddreg [dreg:$0x2];
	[bflag:$0x3] =	sbarrier.arrive $0xFFFF;
	s2 =	simm.s32 @!p0 $0x1C04  }
0xf8: {  	[timem:s3], [sflag:s2] =	dma.local @!p0 [hbm:s0], s1  }
0xf9: {  	s0 =	simm.s32 @!p0 $0x4  }
0xfa: {  	_ =	swait.ge @!p0 [sflag:s0], s1  }
0xfb: {  	s1 =	ssub.s32 @!p0 $0x0, s1;
	[sflag:s0] =	ssyncset.done @!p0 $0x0  }
0xfc: {  	[sflag:s0] =	ssyncadd.s32 @!p0 s1  }
0xfd: {  	[bflag:$0x3] =	sbarrier.arrive $0xFFFF  }
0xfe: {  	_ =	shalt  }

</sc_bundles>
